<compile_context>
chip_gen: v7x
topology: tpu7x:2x2x1
jax: 0.10.2.dev20260603
libtpu: 0.0.44.dev20260713+nightly
codegen_flags: <defaults>
</compile_context>

<pallas_src>
import functools

import jax
import jax.numpy as jnp
from jax import lax
from jax.experimental import pallas as pl
from jax.experimental.pallas import tpu as pltpu
from jax.experimental.pallas import tpu_sc as plsc

_K = 16
_BIGF = 1e30
_IBIG = 0x3FFFFFFF


def _bdot(a, b):
    return lax.dot_general(
        a.astype(jnp.bfloat16), b.astype(jnp.bfloat16),
        (((1,), (0,)), ((), ())),
        preferred_element_type=jnp.float32)



def _topk_body(xr_ref, xf_ref, idx_ref, *, n, r, c, nc):
    xr = xr_ref[...]
    xrb = xr.astype(jnp.bfloat16)
    sqr = jnp.sum(xr * xr, axis=1, keepdims=True)
    col_iota = lax.broadcasted_iota(jnp.int32, (r, c), 1)
    slot_i = lax.broadcasted_iota(jnp.int32, (r, _K), 1)
    pos_iota = lax.broadcasted_iota(jnp.int32, (r, c + _K), 1)

    def step(cb, carry):
        topv, topi = carry
        xc = xf_ref[pl.ds(cb * c, c), :]
        sqc = jnp.sum(xc * xc, axis=1)
        dot = lax.dot_general(xrb, xc.astype(jnp.bfloat16),
                              (((1,), (1,)), ((), ())),
                              preferred_element_type=jnp.float32)
        gcol = col_iota + cb * c
        dist = (sqr + sqc[None, :]) - 2.0 * dot
        dist = jnp.where(gcol < n, dist, _BIGF)
        cv = jnp.concatenate([dist, topv], axis=1)
        ci = jnp.concatenate([gcol, topi], axis=1)
        vs, js = [], []
        for _ in range(_K):
            m = jnp.min(cv, axis=1, keepdims=True)
            j = jnp.min(jnp.where(cv == m, ci, _IBIG), axis=1, keepdims=True)
            vs.append(m)
            js.append(j)
            cv = jnp.where(ci == j, _BIGF, cv)
        return jnp.concatenate(vs, axis=1), jnp.concatenate(js, axis=1)

    topv0 = jnp.full((r, _K), _BIGF, jnp.float32)
    topi0 = jnp.full((r, _K), _IBIG, jnp.int32)
    _, topi = lax.fori_loop(0, nc, step, (topv0, topi0))
    idx_ref[...] = topi


def _topk(xpad, n, r=256, c=5120):
    npad, d = xpad.shape
    nc = npad // c
    body = functools.partial(_topk_body, n=n, r=r, c=c, nc=nc)
    return pl.pallas_call(
        body,
        grid=(npad // r,),
        in_specs=[
            pl.BlockSpec((r, d), lambda i: (i, 0)),
            pl.BlockSpec((npad, d), lambda i: (0, 0)),
        ],
        out_specs=pl.BlockSpec((r, _K), lambda i: (i, 0)),
        out_shape=jax.ShapeDtypeStruct((npad, _K), jnp.int32),
    )(xpad, xpad)



def _pick_chunk(bw, dw):
    best = 8
    for cand in range(8, bw + 1, 8):
        if bw % cand == 0 and cand * (dw + 1) * 4 <= 516000:
            best = cand
    return best


def _gather_rows(table, idx):
    v, dw = table.shape
    b = idx.shape[0]
    info = plsc.get_sparse_core_info()
    nw = info.num_cores * info.num_subcores
    bw = b // nw
    chunk = _pick_chunk(bw, dw)
    nch = bw // chunk
    mesh = plsc.VectorSubcoreMesh(core_axis_name="c", subcore_axis_name="s")

    @functools.partial(
        pl.kernel, mesh=mesh,
        out_type=jax.ShapeDtypeStruct((b, dw), jnp.float32),
        compiler_params=pltpu.CompilerParams(use_tc_tiling_on_sc=False),
        scratch_types=[
            pltpu.VMEM((chunk,), jnp.int32),
            pltpu.VMEM((chunk, dw), jnp.float32),
            pltpu.SemaphoreType.DMA,
        ],
    )
    def gk(table_hbm, idx_hbm, out_hbm, idx_v, rows_v, sem):
        wid = lax.axis_index("s") * info.num_cores + lax.axis_index("c")
        base = wid * bw
        for ch in range(nch):
            off = base + ch * chunk
            pltpu.sync_copy(idx_hbm.at[pl.ds(off, chunk)], idx_v)
            pltpu.async_copy(table_hbm.at[idx_v], rows_v, sem).wait()
            pltpu.sync_copy(rows_v, out_hbm.at[pl.ds(off, chunk)])

    return gk(table, idx)



def _msg_max_body(x_ref, xg_ref, w1t_ref, w1b_ref, b1_ref, w2_ref, b2_ref,
                  o_ref, *, pad_to):
    xi = x_ref[...]
    w1b = w1b_ref[...].astype(jnp.bfloat16)
    w2 = w2_ref[...].astype(jnp.bfloat16)
    a = _bdot(xi, w1t_ref[...]) + b1_ref[...]
    acc = None
    for k in range(_K):
        diff = xg_ref[:, k, :] - xi
        z = lax.dot_general(diff.astype(jnp.bfloat16), w1b,
                            (((1,), (0,)), ((), ())),
                            preferred_element_type=jnp.float32) + a
        z = jax.nn.relu(z)
        z2 = lax.dot_general(z.astype(jnp.bfloat16), w2,
                             (((1,), (0,)), ((), ())),
                             preferred_element_type=jnp.float32)
        acc = z2 if acc is None else jnp.maximum(acc, z2)
    out = jax.nn.relu(acc + b2_ref[...])
    if pad_to is not None:
        rb = out.shape[0]
        out = jnp.concatenate(
            [out, jnp.zeros((rb, pad_to - out.shape[1]), jnp.float32)], axis=1)
    o_ref[...] = out


def _block_div(n, cap):
    best = 8
    for cand in range(8, cap + 1, 8):
        if n % cand == 0:
            best = cand
    return best


def _msg_max(xpad, xg, w1t, w1b, b1, w2, b2, pad_to=None):
    npad, d = xpad.shape
    n = xg.shape[0]
    h = w1t.shape[1]
    out_w = w2.shape[1] if pad_to is None else pad_to
    rb = _block_div(n, 512)
    body = functools.partial(_msg_max_body, pad_to=pad_to)
    return pl.pallas_call(
        body,
        grid=(n // rb,),
        in_specs=[
            pl.BlockSpec((rb, d), lambda i: (i, 0)),
            pl.BlockSpec((rb, _K, d), lambda i: (i, 0, 0)),
            pl.BlockSpec((d, h), lambda i: (0, 0)),
            pl.BlockSpec((d, h), lambda i: (0, 0)),
            pl.BlockSpec((1, h), lambda i: (0, 0)),
            pl.BlockSpec((h, w2.shape[1]), lambda i: (0, 0)),
            pl.BlockSpec((1, w2.shape[1]), lambda i: (0, 0)),
        ],
        out_specs=pl.BlockSpec((rb, out_w), lambda i: (i, 0)),
        out_shape=jax.ShapeDtypeStruct((npad, out_w), jnp.float32),
    )(xpad, xg, w1t, w1b, b1, w2, b2)



def _edge_mlp_body(src_ref, dst_ref, ea_ref, wsrc_ref, wdst_ref, wea_ref,
                   b1_ref, w2_ref, b2_ref, o_ref):
    z = (_bdot(src_ref[...], wsrc_ref[...])
         + _bdot(dst_ref[...], wdst_ref[...])
         + _bdot(ea_ref[...], wea_ref[...])
         + b1_ref[...])
    z = jax.nn.relu(z)
    zb = z.astype(jnp.bfloat16).astype(jnp.float32)
    wb = w2_ref[...].astype(jnp.bfloat16).astype(jnp.float32)
    o_ref[...] = jnp.sum(zb * wb, axis=1, keepdims=True) + b2_ref[...]


def _edge_mlp(g, ea6, wsrc, wdst, wea, b1, w2row, b2, e):
    eb = _block_div(e, 4096)
    nblk = e // eb
    return pl.pallas_call(
        _edge_mlp_body,
        grid=(nblk,),
        in_specs=[
            pl.BlockSpec((eb, 16), lambda i: (i, 0)),
            pl.BlockSpec((eb, 16), lambda i, nblk=nblk: (i + nblk, 0)),
            pl.BlockSpec((eb, 6), lambda i: (i, 0)),
            pl.BlockSpec((16, 16), lambda i: (0, 0)),
            pl.BlockSpec((16, 16), lambda i: (0, 0)),
            pl.BlockSpec((6, 16), lambda i: (0, 0)),
            pl.BlockSpec((1, 16), lambda i: (0, 0)),
            pl.BlockSpec((1, 16), lambda i: (0, 0)),
            pl.BlockSpec((1, 1), lambda i: (0, 0)),
        ],
        out_specs=pl.BlockSpec((eb, 1), lambda i: (i, 0)),
        out_shape=jax.ShapeDtypeStruct((e, 1), jnp.float32),
    )(g, g, ea6, wsrc, wdst, wea, b1, w2row, b2)



def _edge_conv(xpad, w1, b1, w2, b2, n, pad_to=None):
    npad, d = xpad.shape
    idx = _topk(xpad, n)
    idxf = idx[:n].reshape(-1)
    xg = _gather_rows(xpad, idxf).reshape(n, _K, d)
    return _msg_max(xpad, xg, w1[:d], w1[d:], b1.reshape(1, -1),
                    w2, b2.reshape(1, -1), pad_to=pad_to)


def kernel(x, edge_index, edge_attr, year, quarter,
           W1a, b1a, W2a, b2a,
           W1b, b1b, W2b, b2b,
           W1c, b1c, W2c, b2c,
           Wf1, bf1, Wf2, bf2):
    n, d = x.shape
    e = edge_index.shape[1]
    npad = ((n + 511) // 512) * 512

    xpad = jnp.pad(x, ((0, npad - n), (0, 0)))
    h1 = _edge_conv(xpad, W1a, b1a, W2a, b2a, n)
    h2 = _edge_conv(h1, W1b, b1b, W2b, b2b, n)
    h3 = _edge_conv(h2, W1c, b1c, W2c, b2c, n, pad_to=16)

    g = _gather_rows(h3, edge_index.reshape(-1))
    ea6 = jnp.concatenate([edge_attr, year, quarter], axis=1)
    wsrc = jnp.pad(Wf1[:8], ((0, 8), (0, 0)))
    wdst = jnp.pad(Wf1[8:16], ((0, 8), (0, 0)))
    wea = Wf1[16:22]
    out = _edge_mlp(g, ea6, wsrc, wdst, wea, bf1.reshape(1, -1),
                    Wf2.reshape(1, -1), bf2.reshape(1, 1), e)
    return out[:, 0]

# --- scband reference (transcript-rebuilt; emitter-appended) ---
"""Pipeline reference for scband-dgcnn-51342039056535 (READ-ONLY COPY).

The authoritative reference and input builder live on the scoring server;
editing this copy changes nothing except your own understanding.
"""

import jax, jax.numpy as jnp
import numpy as np

N = 10000
E = 160000
D = 128
K = 16


def _knn_idx(x, k):
    # pairwise squared euclidean distances, then k nearest (including self)
    sq = jnp.sum(x * x, axis=1)
    dist = sq[:, None] + sq[None, :] - 2.0 * (x @ x.T)
    _, idx = jax.lax.top_k(-dist, k)  # [N, k]
    return idx


def _dynamic_edge_conv(x, k, W1, b1, W2, b2):
    # PyG DynamicEdgeConv: knn graph in feature space (non-differentiable),
    # message nn([x_i, x_j - x_i]), max aggregation
    idx = _knn_idx(jax.lax.stop_gradient(x), k)
    xj = x[idx]                                   # [N, k, d]
    xi = jnp.broadcast_to(x[:, None, :], xj.shape)
    h = jnp.concatenate([xi, xj - xi], axis=-1)   # [N, k, 2d]
    h = jax.nn.relu(h @ W1 + b1)
    h = h @ W2 + b2
    return jnp.max(h, axis=1)                     # [N, out]


def setup_inputs(seed: int = 0):
    key = jax.random.key(seed)
    ks = jax.random.split(key, 25)

    def w(k_, shape):
        fan_in = shape[0]
        return jax.random.normal(k_, shape, dtype=jnp.float32) * (1.0 / np.sqrt(fan_in))

    inp = {}
    inp['x'] = jax.random.normal(ks[0], (N, D), dtype=jnp.float32)
    inp['edge_index'] = jax.random.randint(ks[1], (2, E), 0, N, dtype=jnp.int32)
    inp['edge_attr'] = jax.random.normal(ks[2], (E, 4), dtype=jnp.float32)
    inp['year'] = jax.random.normal(ks[3], (E, 1), dtype=jnp.float32)
    inp['quarter'] = jax.random.normal(ks[4], (E, 1), dtype=jnp.float32)
    # conv1 nn: Linear(2*128,128) ReLU Linear(128,128)
    inp['W1a'] = w(ks[5], (2 * D, 128)); inp['b1a'] = jnp.zeros((128,), jnp.float32)
    inp['W2a'] = w(ks[6], (128, 128)); inp['b2a'] = jnp.zeros((128,), jnp.float32)
    # conv2 nn: Linear(2*128,64) ReLU Linear(64,32)
    inp['W1b'] = w(ks[7], (2 * 128, 64)); inp['b1b'] = jnp.zeros((64,), jnp.float32)
    inp['W2b'] = w(ks[8], (64, 32)); inp['b2b'] = jnp.zeros((32,), jnp.float32)
    # conv3 nn: Linear(2*32,16) ReLU Linear(16,8)
    inp['W1c'] = w(ks[9], (2 * 32, 16)); inp['b1c'] = jnp.zeros((16,), jnp.float32)
    inp['W2c'] = w(ks[10], (16, 8)); inp['b2c'] = jnp.zeros((8,), jnp.float32)
    # fc1: Linear(8+8+4+2, 16), fc2: Linear(16,1)
    inp['Wf1'] = w(ks[11], (22, 16)); inp['bf1'] = jnp.zeros((16,), jnp.float32)
    inp['Wf2'] = w(ks[12], (16, 1)); inp['bf2'] = jnp.zeros((1,), jnp.float32)
    return inp


def reference(x, edge_index, edge_attr, year, quarter,
              W1a, b1a, W2a, b2a,
              W1b, b1b, W2b, b2b,
              W1c, b1c, W2c, b2c,
              Wf1, bf1, Wf2, bf2):
    h = jax.nn.relu(_dynamic_edge_conv(x, K, W1a, b1a, W2a, b2a))
    h = jax.nn.relu(_dynamic_edge_conv(h, K, W1b, b1b, W2b, b2b))
    h = jax.nn.relu(_dynamic_edge_conv(h, K, W1c, b1c, W2c, b2c))
    src = h[edge_index[0]]
    dst = h[edge_index[1]]
    z = jnp.concatenate([src, dst, edge_attr, year, quarter], axis=1)  # [E, 22]
    z = jax.nn.relu(z @ Wf1 + bf1)
    out = (z @ Wf2 + bf2)
    return jnp.squeeze(out, axis=-1)  # [E]

if __name__ == "__main__":
    import jax
    _d = setup_inputs()
    print(jax.jit(kernel)(*tuple(_d.values())))

</pallas_src>

<mosaic_0001>
#map = affine_map<(d0, d1) -> (0, 0)>
#map1 = affine_map<(d0, d1) -> (0)>
module attributes {stable_mosaic.version = 14 : i64} {
  func.func @gk(%arg0: i32, %arg1: i32, %arg2: memref<10240x16xf32, #tpu.memory_space<hbm>>, %arg3: memref<320000xi32, #tpu.memory_space<hbm>>, %arg4: memref<320000x16xf32, #tpu.memory_space<hbm>>, %arg5: memref<5000xi32, #tpu.memory_space<vmem>>, %arg6: memref<5000x16xf32, #tpu.memory_space<vmem>>, %arg7: memref<!tpu.dma_semaphore, #tpu.memory_space<semaphore_mem>>) attributes {dimension_semantics = [#tpu.dimension_semantics<core_parallel>, #tpu.dimension_semantics<subcore_parallel>], iteration_bounds = array<i64: 2, 16>, scalar_prefetch = 0 : i64, scratch_operands = 3 : i64, tpu.core_type = #tpu.core_type<sc_vector_subcore>, window_params = [{transform_indices = #map}, {transform_indices = #map1}, {transform_indices = #map}]} {
    %mul3A = arith.constant 2 : i32
    %mul3A_0 = arith.muli %arg1, %mul3A : i32
    %add3A = arith.addi %mul3A_0, %arg0 : i32
    %mul3A_1 = arith.constant 10000 : i32
    %mul3A_2 = arith.muli %add3A, %mul3A_1 : i32
    %add3A_3 = arith.constant 0 : i32
    %add3A_4 = arith.addi %mul3A_2, %add3A_3 : i32
    "tpu.region"() ({
      %run_scoped3A = tpu.sem_alloc : memref<!tpu.dma_semaphore, #tpu.memory_space<semaphore_mem>>
      %dma_start3A_17 = tpu.memref_slice %arg3[%add3A_4] : memref<320000xi32, #tpu.memory_space<hbm>> -> memref<5000xi32, #tpu.memory_space<hbm>>
      %dma_start3A_18 = tpu.memref_slice %arg3[%add3A_4] : memref<320000xi32, #tpu.memory_space<hbm>> -> memref<5000xi32, #tpu.memory_space<hbm>>
      tpu.enqueue_dma source(%dma_start3A_18 : memref<5000xi32, #tpu.memory_space<hbm>>) target(%arg5 : memref<5000xi32, #tpu.memory_space<vmem>>) target_semaphore(%run_scoped3A : memref<!tpu.dma_semaphore, #tpu.memory_space<semaphore_mem>>)
      %dma_wait3A_19 = tpu.memref_slice %arg3[%add3A_4] : memref<320000xi32, #tpu.memory_space<hbm>> -> memref<5000xi32, #tpu.memory_space<hbm>>
      %dma_wait3A_20 = tpu.memref_slice %arg3[%add3A_4] : memref<320000xi32, #tpu.memory_space<hbm>> -> memref<5000xi32, #tpu.memory_space<hbm>>
      tpu.wait_dma2 semaphore(%run_scoped3A : memref<!tpu.dma_semaphore, #tpu.memory_space<semaphore_mem>>) src(%dma_wait3A_20 : memref<5000xi32, #tpu.memory_space<hbm>>) dst(%arg5 : memref<5000xi32, #tpu.memory_space<vmem>>)
      tpu.yield
    }) : () -> ()
    %dma_start3A = arith.constant 0 : i32
    %dma_start3A_5 = arith.constant 0 : i32
    %dma_start3A_6 = tpu.memref_slice %arg2[%dma_start3A, %dma_start3A_5] : memref<10240x16xf32, #tpu.memory_space<hbm>> -> memref<10240x16xf32, #tpu.memory_space<hbm>>
    tpu.enqueue_indirect_dma source(%dma_start3A_6 : memref<10240x16xf32, #tpu.memory_space<hbm>>) target(%arg6 : memref<5000x16xf32, #tpu.memory_space<vmem>>) offsets(%arg5 : memref<5000xi32, #tpu.memory_space<vmem>>) semaphore(%arg7 : memref<!tpu.dma_semaphore, #tpu.memory_space<semaphore_mem>>)
    %dma_wait3A = arith.constant 0 : i32
    %dma_wait3A_7 = arith.constant 0 : i32
    %dma_wait3A_8 = tpu.memref_slice %arg2[%dma_wait3A, %dma_wait3A_7] : memref<10240x16xf32, #tpu.memory_space<hbm>> -> memref<10240x16xf32, #tpu.memory_space<hbm>>
    tpu.wait_indirect_dma semaphore(%arg7 : memref<!tpu.dma_semaphore, #tpu.memory_space<semaphore_mem>>) src(%dma_wait3A_8 : memref<10240x16xf32, #tpu.memory_space<hbm>>) dst(%arg6 : memref<5000x16xf32, #tpu.memory_space<vmem>>)
    "tpu.region"() ({
      %run_scoped3A = tpu.sem_alloc : memref<!tpu.dma_semaphore, #tpu.memory_space<semaphore_mem>>
      %dma_start3A_17 = arith.constant 0 : i32
      %dma_start3A_18 = tpu.memref_slice %arg4[%add3A_4, %dma_start3A_17] : memref<320000x16xf32, #tpu.memory_space<hbm>> -> memref<5000x16xf32, #tpu.memory_space<hbm>>
      %dma_start3A_19 = arith.constant 0 : i32
      %dma_start3A_20 = tpu.memref_slice %arg4[%add3A_4, %dma_start3A_19] : memref<320000x16xf32, #tpu.memory_space<hbm>> -> memref<5000x16xf32, #tpu.memory_space<hbm>>
      tpu.enqueue_dma source(%arg6 : memref<5000x16xf32, #tpu.memory_space<vmem>>) target(%dma_start3A_20 : memref<5000x16xf32, #tpu.memory_space<hbm>>) target_semaphore(%run_scoped3A : memref<!tpu.dma_semaphore, #tpu.memory_space<semaphore_mem>>)
      %dma_wait3A_21 = arith.constant 0 : i32
      %dma_wait3A_22 = tpu.memref_slice %arg4[%add3A_4, %dma_wait3A_21] : memref<320000x16xf32, #tpu.memory_space<hbm>> -> memref<5000x16xf32, #tpu.memory_space<hbm>>
      %dma_wait3A_23 = arith.constant 0 : i32
      %dma_wait3A_24 = tpu.memref_slice %arg4[%add3A_4, %dma_wait3A_23] : memref<320000x16xf32, #tpu.memory_space<hbm>> -> memref<5000x16xf32, #tpu.memory_space<hbm>>
      tpu.wait_dma2 semaphore(%run_scoped3A : memref<!tpu.dma_semaphore, #tpu.memory_space<semaphore_mem>>) src(%arg6 : memref<5000x16xf32, #tpu.memory_space<vmem>>) dst(%dma_wait3A_24 : memref<5000x16xf32, #tpu.memory_space<hbm>>)
      tpu.yield
    }) : () -> ()
    %add3A_9 = arith.constant 5000 : i32
    %add3A_10 = arith.addi %mul3A_2, %add3A_9 : i32
    "tpu.region"() ({
      %run_scoped3A = tpu.sem_alloc : memref<!tpu.dma_semaphore, #tpu.memory_space<semaphore_mem>>
      %dma_start3A_17 = tpu.memref_slice %arg3[%add3A_10] : memref<320000xi32, #tpu.memory_space<hbm>> -> memref<5000xi32, #tpu.memory_space<hbm>>
      %dma_start3A_18 = tpu.memref_slice %arg3[%add3A_10] : memref<320000xi32, #tpu.memory_space<hbm>> -> memref<5000xi32, #tpu.memory_space<hbm>>
      tpu.enqueue_dma source(%dma_start3A_18 : memref<5000xi32, #tpu.memory_space<hbm>>) target(%arg5 : memref<5000xi32, #tpu.memory_space<vmem>>) target_semaphore(%run_scoped3A : memref<!tpu.dma_semaphore, #tpu.memory_space<semaphore_mem>>)
      %dma_wait3A_19 = tpu.memref_slice %arg3[%add3A_10] : memref<320000xi32, #tpu.memory_space<hbm>> -> memref<5000xi32, #tpu.memory_space<hbm>>
      %dma_wait3A_20 = tpu.memref_slice %arg3[%add3A_10] : memref<320000xi32, #tpu.memory_space<hbm>> -> memref<5000xi32, #tpu.memory_space<hbm>>
      tpu.wait_dma2 semaphore(%run_scoped3A : memref<!tpu.dma_semaphore, #tpu.memory_space<semaphore_mem>>) src(%dma_wait3A_20 : memref<5000xi32, #tpu.memory_space<hbm>>) dst(%arg5 : memref<5000xi32, #tpu.memory_space<vmem>>)
      tpu.yield
    }) : () -> ()
    %dma_start3A_11 = arith.constant 0 : i32
    %dma_start3A_12 = arith.constant 0 : i32
    %dma_start3A_13 = tpu.memref_slice %arg2[%dma_start3A_11, %dma_start3A_12] : memref<10240x16xf32, #tpu.memory_space<hbm>> -> memref<10240x16xf32, #tpu.memory_space<hbm>>
    tpu.enqueue_indirect_dma source(%dma_start3A_13 : memref<10240x16xf32, #tpu.memory_space<hbm>>) target(%arg6 : memref<5000x16xf32, #tpu.memory_space<vmem>>) offsets(%arg5 : memref<5000xi32, #tpu.memory_space<vmem>>) semaphore(%arg7 : memref<!tpu.dma_semaphore, #tpu.memory_space<semaphore_mem>>)
    %dma_wait3A_14 = arith.constant 0 : i32
    %dma_wait3A_15 = arith.constant 0 : i32
    %dma_wait3A_16 = tpu.memref_slice %arg2[%dma_wait3A_14, %dma_wait3A_15] : memref<10240x16xf32, #tpu.memory_space<hbm>> -> memref<10240x16xf32, #tpu.memory_space<hbm>>
    tpu.wait_indirect_dma semaphore(%arg7 : memref<!tpu.dma_semaphore, #tpu.memory_space<semaphore_mem>>) src(%dma_wait3A_16 : memref<10240x16xf32, #tpu.memory_space<hbm>>) dst(%arg6 : memref<5000x16xf32, #tpu.memory_space<vmem>>)
    "tpu.region"() ({
      %run_scoped3A = tpu.sem_alloc : memref<!tpu.dma_semaphore, #tpu.memory_space<semaphore_mem>>
      %dma_start3A_17 = arith.constant 0 : i32
      %dma_start3A_18 = tpu.memref_slice %arg4[%add3A_10, %dma_start3A_17] : memref<320000x16xf32, #tpu.memory_space<hbm>> -> memref<5000x16xf32, #tpu.memory_space<hbm>>
      %dma_start3A_19 = arith.constant 0 : i32
      %dma_start3A_20 = tpu.memref_slice %arg4[%add3A_10, %dma_start3A_19] : memref<320000x16xf32, #tpu.memory_space<hbm>> -> memref<5000x16xf32, #tpu.memory_space<hbm>>
      tpu.enqueue_dma source(%arg6 : memref<5000x16xf32, #tpu.memory_space<vmem>>) target(%dma_start3A_20 : memref<5000x16xf32, #tpu.memory_space<hbm>>) target_semaphore(%run_scoped3A : memref<!tpu.dma_semaphore, #tpu.memory_space<semaphore_mem>>)
      %dma_wait3A_21 = arith.constant 0 : i32
      %dma_wait3A_22 = tpu.memref_slice %arg4[%add3A_10, %dma_wait3A_21] : memref<320000x16xf32, #tpu.memory_space<hbm>> -> memref<5000x16xf32, #tpu.memory_space<hbm>>
      %dma_wait3A_23 = arith.constant 0 : i32
      %dma_wait3A_24 = tpu.memref_slice %arg4[%add3A_10, %dma_wait3A_23] : memref<320000x16xf32, #tpu.memory_space<hbm>> -> memref<5000x16xf32, #tpu.memory_space<hbm>>
      tpu.wait_dma2 semaphore(%run_scoped3A : memref<!tpu.dma_semaphore, #tpu.memory_space<semaphore_mem>>) src(%arg6 : memref<5000x16xf32, #tpu.memory_space<vmem>>) dst(%dma_wait3A_24 : memref<5000x16xf32, #tpu.memory_space<hbm>>)
      tpu.yield
    }) : () -> ()
    return
  }
}

#map = affine_map<(d0, d1) -> (0, 0)>
#map1 = affine_map<(d0, d1) -> (0)>
module attributes {stable_mosaic.version = 14 : i64} {
  func.func @gk(%arg0: i32, %arg1: i32, %arg2: memref<10240x128xf32, #tpu.memory_space<hbm>>, %arg3: memref<160000xi32, #tpu.memory_space<hbm>>, %arg4: memref<160000x128xf32, #tpu.memory_space<hbm>>, %arg5: memref<1000xi32, #tpu.memory_space<vmem>>, %arg6: memref<1000x128xf32, #tpu.memory_space<vmem>>, %arg7: memref<!tpu.dma_semaphore, #tpu.memory_space<semaphore_mem>>) attributes {dimension_semantics = [#tpu.dimension_semantics<core_parallel>, #tpu.dimension_semantics<subcore_parallel>], iteration_bounds = array<i64: 2, 16>, scalar_prefetch = 0 : i64, scratch_operands = 3 : i64, tpu.core_type = #tpu.core_type<sc_vector_subcore>, window_params = [{transform_indices = #map}, {transform_indices = #map1}, {transform_indices = #map}]} {
    %mul3A = arith.constant 2 : i32
    %mul3A_0 = arith.muli %arg1, %mul3A : i32
    %add3A = arith.addi %mul3A_0, %arg0 : i32
    %mul3A_1 = arith.constant 5000 : i32
    %mul3A_2 = arith.muli %add3A, %mul3A_1 : i32
    %add3A_3 = arith.constant 0 : i32
    %add3A_4 = arith.addi %mul3A_2, %add3A_3 : i32
    "tpu.region"() ({
      %run_scoped3A = tpu.sem_alloc : memref<!tpu.dma_semaphore, #tpu.memory_space<semaphore_mem>>
      %dma_start3A_41 = tpu.memref_slice %arg3[%add3A_4] : memref<160000xi32, #tpu.memory_space<hbm>> -> memref<1000xi32, #tpu.memory_space<hbm>>
      %dma_start3A_42 = tpu.memref_slice %arg3[%add3A_4] : memref<160000xi32, #tpu.memory_space<hbm>> -> memref<1000xi32, #tpu.memory_space<hbm>>
      tpu.enqueue_dma source(%dma_start3A_42 : memref<1000xi32, #tpu.memory_space<hbm>>) target(%arg5 : memref<1000xi32, #tpu.memory_space<vmem>>) target_semaphore(%run_scoped3A : memref<!tpu.dma_semaphore, #tpu.memory_space<semaphore_mem>>)
      %dma_wait3A_43 = tpu.memref_slice %arg3[%add3A_4] : memref<160000xi32, #tpu.memory_space<hbm>> -> memref<1000xi32, #tpu.memory_space<hbm>>
      %dma_wait3A_44 = tpu.memref_slice %arg3[%add3A_4] : memref<160000xi32, #tpu.memory_space<hbm>> -> memref<1000xi32, #tpu.memory_space<hbm>>
      tpu.wait_dma2 semaphore(%run_scoped3A : memref<!tpu.dma_semaphore, #tpu.memory_space<semaphore_mem>>) src(%dma_wait3A_44 : memref<1000xi32, #tpu.memory_space<hbm>>) dst(%arg5 : memref<1000xi32, #tpu.memory_space<vmem>>)
      tpu.yield
    }) : () -> ()
    %dma_start3A = arith.constant 0 : i32
    %dma_start3A_5 = arith.constant 0 : i32
    %dma_start3A_6 = tpu.memref_slice %arg2[%dma_start3A, %dma_start3A_5] : memref<10240x128xf32, #tpu.memory_space<hbm>> -> memref<10240x128xf32, #tpu.memory_space<hbm>>
    tpu.enqueue_indirect_dma source(%dma_start3A_6 : memref<10240x128xf32, #tpu.memory_space<hbm>>) target(%arg6 : memref<1000x128xf32, #tpu.memory_space<vmem>>) offsets(%arg5 : memref<1000xi32, #tpu.memory_space<vmem>>) semaphore(%arg7 : memref<!tpu.dma_semaphore, #tpu.memory_space<semaphore_mem>>)
    %dma_wait3A = arith.constant 0 : i32
    %dma_wait3A_7 = arith.constant 0 : i32
    %dma_wait3A_8 = tpu.memref_slice %arg2[%dma_wait3A, %dma_wait3A_7] : memref<10240x128xf32, #tpu.memory_space<hbm>> -> memref<10240x128xf32, #tpu.memory_space<hbm>>
    tpu.wait_indirect_dma semaphore(%arg7 : memref<!tpu.dma_semaphore, #tpu.memory_space<semaphore_mem>>) src(%dma_wait3A_8 : memref<10240x128xf32, #tpu.memory_space<hbm>>) dst(%arg6 : memref<1000x128xf32, #tpu.memory_space<vmem>>)
    "tpu.region"() ({
      %run_scoped3A = tpu.sem_alloc : memref<!tpu.dma_semaphore, #tpu.memory_space<semaphore_mem>>
      %dma_start3A_41 = arith.constant 0 : i32
      %dma_start3A_42 = tpu.memref_slice %arg4[%add3A_4, %dma_start3A_41] : memref<160000x128xf32, #tpu.memory_space<hbm>> -> memref<1000x128xf32, #tpu.memory_space<hbm>>
      %dma_start3A_43 = arith.constant 0 : i32
      %dma_start3A_44 = tpu.memref_slice %arg4[%add3A_4, %dma_start3A_43] : memref<160000x128xf32, #tpu.memory_space<hbm>> -> memref<1000x128xf32, #tpu.memory_space<hbm>>
      tpu.enqueue_dma source(%arg6 : memref<1000x128xf32, #tpu.memory_space<vmem>>) target(%dma_start3A_44 : memref<1000x128xf32, #tpu.memory_space<hbm>>) target_semaphore(%run_scoped3A : memref<!tpu.dma_semaphore, #tpu.memory_space<semaphore_mem>>)
      %dma_wait3A_45 = arith.constant 0 : i32
      %dma_wait3A_46 = tpu.memref_slice %arg4[%add3A_4, %dma_wait3A_45] : memref<160000x128xf32, #tpu.memory_space<hbm>> -> memref<1000x128xf32, #tpu.memory_space<hbm>>
      %dma_wait3A_47 = arith.constant 0 : i32
      %dma_wait3A_48 = tpu.memref_slice %arg4[%add3A_4, %dma_wait3A_47] : memref<160000x128xf32, #tpu.memory_space<hbm>> -> memref<1000x128xf32, #tpu.memory_space<hbm>>
      tpu.wait_dma2 semaphore(%run_scoped3A : memref<!tpu.dma_semaphore, #tpu.memory_space<semaphore_mem>>) src(%arg6 : memref<1000x128xf32, #tpu.memory_space<vmem>>) dst(%dma_wait3A_48 : memref<1000x128xf32, #tpu.memory_space<hbm>>)
      tpu.yield
    }) : () -> ()
    %add3A_9 = arith.constant 1000 : i32
    %add3A_10 = arith.addi %mul3A_2, %add3A_9 : i32
    "tpu.region"() ({
      %run_scoped3A = tpu.sem_alloc : memref<!tpu.dma_semaphore, #tpu.memory_space<semaphore_mem>>
      %dma_start3A_41 = tpu.memref_slice %arg3[%add3A_10] : memref<160000xi32, #tpu.memory_space<hbm>> -> memref<1000xi32, #tpu.memory_space<hbm>>
      %dma_start3A_42 = tpu.memref_slice %arg3[%add3A_10] : memref<160000xi32, #tpu.memory_space<hbm>> -> memref<1000xi32, #tpu.memory_space<hbm>>
      tpu.enqueue_dma source(%dma_start3A_42 : memref<1000xi32, #tpu.memory_space<hbm>>) target(%arg5 : memref<1000xi32, #tpu.memory_space<vmem>>) target_semaphore(%run_scoped3A : memref<!tpu.dma_semaphore, #tpu.memory_space<semaphore_mem>>)
      %dma_wait3A_43 = tpu.memref_slice %arg3[%add3A_10] : memref<160000xi32, #tpu.memory_space<hbm>> -> memref<1000xi32, #tpu.memory_space<hbm>>
      %dma_wait3A_44 = tpu.memref_slice %arg3[%add3A_10] : memref<160000xi32, #tpu.memory_space<hbm>> -> memref<1000xi32, #tpu.memory_space<hbm>>
      tpu.wait_dma2 semaphore(%run_scoped3A : memref<!tpu.dma_semaphore, #tpu.memory_space<semaphore_mem>>) src(%dma_wait3A_44 : memref<1000xi32, #tpu.memory_space<hbm>>) dst(%arg5 : memref<1000xi32, #tpu.memory_space<vmem>>)
      tpu.yield
    }) : () -> ()
    %dma_start3A_11 = arith.constant 0 : i32
    %dma_start3A_12 = arith.constant 0 : i32
    %dma_start3A_13 = tpu.memref_slice %arg2[%dma_start3A_11, %dma_start3A_12] : memref<10240x128xf32, #tpu.memory_space<hbm>> -> memref<10240x128xf32, #tpu.memory_space<hbm>>
    tpu.enqueue_indirect_dma source(%dma_start3A_13 : memref<10240x128xf32, #tpu.memory_space<hbm>>) target(%arg6 : memref<1000x128xf32, #tpu.memory_space<vmem>>) offsets(%arg5 : memref<1000xi32, #tpu.memory_space<vmem>>) semaphore(%arg7 : memref<!tpu.dma_semaphore, #tpu.memory_space<semaphore_mem>>)
    %dma_wait3A_14 = arith.constant 0 : i32
    %dma_wait3A_15 = arith.constant 0 : i32
    %dma_wait3A_16 = tpu.memref_slice %arg2[%dma_wait3A_14, %dma_wait3A_15] : memref<10240x128xf32, #tpu.memory_space<hbm>> -> memref<10240x128xf32, #tpu.memory_space<hbm>>
    tpu.wait_indirect_dma semaphore(%arg7 : memref<!tpu.dma_semaphore, #tpu.memory_space<semaphore_mem>>) src(%dma_wait3A_16 : memref<10240x128xf32, #tpu.memory_space<hbm>>) dst(%arg6 : memref<1000x128xf32, #tpu.memory_space<vmem>>)
    "tpu.region"() ({
      %run_scoped3A = tpu.sem_alloc : memref<!tpu.dma_semaphore, #tpu.memory_space<semaphore_mem>>
      %dma_start3A_41 = arith.constant 0 : i32
      %dma_start3A_42 = tpu.memref_slice %arg4[%add3A_10, %dma_start3A_41] : memref<160000x128xf32, #tpu.memory_space<hbm>> -> memref<1000x128xf32, #tpu.memory_space<hbm>>
      %dma_start3A_43 = arith.constant 0 : i32
      %dma_start3A_44 = tpu.memref_slice %arg4[%add3A_10, %dma_start3A_43] : memref<160000x128xf32, #tpu.memory_space<hbm>> -> memref<1000x128xf32, #tpu.memory_space<hbm>>
      tpu.enqueue_dma source(%arg6 : memref<1000x128xf32, #tpu.memory_space<vmem>>) target(%dma_start3A_44 : memref<1000x128xf32, #tpu.memory_space<hbm>>) target_semaphore(%run_scoped3A : memref<!tpu.dma_semaphore, #tpu.memory_space<semaphore_mem>>)
      %dma_wait3A_45 = arith.constant 0 : i32
      %dma_wait3A_46 = tpu.memref_slice %arg4[%add3A_10, %dma_wait3A_45] : memref<160000x128xf32, #tpu.memory_space<hbm>> -> memref<1000x128xf32, #tpu.memory_space<hbm>>
      %dma_wait3A_47 = arith.constant 0 : i32
      %dma_wait3A_48 = tpu.memref_slice %arg4[%add3A_10, %dma_wait3A_47] : memref<160000x128xf32, #tpu.memory_space<hbm>> -> memref<1000x128xf32, #tpu.memory_space<hbm>>
      tpu.wait_dma2 semaphore(%run_scoped3A : memref<!tpu.dma_semaphore, #tpu.memory_space<semaphore_mem>>) src(%arg6 : memref<1000x128xf32, #tpu.memory_space<vmem>>) dst(%dma_wait3A_48 : memref<1000x128xf32, #tpu.memory_space<hbm>>)
      tpu.yield
    }) : () -> ()
    %add3A_17 = arith.constant 2000 : i32
    %add3A_18 = arith.addi %mul3A_2, %add3A_17 : i32
    "tpu.region"() ({
      %run_scoped3A = tpu.sem_alloc : memref<!tpu.dma_semaphore, #tpu.memory_space<semaphore_mem>>
      %dma_start3A_41 = tpu.memref_slice %arg3[%add3A_18] : memref<160000xi32, #tpu.memory_space<hbm>> -> memref<1000xi32, #tpu.memory_space<hbm>>
      %dma_start3A_42 = tpu.memref_slice %arg3[%add3A_18] : memref<160000xi32, #tpu.memory_space<hbm>> -> memref<1000xi32, #tpu.memory_space<hbm>>
      tpu.enqueue_dma source(%dma_start3A_42 : memref<1000xi32, #tpu.memory_space<hbm>>) target(%arg5 : memref<1000xi32, #tpu.memory_space<vmem>>) target_semaphore(%run_scoped3A : memref<!tpu.dma_semaphore, #tpu.memory_space<semaphore_mem>>)
      %dma_wait3A_43 = tpu.memref_slice %arg3[%add3A_18] : memref<160000xi32, #tpu.memory_space<hbm>> -> memref<1000xi32, #tpu.memory_space<hbm>>
      %dma_wait3A_44 = tpu.memref_slice %arg3[%add3A_18] : memref<160000xi32, #tpu.memory_space<hbm>> -> memref<1000xi32, #tpu.memory_space<hbm>>
      tpu.wait_dma2 semaphore(%run_scoped3A : memref<!tpu.dma_semaphore, #tpu.memory_space<semaphore_mem>>) src(%dma_wait3A_44 : memref<1000xi32, #tpu.memory_space<hbm>>) dst(%arg5 : memref<1000xi32, #tpu.memory_space<vmem>>)
      tpu.yield
    }) : () -> ()
    %dma_start3A_19 = arith.constant 0 : i32
    %dma_start3A_20 = arith.constant 0 : i32
    %dma_start3A_21 = tpu.memref_slice %arg2[%dma_start3A_19, %dma_start3A_20] : memref<10240x128xf32, #tpu.memory_space<hbm>> -> memref<10240x128xf32, #tpu.memory_space<hbm>>
    tpu.enqueue_indirect_dma source(%dma_start3A_21 : memref<10240x128xf32, #tpu.memory_space<hbm>>) target(%arg6 : memref<1000x128xf32, #tpu.memory_space<vmem>>) offsets(%arg5 : memref<1000xi32, #tpu.memory_space<vmem>>) semaphore(%arg7 : memref<!tpu.dma_semaphore, #tpu.memory_space<semaphore_mem>>)
    %dma_wait3A_22 = arith.constant 0 : i32
    %dma_wait3A_23 = arith.constant 0 : i32
    %dma_wait3A_24 = tpu.memref_slice %arg2[%dma_wait3A_22, %dma_wait3A_23] : memref<10240x128xf32, #tpu.memory_space<hbm>> -> memref<10240x128xf32, #tpu.memory_space<hbm>>
    tpu.wait_indirect_dma semaphore(%arg7 : memref<!tpu.dma_semaphore, #tpu.memory_space<semaphore_mem>>) src(%dma_wait3A_24 : memref<10240x128xf32, #tpu.memory_space<hbm>>) dst(%arg6 : memref<1000x128xf32, #tpu.memory_space<vmem>>)
    "tpu.region"() ({
      %run_scoped3A = tpu.sem_alloc : memref<!tpu.dma_semaphore, #tpu.memory_space<semaphore_mem>>
      %dma_start3A_41 = arith.constant 0 : i32
      %dma_start3A_42 = tpu.memref_slice %arg4[%add3A_18, %dma_start3A_41] : memref<160000x128xf32, #tpu.memory_space<hbm>> -> memref<1000x128xf32, #tpu.memory_space<hbm>>
      %dma_start3A_43 = arith.constant 0 : i32
      %dma_start3A_44 = tpu.memref_slice %arg4[%add3A_18, %dma_start3A_43] : memref<160000x128xf32, #tpu.memory_space<hbm>> -> memref<1000x128xf32, #tpu.memory_space<hbm>>
      tpu.enqueue_dma source(%arg6 : memref<1000x128xf32, #tpu.memory_space<vmem>>) target(%dma_start3A_44 : memref<1000x128xf32, #tpu.memory_space<hbm>>) target_semaphore(%run_scoped3A : memref<!tpu.dma_semaphore, #tpu.memory_space<semaphore_mem>>)
      %dma_wait3A_45 = arith.constant 0 : i32
      %dma_wait3A_46 = tpu.memref_slice %arg4[%add3A_18, %dma_wait3A_45] : memref<160000x128xf32, #tpu.memory_space<hbm>> -> memref<1000x128xf32, #tpu.memory_space<hbm>>
      %dma_wait3A_47 = arith.constant 0 : i32
      %dma_wait3A_48 = tpu.memref_slice %arg4[%add3A_18, %dma_wait3A_47] : memref<160000x128xf32, #tpu.memory_space<hbm>> -> memref<1000x128xf32, #tpu.memory_space<hbm>>
      tpu.wait_dma2 semaphore(%run_scoped3A : memref<!tpu.dma_semaphore, #tpu.memory_space<semaphore_mem>>) src(%arg6 : memref<1000x128xf32, #tpu.memory_space<vmem>>) dst(%dma_wait3A_48 : memref<1000x128xf32, #tpu.memory_space<hbm>>)
      tpu.yield
    }) : () -> ()
    %add3A_25 = arith.constant 3000 : i32
    %add3A_26 = arith.addi %mul3A_2, %add3A_25 : i32
    "tpu.region"() ({
      %run_scoped3A = tpu.sem_alloc : memref<!tpu.dma_semaphore, #tpu.memory_space<semaphore_mem>>
      %dma_start3A_41 = tpu.memref_slice %arg3[%add3A_26] : memref<160000xi32, #tpu.memory_space<hbm>> -> memref<1000xi32, #tpu.memory_space<hbm>>
      %dma_start3A_42 = tpu.memref_slice %arg3[%add3A_26] : memref<160000xi32, #tpu.memory_space<hbm>> -> memref<1000xi32, #tpu.memory_space<hbm>>
      tpu.enqueue_dma source(%dma_start3A_42 : memref<1000xi32, #tpu.memory_space<hbm>>) target(%arg5 : memref<1000xi32, #tpu.memory_space<vmem>>) target_semaphore(%run_scoped3A : memref<!tpu.dma_semaphore, #tpu.memory_space<semaphore_mem>>)
      %dma_wait3A_43 = tpu.memref_slice %arg3[%add3A_26] : memref<160000xi32, #tpu.memory_space<hbm>> -> memref<1000xi32, #tpu.memory_space<hbm>>
      %dma_wait3A_44 = tpu.memref_slice %arg3[%add3A_26] : memref<160000xi32, #tpu.memory_space<hbm>> -> memref<1000xi32, #tpu.memory_space<hbm>>
      tpu.wait_dma2 semaphore(%run_scoped3A : memref<!tpu.dma_semaphore, #tpu.memory_space<semaphore_mem>>) src(%dma_wait3A_44 : memref<1000xi32, #tpu.memory_space<hbm>>) dst(%arg5 : memref<1000xi32, #tpu.memory_space<vmem>>)
      tpu.yield
    }) : () -> ()
    %dma_start3A_27 = arith.constant 0 : i32
    %dma_start3A_28 = arith.constant 0 : i32
    %dma_start3A_29 = tpu.memref_slice %arg2[%dma_start3A_27, %dma_start3A_28] : memref<10240x128xf32, #tpu.memory_space<hbm>> -> memref<10240x128xf32, #tpu.memory_space<hbm>>
    tpu.enqueue_indirect_dma source(%dma_start3A_29 : memref<10240x128xf32, #tpu.memory_space<hbm>>) target(%arg6 : memref<1000x128xf32, #tpu.memory_space<vmem>>) offsets(%arg5 : memref<1000xi32, #tpu.memory_space<vmem>>) semaphore(%arg7 : memref<!tpu.dma_semaphore, #tpu.memory_space<semaphore_mem>>)
    %dma_wait3A_30 = arith.constant 0 : i32
    %dma_wait3A_31 = arith.constant 0 : i32
    %dma_wait3A_32 = tpu.memref_slice %arg2[%dma_wait3A_30, %dma_wait3A_31] : memref<10240x128xf32, #tpu.memory_space<hbm>> -> memref<10240x128xf32, #tpu.memory_space<hbm>>
    tpu.wait_indirect_dma semaphore(%arg7 : memref<!tpu.dma_semaphore, #tpu.memory_space<semaphore_mem>>) src(%dma_wait3A_32 : memref<10240x128xf32, #tpu.memory_space<hbm>>) dst(%arg6 : memref<1000x128xf32, #tpu.memory_space<vmem>>)
    "tpu.region"() ({
      %run_scoped3A = tpu.sem_alloc : memref<!tpu.dma_semaphore, #tpu.memory_space<semaphore_mem>>
      %dma_start3A_41 = arith.constant 0 : i32
      %dma_start3A_42 = tpu.memref_slice %arg4[%add3A_26, %dma_start3A_41] : memref<160000x128xf32, #tpu.memory_space<hbm>> -> memref<1000x128xf32, #tpu.memory_space<hbm>>
      %dma_start3A_43 = arith.constant 0 : i32
      %dma_start3A_44 = tpu.memref_slice %arg4[%add3A_26, %dma_start3A_43] : memref<160000x128xf32, #tpu.memory_space<hbm>> -> memref<1000x128xf32, #tpu.memory_space<hbm>>
      tpu.enqueue_dma source(%arg6 : memref<1000x128xf32, #tpu.memory_space<vmem>>) target(%dma_start3A_44 : memref<1000x128xf32, #tpu.memory_space<hbm>>) target_semaphore(%run_scoped3A : memref<!tpu.dma_semaphore, #tpu.memory_space<semaphore_mem>>)
      %dma_wait3A_45 = arith.constant 0 : i32
      %dma_wait3A_46 = tpu.memref_slice %arg4[%add3A_26, %dma_wait3A_45] : memref<160000x128xf32, #tpu.memory_space<hbm>> -> memref<1000x128xf32, #tpu.memory_space<hbm>>
      %dma_wait3A_47 = arith.constant 0 : i32
      %dma_wait3A_48 = tpu.memref_slice %arg4[%add3A_26, %dma_wait3A_47] : memref<160000x128xf32, #tpu.memory_space<hbm>> -> memref<1000x128xf32, #tpu.memory_space<hbm>>
      tpu.wait_dma2 semaphore(%run_scoped3A : memref<!tpu.dma_semaphore, #tpu.memory_space<semaphore_mem>>) src(%arg6 : memref<1000x128xf32, #tpu.memory_space<vmem>>) dst(%dma_wait3A_48 : memref<1000x128xf32, #tpu.memory_space<hbm>>)
      tpu.yield
    }) : () -> ()
    %add3A_33 = arith.constant 4000 : i32
    %add3A_34 = arith.addi %mul3A_2, %add3A_33 : i32
    "tpu.region"() ({
      %run_scoped3A = tpu.sem_alloc : memref<!tpu.dma_semaphore, #tpu.memory_space<semaphore_mem>>
      %dma_start3A_41 = tpu.memref_slice %arg3[%add3A_34] : memref<160000xi32, #tpu.memory_space<hbm>> -> memref<1000xi32, #tpu.memory_space<hbm>>
      %dma_start3A_42 = tpu.memref_slice %arg3[%add3A_34] : memref<160000xi32, #tpu.memory_space<hbm>> -> memref<1000xi32, #tpu.memory_space<hbm>>
      tpu.enqueue_dma source(%dma_start3A_42 : memref<1000xi32, #tpu.memory_space<hbm>>) target(%arg5 : memref<1000xi32, #tpu.memory_space<vmem>>) target_semaphore(%run_scoped3A : memref<!tpu.dma_semaphore, #tpu.memory_space<semaphore_mem>>)
      %dma_wait3A_43 = tpu.memref_slice %arg3[%add3A_34] : memref<160000xi32, #tpu.memory_space<hbm>> -> memref<1000xi32, #tpu.memory_space<hbm>>
      %dma_wait3A_44 = tpu.memref_slice %arg3[%add3A_34] : memref<160000xi32, #tpu.memory_space<hbm>> -> memref<1000xi32, #tpu.memory_space<hbm>>
      tpu.wait_dma2 semaphore(%run_scoped3A : memref<!tpu.dma_semaphore, #tpu.memory_space<semaphore_mem>>) src(%dma_wait3A_44 : memref<1000xi32, #tpu.memory_space<hbm>>) dst(%arg5 : memref<1000xi32, #tpu.memory_space<vmem>>)
      tpu.yield
    }) : () -> ()
    %dma_start3A_35 = arith.constant 0 : i32
    %dma_start3A_36 = arith.constant 0 : i32
    %dma_start3A_37 = tpu.memref_slice %arg2[%dma_start3A_35, %dma_start3A_36] : memref<10240x128xf32, #tpu.memory_space<hbm>> -> memref<10240x128xf32, #tpu.memory_space<hbm>>
    tpu.enqueue_indirect_dma source(%dma_start3A_37 : memref<10240x128xf32, #tpu.memory_space<hbm>>) target(%arg6 : memref<1000x128xf32, #tpu.memory_space<vmem>>) offsets(%arg5 : memref<1000xi32, #tpu.memory_space<vmem>>) semaphore(%arg7 : memref<!tpu.dma_semaphore, #tpu.memory_space<semaphore_mem>>)
    %dma_wait3A_38 = arith.constant 0 : i32
    %dma_wait3A_39 = arith.constant 0 : i32
    %dma_wait3A_40 = tpu.memref_slice %arg2[%dma_wait3A_38, %dma_wait3A_39] : memref<10240x128xf32, #tpu.memory_space<hbm>> -> memref<10240x128xf32, #tpu.memory_space<hbm>>
    tpu.wait_indirect_dma semaphore(%arg7 : memref<!tpu.dma_semaphore, #tpu.memory_space<semaphore_mem>>) src(%dma_wait3A_40 : memref<10240x128xf32, #tpu.memory_space<hbm>>) dst(%arg6 : memref<1000x128xf32, #tpu.memory_space<vmem>>)
    "tpu.region"() ({
      %run_scoped3A = tpu.sem_alloc : memref<!tpu.dma_semaphore, #tpu.memory_space<semaphore_mem>>
      %dma_start3A_41 = arith.constant 0 : i32
      %dma_start3A_42 = tpu.memref_slice %arg4[%add3A_34, %dma_start3A_41] : memref<160000x128xf32, #tpu.memory_space<hbm>> -> memref<1000x128xf32, #tpu.memory_space<hbm>>
      %dma_start3A_43 = arith.constant 0 : i32
      %dma_start3A_44 = tpu.memref_slice %arg4[%add3A_34, %dma_start3A_43] : memref<160000x128xf32, #tpu.memory_space<hbm>> -> memref<1000x128xf32, #tpu.memory_space<hbm>>
      tpu.enqueue_dma source(%arg6 : memref<1000x128xf32, #tpu.memory_space<vmem>>) target(%dma_start3A_44 : memref<1000x128xf32, #tpu.memory_space<hbm>>) target_semaphore(%run_scoped3A : memref<!tpu.dma_semaphore, #tpu.memory_space<semaphore_mem>>)
      %dma_wait3A_45 = arith.constant 0 : i32
      %dma_wait3A_46 = tpu.memref_slice %arg4[%add3A_34, %dma_wait3A_45] : memref<160000x128xf32, #tpu.memory_space<hbm>> -> memref<1000x128xf32, #tpu.memory_space<hbm>>
      %dma_wait3A_47 = arith.constant 0 : i32
      %dma_wait3A_48 = tpu.memref_slice %arg4[%add3A_34, %dma_wait3A_47] : memref<160000x128xf32, #tpu.memory_space<hbm>> -> memref<1000x128xf32, #tpu.memory_space<hbm>>
      tpu.wait_dma2 semaphore(%run_scoped3A : memref<!tpu.dma_semaphore, #tpu.memory_space<semaphore_mem>>) src(%arg6 : memref<1000x128xf32, #tpu.memory_space<vmem>>) dst(%dma_wait3A_48 : memref<1000x128xf32, #tpu.memory_space<hbm>>)
      tpu.yield
    }) : () -> ()
    return
  }
}

#map = affine_map<(d0, d1) -> (0, 0)>
#map1 = affine_map<(d0, d1) -> (0)>
module attributes {stable_mosaic.version = 14 : i64} {
  func.func @gk(%arg0: i32, %arg1: i32, %arg2: memref<10240x32xf32, #tpu.memory_space<hbm>>, %arg3: memref<160000xi32, #tpu.memory_space<hbm>>, %arg4: memref<160000x32xf32, #tpu.memory_space<hbm>>, %arg5: memref<1000xi32, #tpu.memory_space<vmem>>, %arg6: memref<1000x32xf32, #tpu.memory_space<vmem>>, %arg7: memref<!tpu.dma_semaphore, #tpu.memory_space<semaphore_mem>>) attributes {dimension_semantics = [#tpu.dimension_semantics<core_parallel>, #tpu.dimension_semantics<subcore_parallel>], iteration_bounds = array<i64: 2, 16>, scalar_prefetch = 0 : i64, scratch_operands = 3 : i64, tpu.core_type = #tpu.core_type<sc_vector_subcore>, window_params = [{transform_indices = #map}, {transform_indices = #map1}, {transform_indices = #map}]} {
    %mul3A = arith.constant 2 : i32
    %mul3A_0 = arith.muli %arg1, %mul3A : i32
    %add3A = arith.addi %mul3A_0, %arg0 : i32
    %mul3A_1 = arith.constant 5000 : i32
    %mul3A_2 = arith.muli %add3A, %mul3A_1 : i32
    %add3A_3 = arith.constant 0 : i32
    %add3A_4 = arith.addi %mul3A_2, %add3A_3 : i32
    "tpu.region"() ({
      %run_scoped3A = tpu.sem_alloc : memref<!tpu.dma_semaphore, #tpu.memory_space<semaphore_mem>>
      %dma_start3A_41 = tpu.memref_slice %arg3[%add3A_4] : memref<160000xi32, #tpu.memory_space<hbm>> -> memref<1000xi32, #tpu.memory_space<hbm>>
      %dma_start3A_42 = tpu.memref_slice %arg3[%add3A_4] : memref<160000xi32, #tpu.memory_space<hbm>> -> memref<1000xi32, #tpu.memory_space<hbm>>
      tpu.enqueue_dma source(%dma_start3A_42 : memref<1000xi32, #tpu.memory_space<hbm>>) target(%arg5 : memref<1000xi32, #tpu.memory_space<vmem>>) target_semaphore(%run_scoped3A : memref<!tpu.dma_semaphore, #tpu.memory_space<semaphore_mem>>)
      %dma_wait3A_43 = tpu.memref_slice %arg3[%add3A_4] : memref<160000xi32, #tpu.memory_space<hbm>> -> memref<1000xi32, #tpu.memory_space<hbm>>
      %dma_wait3A_44 = tpu.memref_slice %arg3[%add3A_4] : memref<160000xi32, #tpu.memory_space<hbm>> -> memref<1000xi32, #tpu.memory_space<hbm>>
      tpu.wait_dma2 semaphore(%run_scoped3A : memref<!tpu.dma_semaphore, #tpu.memory_space<semaphore_mem>>) src(%dma_wait3A_44 : memref<1000xi32, #tpu.memory_space<hbm>>) dst(%arg5 : memref<1000xi32, #tpu.memory_space<vmem>>)
      tpu.yield
    }) : () -> ()
    %dma_start3A = arith.constant 0 : i32
    %dma_start3A_5 = arith.constant 0 : i32
    %dma_start3A_6 = tpu.memref_slice %arg2[%dma_start3A, %dma_start3A_5] : memref<10240x32xf32, #tpu.memory_space<hbm>> -> memref<10240x32xf32, #tpu.memory_space<hbm>>
    tpu.enqueue_indirect_dma source(%dma_start3A_6 : memref<10240x32xf32, #tpu.memory_space<hbm>>) target(%arg6 : memref<1000x32xf32, #tpu.memory_space<vmem>>) offsets(%arg5 : memref<1000xi32, #tpu.memory_space<vmem>>) semaphore(%arg7 : memref<!tpu.dma_semaphore, #tpu.memory_space<semaphore_mem>>)
    %dma_wait3A = arith.constant 0 : i32
    %dma_wait3A_7 = arith.constant 0 : i32
    %dma_wait3A_8 = tpu.memref_slice %arg2[%dma_wait3A, %dma_wait3A_7] : memref<10240x32xf32, #tpu.memory_space<hbm>> -> memref<10240x32xf32, #tpu.memory_space<hbm>>
    tpu.wait_indirect_dma semaphore(%arg7 : memref<!tpu.dma_semaphore, #tpu.memory_space<semaphore_mem>>) src(%dma_wait3A_8 : memref<10240x32xf32, #tpu.memory_space<hbm>>) dst(%arg6 : memref<1000x32xf32, #tpu.memory_space<vmem>>)
    "tpu.region"() ({
      %run_scoped3A = tpu.sem_alloc : memref<!tpu.dma_semaphore, #tpu.memory_space<semaphore_mem>>
      %dma_start3A_41 = arith.constant 0 : i32
      %dma_start3A_42 = tpu.memref_slice %arg4[%add3A_4, %dma_start3A_41] : memref<160000x32xf32, #tpu.memory_space<hbm>> -> memref<1000x32xf32, #tpu.memory_space<hbm>>
      %dma_start3A_43 = arith.constant 0 : i32
      %dma_start3A_44 = tpu.memref_slice %arg4[%add3A_4, %dma_start3A_43] : memref<160000x32xf32, #tpu.memory_space<hbm>> -> memref<1000x32xf32, #tpu.memory_space<hbm>>
      tpu.enqueue_dma source(%arg6 : memref<1000x32xf32, #tpu.memory_space<vmem>>) target(%dma_start3A_44 : memref<1000x32xf32, #tpu.memory_space<hbm>>) target_semaphore(%run_scoped3A : memref<!tpu.dma_semaphore, #tpu.memory_space<semaphore_mem>>)
      %dma_wait3A_45 = arith.constant 0 : i32
      %dma_wait3A_46 = tpu.memref_slice %arg4[%add3A_4, %dma_wait3A_45] : memref<160000x32xf32, #tpu.memory_space<hbm>> -> memref<1000x32xf32, #tpu.memory_space<hbm>>
      %dma_wait3A_47 = arith.constant 0 : i32
      %dma_wait3A_48 = tpu.memref_slice %arg4[%add3A_4, %dma_wait3A_47] : memref<160000x32xf32, #tpu.memory_space<hbm>> -> memref<1000x32xf32, #tpu.memory_space<hbm>>
      tpu.wait_dma2 semaphore(%run_scoped3A : memref<!tpu.dma_semaphore, #tpu.memory_space<semaphore_mem>>) src(%arg6 : memref<1000x32xf32, #tpu.memory_space<vmem>>) dst(%dma_wait3A_48 : memref<1000x32xf32, #tpu.memory_space<hbm>>)
      tpu.yield
    }) : () -> ()
    %add3A_9 = arith.constant 1000 : i32
    %add3A_10 = arith.addi %mul3A_2, %add3A_9 : i32
    "tpu.region"() ({
      %run_scoped3A = tpu.sem_alloc : memref<!tpu.dma_semaphore, #tpu.memory_space<semaphore_mem>>
      %dma_start3A_41 = tpu.memref_slice %arg3[%add3A_10] : memref<160000xi32, #tpu.memory_space<hbm>> -> memref<1000xi32, #tpu.memory_space<hbm>>
      %dma_start3A_42 = tpu.memref_slice %arg3[%add3A_10] : memref<160000xi32, #tpu.memory_space<hbm>> -> memref<1000xi32, #tpu.memory_space<hbm>>
      tpu.enqueue_dma source(%dma_start3A_42 : memref<1000xi32, #tpu.memory_space<hbm>>) target(%arg5 : memref<1000xi32, #tpu.memory_space<vmem>>) target_semaphore(%run_scoped3A : memref<!tpu.dma_semaphore, #tpu.memory_space<semaphore_mem>>)
      %dma_wait3A_43 = tpu.memref_slice %arg3[%add3A_10] : memref<160000xi32, #tpu.memory_space<hbm>> -> memref<1000xi32, #tpu.memory_space<hbm>>
      %dma_wait3A_44 = tpu.memref_slice %arg3[%add3A_10] : memref<160000xi32, #tpu.memory_space<hbm>> -> memref<1000xi32, #tpu.memory_space<hbm>>
      tpu.wait_dma2 semaphore(%run_scoped3A : memref<!tpu.dma_semaphore, #tpu.memory_space<semaphore_mem>>) src(%dma_wait3A_44 : memref<1000xi32, #tpu.memory_space<hbm>>) dst(%arg5 : memref<1000xi32, #tpu.memory_space<vmem>>)
      tpu.yield
    }) : () -> ()
    %dma_start3A_11 = arith.constant 0 : i32
    %dma_start3A_12 = arith.constant 0 : i32
    %dma_start3A_13 = tpu.memref_slice %arg2[%dma_start3A_11, %dma_start3A_12] : memref<10240x32xf32, #tpu.memory_space<hbm>> -> memref<10240x32xf32, #tpu.memory_space<hbm>>
    tpu.enqueue_indirect_dma source(%dma_start3A_13 : memref<10240x32xf32, #tpu.memory_space<hbm>>) target(%arg6 : memref<1000x32xf32, #tpu.memory_space<vmem>>) offsets(%arg5 : memref<1000xi32, #tpu.memory_space<vmem>>) semaphore(%arg7 : memref<!tpu.dma_semaphore, #tpu.memory_space<semaphore_mem>>)
    %dma_wait3A_14 = arith.constant 0 : i32
    %dma_wait3A_15 = arith.constant 0 : i32
    %dma_wait3A_16 = tpu.memref_slice %arg2[%dma_wait3A_14, %dma_wait3A_15] : memref<10240x32xf32, #tpu.memory_space<hbm>> -> memref<10240x32xf32, #tpu.memory_space<hbm>>
    tpu.wait_indirect_dma semaphore(%arg7 : memref<!tpu.dma_semaphore, #tpu.memory_space<semaphore_mem>>) src(%dma_wait3A_16 : memref<10240x32xf32, #tpu.memory_space<hbm>>) dst(%arg6 : memref<1000x32xf32, #tpu.memory_space<vmem>>)
    "tpu.region"() ({
      %run_scoped3A = tpu.sem_alloc : memref<!tpu.dma_semaphore, #tpu.memory_space<semaphore_mem>>
      %dma_start3A_41 = arith.constant 0 : i32
      %dma_start3A_42 = tpu.memref_slice %arg4[%add3A_10, %dma_start3A_41] : memref<160000x32xf32, #tpu.memory_space<hbm>> -> memref<1000x32xf32, #tpu.memory_space<hbm>>
      %dma_start3A_43 = arith.constant 0 : i32
      %dma_start3A_44 = tpu.memref_slice %arg4[%add3A_10, %dma_start3A_43] : memref<160000x32xf32, #tpu.memory_space<hbm>> -> memref<1000x32xf32, #tpu.memory_space<hbm>>
      tpu.enqueue_dma source(%arg6 : memref<1000x32xf32, #tpu.memory_space<vmem>>) target(%dma_start3A_44 : memref<1000x32xf32, #tpu.memory_space<hbm>>) target_semaphore(%run_scoped3A : memref<!tpu.dma_semaphore, #tpu.memory_space<semaphore_mem>>)
      %dma_wait3A_45 = arith.constant 0 : i32
      %dma_wait3A_46 = tpu.memref_slice %arg4[%add3A_10, %dma_wait3A_45] : memref<160000x32xf32, #tpu.memory_space<hbm>> -> memref<1000x32xf32, #tpu.memory_space<hbm>>
      %dma_wait3A_47 = arith.constant 0 : i32
      %dma_wait3A_48 = tpu.memref_slice %arg4[%add3A_10, %dma_wait3A_47] : memref<160000x32xf32, #tpu.memory_space<hbm>> -> memref<1000x32xf32, #tpu.memory_space<hbm>>
      tpu.wait_dma2 semaphore(%run_scoped3A : memref<!tpu.dma_semaphore, #tpu.memory_space<semaphore_mem>>) src(%arg6 : memref<1000x32xf32, #tpu.memory_space<vmem>>) dst(%dma_wait3A_48 : memref<1000x32xf32, #tpu.memory_space<hbm>>)
      tpu.yield
    }) : () -> ()
    %add3A_17 = arith.constant 2000 : i32
    %add3A_18 = arith.addi %mul3A_2, %add3A_17 : i32
    "tpu.region"() ({
      %run_scoped3A = tpu.sem_alloc : memref<!tpu.dma_semaphore, #tpu.memory_space<semaphore_mem>>
      %dma_start3A_41 = tpu.memref_slice %arg3[%add3A_18] : memref<160000xi32, #tpu.memory_space<hbm>> -> memref<1000xi32, #tpu.memory_space<hbm>>
      %dma_start3A_42 = tpu.memref_slice %arg3[%add3A_18] : memref<160000xi32, #tpu.memory_space<hbm>> -> memref<1000xi32, #tpu.memory_space<hbm>>
      tpu.enqueue_dma source(%dma_start3A_42 : memref<1000xi32, #tpu.memory_space<hbm>>) target(%arg5 : memref<1000xi32, #tpu.memory_space<vmem>>) target_semaphore(%run_scoped3A : memref<!tpu.dma_semaphore, #tpu.memory_space<semaphore_mem>>)
      %dma_wait3A_43 = tpu.memref_slice %arg3[%add3A_18] : memref<160000xi32, #tpu.memory_space<hbm>> -> memref<1000xi32, #tpu.memory_space<hbm>>
      %dma_wait3A_44 = tpu.memref_slice %arg3[%add3A_18] : memref<160000xi32, #tpu.memory_space<hbm>> -> memref<1000xi32, #tpu.memory_space<hbm>>
      tpu.wait_dma2 semaphore(%run_scoped3A : memref<!tpu.dma_semaphore, #tpu.memory_space<semaphore_mem>>) src(%dma_wait3A_44 : memref<1000xi32, #tpu.memory_space<hbm>>) dst(%arg5 : memref<1000xi32, #tpu.memory_space<vmem>>)
      tpu.yield
    }) : () -> ()
    %dma_start3A_19 = arith.constant 0 : i32
    %dma_start3A_20 = arith.constant 0 : i32
    %dma_start3A_21 = tpu.memref_slice %arg2[%dma_start3A_19, %dma_start3A_20] : memref<10240x32xf32, #tpu.memory_space<hbm>> -> memref<10240x32xf32, #tpu.memory_space<hbm>>
    tpu.enqueue_indirect_dma source(%dma_start3A_21 : memref<10240x32xf32, #tpu.memory_space<hbm>>) target(%arg6 : memref<1000x32xf32, #tpu.memory_space<vmem>>) offsets(%arg5 : memref<1000xi32, #tpu.memory_space<vmem>>) semaphore(%arg7 : memref<!tpu.dma_semaphore, #tpu.memory_space<semaphore_mem>>)
    %dma_wait3A_22 = arith.constant 0 : i32
    %dma_wait3A_23 = arith.constant 0 : i32
    %dma_wait3A_24 = tpu.memref_slice %arg2[%dma_wait3A_22, %dma_wait3A_23] : memref<10240x32xf32, #tpu.memory_space<hbm>> -> memref<10240x32xf32, #tpu.memory_space<hbm>>
    tpu.wait_indirect_dma semaphore(%arg7 : memref<!tpu.dma_semaphore, #tpu.memory_space<semaphore_mem>>) src(%dma_wait3A_24 : memref<10240x32xf32, #tpu.memory_space<hbm>>) dst(%arg6 : memref<1000x32xf32, #tpu.memory_space<vmem>>)
    "tpu.region"() ({
      %run_scoped3A = tpu.sem_alloc : memref<!tpu.dma_semaphore, #tpu.memory_space<semaphore_mem>>
      %dma_start3A_41 = arith.constant 0 : i32
      %dma_start3A_42 = tpu.memref_slice %arg4[%add3A_18, %dma_start3A_41] : memref<160000x32xf32, #tpu.memory_space<hbm>> -> memref<1000x32xf32, #tpu.memory_space<hbm>>
      %dma_start3A_43 = arith.constant 0 : i32
      %dma_start3A_44 = tpu.memref_slice %arg4[%add3A_18, %dma_start3A_43] : memref<160000x32xf32, #tpu.memory_space<hbm>> -> memref<1000x32xf32, #tpu.memory_space<hbm>>
      tpu.enqueue_dma source(%arg6 : memref<1000x32xf32, #tpu.memory_space<vmem>>) target(%dma_start3A_44 : memref<1000x32xf32, #tpu.memory_space<hbm>>) target_semaphore(%run_scoped3A : memref<!tpu.dma_semaphore, #tpu.memory_space<semaphore_mem>>)
      %dma_wait3A_45 = arith.constant 0 : i32
      %dma_wait3A_46 = tpu.memref_slice %arg4[%add3A_18, %dma_wait3A_45] : memref<160000x32xf32, #tpu.memory_space<hbm>> -> memref<1000x32xf32, #tpu.memory_space<hbm>>
      %dma_wait3A_47 = arith.constant 0 : i32
      %dma_wait3A_48 = tpu.memref_slice %arg4[%add3A_18, %dma_wait3A_47] : memref<160000x32xf32, #tpu.memory_space<hbm>> -> memref<1000x32xf32, #tpu.memory_space<hbm>>
      tpu.wait_dma2 semaphore(%run_scoped3A : memref<!tpu.dma_semaphore, #tpu.memory_space<semaphore_mem>>) src(%arg6 : memref<1000x32xf32, #tpu.memory_space<vmem>>) dst(%dma_wait3A_48 : memref<1000x32xf32, #tpu.memory_space<hbm>>)
      tpu.yield
    }) : () -> ()
    %add3A_25 = arith.constant 3000 : i32
    %add3A_26 = arith.addi %mul3A_2, %add3A_25 : i32
    "tpu.region"() ({
      %run_scoped3A = tpu.sem_alloc : memref<!tpu.dma_semaphore, #tpu.memory_space<semaphore_mem>>
      %dma_start3A_41 = tpu.memref_slice %arg3[%add3A_26] : memref<160000xi32, #tpu.memory_space<hbm>> -> memref<1000xi32, #tpu.memory_space<hbm>>
      %dma_start3A_42 = tpu.memref_slice %arg3[%add3A_26] : memref<160000xi32, #tpu.memory_space<hbm>> -> memref<1000xi32, #tpu.memory_space<hbm>>
      tpu.enqueue_dma source(%dma_start3A_42 : memref<1000xi32, #tpu.memory_space<hbm>>) target(%arg5 : memref<1000xi32, #tpu.memory_space<vmem>>) target_semaphore(%run_scoped3A : memref<!tpu.dma_semaphore, #tpu.memory_space<semaphore_mem>>)
      %dma_wait3A_43 = tpu.memref_slice %arg3[%add3A_26] : memref<160000xi32, #tpu.memory_space<hbm>> -> memref<1000xi32, #tpu.memory_space<hbm>>
      %dma_wait3A_44 = tpu.memref_slice %arg3[%add3A_26] : memref<160000xi32, #tpu.memory_space<hbm>> -> memref<1000xi32, #tpu.memory_space<hbm>>
      tpu.wait_dma2 semaphore(%run_scoped3A : memref<!tpu.dma_semaphore, #tpu.memory_space<semaphore_mem>>) src(%dma_wait3A_44 : memref<1000xi32, #tpu.memory_space<hbm>>) dst(%arg5 : memref<1000xi32, #tpu.memory_space<vmem>>)
      tpu.yield
    }) : () -> ()
    %dma_start3A_27 = arith.constant 0 : i32
    %dma_start3A_28 = arith.constant 0 : i32
    %dma_start3A_29 = tpu.memref_slice %arg2[%dma_start3A_27, %dma_start3A_28] : memref<10240x32xf32, #tpu.memory_space<hbm>> -> memref<10240x32xf32, #tpu.memory_space<hbm>>
    tpu.enqueue_indirect_dma source(%dma_start3A_29 : memref<10240x32xf32, #tpu.memory_space<hbm>>) target(%arg6 : memref<1000x32xf32, #tpu.memory_space<vmem>>) offsets(%arg5 : memref<1000xi32, #tpu.memory_space<vmem>>) semaphore(%arg7 : memref<!tpu.dma_semaphore, #tpu.memory_space<semaphore_mem>>)
    %dma_wait3A_30 = arith.constant 0 : i32
    %dma_wait3A_31 = arith.constant 0 : i32
    %dma_wait3A_32 = tpu.memref_slice %arg2[%dma_wait3A_30, %dma_wait3A_31] : memref<10240x32xf32, #tpu.memory_space<hbm>> -> memref<10240x32xf32, #tpu.memory_space<hbm>>
    tpu.wait_indirect_dma semaphore(%arg7 : memref<!tpu.dma_semaphore, #tpu.memory_space<semaphore_mem>>) src(%dma_wait3A_32 : memref<10240x32xf32, #tpu.memory_space<hbm>>) dst(%arg6 : memref<1000x32xf32, #tpu.memory_space<vmem>>)
    "tpu.region"() ({
      %run_scoped3A = tpu.sem_alloc : memref<!tpu.dma_semaphore, #tpu.memory_space<semaphore_mem>>
      %dma_start3A_41 = arith.constant 0 : i32
      %dma_start3A_42 = tpu.memref_slice %arg4[%add3A_26, %dma_start3A_41] : memref<160000x32xf32, #tpu.memory_space<hbm>> -> memref<1000x32xf32, #tpu.memory_space<hbm>>
      %dma_start3A_43 = arith.constant 0 : i32
      %dma_start3A_44 = tpu.memref_slice %arg4[%add3A_26, %dma_start3A_43] : memref<160000x32xf32, #tpu.memory_space<hbm>> -> memref<1000x32xf32, #tpu.memory_space<hbm>>
      tpu.enqueue_dma source(%arg6 : memref<1000x32xf32, #tpu.memory_space<vmem>>) target(%dma_start3A_44 : memref<1000x32xf32, #tpu.memory_space<hbm>>) target_semaphore(%run_scoped3A : memref<!tpu.dma_semaphore, #tpu.memory_space<semaphore_mem>>)
      %dma_wait3A_45 = arith.constant 0 : i32
      %dma_wait3A_46 = tpu.memref_slice %arg4[%add3A_26, %dma_wait3A_45] : memref<160000x32xf32, #tpu.memory_space<hbm>> -> memref<1000x32xf32, #tpu.memory_space<hbm>>
      %dma_wait3A_47 = arith.constant 0 : i32
      %dma_wait3A_48 = tpu.memref_slice %arg4[%add3A_26, %dma_wait3A_47] : memref<160000x32xf32, #tpu.memory_space<hbm>> -> memref<1000x32xf32, #tpu.memory_space<hbm>>
      tpu.wait_dma2 semaphore(%run_scoped3A : memref<!tpu.dma_semaphore, #tpu.memory_space<semaphore_mem>>) src(%arg6 : memref<1000x32xf32, #tpu.memory_space<vmem>>) dst(%dma_wait3A_48 : memref<1000x32xf32, #tpu.memory_space<hbm>>)
      tpu.yield
    }) : () -> ()
    %add3A_33 = arith.constant 4000 : i32
    %add3A_34 = arith.addi %mul3A_2, %add3A_33 : i32
    "tpu.region"() ({
      %run_scoped3A = tpu.sem_alloc : memref<!tpu.dma_semaphore, #tpu.memory_space<semaphore_mem>>
      %dma_start3A_41 = tpu.memref_slice %arg3[%add3A_34] : memref<160000xi32, #tpu.memory_space<hbm>> -> memref<1000xi32, #tpu.memory_space<hbm>>
      %dma_start3A_42 = tpu.memref_slice %arg3[%add3A_34] : memref<160000xi32, #tpu.memory_space<hbm>> -> memref<1000xi32, #tpu.memory_space<hbm>>
      tpu.enqueue_dma source(%dma_start3A_42 : memref<1000xi32, #tpu.memory_space<hbm>>) target(%arg5 : memref<1000xi32, #tpu.memory_space<vmem>>) target_semaphore(%run_scoped3A : memref<!tpu.dma_semaphore, #tpu.memory_space<semaphore_mem>>)
      %dma_wait3A_43 = tpu.memref_slice %arg3[%add3A_34] : memref<160000xi32, #tpu.memory_space<hbm>> -> memref<1000xi32, #tpu.memory_space<hbm>>
      %dma_wait3A_44 = tpu.memref_slice %arg3[%add3A_34] : memref<160000xi32, #tpu.memory_space<hbm>> -> memref<1000xi32, #tpu.memory_space<hbm>>
      tpu.wait_dma2 semaphore(%run_scoped3A : memref<!tpu.dma_semaphore, #tpu.memory_space<semaphore_mem>>) src(%dma_wait3A_44 : memref<1000xi32, #tpu.memory_space<hbm>>) dst(%arg5 : memref<1000xi32, #tpu.memory_space<vmem>>)
      tpu.yield
    }) : () -> ()
    %dma_start3A_35 = arith.constant 0 : i32
    %dma_start3A_36 = arith.constant 0 : i32
    %dma_start3A_37 = tpu.memref_slice %arg2[%dma_start3A_35, %dma_start3A_36] : memref<10240x32xf32, #tpu.memory_space<hbm>> -> memref<10240x32xf32, #tpu.memory_space<hbm>>
    tpu.enqueue_indirect_dma source(%dma_start3A_37 : memref<10240x32xf32, #tpu.memory_space<hbm>>) target(%arg6 : memref<1000x32xf32, #tpu.memory_space<vmem>>) offsets(%arg5 : memref<1000xi32, #tpu.memory_space<vmem>>) semaphore(%arg7 : memref<!tpu.dma_semaphore, #tpu.memory_space<semaphore_mem>>)
    %dma_wait3A_38 = arith.constant 0 : i32
    %dma_wait3A_39 = arith.constant 0 : i32
    %dma_wait3A_40 = tpu.memref_slice %arg2[%dma_wait3A_38, %dma_wait3A_39] : memref<10240x32xf32, #tpu.memory_space<hbm>> -> memref<10240x32xf32, #tpu.memory_space<hbm>>
    tpu.wait_indirect_dma semaphore(%arg7 : memref<!tpu.dma_semaphore, #tpu.memory_space<semaphore_mem>>) src(%dma_wait3A_40 : memref<10240x32xf32, #tpu.memory_space<hbm>>) dst(%arg6 : memref<1000x32xf32, #tpu.memory_space<vmem>>)
    "tpu.region"() ({
      %run_scoped3A = tpu.sem_alloc : memref<!tpu.dma_semaphore, #tpu.memory_space<semaphore_mem>>
      %dma_start3A_41 = arith.constant 0 : i32
      %dma_start3A_42 = tpu.memref_slice %arg4[%add3A_34, %dma_start3A_41] : memref<160000x32xf32, #tpu.memory_space<hbm>> -> memref<1000x32xf32, #tpu.memory_space<hbm>>
      %dma_start3A_43 = arith.constant 0 : i32
      %dma_start3A_44 = tpu.memref_slice %arg4[%add3A_34, %dma_start3A_43] : memref<160000x32xf32, #tpu.memory_space<hbm>> -> memref<1000x32xf32, #tpu.memory_space<hbm>>
      tpu.enqueue_dma source(%arg6 : memref<1000x32xf32, #tpu.memory_space<vmem>>) target(%dma_start3A_44 : memref<1000x32xf32, #tpu.memory_space<hbm>>) target_semaphore(%run_scoped3A : memref<!tpu.dma_semaphore, #tpu.memory_space<semaphore_mem>>)
      %dma_wait3A_45 = arith.constant 0 : i32
      %dma_wait3A_46 = tpu.memref_slice %arg4[%add3A_34, %dma_wait3A_45] : memref<160000x32xf32, #tpu.memory_space<hbm>> -> memref<1000x32xf32, #tpu.memory_space<hbm>>
      %dma_wait3A_47 = arith.constant 0 : i32
      %dma_wait3A_48 = tpu.memref_slice %arg4[%add3A_34, %dma_wait3A_47] : memref<160000x32xf32, #tpu.memory_space<hbm>> -> memref<1000x32xf32, #tpu.memory_space<hbm>>
      tpu.wait_dma2 semaphore(%run_scoped3A : memref<!tpu.dma_semaphore, #tpu.memory_space<semaphore_mem>>) src(%arg6 : memref<1000x32xf32, #tpu.memory_space<vmem>>) dst(%dma_wait3A_48 : memref<1000x32xf32, #tpu.memory_space<hbm>>)
      tpu.yield
    }) : () -> ()
    return
  }
}

#map = affine_map<(d0, d1) -> (0, 0)>
#map1 = affine_map<(d0, d1) -> (0)>
module attributes {stable_mosaic.version = 14 : i64} {
  func.func @gk(%arg0: i32, %arg1: i32, %arg2: memref<10240x128xf32, #tpu.memory_space<hbm>>, %arg3: memref<160000xi32, #tpu.memory_space<hbm>>, %arg4: memref<160000x128xf32, #tpu.memory_space<hbm>>, %arg5: memref<1000xi32, #tpu.memory_space<vmem>>, %arg6: memref<1000x128xf32, #tpu.memory_space<vmem>>, %arg7: memref<!tpu.dma_semaphore, #tpu.memory_space<semaphore_mem>>) attributes {dimension_semantics = [#tpu.dimension_semantics<core_parallel>, #tpu.dimension_semantics<subcore_parallel>], iteration_bounds = array<i64: 2, 16>, scalar_prefetch = 0 : i64, scratch_operands = 3 : i64, tpu.core_type = #tpu.core_type<sc_vector_subcore>, window_params = [{transform_indices = #map}, {transform_indices = #map1}, {transform_indices = #map}]} {
    %mul3A = arith.constant 2 : i32
    %mul3A_0 = arith.muli %arg1, %mul3A : i32
    %add3A = arith.addi %mul3A_0, %arg0 : i32
    %mul3A_1 = arith.constant 5000 : i32
    %mul3A_2 = arith.muli %add3A, %mul3A_1 : i32
    %add3A_3 = arith.constant 0 : i32
    %add3A_4 = arith.addi %mul3A_2, %add3A_3 : i32
    "tpu.region"() ({
      %run_scoped3A = tpu.sem_alloc : memref<!tpu.dma_semaphore, #tpu.memory_space<semaphore_mem>>
      %dma_start3A_41 = tpu.memref_slice %arg3[%add3A_4] : memref<160000xi32, #tpu.memory_space<hbm>> -> memref<1000xi32, #tpu.memory_space<hbm>>
      %dma_start3A_42 = tpu.memref_slice %arg3[%add3A_4] : memref<160000xi32, #tpu.memory_space<hbm>> -> memref<1000xi32, #tpu.memory_space<hbm>>
      tpu.enqueue_dma source(%dma_start3A_42 : memref<1000xi32, #tpu.memory_space<hbm>>) target(%arg5 : memref<1000xi32, #tpu.memory_space<vmem>>) target_semaphore(%run_scoped3A : memref<!tpu.dma_semaphore, #tpu.memory_space<semaphore_mem>>)
      %dma_wait3A_43 = tpu.memref_slice %arg3[%add3A_4] : memref<160000xi32, #tpu.memory_space<hbm>> -> memref<1000xi32, #tpu.memory_space<hbm>>
      %dma_wait3A_44 = tpu.memref_slice %arg3[%add3A_4] : memref<160000xi32, #tpu.memory_space<hbm>> -> memref<1000xi32, #tpu.memory_space<hbm>>
      tpu.wait_dma2 semaphore(%run_scoped3A : memref<!tpu.dma_semaphore, #tpu.memory_space<semaphore_mem>>) src(%dma_wait3A_44 : memref<1000xi32, #tpu.memory_space<hbm>>) dst(%arg5 : memref<1000xi32, #tpu.memory_space<vmem>>)
      tpu.yield
    }) : () -> ()
    %dma_start3A = arith.constant 0 : i32
    %dma_start3A_5 = arith.constant 0 : i32
    %dma_start3A_6 = tpu.memref_slice %arg2[%dma_start3A, %dma_start3A_5] : memref<10240x128xf32, #tpu.memory_space<hbm>> -> memref<10240x128xf32, #tpu.memory_space<hbm>>
    tpu.enqueue_indirect_dma source(%dma_start3A_6 : memref<10240x128xf32, #tpu.memory_space<hbm>>) target(%arg6 : memref<1000x128xf32, #tpu.memory_space<vmem>>) offsets(%arg5 : memref<1000xi32, #tpu.memory_space<vmem>>) semaphore(%arg7 : memref<!tpu.dma_semaphore, #tpu.memory_space<semaphore_mem>>)
    %dma_wait3A = arith.constant 0 : i32
    %dma_wait3A_7 = arith.constant 0 : i32
    %dma_wait3A_8 = tpu.memref_slice %arg2[%dma_wait3A, %dma_wait3A_7] : memref<10240x128xf32, #tpu.memory_space<hbm>> -> memref<10240x128xf32, #tpu.memory_space<hbm>>
    tpu.wait_indirect_dma semaphore(%arg7 : memref<!tpu.dma_semaphore, #tpu.memory_space<semaphore_mem>>) src(%dma_wait3A_8 : memref<10240x128xf32, #tpu.memory_space<hbm>>) dst(%arg6 : memref<1000x128xf32, #tpu.memory_space<vmem>>)
    "tpu.region"() ({
      %run_scoped3A = tpu.sem_alloc : memref<!tpu.dma_semaphore, #tpu.memory_space<semaphore_mem>>
      %dma_start3A_41 = arith.constant 0 : i32
      %dma_start3A_42 = tpu.memref_slice %arg4[%add3A_4, %dma_start3A_41] : memref<160000x128xf32, #tpu.memory_space<hbm>> -> memref<1000x128xf32, #tpu.memory_space<hbm>>
      %dma_start3A_43 = arith.constant 0 : i32
      %dma_start3A_44 = tpu.memref_slice %arg4[%add3A_4, %dma_start3A_43] : memref<160000x128xf32, #tpu.memory_space<hbm>> -> memref<1000x128xf32, #tpu.memory_space<hbm>>
      tpu.enqueue_dma source(%arg6 : memref<1000x128xf32, #tpu.memory_space<vmem>>) target(%dma_start3A_44 : memref<1000x128xf32, #tpu.memory_space<hbm>>) target_semaphore(%run_scoped3A : memref<!tpu.dma_semaphore, #tpu.memory_space<semaphore_mem>>)
      %dma_wait3A_45 = arith.constant 0 : i32
      %dma_wait3A_46 = tpu.memref_slice %arg4[%add3A_4, %dma_wait3A_45] : memref<160000x128xf32, #tpu.memory_space<hbm>> -> memref<1000x128xf32, #tpu.memory_space<hbm>>
      %dma_wait3A_47 = arith.constant 0 : i32
      %dma_wait3A_48 = tpu.memref_slice %arg4[%add3A_4, %dma_wait3A_47] : memref<160000x128xf32, #tpu.memory_space<hbm>> -> memref<1000x128xf32, #tpu.memory_space<hbm>>
      tpu.wait_dma2 semaphore(%run_scoped3A : memref<!tpu.dma_semaphore, #tpu.memory_space<semaphore_mem>>) src(%arg6 : memref<1000x128xf32, #tpu.memory_space<vmem>>) dst(%dma_wait3A_48 : memref<1000x128xf32, #tpu.memory_space<hbm>>)
      tpu.yield
    }) : () -> ()
    %add3A_9 = arith.constant 1000 : i32
    %add3A_10 = arith.addi %mul3A_2, %add3A_9 : i32
    "tpu.region"() ({
      %run_scoped3A = tpu.sem_alloc : memref<!tpu.dma_semaphore, #tpu.memory_space<semaphore_mem>>
      %dma_start3A_41 = tpu.memref_slice %arg3[%add3A_10] : memref<160000xi32, #tpu.memory_space<hbm>> -> memref<1000xi32, #tpu.memory_space<hbm>>
      %dma_start3A_42 = tpu.memref_slice %arg3[%add3A_10] : memref<160000xi32, #tpu.memory_space<hbm>> -> memref<1000xi32, #tpu.memory_space<hbm>>
      tpu.enqueue_dma source(%dma_start3A_42 : memref<1000xi32, #tpu.memory_space<hbm>>) target(%arg5 : memref<1000xi32, #tpu.memory_space<vmem>>) target_semaphore(%run_scoped3A : memref<!tpu.dma_semaphore, #tpu.memory_space<semaphore_mem>>)
      %dma_wait3A_43 = tpu.memref_slice %arg3[%add3A_10] : memref<160000xi32, #tpu.memory_space<hbm>> -> memref<1000xi32, #tpu.memory_space<hbm>>
      %dma_wait3A_44 = tpu.memref_slice %arg3[%add3A_10] : memref<160000xi32, #tpu.memory_space<hbm>> -> memref<1000xi32, #tpu.memory_space<hbm>>
      tpu.wait_dma2 semaphore(%run_scoped3A : memref<!tpu.dma_semaphore, #tpu.memory_space<semaphore_mem>>) src(%dma_wait3A_44 : memref<1000xi32, #tpu.memory_space<hbm>>) dst(%arg5 : memref<1000xi32, #tpu.memory_space<vmem>>)
      tpu.yield
    }) : () -> ()
    %dma_start3A_11 = arith.constant 0 : i32
    %dma_start3A_12 = arith.constant 0 : i32
    %dma_start3A_13 = tpu.memref_slice %arg2[%dma_start3A_11, %dma_start3A_12] : memref<10240x128xf32, #tpu.memory_space<hbm>> -> memref<10240x128xf32, #tpu.memory_space<hbm>>
    tpu.enqueue_indirect_dma source(%dma_start3A_13 : memref<10240x128xf32, #tpu.memory_space<hbm>>) target(%arg6 : memref<1000x128xf32, #tpu.memory_space<vmem>>) offsets(%arg5 : memref<1000xi32, #tpu.memory_space<vmem>>) semaphore(%arg7 : memref<!tpu.dma_semaphore, #tpu.memory_space<semaphore_mem>>)
    %dma_wait3A_14 = arith.constant 0 : i32
    %dma_wait3A_15 = arith.constant 0 : i32
    %dma_wait3A_16 = tpu.memref_slice %arg2[%dma_wait3A_14, %dma_wait3A_15] : memref<10240x128xf32, #tpu.memory_space<hbm>> -> memref<10240x128xf32, #tpu.memory_space<hbm>>
    tpu.wait_indirect_dma semaphore(%arg7 : memref<!tpu.dma_semaphore, #tpu.memory_space<semaphore_mem>>) src(%dma_wait3A_16 : memref<10240x128xf32, #tpu.memory_space<hbm>>) dst(%arg6 : memref<1000x128xf32, #tpu.memory_space<vmem>>)
    "tpu.region"() ({
      %run_scoped3A = tpu.sem_alloc : memref<!tpu.dma_semaphore, #tpu.memory_space<semaphore_mem>>
      %dma_start3A_41 = arith.constant 0 : i32
      %dma_start3A_42 = tpu.memref_slice %arg4[%add3A_10, %dma_start3A_41] : memref<160000x128xf32, #tpu.memory_space<hbm>> -> memref<1000x128xf32, #tpu.memory_space<hbm>>
      %dma_start3A_43 = arith.constant 0 : i32
      %dma_start3A_44 = tpu.memref_slice %arg4[%add3A_10, %dma_start3A_43] : memref<160000x128xf32, #tpu.memory_space<hbm>> -> memref<1000x128xf32, #tpu.memory_space<hbm>>
      tpu.enqueue_dma source(%arg6 : memref<1000x128xf32, #tpu.memory_space<vmem>>) target(%dma_start3A_44 : memref<1000x128xf32, #tpu.memory_space<hbm>>) target_semaphore(%run_scoped3A : memref<!tpu.dma_semaphore, #tpu.memory_space<semaphore_mem>>)
      %dma_wait3A_45 = arith.constant 0 : i32
      %dma_wait3A_46 = tpu.memref_slice %arg4[%add3A_10, %dma_wait3A_45] : memref<160000x128xf32, #tpu.memory_space<hbm>> -> memref<1000x128xf32, #tpu.memory_space<hbm>>
      %dma_wait3A_47 = arith.constant 0 : i32
      %dma_wait3A_48 = tpu.memref_slice %arg4[%add3A_10, %dma_wait3A_47] : memref<160000x128xf32, #tpu.memory_space<hbm>> -> memref<1000x128xf32, #tpu.memory_space<hbm>>
      tpu.wait_dma2 semaphore(%run_scoped3A : memref<!tpu.dma_semaphore, #tpu.memory_space<semaphore_mem>>) src(%arg6 : memref<1000x128xf32, #tpu.memory_space<vmem>>) dst(%dma_wait3A_48 : memref<1000x128xf32, #tpu.memory_space<hbm>>)
      tpu.yield
    }) : () -> ()
    %add3A_17 = arith.constant 2000 : i32
    %add3A_18 = arith.addi %mul3A_2, %add3A_17 : i32
    "tpu.region"() ({
      %run_scoped3A = tpu.sem_alloc : memref<!tpu.dma_semaphore, #tpu.memory_space<semaphore_mem>>
      %dma_start3A_41 = tpu.memref_slice %arg3[%add3A_18] : memref<160000xi32, #tpu.memory_space<hbm>> -> memref<1000xi32, #tpu.memory_space<hbm>>
      %dma_start3A_42 = tpu.memref_slice %arg3[%add3A_18] : memref<160000xi32, #tpu.memory_space<hbm>> -> memref<1000xi32, #tpu.memory_space<hbm>>
      tpu.enqueue_dma source(%dma_start3A_42 : memref<1000xi32, #tpu.memory_space<hbm>>) target(%arg5 : memref<1000xi32, #tpu.memory_space<vmem>>) target_semaphore(%run_scoped3A : memref<!tpu.dma_semaphore, #tpu.memory_space<semaphore_mem>>)
      %dma_wait3A_43 = tpu.memref_slice %arg3[%add3A_18] : memref<160000xi32, #tpu.memory_space<hbm>> -> memref<1000xi32, #tpu.memory_space<hbm>>
      %dma_wait3A_44 = tpu.memref_slice %arg3[%add3A_18] : memref<160000xi32, #tpu.memory_space<hbm>> -> memref<1000xi32, #tpu.memory_space<hbm>>
      tpu.wait_dma2 semaphore(%run_scoped3A : memref<!tpu.dma_semaphore, #tpu.memory_space<semaphore_mem>>) src(%dma_wait3A_44 : memref<1000xi32, #tpu.memory_space<hbm>>) dst(%arg5 : memref<1000xi32, #tpu.memory_space<vmem>>)
      tpu.yield
    }) : () -> ()
    %dma_start3A_19 = arith.constant 0 : i32
    %dma_start3A_20 = arith.constant 0 : i32
    %dma_start3A_21 = tpu.memref_slice %arg2[%dma_start3A_19, %dma_start3A_20] : memref<10240x128xf32, #tpu.memory_space<hbm>> -> memref<10240x128xf32, #tpu.memory_space<hbm>>
    tpu.enqueue_indirect_dma source(%dma_start3A_21 : memref<10240x128xf32, #tpu.memory_space<hbm>>) target(%arg6 : memref<1000x128xf32, #tpu.memory_space<vmem>>) offsets(%arg5 : memref<1000xi32, #tpu.memory_space<vmem>>) semaphore(%arg7 : memref<!tpu.dma_semaphore, #tpu.memory_space<semaphore_mem>>)
    %dma_wait3A_22 = arith.constant 0 : i32
    %dma_wait3A_23 = arith.constant 0 : i32
    %dma_wait3A_24 = tpu.memref_slice %arg2[%dma_wait3A_22, %dma_wait3A_23] : memref<10240x128xf32, #tpu.memory_space<hbm>> -> memref<10240x128xf32, #tpu.memory_space<hbm>>
    tpu.wait_indirect_dma semaphore(%arg7 : memref<!tpu.dma_semaphore, #tpu.memory_space<semaphore_mem>>) src(%dma_wait3A_24 : memref<10240x128xf32, #tpu.memory_space<hbm>>) dst(%arg6 : memref<1000x128xf32, #tpu.memory_space<vmem>>)
    "tpu.region"() ({
      %run_scoped3A = tpu.sem_alloc : memref<!tpu.dma_semaphore, #tpu.memory_space<semaphore_mem>>
      %dma_start3A_41 = arith.constant 0 : i32
      %dma_start3A_42 = tpu.memref_slice %arg4[%add3A_18, %dma_start3A_41] : memref<160000x128xf32, #tpu.memory_space<hbm>> -> memref<1000x128xf32, #tpu.memory_space<hbm>>
      %dma_start3A_43 = arith.constant 0 : i32
      %dma_start3A_44 = tpu.memref_slice %arg4[%add3A_18, %dma_start3A_43] : memref<160000x128xf32, #tpu.memory_space<hbm>> -> memref<1000x128xf32, #tpu.memory_space<hbm>>
      tpu.enqueue_dma source(%arg6 : memref<1000x128xf32, #tpu.memory_space<vmem>>) target(%dma_start3A_44 : memref<1000x128xf32, #tpu.memory_space<hbm>>) target_semaphore(%run_scoped3A : memref<!tpu.dma_semaphore, #tpu.memory_space<semaphore_mem>>)
      %dma_wait3A_45 = arith.constant 0 : i32
      %dma_wait3A_46 = tpu.memref_slice %arg4[%add3A_18, %dma_wait3A_45] : memref<160000x128xf32, #tpu.memory_space<hbm>> -> memref<1000x128xf32, #tpu.memory_space<hbm>>
      %dma_wait3A_47 = arith.constant 0 : i32
      %dma_wait3A_48 = tpu.memref_slice %arg4[%add3A_18, %dma_wait3A_47] : memref<160000x128xf32, #tpu.memory_space<hbm>> -> memref<1000x128xf32, #tpu.memory_space<hbm>>
      tpu.wait_dma2 semaphore(%run_scoped3A : memref<!tpu.dma_semaphore, #tpu.memory_space<semaphore_mem>>) src(%arg6 : memref<1000x128xf32, #tpu.memory_space<vmem>>) dst(%dma_wait3A_48 : memref<1000x128xf32, #tpu.memory_space<hbm>>)
      tpu.yield
    }) : () -> ()
    %add3A_25 = arith.constant 3000 : i32
    %add3A_26 = arith.addi %mul3A_2, %add3A_25 : i32
    "tpu.region"() ({
      %run_scoped3A = tpu.sem_alloc : memref<!tpu.dma_semaphore, #tpu.memory_space<semaphore_mem>>
      %dma_start3A_41 = tpu.memref_slice %arg3[%add3A_26] : memref<160000xi32, #tpu.memory_space<hbm>> -> memref<1000xi32, #tpu.memory_space<hbm>>
      %dma_start3A_42 = tpu.memref_slice %arg3[%add3A_26] : memref<160000xi32, #tpu.memory_space<hbm>> -> memref<1000xi32, #tpu.memory_space<hbm>>
      tpu.enqueue_dma source(%dma_start3A_42 : memref<1000xi32, #tpu.memory_space<hbm>>) target(%arg5 : memref<1000xi32, #tpu.memory_space<vmem>>) target_semaphore(%run_scoped3A : memref<!tpu.dma_semaphore, #tpu.memory_space<semaphore_mem>>)
      %dma_wait3A_43 = tpu.memref_slice %arg3[%add3A_26] : memref<160000xi32, #tpu.memory_space<hbm>> -> memref<1000xi32, #tpu.memory_space<hbm>>
      %dma_wait3A_44 = tpu.memref_slice %arg3[%add3A_26] : memref<160000xi32, #tpu.memory_space<hbm>> -> memref<1000xi32, #tpu.memory_space<hbm>>
      tpu.wait_dma2 semaphore(%run_scoped3A : memref<!tpu.dma_semaphore, #tpu.memory_space<semaphore_mem>>) src(%dma_wait3A_44 : memref<1000xi32, #tpu.memory_space<hbm>>) dst(%arg5 : memref<1000xi32, #tpu.memory_space<vmem>>)
      tpu.yield
    }) : () -> ()
    %dma_start3A_27 = arith.constant 0 : i32
    %dma_start3A_28 = arith.constant 0 : i32
    %dma_start3A_29 = tpu.memref_slice %arg2[%dma_start3A_27, %dma_start3A_28] : memref<10240x128xf32, #tpu.memory_space<hbm>> -> memref<10240x128xf32, #tpu.memory_space<hbm>>
    tpu.enqueue_indirect_dma source(%dma_start3A_29 : memref<10240x128xf32, #tpu.memory_space<hbm>>) target(%arg6 : memref<1000x128xf32, #tpu.memory_space<vmem>>) offsets(%arg5 : memref<1000xi32, #tpu.memory_space<vmem>>) semaphore(%arg7 : memref<!tpu.dma_semaphore, #tpu.memory_space<semaphore_mem>>)
    %dma_wait3A_30 = arith.constant 0 : i32
    %dma_wait3A_31 = arith.constant 0 : i32
    %dma_wait3A_32 = tpu.memref_slice %arg2[%dma_wait3A_30, %dma_wait3A_31] : memref<10240x128xf32, #tpu.memory_space<hbm>> -> memref<10240x128xf32, #tpu.memory_space<hbm>>
    tpu.wait_indirect_dma semaphore(%arg7 : memref<!tpu.dma_semaphore, #tpu.memory_space<semaphore_mem>>) src(%dma_wait3A_32 : memref<10240x128xf32, #tpu.memory_space<hbm>>) dst(%arg6 : memref<1000x128xf32, #tpu.memory_space<vmem>>)
    "tpu.region"() ({
      %run_scoped3A = tpu.sem_alloc : memref<!tpu.dma_semaphore, #tpu.memory_space<semaphore_mem>>
      %dma_start3A_41 = arith.constant 0 : i32
      %dma_start3A_42 = tpu.memref_slice %arg4[%add3A_26, %dma_start3A_41] : memref<160000x128xf32, #tpu.memory_space<hbm>> -> memref<1000x128xf32, #tpu.memory_space<hbm>>
      %dma_start3A_43 = arith.constant 0 : i32
      %dma_start3A_44 = tpu.memref_slice %arg4[%add3A_26, %dma_start3A_43] : memref<160000x128xf32, #tpu.memory_space<hbm>> -> memref<1000x128xf32, #tpu.memory_space<hbm>>
      tpu.enqueue_dma source(%arg6 : memref<1000x128xf32, #tpu.memory_space<vmem>>) target(%dma_start3A_44 : memref<1000x128xf32, #tpu.memory_space<hbm>>) target_semaphore(%run_scoped3A : memref<!tpu.dma_semaphore, #tpu.memory_space<semaphore_mem>>)
      %dma_wait3A_45 = arith.constant 0 : i32
      %dma_wait3A_46 = tpu.memref_slice %arg4[%add3A_26, %dma_wait3A_45] : memref<160000x128xf32, #tpu.memory_space<hbm>> -> memref<1000x128xf32, #tpu.memory_space<hbm>>
      %dma_wait3A_47 = arith.constant 0 : i32
      %dma_wait3A_48 = tpu.memref_slice %arg4[%add3A_26, %dma_wait3A_47] : memref<160000x128xf32, #tpu.memory_space<hbm>> -> memref<1000x128xf32, #tpu.memory_space<hbm>>
      tpu.wait_dma2 semaphore(%run_scoped3A : memref<!tpu.dma_semaphore, #tpu.memory_space<semaphore_mem>>) src(%arg6 : memref<1000x128xf32, #tpu.memory_space<vmem>>) dst(%dma_wait3A_48 : memref<1000x128xf32, #tpu.memory_space<hbm>>)
      tpu.yield
    }) : () -> ()
    %add3A_33 = arith.constant 4000 : i32
    %add3A_34 = arith.addi %mul3A_2, %add3A_33 : i32
    "tpu.region"() ({
      %run_scoped3A = tpu.sem_alloc : memref<!tpu.dma_semaphore, #tpu.memory_space<semaphore_mem>>
      %dma_start3A_41 = tpu.memref_slice %arg3[%add3A_34] : memref<160000xi32, #tpu.memory_space<hbm>> -> memref<1000xi32, #tpu.memory_space<hbm>>
      %dma_start3A_42 = tpu.memref_slice %arg3[%add3A_34] : memref<160000xi32, #tpu.memory_space<hbm>> -> memref<1000xi32, #tpu.memory_space<hbm>>
      tpu.enqueue_dma source(%dma_start3A_42 : memref<1000xi32, #tpu.memory_space<hbm>>) target(%arg5 : memref<1000xi32, #tpu.memory_space<vmem>>) target_semaphore(%run_scoped3A : memref<!tpu.dma_semaphore, #tpu.memory_space<semaphore_mem>>)
      %dma_wait3A_43 = tpu.memref_slice %arg3[%add3A_34] : memref<160000xi32, #tpu.memory_space<hbm>> -> memref<1000xi32, #tpu.memory_space<hbm>>
      %dma_wait3A_44 = tpu.memref_slice %arg3[%add3A_34] : memref<160000xi32, #tpu.memory_space<hbm>> -> memref<1000xi32, #tpu.memory_space<hbm>>
      tpu.wait_dma2 semaphore(%run_scoped3A : memref<!tpu.dma_semaphore, #tpu.memory_space<semaphore_mem>>) src(%dma_wait3A_44 : memref<1000xi32, #tpu.memory_space<hbm>>) dst(%arg5 : memref<1000xi32, #tpu.memory_space<vmem>>)
      tpu.yield
    }) : () -> ()
    %dma_start3A_35 = arith.constant 0 : i32
    %dma_start3A_36 = arith.constant 0 : i32
    %dma_start3A_37 = tpu.memref_slice %arg2[%dma_start3A_35, %dma_start3A_36] : memref<10240x128xf32, #tpu.memory_space<hbm>> -> memref<10240x128xf32, #tpu.memory_space<hbm>>
    tpu.enqueue_indirect_dma source(%dma_start3A_37 : memref<10240x128xf32, #tpu.memory_space<hbm>>) target(%arg6 : memref<1000x128xf32, #tpu.memory_space<vmem>>) offsets(%arg5 : memref<1000xi32, #tpu.memory_space<vmem>>) semaphore(%arg7 : memref<!tpu.dma_semaphore, #tpu.memory_space<semaphore_mem>>)
    %dma_wait3A_38 = arith.constant 0 : i32
    %dma_wait3A_39 = arith.constant 0 : i32
    %dma_wait3A_40 = tpu.memref_slice %arg2[%dma_wait3A_38, %dma_wait3A_39] : memref<10240x128xf32, #tpu.memory_space<hbm>> -> memref<10240x128xf32, #tpu.memory_space<hbm>>
    tpu.wait_indirect_dma semaphore(%arg7 : memref<!tpu.dma_semaphore, #tpu.memory_space<semaphore_mem>>) src(%dma_wait3A_40 : memref<10240x128xf32, #tpu.memory_space<hbm>>) dst(%arg6 : memref<1000x128xf32, #tpu.memory_space<vmem>>)
    "tpu.region"() ({
      %run_scoped3A = tpu.sem_alloc : memref<!tpu.dma_semaphore, #tpu.memory_space<semaphore_mem>>
      %dma_start3A_41 = arith.constant 0 : i32
      %dma_start3A_42 = tpu.memref_slice %arg4[%add3A_34, %dma_start3A_41] : memref<160000x128xf32, #tpu.memory_space<hbm>> -> memref<1000x128xf32, #tpu.memory_space<hbm>>
      %dma_start3A_43 = arith.constant 0 : i32
      %dma_start3A_44 = tpu.memref_slice %arg4[%add3A_34, %dma_start3A_43] : memref<160000x128xf32, #tpu.memory_space<hbm>> -> memref<1000x128xf32, #tpu.memory_space<hbm>>
      tpu.enqueue_dma source(%arg6 : memref<1000x128xf32, #tpu.memory_space<vmem>>) target(%dma_start3A_44 : memref<1000x128xf32, #tpu.memory_space<hbm>>) target_semaphore(%run_scoped3A : memref<!tpu.dma_semaphore, #tpu.memory_space<semaphore_mem>>)
      %dma_wait3A_45 = arith.constant 0 : i32
      %dma_wait3A_46 = tpu.memref_slice %arg4[%add3A_34, %dma_wait3A_45] : memref<160000x128xf32, #tpu.memory_space<hbm>> -> memref<1000x128xf32, #tpu.memory_space<hbm>>
      %dma_wait3A_47 = arith.constant 0 : i32
      %dma_wait3A_48 = tpu.memref_slice %arg4[%add3A_34, %dma_wait3A_47] : memref<160000x128xf32, #tpu.memory_space<hbm>> -> memref<1000x128xf32, #tpu.memory_space<hbm>>
      tpu.wait_dma2 semaphore(%run_scoped3A : memref<!tpu.dma_semaphore, #tpu.memory_space<semaphore_mem>>) src(%arg6 : memref<1000x128xf32, #tpu.memory_space<vmem>>) dst(%dma_wait3A_48 : memref<1000x128xf32, #tpu.memory_space<hbm>>)
      tpu.yield
    }) : () -> ()
    return
  }
}

module attributes {stable_mosaic.version = 14 : i64} {
  func.func @_msg_max_body(%arg0: i32, %arg1: memref<400x128xf32, #tpu.memory_space<vmem>>, %arg2: memref<400x16x128xf32, #tpu.memory_space<vmem>>, %arg3: memref<128x128xf32, #tpu.memory_space<vmem>>, %arg4: memref<128x128xf32, #tpu.memory_space<vmem>>, %arg5: memref<1x128xf32, #tpu.memory_space<vmem>>, %arg6: memref<128x128xf32, #tpu.memory_space<vmem>>, %arg7: memref<1x128xf32, #tpu.memory_space<vmem>>, %arg8: memref<400x128xf32, #tpu.memory_space<vmem>>) attributes {dimension_semantics = [#tpu.dimension_semantics<arbitrary>], iteration_bounds = array<i64: 25>, scalar_prefetch = 0 : i64, scratch_operands = 0 : i64, tpu.core_type = #tpu.core_type<tc>, window_params = [{transform_indices = @transform_0, window_bounds = array<i64: 400, 128>}, {transform_indices = @transform_1, window_bounds = array<i64: 400, 16, 128>}, {pipeline_mode = #tpu.pipeline_mode<synchronous>, transform_indices = @transform_2, window_bounds = array<i64: 128, 128>}, {pipeline_mode = #tpu.pipeline_mode<synchronous>, transform_indices = @transform_3, window_bounds = array<i64: 128, 128>}, {pipeline_mode = #tpu.pipeline_mode<synchronous>, transform_indices = @transform_4, window_bounds = array<i64: 1, 128>}, {pipeline_mode = #tpu.pipeline_mode<synchronous>, transform_indices = @transform_5, window_bounds = array<i64: 128, 128>}, {pipeline_mode = #tpu.pipeline_mode<synchronous>, transform_indices = @transform_6, window_bounds = array<i64: 1, 128>}, {transform_indices = @transform_7, window_bounds = array<i64: 400, 128>}]} {
    %get3A = arith.constant 0 : index
    %get3A_0 = arith.constant 0 : index
    %get3A_1 = vector.load %arg1[%get3A, %get3A_0] : memref<400x128xf32, #tpu.memory_space<vmem>>, vector<400x128xf32>
    %get3A_2 = arith.constant 0 : index
    %get3A_3 = arith.constant 0 : index
    %get3A_4 = vector.load %arg4[%get3A_2, %get3A_3] : memref<128x128xf32, #tpu.memory_space<vmem>>, vector<128x128xf32>
    %convert_element_type3A = arith.truncf %get3A_4 : vector<128x128xf32> to vector<128x128xbf16>
    %get3A_5 = arith.constant 0 : index
    %get3A_6 = arith.constant 0 : index
    %get3A_7 = vector.load %arg6[%get3A_5, %get3A_6] : memref<128x128xf32, #tpu.memory_space<vmem>>, vector<128x128xf32>
    %convert_element_type3A_8 = arith.truncf %get3A_7 : vector<128x128xf32> to vector<128x128xbf16>
    %get3A_9 = arith.constant 0 : index
    %get3A_10 = arith.constant 0 : index
    %get3A_11 = vector.load %arg3[%get3A_9, %get3A_10] : memref<128x128xf32, #tpu.memory_space<vmem>>, vector<128x128xf32>
    %convert_element_type3A_12 = arith.truncf %get3A_1 : vector<400x128xf32> to vector<400x128xbf16>
    %convert_element_type3A_13 = arith.truncf %get3A_11 : vector<128x128xf32> to vector<128x128xbf16>
    %dot_general3A = arith.constant dense<0.000000e+00> : vector<400x128xf32>
    %dot_general3A_14 = tpu.matmul %convert_element_type3A_12, %convert_element_type3A_13, %dot_general3A {dimension_numbers = #tpu.dot_dimension_numbers<[1], [0], [0], [1], [0, 0, 1, 1], [], []>, transpose_lhs_hint = false} : vector<400x128xbf16>, vector<128x128xbf16>, vector<400x128xf32> -> vector<400x128xf32>
    %get3A_15 = arith.constant 0 : index
    %get3A_16 = arith.constant 0 : index
    %get3A_17 = vector.load %arg5[%get3A_15, %get3A_16] : memref<1x128xf32, #tpu.memory_space<vmem>>, vector<1x128xf32>
    %add3A = vector.broadcast %get3A_17 : vector<1x128xf32> to vector<400x128xf32>
    %add3A_18 = arith.addf %dot_general3A_14, %add3A : vector<400x128xf32>
    %get3A_19 = arith.constant 0 : index
    %get3A_20 = arith.constant 0 : index
    %get3A_21 = arith.constant 0 : index
    %get3A_22 = vector.load %arg2[%get3A_19, %get3A_20, %get3A_21] : memref<400x16x128xf32, #tpu.memory_space<vmem>>, vector<400x1x128xf32>
    %get3A_23 = vector.shape_cast %get3A_22 : vector<400x1x128xf32> to vector<400x128xf32>
    %sub3A = arith.subf %get3A_23, %get3A_1 : vector<400x128xf32>
    %convert_element_type3A_24 = arith.truncf %sub3A : vector<400x128xf32> to vector<400x128xbf16>
    %dot_general3A_25 = arith.constant dense<0.000000e+00> : vector<400x128xf32>
    %dot_general3A_26 = tpu.matmul %convert_element_type3A_24, %convert_element_type3A, %dot_general3A_25 {dimension_numbers = #tpu.dot_dimension_numbers<[1], [0], [0], [1], [0, 0, 1, 1], [], []>, transpose_lhs_hint = false} : vector<400x128xbf16>, vector<128x128xbf16>, vector<400x128xf32> -> vector<400x128xf32>
    %add3A_27 = arith.addf %dot_general3A_26, %add3A_18 : vector<400x128xf32>
    %max3A = arith.constant 0.000000e+00 : f32
    %max3A_28 = vector.broadcast %max3A : f32 to vector<400x128xf32>
    %max3A_29 = arith.maximumf %add3A_27, %max3A_28 : vector<400x128xf32>
    %convert_element_type3A_30 = arith.truncf %max3A_29 : vector<400x128xf32> to vector<400x128xbf16>
    %dot_general3A_31 = arith.constant dense<0.000000e+00> : vector<400x128xf32>
    %dot_general3A_32 = tpu.matmul %convert_element_type3A_30, %convert_element_type3A_8, %dot_general3A_31 {dimension_numbers = #tpu.dot_dimension_numbers<[1], [0], [0], [1], [0, 0, 1, 1], [], []>, transpose_lhs_hint = false} : vector<400x128xbf16>, vector<128x128xbf16>, vector<400x128xf32> -> vector<400x128xf32>
    %get3A_33 = arith.constant 0 : index
    %get3A_34 = arith.constant 1 : index
    %get3A_35 = arith.constant 0 : index
    %get3A_36 = vector.load %arg2[%get3A_33, %get3A_34, %get3A_35] : memref<400x16x128xf32, #tpu.memory_space<vmem>>, vector<400x1x128xf32>
    %get3A_37 = vector.shape_cast %get3A_36 : vector<400x1x128xf32> to vector<400x128xf32>
    %sub3A_38 = arith.subf %get3A_37, %get3A_1 : vector<400x128xf32>
    %convert_element_type3A_39 = arith.truncf %sub3A_38 : vector<400x128xf32> to vector<400x128xbf16>
    %dot_general3A_40 = arith.constant dense<0.000000e+00> : vector<400x128xf32>
    %dot_general3A_41 = tpu.matmul %convert_element_type3A_39, %convert_element_type3A, %dot_general3A_40 {dimension_numbers = #tpu.dot_dimension_numbers<[1], [0], [0], [1], [0, 0, 1, 1], [], []>, transpose_lhs_hint = false} : vector<400x128xbf16>, vector<128x128xbf16>, vector<400x128xf32> -> vector<400x128xf32>
    %add3A_42 = arith.addf %dot_general3A_41, %add3A_18 : vector<400x128xf32>
    %max3A_43 = arith.constant 0.000000e+00 : f32
    %max3A_44 = vector.broadcast %max3A_43 : f32 to vector<400x128xf32>
    %max3A_45 = arith.maximumf %add3A_42, %max3A_44 : vector<400x128xf32>
    %convert_element_type3A_46 = arith.truncf %max3A_45 : vector<400x128xf32> to vector<400x128xbf16>
    %dot_general3A_47 = arith.constant dense<0.000000e+00> : vector<400x128xf32>
    %dot_general3A_48 = tpu.matmul %convert_element_type3A_46, %convert_element_type3A_8, %dot_general3A_47 {dimension_numbers = #tpu.dot_dimension_numbers<[1], [0], [0], [1], [0, 0, 1, 1], [], []>, transpose_lhs_hint = false} : vector<400x128xbf16>, vector<128x128xbf16>, vector<400x128xf32> -> vector<400x128xf32>
    %max3A_49 = arith.maximumf %dot_general3A_32, %dot_general3A_48 : vector<400x128xf32>
    %get3A_50 = arith.constant 0 : index
    %get3A_51 = arith.constant 2 : index
    %get3A_52 = arith.constant 0 : index
    %get3A_53 = vector.load %arg2[%get3A_50, %get3A_51, %get3A_52] : memref<400x16x128xf32, #tpu.memory_space<vmem>>, vector<400x1x128xf32>
    %get3A_54 = vector.shape_cast %get3A_53 : vector<400x1x128xf32> to vector<400x128xf32>
    %sub3A_55 = arith.subf %get3A_54, %get3A_1 : vector<400x128xf32>
    %convert_element_type3A_56 = arith.truncf %sub3A_55 : vector<400x128xf32> to vector<400x128xbf16>
    %dot_general3A_57 = arith.constant dense<0.000000e+00> : vector<400x128xf32>
    %dot_general3A_58 = tpu.matmul %convert_element_type3A_56, %convert_element_type3A, %dot_general3A_57 {dimension_numbers = #tpu.dot_dimension_numbers<[1], [0], [0], [1], [0, 0, 1, 1], [], []>, transpose_lhs_hint = false} : vector<400x128xbf16>, vector<128x128xbf16>, vector<400x128xf32> -> vector<400x128xf32>
    %add3A_59 = arith.addf %dot_general3A_58, %add3A_18 : vector<400x128xf32>
    %max3A_60 = arith.constant 0.000000e+00 : f32
    %max3A_61 = vector.broadcast %max3A_60 : f32 to vector<400x128xf32>
    %max3A_62 = arith.maximumf %add3A_59, %max3A_61 : vector<400x128xf32>
    %convert_element_type3A_63 = arith.truncf %max3A_62 : vector<400x128xf32> to vector<400x128xbf16>
    %dot_general3A_64 = arith.constant dense<0.000000e+00> : vector<400x128xf32>
    %dot_general3A_65 = tpu.matmul %convert_element_type3A_63, %convert_element_type3A_8, %dot_general3A_64 {dimension_numbers = #tpu.dot_dimension_numbers<[1], [0], [0], [1], [0, 0, 1, 1], [], []>, transpose_lhs_hint = false} : vector<400x128xbf16>, vector<128x128xbf16>, vector<400x128xf32> -> vector<400x128xf32>
    %max3A_66 = arith.maximumf %max3A_49, %dot_general3A_65 : vector<400x128xf32>
    %get3A_67 = arith.constant 0 : index
    %get3A_68 = arith.constant 3 : index
    %get3A_69 = arith.constant 0 : index
    %get3A_70 = vector.load %arg2[%get3A_67, %get3A_68, %get3A_69] : memref<400x16x128xf32, #tpu.memory_space<vmem>>, vector<400x1x128xf32>
    %get3A_71 = vector.shape_cast %get3A_70 : vector<400x1x128xf32> to vector<400x128xf32>
    %sub3A_72 = arith.subf %get3A_71, %get3A_1 : vector<400x128xf32>
    %convert_element_type3A_73 = arith.truncf %sub3A_72 : vector<400x128xf32> to vector<400x128xbf16>
    %dot_general3A_74 = arith.constant dense<0.000000e+00> : vector<400x128xf32>
    %dot_general3A_75 = tpu.matmul %convert_element_type3A_73, %convert_element_type3A, %dot_general3A_74 {dimension_numbers = #tpu.dot_dimension_numbers<[1], [0], [0], [1], [0, 0, 1, 1], [], []>, transpose_lhs_hint = false} : vector<400x128xbf16>, vector<128x128xbf16>, vector<400x128xf32> -> vector<400x128xf32>
    %add3A_76 = arith.addf %dot_general3A_75, %add3A_18 : vector<400x128xf32>
    %max3A_77 = arith.constant 0.000000e+00 : f32
    %max3A_78 = vector.broadcast %max3A_77 : f32 to vector<400x128xf32>
    %max3A_79 = arith.maximumf %add3A_76, %max3A_78 : vector<400x128xf32>
    %convert_element_type3A_80 = arith.truncf %max3A_79 : vector<400x128xf32> to vector<400x128xbf16>
    %dot_general3A_81 = arith.constant dense<0.000000e+00> : vector<400x128xf32>
    %dot_general3A_82 = tpu.matmul %convert_element_type3A_80, %convert_element_type3A_8, %dot_general3A_81 {dimension_numbers = #tpu.dot_dimension_numbers<[1], [0], [0], [1], [0, 0, 1, 1], [], []>, transpose_lhs_hint = false} : vector<400x128xbf16>, vector<128x128xbf16>, vector<400x128xf32> -> vector<400x128xf32>
    %max3A_83 = arith.maximumf %max3A_66, %dot_general3A_82 : vector<400x128xf32>
    %get3A_84 = arith.constant 0 : index
    %get3A_85 = arith.constant 4 : index
    %get3A_86 = arith.constant 0 : index
    %get3A_87 = vector.load %arg2[%get3A_84, %get3A_85, %get3A_86] : memref<400x16x128xf32, #tpu.memory_space<vmem>>, vector<400x1x128xf32>
    %get3A_88 = vector.shape_cast %get3A_87 : vector<400x1x128xf32> to vector<400x128xf32>
    %sub3A_89 = arith.subf %get3A_88, %get3A_1 : vector<400x128xf32>
    %convert_element_type3A_90 = arith.truncf %sub3A_89 : vector<400x128xf32> to vector<400x128xbf16>
    %dot_general3A_91 = arith.constant dense<0.000000e+00> : vector<400x128xf32>
    %dot_general3A_92 = tpu.matmul %convert_element_type3A_90, %convert_element_type3A, %dot_general3A_91 {dimension_numbers = #tpu.dot_dimension_numbers<[1], [0], [0], [1], [0, 0, 1, 1], [], []>, transpose_lhs_hint = false} : vector<400x128xbf16>, vector<128x128xbf16>, vector<400x128xf32> -> vector<400x128xf32>
    %add3A_93 = arith.addf %dot_general3A_92, %add3A_18 : vector<400x128xf32>
    %max3A_94 = arith.constant 0.000000e+00 : f32
    %max3A_95 = vector.broadcast %max3A_94 : f32 to vector<400x128xf32>
    %max3A_96 = arith.maximumf %add3A_93, %max3A_95 : vector<400x128xf32>
    %convert_element_type3A_97 = arith.truncf %max3A_96 : vector<400x128xf32> to vector<400x128xbf16>
    %dot_general3A_98 = arith.constant dense<0.000000e+00> : vector<400x128xf32>
    %dot_general3A_99 = tpu.matmul %convert_element_type3A_97, %convert_element_type3A_8, %dot_general3A_98 {dimension_numbers = #tpu.dot_dimension_numbers<[1], [0], [0], [1], [0, 0, 1, 1], [], []>, transpose_lhs_hint = false} : vector<400x128xbf16>, vector<128x128xbf16>, vector<400x128xf32> -> vector<400x128xf32>
    %max3A_100 = arith.maximumf %max3A_83, %dot_general3A_99 : vector<400x128xf32>
    %get3A_101 = arith.constant 0 : index
    %get3A_102 = arith.constant 5 : index
    %get3A_103 = arith.constant 0 : index
    %get3A_104 = vector.load %arg2[%get3A_101, %get3A_102, %get3A_103] : memref<400x16x128xf32, #tpu.memory_space<vmem>>, vector<400x1x128xf32>
    %get3A_105 = vector.shape_cast %get3A_104 : vector<400x1x128xf32> to vector<400x128xf32>
    %sub3A_106 = arith.subf %get3A_105, %get3A_1 : vector<400x128xf32>
    %convert_element_type3A_107 = arith.truncf %sub3A_106 : vector<400x128xf32> to vector<400x128xbf16>
    %dot_general3A_108 = arith.constant dense<0.000000e+00> : vector<400x128xf32>
    %dot_general3A_109 = tpu.matmul %convert_element_type3A_107, %convert_element_type3A, %dot_general3A_108 {dimension_numbers = #tpu.dot_dimension_numbers<[1], [0], [0], [1], [0, 0, 1, 1], [], []>, transpose_lhs_hint = false} : vector<400x128xbf16>, vector<128x128xbf16>, vector<400x128xf32> -> vector<400x128xf32>
    %add3A_110 = arith.addf %dot_general3A_109, %add3A_18 : vector<400x128xf32>
    %max3A_111 = arith.constant 0.000000e+00 : f32
    %max3A_112 = vector.broadcast %max3A_111 : f32 to vector<400x128xf32>
    %max3A_113 = arith.maximumf %add3A_110, %max3A_112 : vector<400x128xf32>
    %convert_element_type3A_114 = arith.truncf %max3A_113 : vector<400x128xf32> to vector<400x128xbf16>
    %dot_general3A_115 = arith.constant dense<0.000000e+00> : vector<400x128xf32>
    %dot_general3A_116 = tpu.matmul %convert_element_type3A_114, %convert_element_type3A_8, %dot_general3A_115 {dimension_numbers = #tpu.dot_dimension_numbers<[1], [0], [0], [1], [0, 0, 1, 1], [], []>, transpose_lhs_hint = false} : vector<400x128xbf16>, vector<128x128xbf16>, vector<400x128xf32> -> vector<400x128xf32>
    %max3A_117 = arith.maximumf %max3A_100, %dot_general3A_116 : vector<400x128xf32>
    %get3A_118 = arith.constant 0 : index
    %get3A_119 = arith.constant 6 : index
    %get3A_120 = arith.constant 0 : index
    %get3A_121 = vector.load %arg2[%get3A_118, %get3A_119, %get3A_120] : memref<400x16x128xf32, #tpu.memory_space<vmem>>, vector<400x1x128xf32>
    %get3A_122 = vector.shape_cast %get3A_121 : vector<400x1x128xf32> to vector<400x128xf32>
    %sub3A_123 = arith.subf %get3A_122, %get3A_1 : vector<400x128xf32>
    %convert_element_type3A_124 = arith.truncf %sub3A_123 : vector<400x128xf32> to vector<400x128xbf16>
    %dot_general3A_125 = arith.constant dense<0.000000e+00> : vector<400x128xf32>
    %dot_general3A_126 = tpu.matmul %convert_element_type3A_124, %convert_element_type3A, %dot_general3A_125 {dimension_numbers = #tpu.dot_dimension_numbers<[1], [0], [0], [1], [0, 0, 1, 1], [], []>, transpose_lhs_hint = false} : vector<400x128xbf16>, vector<128x128xbf16>, vector<400x128xf32> -> vector<400x128xf32>
    %add3A_127 = arith.addf %dot_general3A_126, %add3A_18 : vector<400x128xf32>
    %max3A_128 = arith.constant 0.000000e+00 : f32
    %max3A_129 = vector.broadcast %max3A_128 : f32 to vector<400x128xf32>
    %max3A_130 = arith.maximumf %add3A_127, %max3A_129 : vector<400x128xf32>
    %convert_element_type3A_131 = arith.truncf %max3A_130 : vector<400x128xf32> to vector<400x128xbf16>
    %dot_general3A_132 = arith.constant dense<0.000000e+00> : vector<400x128xf32>
    %dot_general3A_133 = tpu.matmul %convert_element_type3A_131, %convert_element_type3A_8, %dot_general3A_132 {dimension_numbers = #tpu.dot_dimension_numbers<[1], [0], [0], [1], [0, 0, 1, 1], [], []>, transpose_lhs_hint = false} : vector<400x128xbf16>, vector<128x128xbf16>, vector<400x128xf32> -> vector<400x128xf32>
    %max3A_134 = arith.maximumf %max3A_117, %dot_general3A_133 : vector<400x128xf32>
    %get3A_135 = arith.constant 0 : index
    %get3A_136 = arith.constant 7 : index
    %get3A_137 = arith.constant 0 : index
    %get3A_138 = vector.load %arg2[%get3A_135, %get3A_136, %get3A_137] : memref<400x16x128xf32, #tpu.memory_space<vmem>>, vector<400x1x128xf32>
    %get3A_139 = vector.shape_cast %get3A_138 : vector<400x1x128xf32> to vector<400x128xf32>
    %sub3A_140 = arith.subf %get3A_139, %get3A_1 : vector<400x128xf32>
    %convert_element_type3A_141 = arith.truncf %sub3A_140 : vector<400x128xf32> to vector<400x128xbf16>
    %dot_general3A_142 = arith.constant dense<0.000000e+00> : vector<400x128xf32>
    %dot_general3A_143 = tpu.matmul %convert_element_type3A_141, %convert_element_type3A, %dot_general3A_142 {dimension_numbers = #tpu.dot_dimension_numbers<[1], [0], [0], [1], [0, 0, 1, 1], [], []>, transpose_lhs_hint = false} : vector<400x128xbf16>, vector<128x128xbf16>, vector<400x128xf32> -> vector<400x128xf32>
    %add3A_144 = arith.addf %dot_general3A_143, %add3A_18 : vector<400x128xf32>
    %max3A_145 = arith.constant 0.000000e+00 : f32
    %max3A_146 = vector.broadcast %max3A_145 : f32 to vector<400x128xf32>
    %max3A_147 = arith.maximumf %add3A_144, %max3A_146 : vector<400x128xf32>
    %convert_element_type3A_148 = arith.truncf %max3A_147 : vector<400x128xf32> to vector<400x128xbf16>
    %dot_general3A_149 = arith.constant dense<0.000000e+00> : vector<400x128xf32>
    %dot_general3A_150 = tpu.matmul %convert_element_type3A_148, %convert_element_type3A_8, %dot_general3A_149 {dimension_numbers = #tpu.dot_dimension_numbers<[1], [0], [0], [1], [0, 0, 1, 1], [], []>, transpose_lhs_hint = false} : vector<400x128xbf16>, vector<128x128xbf16>, vector<400x128xf32> -> vector<400x128xf32>
    %max3A_151 = arith.maximumf %max3A_134, %dot_general3A_150 : vector<400x128xf32>
    %get3A_152 = arith.constant 0 : index
    %get3A_153 = arith.constant 8 : index
    %get3A_154 = arith.constant 0 : index
    %get3A_155 = vector.load %arg2[%get3A_152, %get3A_153, %get3A_154] : memref<400x16x128xf32, #tpu.memory_space<vmem>>, vector<400x1x128xf32>
    %get3A_156 = vector.shape_cast %get3A_155 : vector<400x1x128xf32> to vector<400x128xf32>
    %sub3A_157 = arith.subf %get3A_156, %get3A_1 : vector<400x128xf32>
    %convert_element_type3A_158 = arith.truncf %sub3A_157 : vector<400x128xf32> to vector<400x128xbf16>
    %dot_general3A_159 = arith.constant dense<0.000000e+00> : vector<400x128xf32>
    %dot_general3A_160 = tpu.matmul %convert_element_type3A_158, %convert_element_type3A, %dot_general3A_159 {dimension_numbers = #tpu.dot_dimension_numbers<[1], [0], [0], [1], [0, 0, 1, 1], [], []>, transpose_lhs_hint = false} : vector<400x128xbf16>, vector<128x128xbf16>, vector<400x128xf32> -> vector<400x128xf32>
    %add3A_161 = arith.addf %dot_general3A_160, %add3A_18 : vector<400x128xf32>
    %max3A_162 = arith.constant 0.000000e+00 : f32
    %max3A_163 = vector.broadcast %max3A_162 : f32 to vector<400x128xf32>
    %max3A_164 = arith.maximumf %add3A_161, %max3A_163 : vector<400x128xf32>
    %convert_element_type3A_165 = arith.truncf %max3A_164 : vector<400x128xf32> to vector<400x128xbf16>
    %dot_general3A_166 = arith.constant dense<0.000000e+00> : vector<400x128xf32>
    %dot_general3A_167 = tpu.matmul %convert_element_type3A_165, %convert_element_type3A_8, %dot_general3A_166 {dimension_numbers = #tpu.dot_dimension_numbers<[1], [0], [0], [1], [0, 0, 1, 1], [], []>, transpose_lhs_hint = false} : vector<400x128xbf16>, vector<128x128xbf16>, vector<400x128xf32> -> vector<400x128xf32>
    %max3A_168 = arith.maximumf %max3A_151, %dot_general3A_167 : vector<400x128xf32>
    %get3A_169 = arith.constant 0 : index
    %get3A_170 = arith.constant 9 : index
    %get3A_171 = arith.constant 0 : index
    %get3A_172 = vector.load %arg2[%get3A_169, %get3A_170, %get3A_171] : memref<400x16x128xf32, #tpu.memory_space<vmem>>, vector<400x1x128xf32>
    %get3A_173 = vector.shape_cast %get3A_172 : vector<400x1x128xf32> to vector<400x128xf32>
    %sub3A_174 = arith.subf %get3A_173, %get3A_1 : vector<400x128xf32>
    %convert_element_type3A_175 = arith.truncf %sub3A_174 : vector<400x128xf32> to vector<400x128xbf16>
    %dot_general3A_176 = arith.constant dense<0.000000e+00> : vector<400x128xf32>
    %dot_general3A_177 = tpu.matmul %convert_element_type3A_175, %convert_element_type3A, %dot_general3A_176 {dimension_numbers = #tpu.dot_dimension_numbers<[1], [0], [0], [1], [0, 0, 1, 1], [], []>, transpose_lhs_hint = false} : vector<400x128xbf16>, vector<128x128xbf16>, vector<400x128xf32> -> vector<400x128xf32>
    %add3A_178 = arith.addf %dot_general3A_177, %add3A_18 : vector<400x128xf32>
    %max3A_179 = arith.constant 0.000000e+00 : f32
    %max3A_180 = vector.broadcast %max3A_179 : f32 to vector<400x128xf32>
    %max3A_181 = arith.maximumf %add3A_178, %max3A_180 : vector<400x128xf32>
    %convert_element_type3A_182 = arith.truncf %max3A_181 : vector<400x128xf32> to vector<400x128xbf16>
    %dot_general3A_183 = arith.constant dense<0.000000e+00> : vector<400x128xf32>
    %dot_general3A_184 = tpu.matmul %convert_element_type3A_182, %convert_element_type3A_8, %dot_general3A_183 {dimension_numbers = #tpu.dot_dimension_numbers<[1], [0], [0], [1], [0, 0, 1, 1], [], []>, transpose_lhs_hint = false} : vector<400x128xbf16>, vector<128x128xbf16>, vector<400x128xf32> -> vector<400x128xf32>
    %max3A_185 = arith.maximumf %max3A_168, %dot_general3A_184 : vector<400x128xf32>
    %get3A_186 = arith.constant 0 : index
    %get3A_187 = arith.constant 10 : index
    %get3A_188 = arith.constant 0 : index
    %get3A_189 = vector.load %arg2[%get3A_186, %get3A_187, %get3A_188] : memref<400x16x128xf32, #tpu.memory_space<vmem>>, vector<400x1x128xf32>
    %get3A_190 = vector.shape_cast %get3A_189 : vector<400x1x128xf32> to vector<400x128xf32>
    %sub3A_191 = arith.subf %get3A_190, %get3A_1 : vector<400x128xf32>
    %convert_element_type3A_192 = arith.truncf %sub3A_191 : vector<400x128xf32> to vector<400x128xbf16>
    %dot_general3A_193 = arith.constant dense<0.000000e+00> : vector<400x128xf32>
    %dot_general3A_194 = tpu.matmul %convert_element_type3A_192, %convert_element_type3A, %dot_general3A_193 {dimension_numbers = #tpu.dot_dimension_numbers<[1], [0], [0], [1], [0, 0, 1, 1], [], []>, transpose_lhs_hint = false} : vector<400x128xbf16>, vector<128x128xbf16>, vector<400x128xf32> -> vector<400x128xf32>
    %add3A_195 = arith.addf %dot_general3A_194, %add3A_18 : vector<400x128xf32>
    %max3A_196 = arith.constant 0.000000e+00 : f32
    %max3A_197 = vector.broadcast %max3A_196 : f32 to vector<400x128xf32>
    %max3A_198 = arith.maximumf %add3A_195, %max3A_197 : vector<400x128xf32>
    %convert_element_type3A_199 = arith.truncf %max3A_198 : vector<400x128xf32> to vector<400x128xbf16>
    %dot_general3A_200 = arith.constant dense<0.000000e+00> : vector<400x128xf32>
    %dot_general3A_201 = tpu.matmul %convert_element_type3A_199, %convert_element_type3A_8, %dot_general3A_200 {dimension_numbers = #tpu.dot_dimension_numbers<[1], [0], [0], [1], [0, 0, 1, 1], [], []>, transpose_lhs_hint = false} : vector<400x128xbf16>, vector<128x128xbf16>, vector<400x128xf32> -> vector<400x128xf32>
    %max3A_202 = arith.maximumf %max3A_185, %dot_general3A_201 : vector<400x128xf32>
    %get3A_203 = arith.constant 0 : index
    %get3A_204 = arith.constant 11 : index
    %get3A_205 = arith.constant 0 : index
    %get3A_206 = vector.load %arg2[%get3A_203, %get3A_204, %get3A_205] : memref<400x16x128xf32, #tpu.memory_space<vmem>>, vector<400x1x128xf32>
    %get3A_207 = vector.shape_cast %get3A_206 : vector<400x1x128xf32> to vector<400x128xf32>
    %sub3A_208 = arith.subf %get3A_207, %get3A_1 : vector<400x128xf32>
    %convert_element_type3A_209 = arith.truncf %sub3A_208 : vector<400x128xf32> to vector<400x128xbf16>
    %dot_general3A_210 = arith.constant dense<0.000000e+00> : vector<400x128xf32>
    %dot_general3A_211 = tpu.matmul %convert_element_type3A_209, %convert_element_type3A, %dot_general3A_210 {dimension_numbers = #tpu.dot_dimension_numbers<[1], [0], [0], [1], [0, 0, 1, 1], [], []>, transpose_lhs_hint = false} : vector<400x128xbf16>, vector<128x128xbf16>, vector<400x128xf32> -> vector<400x128xf32>
    %add3A_212 = arith.addf %dot_general3A_211, %add3A_18 : vector<400x128xf32>
    %max3A_213 = arith.constant 0.000000e+00 : f32
    %max3A_214 = vector.broadcast %max3A_213 : f32 to vector<400x128xf32>
    %max3A_215 = arith.maximumf %add3A_212, %max3A_214 : vector<400x128xf32>
    %convert_element_type3A_216 = arith.truncf %max3A_215 : vector<400x128xf32> to vector<400x128xbf16>
    %dot_general3A_217 = arith.constant dense<0.000000e+00> : vector<400x128xf32>
    %dot_general3A_218 = tpu.matmul %convert_element_type3A_216, %convert_element_type3A_8, %dot_general3A_217 {dimension_numbers = #tpu.dot_dimension_numbers<[1], [0], [0], [1], [0, 0, 1, 1], [], []>, transpose_lhs_hint = false} : vector<400x128xbf16>, vector<128x128xbf16>, vector<400x128xf32> -> vector<400x128xf32>
    %max3A_219 = arith.maximumf %max3A_202, %dot_general3A_218 : vector<400x128xf32>
    %get3A_220 = arith.constant 0 : index
    %get3A_221 = arith.constant 12 : index
    %get3A_222 = arith.constant 0 : index
    %get3A_223 = vector.load %arg2[%get3A_220, %get3A_221, %get3A_222] : memref<400x16x128xf32, #tpu.memory_space<vmem>>, vector<400x1x128xf32>
    %get3A_224 = vector.shape_cast %get3A_223 : vector<400x1x128xf32> to vector<400x128xf32>
    %sub3A_225 = arith.subf %get3A_224, %get3A_1 : vector<400x128xf32>
    %convert_element_type3A_226 = arith.truncf %sub3A_225 : vector<400x128xf32> to vector<400x128xbf16>
    %dot_general3A_227 = arith.constant dense<0.000000e+00> : vector<400x128xf32>
    %dot_general3A_228 = tpu.matmul %convert_element_type3A_226, %convert_element_type3A, %dot_general3A_227 {dimension_numbers = #tpu.dot_dimension_numbers<[1], [0], [0], [1], [0, 0, 1, 1], [], []>, transpose_lhs_hint = false} : vector<400x128xbf16>, vector<128x128xbf16>, vector<400x128xf32> -> vector<400x128xf32>
    %add3A_229 = arith.addf %dot_general3A_228, %add3A_18 : vector<400x128xf32>
    %max3A_230 = arith.constant 0.000000e+00 : f32
    %max3A_231 = vector.broadcast %max3A_230 : f32 to vector<400x128xf32>
    %max3A_232 = arith.maximumf %add3A_229, %max3A_231 : vector<400x128xf32>
    %convert_element_type3A_233 = arith.truncf %max3A_232 : vector<400x128xf32> to vector<400x128xbf16>
    %dot_general3A_234 = arith.constant dense<0.000000e+00> : vector<400x128xf32>
    %dot_general3A_235 = tpu.matmul %convert_element_type3A_233, %convert_element_type3A_8, %dot_general3A_234 {dimension_numbers = #tpu.dot_dimension_numbers<[1], [0], [0], [1], [0, 0, 1, 1], [], []>, transpose_lhs_hint = false} : vector<400x128xbf16>, vector<128x128xbf16>, vector<400x128xf32> -> vector<400x128xf32>
    %max3A_236 = arith.maximumf %max3A_219, %dot_general3A_235 : vector<400x128xf32>
    %get3A_237 = arith.constant 0 : index
    %get3A_238 = arith.constant 13 : index
    %get3A_239 = arith.constant 0 : index
    %get3A_240 = vector.load %arg2[%get3A_237, %get3A_238, %get3A_239] : memref<400x16x128xf32, #tpu.memory_space<vmem>>, vector<400x1x128xf32>
    %get3A_241 = vector.shape_cast %get3A_240 : vector<400x1x128xf32> to vector<400x128xf32>
    %sub3A_242 = arith.subf %get3A_241, %get3A_1 : vector<400x128xf32>
    %convert_element_type3A_243 = arith.truncf %sub3A_242 : vector<400x128xf32> to vector<400x128xbf16>
    %dot_general3A_244 = arith.constant dense<0.000000e+00> : vector<400x128xf32>
    %dot_general3A_245 = tpu.matmul %convert_element_type3A_243, %convert_element_type3A, %dot_general3A_244 {dimension_numbers = #tpu.dot_dimension_numbers<[1], [0], [0], [1], [0, 0, 1, 1], [], []>, transpose_lhs_hint = false} : vector<400x128xbf16>, vector<128x128xbf16>, vector<400x128xf32> -> vector<400x128xf32>
    %add3A_246 = arith.addf %dot_general3A_245, %add3A_18 : vector<400x128xf32>
    %max3A_247 = arith.constant 0.000000e+00 : f32
    %max3A_248 = vector.broadcast %max3A_247 : f32 to vector<400x128xf32>
    %max3A_249 = arith.maximumf %add3A_246, %max3A_248 : vector<400x128xf32>
    %convert_element_type3A_250 = arith.truncf %max3A_249 : vector<400x128xf32> to vector<400x128xbf16>
    %dot_general3A_251 = arith.constant dense<0.000000e+00> : vector<400x128xf32>
    %dot_general3A_252 = tpu.matmul %convert_element_type3A_250, %convert_element_type3A_8, %dot_general3A_251 {dimension_numbers = #tpu.dot_dimension_numbers<[1], [0], [0], [1], [0, 0, 1, 1], [], []>, transpose_lhs_hint = false} : vector<400x128xbf16>, vector<128x128xbf16>, vector<400x128xf32> -> vector<400x128xf32>
    %max3A_253 = arith.maximumf %max3A_236, %dot_general3A_252 : vector<400x128xf32>
    %get3A_254 = arith.constant 0 : index
    %get3A_255 = arith.constant 14 : index
    %get3A_256 = arith.constant 0 : index
    %get3A_257 = vector.load %arg2[%get3A_254, %get3A_255, %get3A_256] : memref<400x16x128xf32, #tpu.memory_space<vmem>>, vector<400x1x128xf32>
    %get3A_258 = vector.shape_cast %get3A_257 : vector<400x1x128xf32> to vector<400x128xf32>
    %sub3A_259 = arith.subf %get3A_258, %get3A_1 : vector<400x128xf32>
    %convert_element_type3A_260 = arith.truncf %sub3A_259 : vector<400x128xf32> to vector<400x128xbf16>
    %dot_general3A_261 = arith.constant dense<0.000000e+00> : vector<400x128xf32>
    %dot_general3A_262 = tpu.matmul %convert_element_type3A_260, %convert_element_type3A, %dot_general3A_261 {dimension_numbers = #tpu.dot_dimension_numbers<[1], [0], [0], [1], [0, 0, 1, 1], [], []>, transpose_lhs_hint = false} : vector<400x128xbf16>, vector<128x128xbf16>, vector<400x128xf32> -> vector<400x128xf32>
    %add3A_263 = arith.addf %dot_general3A_262, %add3A_18 : vector<400x128xf32>
    %max3A_264 = arith.constant 0.000000e+00 : f32
    %max3A_265 = vector.broadcast %max3A_264 : f32 to vector<400x128xf32>
    %max3A_266 = arith.maximumf %add3A_263, %max3A_265 : vector<400x128xf32>
    %convert_element_type3A_267 = arith.truncf %max3A_266 : vector<400x128xf32> to vector<400x128xbf16>
    %dot_general3A_268 = arith.constant dense<0.000000e+00> : vector<400x128xf32>
    %dot_general3A_269 = tpu.matmul %convert_element_type3A_267, %convert_element_type3A_8, %dot_general3A_268 {dimension_numbers = #tpu.dot_dimension_numbers<[1], [0], [0], [1], [0, 0, 1, 1], [], []>, transpose_lhs_hint = false} : vector<400x128xbf16>, vector<128x128xbf16>, vector<400x128xf32> -> vector<400x128xf32>
    %max3A_270 = arith.maximumf %max3A_253, %dot_general3A_269 : vector<400x128xf32>
    %get3A_271 = arith.constant 0 : index
    %get3A_272 = arith.constant 15 : index
    %get3A_273 = arith.constant 0 : index
    %get3A_274 = vector.load %arg2[%get3A_271, %get3A_272, %get3A_273] : memref<400x16x128xf32, #tpu.memory_space<vmem>>, vector<400x1x128xf32>
    %get3A_275 = vector.shape_cast %get3A_274 : vector<400x1x128xf32> to vector<400x128xf32>
    %sub3A_276 = arith.subf %get3A_275, %get3A_1 : vector<400x128xf32>
    %convert_element_type3A_277 = arith.truncf %sub3A_276 : vector<400x128xf32> to vector<400x128xbf16>
    %dot_general3A_278 = arith.constant dense<0.000000e+00> : vector<400x128xf32>
    %dot_general3A_279 = tpu.matmul %convert_element_type3A_277, %convert_element_type3A, %dot_general3A_278 {dimension_numbers = #tpu.dot_dimension_numbers<[1], [0], [0], [1], [0, 0, 1, 1], [], []>, transpose_lhs_hint = false} : vector<400x128xbf16>, vector<128x128xbf16>, vector<400x128xf32> -> vector<400x128xf32>
    %add3A_280 = arith.addf %dot_general3A_279, %add3A_18 : vector<400x128xf32>
    %max3A_281 = arith.constant 0.000000e+00 : f32
    %max3A_282 = vector.broadcast %max3A_281 : f32 to vector<400x128xf32>
    %max3A_283 = arith.maximumf %add3A_280, %max3A_282 : vector<400x128xf32>
    %convert_element_type3A_284 = arith.truncf %max3A_283 : vector<400x128xf32> to vector<400x128xbf16>
    %dot_general3A_285 = arith.constant dense<0.000000e+00> : vector<400x128xf32>
    %dot_general3A_286 = tpu.matmul %convert_element_type3A_284, %convert_element_type3A_8, %dot_general3A_285 {dimension_numbers = #tpu.dot_dimension_numbers<[1], [0], [0], [1], [0, 0, 1, 1], [], []>, transpose_lhs_hint = false} : vector<400x128xbf16>, vector<128x128xbf16>, vector<400x128xf32> -> vector<400x128xf32>
    %max3A_287 = arith.maximumf %max3A_270, %dot_general3A_286 : vector<400x128xf32>
    %get3A_288 = arith.constant 0 : index
    %get3A_289 = arith.constant 0 : index
    %get3A_290 = vector.load %arg7[%get3A_288, %get3A_289] : memref<1x128xf32, #tpu.memory_space<vmem>>, vector<1x128xf32>
    %add3A_291 = vector.broadcast %get3A_290 : vector<1x128xf32> to vector<400x128xf32>
    %add3A_292 = arith.addf %max3A_287, %add3A_291 : vector<400x128xf32>
    %max3A_293 = arith.constant 0.000000e+00 : f32
    %max3A_294 = vector.broadcast %max3A_293 : f32 to vector<400x128xf32>
    %max3A_295 = arith.maximumf %add3A_292, %max3A_294 : vector<400x128xf32>
    %swap3A = arith.constant 0 : index
    %swap3A_296 = arith.constant 0 : index
    %swap3A_297 = vector.load %arg8[%swap3A, %swap3A_296] : memref<400x128xf32, #tpu.memory_space<vmem>>, vector<400x128xf32>
    tpu.vector_store %arg8[%swap3A, %swap3A_296], %max3A_295 {strides = array<i32>} : memref<400x128xf32, #tpu.memory_space<vmem>>, vector<400x128xf32>,
    return
  }
  func.func @transform_0(%arg0: i32) -> (i32, i32) {
    %c0_i32 = arith.constant 0 : i32
    %c0_i32_0 = arith.constant 0 : i32
    return %arg0, %c0_i32 : i32, i32
  }
  func.func @transform_1(%arg0: i32) -> (i32, i32, i32) {
    %c0_i32 = arith.constant 0 : i32
    %c0_i32_0 = arith.constant 0 : i32
    %c0_i32_1 = arith.constant 0 : i32
    return %arg0, %c0_i32, %c0_i32_0 : i32, i32, i32
  }
  func.func @transform_2(%arg0: i32) -> (i32, i32) {
    %c0_i32 = arith.constant 0 : i32
    %c0_i32_0 = arith.constant 0 : i32
    %c0_i32_1 = arith.constant 0 : i32
    return %c0_i32, %c0_i32_0 : i32, i32
  }
  func.func @transform_3(%arg0: i32) -> (i32, i32) {
    %c0_i32 = arith.constant 0 : i32
    %c0_i32_0 = arith.constant 0 : i32
    %c0_i32_1 = arith.constant 0 : i32
    return %c0_i32, %c0_i32_0 : i32, i32
  }
  func.func @transform_4(%arg0: i32) -> (i32, i32) {
    %c0_i32 = arith.constant 0 : i32
    %c0_i32_0 = arith.constant 0 : i32
    %c0_i32_1 = arith.constant 0 : i32
    return %c0_i32, %c0_i32_0 : i32, i32
  }
  func.func @transform_5(%arg0: i32) -> (i32, i32) {
    %c0_i32 = arith.constant 0 : i32
    %c0_i32_0 = arith.constant 0 : i32
    %c0_i32_1 = arith.constant 0 : i32
    return %c0_i32, %c0_i32_0 : i32, i32
  }
  func.func @transform_6(%arg0: i32) -> (i32, i32) {
    %c0_i32 = arith.constant 0 : i32
    %c0_i32_0 = arith.constant 0 : i32
    %c0_i32_1 = arith.constant 0 : i32
    return %c0_i32, %c0_i32_0 : i32, i32
  }
  func.func @transform_7(%arg0: i32) -> (i32, i32) {
    %c0_i32 = arith.constant 0 : i32
    %c0_i32_0 = arith.constant 0 : i32
    return %arg0, %c0_i32 : i32, i32
  }
}

module attributes {stable_mosaic.version = 14 : i64} {
  func.func @_topk_body(%arg0: i32, %arg1: memref<256x128xf32, #tpu.memory_space<vmem>>, %arg2: memref<10240x128xf32, #tpu.memory_space<vmem>>, %arg3: memref<256x16xi32, #tpu.memory_space<vmem>>) attributes {dimension_semantics = [#tpu.dimension_semantics<arbitrary>], iteration_bounds = array<i64: 40>, scalar_prefetch = 0 : i64, scratch_operands = 0 : i64, tpu.core_type = #tpu.core_type<tc>, window_params = [{transform_indices = @transform_0, window_bounds = array<i64: 256, 128>}, {pipeline_mode = #tpu.pipeline_mode<synchronous>, transform_indices = @transform_1, window_bounds = array<i64: 10240, 128>}, {transform_indices = @transform_2, window_bounds = array<i64: 256, 16>}]} {
    %get3A = arith.constant 0 : index
    %get3A_0 = arith.constant 0 : index
    %get3A_1 = vector.load %arg1[%get3A, %get3A_0] : memref<256x128xf32, #tpu.memory_space<vmem>>, vector<256x128xf32>
    %convert_element_type3A = arith.truncf %get3A_1 : vector<256x128xf32> to vector<256x128xbf16>
    %mul3A = arith.mulf %get3A_1, %get3A_1 : vector<256x128xf32>
    %reduce_sum3A = arith.constant dense<0.000000e+00> : vector<256xf32>
    %reduce_sum3A_2 = vector.multi_reduction <add>, %mul3A, %reduce_sum3A [1] : vector<256x128xf32> to vector<256xf32>
    %broadcast_in_dim3A = vector.shape_cast %reduce_sum3A_2 : vector<256xf32> to vector<256x1xf32>
    %iota3A = tpu.iota {dimensions = array<i32: 1>} : vector<256x5120xi32>
    %broadcast_in_dim3A_3 = arith.constant 1.000000e+30 : f32
    %broadcast_in_dim3A_4 = vector.broadcast %broadcast_in_dim3A_3 : f32 to vector<256x16xf32>
    %broadcast_in_dim3A_5 = arith.constant 1073741823 : i32
    %broadcast_in_dim3A_6 = vector.broadcast %broadcast_in_dim3A_5 : i32 to vector<256x16xi32>
    %scan3A = arith.constant 0 : i32
    %scan3A_7 = arith.constant 2 : i32
    %scan3A_8 = arith.addi %scan3A, %scan3A_7 : i32
    %scan3A_9 = arith.constant 1 : i32
    %scan3A_10:2 = scf.for %scan3A_14 = %scan3A to %scan3A_8 step %scan3A_9 iter_args(%scan3A_15 = %broadcast_in_dim3A_4, %scan3A_16 = %broadcast_in_dim3A_6) -> (vector<256x16xf32>, vector<256x16xi32>)  : i32 {
      %mul3A_17 = arith.constant 5120 : i32
      %mul3A_18 = arith.muli %scan3A_14, %mul3A_17 : i32
      %get3A_19 = arith.index_cast %mul3A_18 : i32 to index
      %get3A_20 = arith.constant 0 : index
      %get3A_21 = vector.load %arg2[%get3A_19, %get3A_20] : memref<10240x128xf32, #tpu.memory_space<vmem>>, vector<5120x128xf32>
      %mul3A_22 = arith.mulf %get3A_21, %get3A_21 : vector<5120x128xf32>
      %reduce_sum3A_23 = arith.constant dense<0.000000e+00> : vector<5120xf32>
      %reduce_sum3A_24 = vector.multi_reduction <add>, %mul3A_22, %reduce_sum3A_23 [1] : vector<5120x128xf32> to vector<5120xf32>
      %convert_element_type3A_25 = arith.truncf %get3A_21 : vector<5120x128xf32> to vector<5120x128xbf16>
      %dot_general3A = arith.constant dense<0.000000e+00> : vector<256x5120xf32>
      %dot_general3A_26 = tpu.matmul %convert_element_type3A, %convert_element_type3A_25, %dot_general3A {dimension_numbers = #tpu.dot_dimension_numbers<[1], [1], [0], [0], [0, 0, 1, 0], [], []>, transpose_lhs_hint = false} : vector<256x128xbf16>, vector<5120x128xbf16>, vector<256x5120xf32> -> vector<256x5120xf32>
      %mul3A_27 = arith.constant 5120 : i32
      %mul3A_28 = arith.muli %scan3A_14, %mul3A_27 : i32
      %add3A = vector.broadcast %mul3A_28 : i32 to vector<256x5120xi32>
      %add3A_29 = arith.addi %iota3A, %add3A : vector<256x5120xi32>
      %broadcast_in_dim3A_30 = vector.shape_cast %reduce_sum3A_24 : vector<5120xf32> to vector<1x5120xf32>
      %add3A_31 = vector.broadcast %broadcast_in_dim3A : vector<256x1xf32> to vector<256x5120xf32>
      %add3A_32 = vector.broadcast %broadcast_in_dim3A_30 : vector<1x5120xf32> to vector<256x5120xf32>
      %add3A_33 = arith.addf %add3A_31, %add3A_32 : vector<256x5120xf32>
      %mul3A_34 = arith.constant 2.000000e+00 : f32
      %mul3A_35 = vector.broadcast %mul3A_34 : f32 to vector<256x5120xf32>
      %mul3A_36 = arith.mulf %mul3A_35, %dot_general3A_26 : vector<256x5120xf32>
      %sub3A = arith.subf %add3A_33, %mul3A_36 : vector<256x5120xf32>
      %lt3A = arith.constant 10000 : i32
      %lt3A_37 = vector.broadcast %lt3A : i32 to vector<256x5120xi32>
      %lt3A_38 = arith.cmpi slt, %add3A_29, %lt3A_37 : vector<256x5120xi32>
      %jit3A = arith.constant 1.000000e+30 : f32
      %broadcast_in_dim3A_39 = vector.broadcast %jit3A : f32 to vector<256x5120xf32>
      %select_n3A = arith.select %lt3A_38, %sub3A, %broadcast_in_dim3A_39 : vector<256x5120xi1>, vector<256x5120xf32>
      %concatenate3A = tpu.concatenate %select_n3A, %scan3A_15 in 1 : vector<256x5120xf32>, vector<256x16xf32> -> vector<256x5136xf32>
      %concatenate3A_40 = tpu.concatenate %add3A_29, %scan3A_16 in 1 : vector<256x5120xi32>, vector<256x16xi32> -> vector<256x5136xi32>
      %reduce_min3A = arith.constant dense<0x7F800000> : vector<256xf32>
      %reduce_min3A_41 = vector.multi_reduction <minimumf>, %concatenate3A, %reduce_min3A [1] : vector<256x5136xf32> to vector<256xf32>
      %broadcast_in_dim3A_42 = vector.shape_cast %reduce_min3A_41 : vector<256xf32> to vector<256x1xf32>
      %eq3A = vector.broadcast %broadcast_in_dim3A_42 : vector<256x1xf32> to vector<256x5136xf32>
      %eq3A_43 = arith.cmpf oeq, %concatenate3A, %eq3A : vector<256x5136xf32>
      %jit3A_44 = arith.constant 1073741823 : i32
      %broadcast_in_dim3A_45 = vector.broadcast %jit3A_44 : i32 to vector<256x5136xi32>
      %select_n3A_46 = arith.select %eq3A_43, %concatenate3A_40, %broadcast_in_dim3A_45 : vector<256x5136xi1>, vector<256x5136xi32>
      %reduce_min3A_47 = arith.constant dense<2147483647> : vector<256xi32>
      %reduce_min3A_48 = vector.multi_reduction <minsi>, %select_n3A_46, %reduce_min3A_47 [1] : vector<256x5136xi32> to vector<256xi32>
      %broadcast_in_dim3A_49 = vector.shape_cast %reduce_min3A_48 : vector<256xi32> to vector<256x1xi32>
      %eq3A_50 = vector.broadcast %broadcast_in_dim3A_49 : vector<256x1xi32> to vector<256x5136xi32>
      %eq3A_51 = arith.cmpi eq, %concatenate3A_40, %eq3A_50 : vector<256x5136xi32>
      %jit3A_52 = arith.constant 1.000000e+30 : f32
      %broadcast_in_dim3A_53 = vector.broadcast %jit3A_52 : f32 to vector<256x5136xf32>
      %select_n3A_54 = arith.select %eq3A_51, %broadcast_in_dim3A_53, %concatenate3A : vector<256x5136xi1>, vector<256x5136xf32>
      %reduce_min3A_55 = arith.constant dense<0x7F800000> : vector<256xf32>
      %reduce_min3A_56 = vector.multi_reduction <minimumf>, %select_n3A_54, %reduce_min3A_55 [1] : vector<256x5136xf32> to vector<256xf32>
      %broadcast_in_dim3A_57 = vector.shape_cast %reduce_min3A_56 : vector<256xf32> to vector<256x1xf32>
      %eq3A_58 = vector.broadcast %broadcast_in_dim3A_57 : vector<256x1xf32> to vector<256x5136xf32>
      %eq3A_59 = arith.cmpf oeq, %select_n3A_54, %eq3A_58 : vector<256x5136xf32>
      %jit3A_60 = arith.constant 1073741823 : i32
      %broadcast_in_dim3A_61 = vector.broadcast %jit3A_60 : i32 to vector<256x5136xi32>
      %select_n3A_62 = arith.select %eq3A_59, %concatenate3A_40, %broadcast_in_dim3A_61 : vector<256x5136xi1>, vector<256x5136xi32>
      %reduce_min3A_63 = arith.constant dense<2147483647> : vector<256xi32>
      %reduce_min3A_64 = vector.multi_reduction <minsi>, %select_n3A_62, %reduce_min3A_63 [1] : vector<256x5136xi32> to vector<256xi32>
      %broadcast_in_dim3A_65 = vector.shape_cast %reduce_min3A_64 : vector<256xi32> to vector<256x1xi32>
      %eq3A_66 = vector.broadcast %broadcast_in_dim3A_65 : vector<256x1xi32> to vector<256x5136xi32>
      %eq3A_67 = arith.cmpi eq, %concatenate3A_40, %eq3A_66 : vector<256x5136xi32>
      %jit3A_68 = arith.constant 1.000000e+30 : f32
      %broadcast_in_dim3A_69 = vector.broadcast %jit3A_68 : f32 to vector<256x5136xf32>
      %select_n3A_70 = arith.select %eq3A_67, %broadcast_in_dim3A_69, %select_n3A_54 : vector<256x5136xi1>, vector<256x5136xf32>
      %reduce_min3A_71 = arith.constant dense<0x7F800000> : vector<256xf32>
      %reduce_min3A_72 = vector.multi_reduction <minimumf>, %select_n3A_70, %reduce_min3A_71 [1] : vector<256x5136xf32> to vector<256xf32>
      %broadcast_in_dim3A_73 = vector.shape_cast %reduce_min3A_72 : vector<256xf32> to vector<256x1xf32>
      %eq3A_74 = vector.broadcast %broadcast_in_dim3A_73 : vector<256x1xf32> to vector<256x5136xf32>
      %eq3A_75 = arith.cmpf oeq, %select_n3A_70, %eq3A_74 : vector<256x5136xf32>
      %jit3A_76 = arith.constant 1073741823 : i32
      %broadcast_in_dim3A_77 = vector.broadcast %jit3A_76 : i32 to vector<256x5136xi32>
      %select_n3A_78 = arith.select %eq3A_75, %concatenate3A_40, %broadcast_in_dim3A_77 : vector<256x5136xi1>, vector<256x5136xi32>
      %reduce_min3A_79 = arith.constant dense<2147483647> : vector<256xi32>
      %reduce_min3A_80 = vector.multi_reduction <minsi>, %select_n3A_78, %reduce_min3A_79 [1] : vector<256x5136xi32> to vector<256xi32>
      %broadcast_in_dim3A_81 = vector.shape_cast %reduce_min3A_80 : vector<256xi32> to vector<256x1xi32>
      %eq3A_82 = vector.broadcast %broadcast_in_dim3A_81 : vector<256x1xi32> to vector<256x5136xi32>
      %eq3A_83 = arith.cmpi eq, %concatenate3A_40, %eq3A_82 : vector<256x5136xi32>
      %jit3A_84 = arith.constant 1.000000e+30 : f32
      %broadcast_in_dim3A_85 = vector.broadcast %jit3A_84 : f32 to vector<256x5136xf32>
      %select_n3A_86 = arith.select %eq3A_83, %broadcast_in_dim3A_85, %select_n3A_70 : vector<256x5136xi1>, vector<256x5136xf32>
      %reduce_min3A_87 = arith.constant dense<0x7F800000> : vector<256xf32>
      %reduce_min3A_88 = vector.multi_reduction <minimumf>, %select_n3A_86, %reduce_min3A_87 [1] : vector<256x5136xf32> to vector<256xf32>
      %broadcast_in_dim3A_89 = vector.shape_cast %reduce_min3A_88 : vector<256xf32> to vector<256x1xf32>
      %eq3A_90 = vector.broadcast %broadcast_in_dim3A_89 : vector<256x1xf32> to vector<256x5136xf32>
      %eq3A_91 = arith.cmpf oeq, %select_n3A_86, %eq3A_90 : vector<256x5136xf32>
      %jit3A_92 = arith.constant 1073741823 : i32
      %broadcast_in_dim3A_93 = vector.broadcast %jit3A_92 : i32 to vector<256x5136xi32>
      %select_n3A_94 = arith.select %eq3A_91, %concatenate3A_40, %broadcast_in_dim3A_93 : vector<256x5136xi1>, vector<256x5136xi32>
      %reduce_min3A_95 = arith.constant dense<2147483647> : vector<256xi32>
      %reduce_min3A_96 = vector.multi_reduction <minsi>, %select_n3A_94, %reduce_min3A_95 [1] : vector<256x5136xi32> to vector<256xi32>
      %broadcast_in_dim3A_97 = vector.shape_cast %reduce_min3A_96 : vector<256xi32> to vector<256x1xi32>
      %eq3A_98 = vector.broadcast %broadcast_in_dim3A_97 : vector<256x1xi32> to vector<256x5136xi32>
      %eq3A_99 = arith.cmpi eq, %concatenate3A_40, %eq3A_98 : vector<256x5136xi32>
      %jit3A_100 = arith.constant 1.000000e+30 : f32
      %broadcast_in_dim3A_101 = vector.broadcast %jit3A_100 : f32 to vector<256x5136xf32>
      %select_n3A_102 = arith.select %eq3A_99, %broadcast_in_dim3A_101, %select_n3A_86 : vector<256x5136xi1>, vector<256x5136xf32>
      %reduce_min3A_103 = arith.constant dense<0x7F800000> : vector<256xf32>
      %reduce_min3A_104 = vector.multi_reduction <minimumf>, %select_n3A_102, %reduce_min3A_103 [1] : vector<256x5136xf32> to vector<256xf32>
      %broadcast_in_dim3A_105 = vector.shape_cast %reduce_min3A_104 : vector<256xf32> to vector<256x1xf32>
      %eq3A_106 = vector.broadcast %broadcast_in_dim3A_105 : vector<256x1xf32> to vector<256x5136xf32>
      %eq3A_107 = arith.cmpf oeq, %select_n3A_102, %eq3A_106 : vector<256x5136xf32>
      %jit3A_108 = arith.constant 1073741823 : i32
      %broadcast_in_dim3A_109 = vector.broadcast %jit3A_108 : i32 to vector<256x5136xi32>
      %select_n3A_110 = arith.select %eq3A_107, %concatenate3A_40, %broadcast_in_dim3A_109 : vector<256x5136xi1>, vector<256x5136xi32>
      %reduce_min3A_111 = arith.constant dense<2147483647> : vector<256xi32>
      %reduce_min3A_112 = vector.multi_reduction <minsi>, %select_n3A_110, %reduce_min3A_111 [1] : vector<256x5136xi32> to vector<256xi32>
      %broadcast_in_dim3A_113 = vector.shape_cast %reduce_min3A_112 : vector<256xi32> to vector<256x1xi32>
      %eq3A_114 = vector.broadcast %broadcast_in_dim3A_113 : vector<256x1xi32> to vector<256x5136xi32>
      %eq3A_115 = arith.cmpi eq, %concatenate3A_40, %eq3A_114 : vector<256x5136xi32>
      %jit3A_116 = arith.constant 1.000000e+30 : f32
      %broadcast_in_dim3A_117 = vector.broadcast %jit3A_116 : f32 to vector<256x5136xf32>
      %select_n3A_118 = arith.select %eq3A_115, %broadcast_in_dim3A_117, %select_n3A_102 : vector<256x5136xi1>, vector<256x5136xf32>
      %reduce_min3A_119 = arith.constant dense<0x7F800000> : vector<256xf32>
      %reduce_min3A_120 = vector.multi_reduction <minimumf>, %select_n3A_118, %reduce_min3A_119 [1] : vector<256x5136xf32> to vector<256xf32>
      %broadcast_in_dim3A_121 = vector.shape_cast %reduce_min3A_120 : vector<256xf32> to vector<256x1xf32>
      %eq3A_122 = vector.broadcast %broadcast_in_dim3A_121 : vector<256x1xf32> to vector<256x5136xf32>
      %eq3A_123 = arith.cmpf oeq, %select_n3A_118, %eq3A_122 : vector<256x5136xf32>
      %jit3A_124 = arith.constant 1073741823 : i32
      %broadcast_in_dim3A_125 = vector.broadcast %jit3A_124 : i32 to vector<256x5136xi32>
      %select_n3A_126 = arith.select %eq3A_123, %concatenate3A_40, %broadcast_in_dim3A_125 : vector<256x5136xi1>, vector<256x5136xi32>
      %reduce_min3A_127 = arith.constant dense<2147483647> : vector<256xi32>
      %reduce_min3A_128 = vector.multi_reduction <minsi>, %select_n3A_126, %reduce_min3A_127 [1] : vector<256x5136xi32> to vector<256xi32>
      %broadcast_in_dim3A_129 = vector.shape_cast %reduce_min3A_128 : vector<256xi32> to vector<256x1xi32>
      %eq3A_130 = vector.broadcast %broadcast_in_dim3A_129 : vector<256x1xi32> to vector<256x5136xi32>
      %eq3A_131 = arith.cmpi eq, %concatenate3A_40, %eq3A_130 : vector<256x5136xi32>
      %jit3A_132 = arith.constant 1.000000e+30 : f32
      %broadcast_in_dim3A_133 = vector.broadcast %jit3A_132 : f32 to vector<256x5136xf32>
      %select_n3A_134 = arith.select %eq3A_131, %broadcast_in_dim3A_133, %select_n3A_118 : vector<256x5136xi1>, vector<256x5136xf32>
      %reduce_min3A_135 = arith.constant dense<0x7F800000> : vector<256xf32>
      %reduce_min3A_136 = vector.multi_reduction <minimumf>, %select_n3A_134, %reduce_min3A_135 [1] : vector<256x5136xf32> to vector<256xf32>
      %broadcast_in_dim3A_137 = vector.shape_cast %reduce_min3A_136 : vector<256xf32> to vector<256x1xf32>
      %eq3A_138 = vector.broadcast %broadcast_in_dim3A_137 : vector<256x1xf32> to vector<256x5136xf32>
      %eq3A_139 = arith.cmpf oeq, %select_n3A_134, %eq3A_138 : vector<256x5136xf32>
      %jit3A_140 = arith.constant 1073741823 : i32
      %broadcast_in_dim3A_141 = vector.broadcast %jit3A_140 : i32 to vector<256x5136xi32>
      %select_n3A_142 = arith.select %eq3A_139, %concatenate3A_40, %broadcast_in_dim3A_141 : vector<256x5136xi1>, vector<256x5136xi32>
      %reduce_min3A_143 = arith.constant dense<2147483647> : vector<256xi32>
      %reduce_min3A_144 = vector.multi_reduction <minsi>, %select_n3A_142, %reduce_min3A_143 [1] : vector<256x5136xi32> to vector<256xi32>
      %broadcast_in_dim3A_145 = vector.shape_cast %reduce_min3A_144 : vector<256xi32> to vector<256x1xi32>
      %eq3A_146 = vector.broadcast %broadcast_in_dim3A_145 : vector<256x1xi32> to vector<256x5136xi32>
      %eq3A_147 = arith.cmpi eq, %concatenate3A_40, %eq3A_146 : vector<256x5136xi32>
      %jit3A_148 = arith.constant 1.000000e+30 : f32
      %broadcast_in_dim3A_149 = vector.broadcast %jit3A_148 : f32 to vector<256x5136xf32>
      %select_n3A_150 = arith.select %eq3A_147, %broadcast_in_dim3A_149, %select_n3A_134 : vector<256x5136xi1>, vector<256x5136xf32>
      %reduce_min3A_151 = arith.constant dense<0x7F800000> : vector<256xf32>
      %reduce_min3A_152 = vector.multi_reduction <minimumf>, %select_n3A_150, %reduce_min3A_151 [1] : vector<256x5136xf32> to vector<256xf32>
      %broadcast_in_dim3A_153 = vector.shape_cast %reduce_min3A_152 : vector<256xf32> to vector<256x1xf32>
      %eq3A_154 = vector.broadcast %broadcast_in_dim3A_153 : vector<256x1xf32> to vector<256x5136xf32>
      %eq3A_155 = arith.cmpf oeq, %select_n3A_150, %eq3A_154 : vector<256x5136xf32>
      %jit3A_156 = arith.constant 1073741823 : i32
      %broadcast_in_dim3A_157 = vector.broadcast %jit3A_156 : i32 to vector<256x5136xi32>
      %select_n3A_158 = arith.select %eq3A_155, %concatenate3A_40, %broadcast_in_dim3A_157 : vector<256x5136xi1>, vector<256x5136xi32>
      %reduce_min3A_159 = arith.constant dense<2147483647> : vector<256xi32>
      %reduce_min3A_160 = vector.multi_reduction <minsi>, %select_n3A_158, %reduce_min3A_159 [1] : vector<256x5136xi32> to vector<256xi32>
      %broadcast_in_dim3A_161 = vector.shape_cast %reduce_min3A_160 : vector<256xi32> to vector<256x1xi32>
      %eq3A_162 = vector.broadcast %broadcast_in_dim3A_161 : vector<256x1xi32> to vector<256x5136xi32>
      %eq3A_163 = arith.cmpi eq, %concatenate3A_40, %eq3A_162 : vector<256x5136xi32>
      %jit3A_164 = arith.constant 1.000000e+30 : f32
      %broadcast_in_dim3A_165 = vector.broadcast %jit3A_164 : f32 to vector<256x5136xf32>
      %select_n3A_166 = arith.select %eq3A_163, %broadcast_in_dim3A_165, %select_n3A_150 : vector<256x5136xi1>, vector<256x5136xf32>
      %reduce_min3A_167 = arith.constant dense<0x7F800000> : vector<256xf32>
      %reduce_min3A_168 = vector.multi_reduction <minimumf>, %select_n3A_166, %reduce_min3A_167 [1] : vector<256x5136xf32> to vector<256xf32>
      %broadcast_in_dim3A_169 = vector.shape_cast %reduce_min3A_168 : vector<256xf32> to vector<256x1xf32>
      %eq3A_170 = vector.broadcast %broadcast_in_dim3A_169 : vector<256x1xf32> to vector<256x5136xf32>
      %eq3A_171 = arith.cmpf oeq, %select_n3A_166, %eq3A_170 : vector<256x5136xf32>
      %jit3A_172 = arith.constant 1073741823 : i32
      %broadcast_in_dim3A_173 = vector.broadcast %jit3A_172 : i32 to vector<256x5136xi32>
      %select_n3A_174 = arith.select %eq3A_171, %concatenate3A_40, %broadcast_in_dim3A_173 : vector<256x5136xi1>, vector<256x5136xi32>
      %reduce_min3A_175 = arith.constant dense<2147483647> : vector<256xi32>
      %reduce_min3A_176 = vector.multi_reduction <minsi>, %select_n3A_174, %reduce_min3A_175 [1] : vector<256x5136xi32> to vector<256xi32>
      %broadcast_in_dim3A_177 = vector.shape_cast %reduce_min3A_176 : vector<256xi32> to vector<256x1xi32>
      %eq3A_178 = vector.broadcast %broadcast_in_dim3A_177 : vector<256x1xi32> to vector<256x5136xi32>
      %eq3A_179 = arith.cmpi eq, %concatenate3A_40, %eq3A_178 : vector<256x5136xi32>
      %jit3A_180 = arith.constant 1.000000e+30 : f32
      %broadcast_in_dim3A_181 = vector.broadcast %jit3A_180 : f32 to vector<256x5136xf32>
      %select_n3A_182 = arith.select %eq3A_179, %broadcast_in_dim3A_181, %select_n3A_166 : vector<256x5136xi1>, vector<256x5136xf32>
      %reduce_min3A_183 = arith.constant dense<0x7F800000> : vector<256xf32>
      %reduce_min3A_184 = vector.multi_reduction <minimumf>, %select_n3A_182, %reduce_min3A_183 [1] : vector<256x5136xf32> to vector<256xf32>
      %broadcast_in_dim3A_185 = vector.shape_cast %reduce_min3A_184 : vector<256xf32> to vector<256x1xf32>
      %eq3A_186 = vector.broadcast %broadcast_in_dim3A_185 : vector<256x1xf32> to vector<256x5136xf32>
      %eq3A_187 = arith.cmpf oeq, %select_n3A_182, %eq3A_186 : vector<256x5136xf32>
      %jit3A_188 = arith.constant 1073741823 : i32
      %broadcast_in_dim3A_189 = vector.broadcast %jit3A_188 : i32 to vector<256x5136xi32>
      %select_n3A_190 = arith.select %eq3A_187, %concatenate3A_40, %broadcast_in_dim3A_189 : vector<256x5136xi1>, vector<256x5136xi32>
      %reduce_min3A_191 = arith.constant dense<2147483647> : vector<256xi32>
      %reduce_min3A_192 = vector.multi_reduction <minsi>, %select_n3A_190, %reduce_min3A_191 [1] : vector<256x5136xi32> to vector<256xi32>
      %broadcast_in_dim3A_193 = vector.shape_cast %reduce_min3A_192 : vector<256xi32> to vector<256x1xi32>
      %eq3A_194 = vector.broadcast %broadcast_in_dim3A_193 : vector<256x1xi32> to vector<256x5136xi32>
      %eq3A_195 = arith.cmpi eq, %concatenate3A_40, %eq3A_194 : vector<256x5136xi32>
      %jit3A_196 = arith.constant 1.000000e+30 : f32
      %broadcast_in_dim3A_197 = vector.broadcast %jit3A_196 : f32 to vector<256x5136xf32>
      %select_n3A_198 = arith.select %eq3A_195, %broadcast_in_dim3A_197, %select_n3A_182 : vector<256x5136xi1>, vector<256x5136xf32>
      %reduce_min3A_199 = arith.constant dense<0x7F800000> : vector<256xf32>
      %reduce_min3A_200 = vector.multi_reduction <minimumf>, %select_n3A_198, %reduce_min3A_199 [1] : vector<256x5136xf32> to vector<256xf32>
      %broadcast_in_dim3A_201 = vector.shape_cast %reduce_min3A_200 : vector<256xf32> to vector<256x1xf32>
      %eq3A_202 = vector.broadcast %broadcast_in_dim3A_201 : vector<256x1xf32> to vector<256x5136xf32>
      %eq3A_203 = arith.cmpf oeq, %select_n3A_198, %eq3A_202 : vector<256x5136xf32>
      %jit3A_204 = arith.constant 1073741823 : i32
      %broadcast_in_dim3A_205 = vector.broadcast %jit3A_204 : i32 to vector<256x5136xi32>
      %select_n3A_206 = arith.select %eq3A_203, %concatenate3A_40, %broadcast_in_dim3A_205 : vector<256x5136xi1>, vector<256x5136xi32>
      %reduce_min3A_207 = arith.constant dense<2147483647> : vector<256xi32>
      %reduce_min3A_208 = vector.multi_reduction <minsi>, %select_n3A_206, %reduce_min3A_207 [1] : vector<256x5136xi32> to vector<256xi32>
      %broadcast_in_dim3A_209 = vector.shape_cast %reduce_min3A_208 : vector<256xi32> to vector<256x1xi32>
      %eq3A_210 = vector.broadcast %broadcast_in_dim3A_209 : vector<256x1xi32> to vector<256x5136xi32>
      %eq3A_211 = arith.cmpi eq, %concatenate3A_40, %eq3A_210 : vector<256x5136xi32>
      %jit3A_212 = arith.constant 1.000000e+30 : f32
      %broadcast_in_dim3A_213 = vector.broadcast %jit3A_212 : f32 to vector<256x5136xf32>
      %select_n3A_214 = arith.select %eq3A_211, %broadcast_in_dim3A_213, %select_n3A_198 : vector<256x5136xi1>, vector<256x5136xf32>
      %reduce_min3A_215 = arith.constant dense<0x7F800000> : vector<256xf32>
      %reduce_min3A_216 = vector.multi_reduction <minimumf>, %select_n3A_214, %reduce_min3A_215 [1] : vector<256x5136xf32> to vector<256xf32>
      %broadcast_in_dim3A_217 = vector.shape_cast %reduce_min3A_216 : vector<256xf32> to vector<256x1xf32>
      %eq3A_218 = vector.broadcast %broadcast_in_dim3A_217 : vector<256x1xf32> to vector<256x5136xf32>
      %eq3A_219 = arith.cmpf oeq, %select_n3A_214, %eq3A_218 : vector<256x5136xf32>
      %jit3A_220 = arith.constant 1073741823 : i32
      %broadcast_in_dim3A_221 = vector.broadcast %jit3A_220 : i32 to vector<256x5136xi32>
      %select_n3A_222 = arith.select %eq3A_219, %concatenate3A_40, %broadcast_in_dim3A_221 : vector<256x5136xi1>, vector<256x5136xi32>
      %reduce_min3A_223 = arith.constant dense<2147483647> : vector<256xi32>
      %reduce_min3A_224 = vector.multi_reduction <minsi>, %select_n3A_222, %reduce_min3A_223 [1] : vector<256x5136xi32> to vector<256xi32>
      %broadcast_in_dim3A_225 = vector.shape_cast %reduce_min3A_224 : vector<256xi32> to vector<256x1xi32>
      %eq3A_226 = vector.broadcast %broadcast_in_dim3A_225 : vector<256x1xi32> to vector<256x5136xi32>
      %eq3A_227 = arith.cmpi eq, %concatenate3A_40, %eq3A_226 : vector<256x5136xi32>
      %jit3A_228 = arith.constant 1.000000e+30 : f32
      %broadcast_in_dim3A_229 = vector.broadcast %jit3A_228 : f32 to vector<256x5136xf32>
      %select_n3A_230 = arith.select %eq3A_227, %broadcast_in_dim3A_229, %select_n3A_214 : vector<256x5136xi1>, vector<256x5136xf32>
      %reduce_min3A_231 = arith.constant dense<0x7F800000> : vector<256xf32>
      %reduce_min3A_232 = vector.multi_reduction <minimumf>, %select_n3A_230, %reduce_min3A_231 [1] : vector<256x5136xf32> to vector<256xf32>
      %broadcast_in_dim3A_233 = vector.shape_cast %reduce_min3A_232 : vector<256xf32> to vector<256x1xf32>
      %eq3A_234 = vector.broadcast %broadcast_in_dim3A_233 : vector<256x1xf32> to vector<256x5136xf32>
      %eq3A_235 = arith.cmpf oeq, %select_n3A_230, %eq3A_234 : vector<256x5136xf32>
      %jit3A_236 = arith.constant 1073741823 : i32
      %broadcast_in_dim3A_237 = vector.broadcast %jit3A_236 : i32 to vector<256x5136xi32>
      %select_n3A_238 = arith.select %eq3A_235, %concatenate3A_40, %broadcast_in_dim3A_237 : vector<256x5136xi1>, vector<256x5136xi32>
      %reduce_min3A_239 = arith.constant dense<2147483647> : vector<256xi32>
      %reduce_min3A_240 = vector.multi_reduction <minsi>, %select_n3A_238, %reduce_min3A_239 [1] : vector<256x5136xi32> to vector<256xi32>
      %broadcast_in_dim3A_241 = vector.shape_cast %reduce_min3A_240 : vector<256xi32> to vector<256x1xi32>
      %eq3A_242 = vector.broadcast %broadcast_in_dim3A_241 : vector<256x1xi32> to vector<256x5136xi32>
      %eq3A_243 = arith.cmpi eq, %concatenate3A_40, %eq3A_242 : vector<256x5136xi32>
      %jit3A_244 = arith.constant 1.000000e+30 : f32
      %broadcast_in_dim3A_245 = vector.broadcast %jit3A_244 : f32 to vector<256x5136xf32>
      %select_n3A_246 = arith.select %eq3A_243, %broadcast_in_dim3A_245, %select_n3A_230 : vector<256x5136xi1>, vector<256x5136xf32>
      %reduce_min3A_247 = arith.constant dense<0x7F800000> : vector<256xf32>
      %reduce_min3A_248 = vector.multi_reduction <minimumf>, %select_n3A_246, %reduce_min3A_247 [1] : vector<256x5136xf32> to vector<256xf32>
      %broadcast_in_dim3A_249 = vector.shape_cast %reduce_min3A_248 : vector<256xf32> to vector<256x1xf32>
      %eq3A_250 = vector.broadcast %broadcast_in_dim3A_249 : vector<256x1xf32> to vector<256x5136xf32>
      %eq3A_251 = arith.cmpf oeq, %select_n3A_246, %eq3A_250 : vector<256x5136xf32>
      %jit3A_252 = arith.constant 1073741823 : i32
      %broadcast_in_dim3A_253 = vector.broadcast %jit3A_252 : i32 to vector<256x5136xi32>
      %select_n3A_254 = arith.select %eq3A_251, %concatenate3A_40, %broadcast_in_dim3A_253 : vector<256x5136xi1>, vector<256x5136xi32>
      %reduce_min3A_255 = arith.constant dense<2147483647> : vector<256xi32>
      %reduce_min3A_256 = vector.multi_reduction <minsi>, %select_n3A_254, %reduce_min3A_255 [1] : vector<256x5136xi32> to vector<256xi32>
      %broadcast_in_dim3A_257 = vector.shape_cast %reduce_min3A_256 : vector<256xi32> to vector<256x1xi32>
      %eq3A_258 = vector.broadcast %broadcast_in_dim3A_257 : vector<256x1xi32> to vector<256x5136xi32>
      %eq3A_259 = arith.cmpi eq, %concatenate3A_40, %eq3A_258 : vector<256x5136xi32>
      %jit3A_260 = arith.constant 1.000000e+30 : f32
      %broadcast_in_dim3A_261 = vector.broadcast %jit3A_260 : f32 to vector<256x5136xf32>
      %select_n3A_262 = arith.select %eq3A_259, %broadcast_in_dim3A_261, %select_n3A_246 : vector<256x5136xi1>, vector<256x5136xf32>
      %reduce_min3A_263 = arith.constant dense<0x7F800000> : vector<256xf32>
      %reduce_min3A_264 = vector.multi_reduction <minimumf>, %select_n3A_262, %reduce_min3A_263 [1] : vector<256x5136xf32> to vector<256xf32>
      %broadcast_in_dim3A_265 = vector.shape_cast %reduce_min3A_264 : vector<256xf32> to vector<256x1xf32>
      %eq3A_266 = vector.broadcast %broadcast_in_dim3A_265 : vector<256x1xf32> to vector<256x5136xf32>
      %eq3A_267 = arith.cmpf oeq, %select_n3A_262, %eq3A_266 : vector<256x5136xf32>
      %jit3A_268 = arith.constant 1073741823 : i32
      %broadcast_in_dim3A_269 = vector.broadcast %jit3A_268 : i32 to vector<256x5136xi32>
      %select_n3A_270 = arith.select %eq3A_267, %concatenate3A_40, %broadcast_in_dim3A_269 : vector<256x5136xi1>, vector<256x5136xi32>
      %reduce_min3A_271 = arith.constant dense<2147483647> : vector<256xi32>
      %reduce_min3A_272 = vector.multi_reduction <minsi>, %select_n3A_270, %reduce_min3A_271 [1] : vector<256x5136xi32> to vector<256xi32>
      %broadcast_in_dim3A_273 = vector.shape_cast %reduce_min3A_272 : vector<256xi32> to vector<256x1xi32>
      %eq3A_274 = vector.broadcast %broadcast_in_dim3A_273 : vector<256x1xi32> to vector<256x5136xi32>
      %eq3A_275 = arith.cmpi eq, %concatenate3A_40, %eq3A_274 : vector<256x5136xi32>
      %jit3A_276 = arith.constant 1.000000e+30 : f32
      %broadcast_in_dim3A_277 = vector.broadcast %jit3A_276 : f32 to vector<256x5136xf32>
      %select_n3A_278 = arith.select %eq3A_275, %broadcast_in_dim3A_277, %select_n3A_262 : vector<256x5136xi1>, vector<256x5136xf32>
      %reduce_min3A_279 = arith.constant dense<0x7F800000> : vector<256xf32>
      %reduce_min3A_280 = vector.multi_reduction <minimumf>, %select_n3A_278, %reduce_min3A_279 [1] : vector<256x5136xf32> to vector<256xf32>
      %broadcast_in_dim3A_281 = vector.shape_cast %reduce_min3A_280 : vector<256xf32> to vector<256x1xf32>
      %eq3A_282 = vector.broadcast %broadcast_in_dim3A_281 : vector<256x1xf32> to vector<256x5136xf32>
      %eq3A_283 = arith.cmpf oeq, %select_n3A_278, %eq3A_282 : vector<256x5136xf32>
      %jit3A_284 = arith.constant 1073741823 : i32
      %broadcast_in_dim3A_285 = vector.broadcast %jit3A_284 : i32 to vector<256x5136xi32>
      %select_n3A_286 = arith.select %eq3A_283, %concatenate3A_40, %broadcast_in_dim3A_285 : vector<256x5136xi1>, vector<256x5136xi32>
      %reduce_min3A_287 = arith.constant dense<2147483647> : vector<256xi32>
      %reduce_min3A_288 = vector.multi_reduction <minsi>, %select_n3A_286, %reduce_min3A_287 [1] : vector<256x5136xi32> to vector<256xi32>
      %broadcast_in_dim3A_289 = vector.shape_cast %reduce_min3A_288 : vector<256xi32> to vector<256x1xi32>
      %concatenate3A_290 = tpu.concatenate %broadcast_in_dim3A_42, %broadcast_in_dim3A_57, %broadcast_in_dim3A_73, %broadcast_in_dim3A_89, %broadcast_in_dim3A_105, %broadcast_in_dim3A_121, %broadcast_in_dim3A_137, %broadcast_in_dim3A_153, %broadcast_in_dim3A_169, %broadcast_in_dim3A_185, %broadcast_in_dim3A_201, %broadcast_in_dim3A_217, %broadcast_in_dim3A_233, %broadcast_in_dim3A_249, %broadcast_in_dim3A_265, %broadcast_in_dim3A_281 in 1 : vector<256x1xf32>, vector<256x1xf32>, vector<256x1xf32>, vector<256x1xf32>, vector<256x1xf32>, vector<256x1xf32>, vector<256x1xf32>, vector<256x1xf32>, vector<256x1xf32>, vector<256x1xf32>, vector<256x1xf32>, vector<256x1xf32>, vector<256x1xf32>, vector<256x1xf32>, vector<256x1xf32>, vector<256x1xf32> -> vector<256x16xf32>
      %concatenate3A_291 = tpu.concatenate %broadcast_in_dim3A_49, %broadcast_in_dim3A_65, %broadcast_in_dim3A_81, %broadcast_in_dim3A_97, %broadcast_in_dim3A_113, %broadcast_in_dim3A_129, %broadcast_in_dim3A_145, %broadcast_in_dim3A_161, %broadcast_in_dim3A_177, %broadcast_in_dim3A_193, %broadcast_in_dim3A_209, %broadcast_in_dim3A_225, %broadcast_in_dim3A_241, %broadcast_in_dim3A_257, %broadcast_in_dim3A_273, %broadcast_in_dim3A_289 in 1 : vector<256x1xi32>, vector<256x1xi32>, vector<256x1xi32>, vector<256x1xi32>, vector<256x1xi32>, vector<256x1xi32>, vector<256x1xi32>, vector<256x1xi32>, vector<256x1xi32>, vector<256x1xi32>, vector<256x1xi32>, vector<256x1xi32>, vector<256x1xi32>, vector<256x1xi32>, vector<256x1xi32>, vector<256x1xi32> -> vector<256x16xi32>
      scf.yield %concatenate3A_290, %concatenate3A_291 : vector<256x16xf32>, vector<256x16xi32>
    }
    %scan3A_11 = arith.constant 2 : i32
    %swap3A = arith.constant 0 : index
    %swap3A_12 = arith.constant 0 : index
    %swap3A_13 = vector.load %arg3[%swap3A, %swap3A_12] : memref<256x16xi32, #tpu.memory_space<vmem>>, vector<256x16xi32>
    tpu.vector_store %arg3[%swap3A, %swap3A_12], %scan3A_10#1 {strides = array<i32>} : memref<256x16xi32, #tpu.memory_space<vmem>>, vector<256x16xi32>,
    return
  }
  func.func @transform_0(%arg0: i32) -> (i32, i32) {
    %c0_i32 = arith.constant 0 : i32
    %c0_i32_0 = arith.constant 0 : i32
    return %arg0, %c0_i32 : i32, i32
  }
  func.func @transform_1(%arg0: i32) -> (i32, i32) {
    %c0_i32 = arith.constant 0 : i32
    %c0_i32_0 = arith.constant 0 : i32
    %c0_i32_1 = arith.constant 0 : i32
    return %c0_i32, %c0_i32_0 : i32, i32
  }
  func.func @transform_2(%arg0: i32) -> (i32, i32) {
    %c0_i32 = arith.constant 0 : i32
    %c0_i32_0 = arith.constant 0 : i32
    return %arg0, %c0_i32 : i32, i32
  }
}

module attributes {stable_mosaic.version = 14 : i64} {
  func.func @_msg_max_body(%arg0: i32, %arg1: memref<400x128xf32, #tpu.memory_space<vmem>>, %arg2: memref<400x16x128xf32, #tpu.memory_space<vmem>>, %arg3: memref<128x64xf32, #tpu.memory_space<vmem>>, %arg4: memref<128x64xf32, #tpu.memory_space<vmem>>, %arg5: memref<1x64xf32, #tpu.memory_space<vmem>>, %arg6: memref<64x32xf32, #tpu.memory_space<vmem>>, %arg7: memref<1x32xf32, #tpu.memory_space<vmem>>, %arg8: memref<400x32xf32, #tpu.memory_space<vmem>>) attributes {dimension_semantics = [#tpu.dimension_semantics<arbitrary>], iteration_bounds = array<i64: 25>, scalar_prefetch = 0 : i64, scratch_operands = 0 : i64, tpu.core_type = #tpu.core_type<tc>, window_params = [{transform_indices = @transform_0, window_bounds = array<i64: 400, 128>}, {transform_indices = @transform_1, window_bounds = array<i64: 400, 16, 128>}, {pipeline_mode = #tpu.pipeline_mode<synchronous>, transform_indices = @transform_2, window_bounds = array<i64: 128, 64>}, {pipeline_mode = #tpu.pipeline_mode<synchronous>, transform_indices = @transform_3, window_bounds = array<i64: 128, 64>}, {pipeline_mode = #tpu.pipeline_mode<synchronous>, transform_indices = @transform_4, window_bounds = array<i64: 1, 64>}, {pipeline_mode = #tpu.pipeline_mode<synchronous>, transform_indices = @transform_5, window_bounds = array<i64: 64, 32>}, {pipeline_mode = #tpu.pipeline_mode<synchronous>, transform_indices = @transform_6, window_bounds = array<i64: 1, 32>}, {transform_indices = @transform_7, window_bounds = array<i64: 400, 32>}]} {
    %get3A = arith.constant 0 : index
    %get3A_0 = arith.constant 0 : index
    %get3A_1 = vector.load %arg1[%get3A, %get3A_0] : memref<400x128xf32, #tpu.memory_space<vmem>>, vector<400x128xf32>
    %get3A_2 = arith.constant 0 : index
    %get3A_3 = arith.constant 0 : index
    %get3A_4 = vector.load %arg4[%get3A_2, %get3A_3] : memref<128x64xf32, #tpu.memory_space<vmem>>, vector<128x64xf32>
    %convert_element_type3A = arith.truncf %get3A_4 : vector<128x64xf32> to vector<128x64xbf16>
    %get3A_5 = arith.constant 0 : index
    %get3A_6 = arith.constant 0 : index
    %get3A_7 = vector.load %arg6[%get3A_5, %get3A_6] : memref<64x32xf32, #tpu.memory_space<vmem>>, vector<64x32xf32>
    %convert_element_type3A_8 = arith.truncf %get3A_7 : vector<64x32xf32> to vector<64x32xbf16>
    %get3A_9 = arith.constant 0 : index
    %get3A_10 = arith.constant 0 : index
    %get3A_11 = vector.load %arg3[%get3A_9, %get3A_10] : memref<128x64xf32, #tpu.memory_space<vmem>>, vector<128x64xf32>
    %convert_element_type3A_12 = arith.truncf %get3A_1 : vector<400x128xf32> to vector<400x128xbf16>
    %convert_element_type3A_13 = arith.truncf %get3A_11 : vector<128x64xf32> to vector<128x64xbf16>
    %dot_general3A = arith.constant dense<0.000000e+00> : vector<400x64xf32>
    %dot_general3A_14 = tpu.matmul %convert_element_type3A_12, %convert_element_type3A_13, %dot_general3A {dimension_numbers = #tpu.dot_dimension_numbers<[1], [0], [0], [1], [0, 0, 1, 1], [], []>, transpose_lhs_hint = false} : vector<400x128xbf16>, vector<128x64xbf16>, vector<400x64xf32> -> vector<400x64xf32>
    %get3A_15 = arith.constant 0 : index
    %get3A_16 = arith.constant 0 : index
    %get3A_17 = vector.load %arg5[%get3A_15, %get3A_16] : memref<1x64xf32, #tpu.memory_space<vmem>>, vector<1x64xf32>
    %add3A = vector.broadcast %get3A_17 : vector<1x64xf32> to vector<400x64xf32>
    %add3A_18 = arith.addf %dot_general3A_14, %add3A : vector<400x64xf32>
    %get3A_19 = arith.constant 0 : index
    %get3A_20 = arith.constant 0 : index
    %get3A_21 = arith.constant 0 : index
    %get3A_22 = vector.load %arg2[%get3A_19, %get3A_20, %get3A_21] : memref<400x16x128xf32, #tpu.memory_space<vmem>>, vector<400x1x128xf32>
    %get3A_23 = vector.shape_cast %get3A_22 : vector<400x1x128xf32> to vector<400x128xf32>
    %sub3A = arith.subf %get3A_23, %get3A_1 : vector<400x128xf32>
    %convert_element_type3A_24 = arith.truncf %sub3A : vector<400x128xf32> to vector<400x128xbf16>
    %dot_general3A_25 = arith.constant dense<0.000000e+00> : vector<400x64xf32>
    %dot_general3A_26 = tpu.matmul %convert_element_type3A_24, %convert_element_type3A, %dot_general3A_25 {dimension_numbers = #tpu.dot_dimension_numbers<[1], [0], [0], [1], [0, 0, 1, 1], [], []>, transpose_lhs_hint = false} : vector<400x128xbf16>, vector<128x64xbf16>, vector<400x64xf32> -> vector<400x64xf32>
    %add3A_27 = arith.addf %dot_general3A_26, %add3A_18 : vector<400x64xf32>
    %max3A = arith.constant 0.000000e+00 : f32
    %max3A_28 = vector.broadcast %max3A : f32 to vector<400x64xf32>
    %max3A_29 = arith.maximumf %add3A_27, %max3A_28 : vector<400x64xf32>
    %convert_element_type3A_30 = arith.truncf %max3A_29 : vector<400x64xf32> to vector<400x64xbf16>
    %dot_general3A_31 = arith.constant dense<0.000000e+00> : vector<400x32xf32>
    %dot_general3A_32 = tpu.matmul %convert_element_type3A_30, %convert_element_type3A_8, %dot_general3A_31 {dimension_numbers = #tpu.dot_dimension_numbers<[1], [0], [0], [1], [0, 0, 1, 1], [], []>, transpose_lhs_hint = false} : vector<400x64xbf16>, vector<64x32xbf16>, vector<400x32xf32> -> vector<400x32xf32>
    %get3A_33 = arith.constant 0 : index
    %get3A_34 = arith.constant 1 : index
    %get3A_35 = arith.constant 0 : index
    %get3A_36 = vector.load %arg2[%get3A_33, %get3A_34, %get3A_35] : memref<400x16x128xf32, #tpu.memory_space<vmem>>, vector<400x1x128xf32>
    %get3A_37 = vector.shape_cast %get3A_36 : vector<400x1x128xf32> to vector<400x128xf32>
    %sub3A_38 = arith.subf %get3A_37, %get3A_1 : vector<400x128xf32>
    %convert_element_type3A_39 = arith.truncf %sub3A_38 : vector<400x128xf32> to vector<400x128xbf16>
    %dot_general3A_40 = arith.constant dense<0.000000e+00> : vector<400x64xf32>
    %dot_general3A_41 = tpu.matmul %convert_element_type3A_39, %convert_element_type3A, %dot_general3A_40 {dimension_numbers = #tpu.dot_dimension_numbers<[1], [0], [0], [1], [0, 0, 1, 1], [], []>, transpose_lhs_hint = false} : vector<400x128xbf16>, vector<128x64xbf16>, vector<400x64xf32> -> vector<400x64xf32>
    %add3A_42 = arith.addf %dot_general3A_41, %add3A_18 : vector<400x64xf32>
    %max3A_43 = arith.constant 0.000000e+00 : f32
    %max3A_44 = vector.broadcast %max3A_43 : f32 to vector<400x64xf32>
    %max3A_45 = arith.maximumf %add3A_42, %max3A_44 : vector<400x64xf32>
    %convert_element_type3A_46 = arith.truncf %max3A_45 : vector<400x64xf32> to vector<400x64xbf16>
    %dot_general3A_47 = arith.constant dense<0.000000e+00> : vector<400x32xf32>
    %dot_general3A_48 = tpu.matmul %convert_element_type3A_46, %convert_element_type3A_8, %dot_general3A_47 {dimension_numbers = #tpu.dot_dimension_numbers<[1], [0], [0], [1], [0, 0, 1, 1], [], []>, transpose_lhs_hint = false} : vector<400x64xbf16>, vector<64x32xbf16>, vector<400x32xf32> -> vector<400x32xf32>
    %max3A_49 = arith.maximumf %dot_general3A_32, %dot_general3A_48 : vector<400x32xf32>
    %get3A_50 = arith.constant 0 : index
    %get3A_51 = arith.constant 2 : index
    %get3A_52 = arith.constant 0 : index
    %get3A_53 = vector.load %arg2[%get3A_50, %get3A_51, %get3A_52] : memref<400x16x128xf32, #tpu.memory_space<vmem>>, vector<400x1x128xf32>
    %get3A_54 = vector.shape_cast %get3A_53 : vector<400x1x128xf32> to vector<400x128xf32>
    %sub3A_55 = arith.subf %get3A_54, %get3A_1 : vector<400x128xf32>
    %convert_element_type3A_56 = arith.truncf %sub3A_55 : vector<400x128xf32> to vector<400x128xbf16>
    %dot_general3A_57 = arith.constant dense<0.000000e+00> : vector<400x64xf32>
    %dot_general3A_58 = tpu.matmul %convert_element_type3A_56, %convert_element_type3A, %dot_general3A_57 {dimension_numbers = #tpu.dot_dimension_numbers<[1], [0], [0], [1], [0, 0, 1, 1], [], []>, transpose_lhs_hint = false} : vector<400x128xbf16>, vector<128x64xbf16>, vector<400x64xf32> -> vector<400x64xf32>
    %add3A_59 = arith.addf %dot_general3A_58, %add3A_18 : vector<400x64xf32>
    %max3A_60 = arith.constant 0.000000e+00 : f32
    %max3A_61 = vector.broadcast %max3A_60 : f32 to vector<400x64xf32>
    %max3A_62 = arith.maximumf %add3A_59, %max3A_61 : vector<400x64xf32>
    %convert_element_type3A_63 = arith.truncf %max3A_62 : vector<400x64xf32> to vector<400x64xbf16>
    %dot_general3A_64 = arith.constant dense<0.000000e+00> : vector<400x32xf32>
    %dot_general3A_65 = tpu.matmul %convert_element_type3A_63, %convert_element_type3A_8, %dot_general3A_64 {dimension_numbers = #tpu.dot_dimension_numbers<[1], [0], [0], [1], [0, 0, 1, 1], [], []>, transpose_lhs_hint = false} : vector<400x64xbf16>, vector<64x32xbf16>, vector<400x32xf32> -> vector<400x32xf32>
    %max3A_66 = arith.maximumf %max3A_49, %dot_general3A_65 : vector<400x32xf32>
    %get3A_67 = arith.constant 0 : index
    %get3A_68 = arith.constant 3 : index
    %get3A_69 = arith.constant 0 : index
    %get3A_70 = vector.load %arg2[%get3A_67, %get3A_68, %get3A_69] : memref<400x16x128xf32, #tpu.memory_space<vmem>>, vector<400x1x128xf32>
    %get3A_71 = vector.shape_cast %get3A_70 : vector<400x1x128xf32> to vector<400x128xf32>
    %sub3A_72 = arith.subf %get3A_71, %get3A_1 : vector<400x128xf32>
    %convert_element_type3A_73 = arith.truncf %sub3A_72 : vector<400x128xf32> to vector<400x128xbf16>
    %dot_general3A_74 = arith.constant dense<0.000000e+00> : vector<400x64xf32>
    %dot_general3A_75 = tpu.matmul %convert_element_type3A_73, %convert_element_type3A, %dot_general3A_74 {dimension_numbers = #tpu.dot_dimension_numbers<[1], [0], [0], [1], [0, 0, 1, 1], [], []>, transpose_lhs_hint = false} : vector<400x128xbf16>, vector<128x64xbf16>, vector<400x64xf32> -> vector<400x64xf32>
    %add3A_76 = arith.addf %dot_general3A_75, %add3A_18 : vector<400x64xf32>
    %max3A_77 = arith.constant 0.000000e+00 : f32
    %max3A_78 = vector.broadcast %max3A_77 : f32 to vector<400x64xf32>
    %max3A_79 = arith.maximumf %add3A_76, %max3A_78 : vector<400x64xf32>
    %convert_element_type3A_80 = arith.truncf %max3A_79 : vector<400x64xf32> to vector<400x64xbf16>
    %dot_general3A_81 = arith.constant dense<0.000000e+00> : vector<400x32xf32>
    %dot_general3A_82 = tpu.matmul %convert_element_type3A_80, %convert_element_type3A_8, %dot_general3A_81 {dimension_numbers = #tpu.dot_dimension_numbers<[1], [0], [0], [1], [0, 0, 1, 1], [], []>, transpose_lhs_hint = false} : vector<400x64xbf16>, vector<64x32xbf16>, vector<400x32xf32> -> vector<400x32xf32>
    %max3A_83 = arith.maximumf %max3A_66, %dot_general3A_82 : vector<400x32xf32>
    %get3A_84 = arith.constant 0 : index
    %get3A_85 = arith.constant 4 : index
    %get3A_86 = arith.constant 0 : index
    %get3A_87 = vector.load %arg2[%get3A_84, %get3A_85, %get3A_86] : memref<400x16x128xf32, #tpu.memory_space<vmem>>, vector<400x1x128xf32>
    %get3A_88 = vector.shape_cast %get3A_87 : vector<400x1x128xf32> to vector<400x128xf32>
    %sub3A_89 = arith.subf %get3A_88, %get3A_1 : vector<400x128xf32>
    %convert_element_type3A_90 = arith.truncf %sub3A_89 : vector<400x128xf32> to vector<400x128xbf16>
    %dot_general3A_91 = arith.constant dense<0.000000e+00> : vector<400x64xf32>
    %dot_general3A_92 = tpu.matmul %convert_element_type3A_90, %convert_element_type3A, %dot_general3A_91 {dimension_numbers = #tpu.dot_dimension_numbers<[1], [0], [0], [1], [0, 0, 1, 1], [], []>, transpose_lhs_hint = false} : vector<400x128xbf16>, vector<128x64xbf16>, vector<400x64xf32> -> vector<400x64xf32>
    %add3A_93 = arith.addf %dot_general3A_92, %add3A_18 : vector<400x64xf32>
    %max3A_94 = arith.constant 0.000000e+00 : f32
    %max3A_95 = vector.broadcast %max3A_94 : f32 to vector<400x64xf32>
    %max3A_96 = arith.maximumf %add3A_93, %max3A_95 : vector<400x64xf32>
    %convert_element_type3A_97 = arith.truncf %max3A_96 : vector<400x64xf32> to vector<400x64xbf16>
    %dot_general3A_98 = arith.constant dense<0.000000e+00> : vector<400x32xf32>
    %dot_general3A_99 = tpu.matmul %convert_element_type3A_97, %convert_element_type3A_8, %dot_general3A_98 {dimension_numbers = #tpu.dot_dimension_numbers<[1], [0], [0], [1], [0, 0, 1, 1], [], []>, transpose_lhs_hint = false} : vector<400x64xbf16>, vector<64x32xbf16>, vector<400x32xf32> -> vector<400x32xf32>
    %max3A_100 = arith.maximumf %max3A_83, %dot_general3A_99 : vector<400x32xf32>
    %get3A_101 = arith.constant 0 : index
    %get3A_102 = arith.constant 5 : index
    %get3A_103 = arith.constant 0 : index
    %get3A_104 = vector.load %arg2[%get3A_101, %get3A_102, %get3A_103] : memref<400x16x128xf32, #tpu.memory_space<vmem>>, vector<400x1x128xf32>
    %get3A_105 = vector.shape_cast %get3A_104 : vector<400x1x128xf32> to vector<400x128xf32>
    %sub3A_106 = arith.subf %get3A_105, %get3A_1 : vector<400x128xf32>
    %convert_element_type3A_107 = arith.truncf %sub3A_106 : vector<400x128xf32> to vector<400x128xbf16>
    %dot_general3A_108 = arith.constant dense<0.000000e+00> : vector<400x64xf32>
    %dot_general3A_109 = tpu.matmul %convert_element_type3A_107, %convert_element_type3A, %dot_general3A_108 {dimension_numbers = #tpu.dot_dimension_numbers<[1], [0], [0], [1], [0, 0, 1, 1], [], []>, transpose_lhs_hint = false} : vector<400x128xbf16>, vector<128x64xbf16>, vector<400x64xf32> -> vector<400x64xf32>
    %add3A_110 = arith.addf %dot_general3A_109, %add3A_18 : vector<400x64xf32>
    %max3A_111 = arith.constant 0.000000e+00 : f32
    %max3A_112 = vector.broadcast %max3A_111 : f32 to vector<400x64xf32>
    %max3A_113 = arith.maximumf %add3A_110, %max3A_112 : vector<400x64xf32>
    %convert_element_type3A_114 = arith.truncf %max3A_113 : vector<400x64xf32> to vector<400x64xbf16>
    %dot_general3A_115 = arith.constant dense<0.000000e+00> : vector<400x32xf32>
    %dot_general3A_116 = tpu.matmul %convert_element_type3A_114, %convert_element_type3A_8, %dot_general3A_115 {dimension_numbers = #tpu.dot_dimension_numbers<[1], [0], [0], [1], [0, 0, 1, 1], [], []>, transpose_lhs_hint = false} : vector<400x64xbf16>, vector<64x32xbf16>, vector<400x32xf32> -> vector<400x32xf32>
    %max3A_117 = arith.maximumf %max3A_100, %dot_general3A_116 : vector<400x32xf32>
    %get3A_118 = arith.constant 0 : index
    %get3A_119 = arith.constant 6 : index
    %get3A_120 = arith.constant 0 : index
    %get3A_121 = vector.load %arg2[%get3A_118, %get3A_119, %get3A_120] : memref<400x16x128xf32, #tpu.memory_space<vmem>>, vector<400x1x128xf32>
    %get3A_122 = vector.shape_cast %get3A_121 : vector<400x1x128xf32> to vector<400x128xf32>
    %sub3A_123 = arith.subf %get3A_122, %get3A_1 : vector<400x128xf32>
    %convert_element_type3A_124 = arith.truncf %sub3A_123 : vector<400x128xf32> to vector<400x128xbf16>
    %dot_general3A_125 = arith.constant dense<0.000000e+00> : vector<400x64xf32>
    %dot_general3A_126 = tpu.matmul %convert_element_type3A_124, %convert_element_type3A, %dot_general3A_125 {dimension_numbers = #tpu.dot_dimension_numbers<[1], [0], [0], [1], [0, 0, 1, 1], [], []>, transpose_lhs_hint = false} : vector<400x128xbf16>, vector<128x64xbf16>, vector<400x64xf32> -> vector<400x64xf32>
    %add3A_127 = arith.addf %dot_general3A_126, %add3A_18 : vector<400x64xf32>
    %max3A_128 = arith.constant 0.000000e+00 : f32
    %max3A_129 = vector.broadcast %max3A_128 : f32 to vector<400x64xf32>
    %max3A_130 = arith.maximumf %add3A_127, %max3A_129 : vector<400x64xf32>
    %convert_element_type3A_131 = arith.truncf %max3A_130 : vector<400x64xf32> to vector<400x64xbf16>
    %dot_general3A_132 = arith.constant dense<0.000000e+00> : vector<400x32xf32>
    %dot_general3A_133 = tpu.matmul %convert_element_type3A_131, %convert_element_type3A_8, %dot_general3A_132 {dimension_numbers = #tpu.dot_dimension_numbers<[1], [0], [0], [1], [0, 0, 1, 1], [], []>, transpose_lhs_hint = false} : vector<400x64xbf16>, vector<64x32xbf16>, vector<400x32xf32> -> vector<400x32xf32>
    %max3A_134 = arith.maximumf %max3A_117, %dot_general3A_133 : vector<400x32xf32>
    %get3A_135 = arith.constant 0 : index
    %get3A_136 = arith.constant 7 : index
    %get3A_137 = arith.constant 0 : index
    %get3A_138 = vector.load %arg2[%get3A_135, %get3A_136, %get3A_137] : memref<400x16x128xf32, #tpu.memory_space<vmem>>, vector<400x1x128xf32>
    %get3A_139 = vector.shape_cast %get3A_138 : vector<400x1x128xf32> to vector<400x128xf32>
    %sub3A_140 = arith.subf %get3A_139, %get3A_1 : vector<400x128xf32>
    %convert_element_type3A_141 = arith.truncf %sub3A_140 : vector<400x128xf32> to vector<400x128xbf16>
    %dot_general3A_142 = arith.constant dense<0.000000e+00> : vector<400x64xf32>
    %dot_general3A_143 = tpu.matmul %convert_element_type3A_141, %convert_element_type3A, %dot_general3A_142 {dimension_numbers = #tpu.dot_dimension_numbers<[1], [0], [0], [1], [0, 0, 1, 1], [], []>, transpose_lhs_hint = false} : vector<400x128xbf16>, vector<128x64xbf16>, vector<400x64xf32> -> vector<400x64xf32>
    %add3A_144 = arith.addf %dot_general3A_143, %add3A_18 : vector<400x64xf32>
    %max3A_145 = arith.constant 0.000000e+00 : f32
    %max3A_146 = vector.broadcast %max3A_145 : f32 to vector<400x64xf32>
    %max3A_147 = arith.maximumf %add3A_144, %max3A_146 : vector<400x64xf32>
    %convert_element_type3A_148 = arith.truncf %max3A_147 : vector<400x64xf32> to vector<400x64xbf16>
    %dot_general3A_149 = arith.constant dense<0.000000e+00> : vector<400x32xf32>
    %dot_general3A_150 = tpu.matmul %convert_element_type3A_148, %convert_element_type3A_8, %dot_general3A_149 {dimension_numbers = #tpu.dot_dimension_numbers<[1], [0], [0], [1], [0, 0, 1, 1], [], []>, transpose_lhs_hint = false} : vector<400x64xbf16>, vector<64x32xbf16>, vector<400x32xf32> -> vector<400x32xf32>
    %max3A_151 = arith.maximumf %max3A_134, %dot_general3A_150 : vector<400x32xf32>
    %get3A_152 = arith.constant 0 : index
    %get3A_153 = arith.constant 8 : index
    %get3A_154 = arith.constant 0 : index
    %get3A_155 = vector.load %arg2[%get3A_152, %get3A_153, %get3A_154] : memref<400x16x128xf32, #tpu.memory_space<vmem>>, vector<400x1x128xf32>
    %get3A_156 = vector.shape_cast %get3A_155 : vector<400x1x128xf32> to vector<400x128xf32>
    %sub3A_157 = arith.subf %get3A_156, %get3A_1 : vector<400x128xf32>
    %convert_element_type3A_158 = arith.truncf %sub3A_157 : vector<400x128xf32> to vector<400x128xbf16>
    %dot_general3A_159 = arith.constant dense<0.000000e+00> : vector<400x64xf32>
    %dot_general3A_160 = tpu.matmul %convert_element_type3A_158, %convert_element_type3A, %dot_general3A_159 {dimension_numbers = #tpu.dot_dimension_numbers<[1], [0], [0], [1], [0, 0, 1, 1], [], []>, transpose_lhs_hint = false} : vector<400x128xbf16>, vector<128x64xbf16>, vector<400x64xf32> -> vector<400x64xf32>
    %add3A_161 = arith.addf %dot_general3A_160, %add3A_18 : vector<400x64xf32>
    %max3A_162 = arith.constant 0.000000e+00 : f32
    %max3A_163 = vector.broadcast %max3A_162 : f32 to vector<400x64xf32>
    %max3A_164 = arith.maximumf %add3A_161, %max3A_163 : vector<400x64xf32>
    %convert_element_type3A_165 = arith.truncf %max3A_164 : vector<400x64xf32> to vector<400x64xbf16>
    %dot_general3A_166 = arith.constant dense<0.000000e+00> : vector<400x32xf32>
    %dot_general3A_167 = tpu.matmul %convert_element_type3A_165, %convert_element_type3A_8, %dot_general3A_166 {dimension_numbers = #tpu.dot_dimension_numbers<[1], [0], [0], [1], [0, 0, 1, 1], [], []>, transpose_lhs_hint = false} : vector<400x64xbf16>, vector<64x32xbf16>, vector<400x32xf32> -> vector<400x32xf32>
    %max3A_168 = arith.maximumf %max3A_151, %dot_general3A_167 : vector<400x32xf32>
    %get3A_169 = arith.constant 0 : index
    %get3A_170 = arith.constant 9 : index
    %get3A_171 = arith.constant 0 : index
    %get3A_172 = vector.load %arg2[%get3A_169, %get3A_170, %get3A_171] : memref<400x16x128xf32, #tpu.memory_space<vmem>>, vector<400x1x128xf32>
    %get3A_173 = vector.shape_cast %get3A_172 : vector<400x1x128xf32> to vector<400x128xf32>
    %sub3A_174 = arith.subf %get3A_173, %get3A_1 : vector<400x128xf32>
    %convert_element_type3A_175 = arith.truncf %sub3A_174 : vector<400x128xf32> to vector<400x128xbf16>
    %dot_general3A_176 = arith.constant dense<0.000000e+00> : vector<400x64xf32>
    %dot_general3A_177 = tpu.matmul %convert_element_type3A_175, %convert_element_type3A, %dot_general3A_176 {dimension_numbers = #tpu.dot_dimension_numbers<[1], [0], [0], [1], [0, 0, 1, 1], [], []>, transpose_lhs_hint = false} : vector<400x128xbf16>, vector<128x64xbf16>, vector<400x64xf32> -> vector<400x64xf32>
    %add3A_178 = arith.addf %dot_general3A_177, %add3A_18 : vector<400x64xf32>
    %max3A_179 = arith.constant 0.000000e+00 : f32
    %max3A_180 = vector.broadcast %max3A_179 : f32 to vector<400x64xf32>
    %max3A_181 = arith.maximumf %add3A_178, %max3A_180 : vector<400x64xf32>
    %convert_element_type3A_182 = arith.truncf %max3A_181 : vector<400x64xf32> to vector<400x64xbf16>
    %dot_general3A_183 = arith.constant dense<0.000000e+00> : vector<400x32xf32>
    %dot_general3A_184 = tpu.matmul %convert_element_type3A_182, %convert_element_type3A_8, %dot_general3A_183 {dimension_numbers = #tpu.dot_dimension_numbers<[1], [0], [0], [1], [0, 0, 1, 1], [], []>, transpose_lhs_hint = false} : vector<400x64xbf16>, vector<64x32xbf16>, vector<400x32xf32> -> vector<400x32xf32>
    %max3A_185 = arith.maximumf %max3A_168, %dot_general3A_184 : vector<400x32xf32>
    %get3A_186 = arith.constant 0 : index
    %get3A_187 = arith.constant 10 : index
    %get3A_188 = arith.constant 0 : index
    %get3A_189 = vector.load %arg2[%get3A_186, %get3A_187, %get3A_188] : memref<400x16x128xf32, #tpu.memory_space<vmem>>, vector<400x1x128xf32>
    %get3A_190 = vector.shape_cast %get3A_189 : vector<400x1x128xf32> to vector<400x128xf32>
    %sub3A_191 = arith.subf %get3A_190, %get3A_1 : vector<400x128xf32>
    %convert_element_type3A_192 = arith.truncf %sub3A_191 : vector<400x128xf32> to vector<400x128xbf16>
    %dot_general3A_193 = arith.constant dense<0.000000e+00> : vector<400x64xf32>
    %dot_general3A_194 = tpu.matmul %convert_element_type3A_192, %convert_element_type3A, %dot_general3A_193 {dimension_numbers = #tpu.dot_dimension_numbers<[1], [0], [0], [1], [0, 0, 1, 1], [], []>, transpose_lhs_hint = false} : vector<400x128xbf16>, vector<128x64xbf16>, vector<400x64xf32> -> vector<400x64xf32>
    %add3A_195 = arith.addf %dot_general3A_194, %add3A_18 : vector<400x64xf32>
    %max3A_196 = arith.constant 0.000000e+00 : f32
    %max3A_197 = vector.broadcast %max3A_196 : f32 to vector<400x64xf32>
    %max3A_198 = arith.maximumf %add3A_195, %max3A_197 : vector<400x64xf32>
    %convert_element_type3A_199 = arith.truncf %max3A_198 : vector<400x64xf32> to vector<400x64xbf16>
    %dot_general3A_200 = arith.constant dense<0.000000e+00> : vector<400x32xf32>
    %dot_general3A_201 = tpu.matmul %convert_element_type3A_199, %convert_element_type3A_8, %dot_general3A_200 {dimension_numbers = #tpu.dot_dimension_numbers<[1], [0], [0], [1], [0, 0, 1, 1], [], []>, transpose_lhs_hint = false} : vector<400x64xbf16>, vector<64x32xbf16>, vector<400x32xf32> -> vector<400x32xf32>
    %max3A_202 = arith.maximumf %max3A_185, %dot_general3A_201 : vector<400x32xf32>
    %get3A_203 = arith.constant 0 : index
    %get3A_204 = arith.constant 11 : index
    %get3A_205 = arith.constant 0 : index
    %get3A_206 = vector.load %arg2[%get3A_203, %get3A_204, %get3A_205] : memref<400x16x128xf32, #tpu.memory_space<vmem>>, vector<400x1x128xf32>
    %get3A_207 = vector.shape_cast %get3A_206 : vector<400x1x128xf32> to vector<400x128xf32>
    %sub3A_208 = arith.subf %get3A_207, %get3A_1 : vector<400x128xf32>
    %convert_element_type3A_209 = arith.truncf %sub3A_208 : vector<400x128xf32> to vector<400x128xbf16>
    %dot_general3A_210 = arith.constant dense<0.000000e+00> : vector<400x64xf32>
    %dot_general3A_211 = tpu.matmul %convert_element_type3A_209, %convert_element_type3A, %dot_general3A_210 {dimension_numbers = #tpu.dot_dimension_numbers<[1], [0], [0], [1], [0, 0, 1, 1], [], []>, transpose_lhs_hint = false} : vector<400x128xbf16>, vector<128x64xbf16>, vector<400x64xf32> -> vector<400x64xf32>
    %add3A_212 = arith.addf %dot_general3A_211, %add3A_18 : vector<400x64xf32>
    %max3A_213 = arith.constant 0.000000e+00 : f32
    %max3A_214 = vector.broadcast %max3A_213 : f32 to vector<400x64xf32>
    %max3A_215 = arith.maximumf %add3A_212, %max3A_214 : vector<400x64xf32>
    %convert_element_type3A_216 = arith.truncf %max3A_215 : vector<400x64xf32> to vector<400x64xbf16>
    %dot_general3A_217 = arith.constant dense<0.000000e+00> : vector<400x32xf32>
    %dot_general3A_218 = tpu.matmul %convert_element_type3A_216, %convert_element_type3A_8, %dot_general3A_217 {dimension_numbers = #tpu.dot_dimension_numbers<[1], [0], [0], [1], [0, 0, 1, 1], [], []>, transpose_lhs_hint = false} : vector<400x64xbf16>, vector<64x32xbf16>, vector<400x32xf32> -> vector<400x32xf32>
    %max3A_219 = arith.maximumf %max3A_202, %dot_general3A_218 : vector<400x32xf32>
    %get3A_220 = arith.constant 0 : index
    %get3A_221 = arith.constant 12 : index
    %get3A_222 = arith.constant 0 : index
    %get3A_223 = vector.load %arg2[%get3A_220, %get3A_221, %get3A_222] : memref<400x16x128xf32, #tpu.memory_space<vmem>>, vector<400x1x128xf32>
    %get3A_224 = vector.shape_cast %get3A_223 : vector<400x1x128xf32> to vector<400x128xf32>
    %sub3A_225 = arith.subf %get3A_224, %get3A_1 : vector<400x128xf32>
    %convert_element_type3A_226 = arith.truncf %sub3A_225 : vector<400x128xf32> to vector<400x128xbf16>
    %dot_general3A_227 = arith.constant dense<0.000000e+00> : vector<400x64xf32>
    %dot_general3A_228 = tpu.matmul %convert_element_type3A_226, %convert_element_type3A, %dot_general3A_227 {dimension_numbers = #tpu.dot_dimension_numbers<[1], [0], [0], [1], [0, 0, 1, 1], [], []>, transpose_lhs_hint = false} : vector<400x128xbf16>, vector<128x64xbf16>, vector<400x64xf32> -> vector<400x64xf32>
    %add3A_229 = arith.addf %dot_general3A_228, %add3A_18 : vector<400x64xf32>
    %max3A_230 = arith.constant 0.000000e+00 : f32
    %max3A_231 = vector.broadcast %max3A_230 : f32 to vector<400x64xf32>
    %max3A_232 = arith.maximumf %add3A_229, %max3A_231 : vector<400x64xf32>
    %convert_element_type3A_233 = arith.truncf %max3A_232 : vector<400x64xf32> to vector<400x64xbf16>
    %dot_general3A_234 = arith.constant dense<0.000000e+00> : vector<400x32xf32>
    %dot_general3A_235 = tpu.matmul %convert_element_type3A_233, %convert_element_type3A_8, %dot_general3A_234 {dimension_numbers = #tpu.dot_dimension_numbers<[1], [0], [0], [1], [0, 0, 1, 1], [], []>, transpose_lhs_hint = false} : vector<400x64xbf16>, vector<64x32xbf16>, vector<400x32xf32> -> vector<400x32xf32>
    %max3A_236 = arith.maximumf %max3A_219, %dot_general3A_235 : vector<400x32xf32>
    %get3A_237 = arith.constant 0 : index
    %get3A_238 = arith.constant 13 : index
    %get3A_239 = arith.constant 0 : index
    %get3A_240 = vector.load %arg2[%get3A_237, %get3A_238, %get3A_239] : memref<400x16x128xf32, #tpu.memory_space<vmem>>, vector<400x1x128xf32>
    %get3A_241 = vector.shape_cast %get3A_240 : vector<400x1x128xf32> to vector<400x128xf32>
    %sub3A_242 = arith.subf %get3A_241, %get3A_1 : vector<400x128xf32>
    %convert_element_type3A_243 = arith.truncf %sub3A_242 : vector<400x128xf32> to vector<400x128xbf16>
    %dot_general3A_244 = arith.constant dense<0.000000e+00> : vector<400x64xf32>
    %dot_general3A_245 = tpu.matmul %convert_element_type3A_243, %convert_element_type3A, %dot_general3A_244 {dimension_numbers = #tpu.dot_dimension_numbers<[1], [0], [0], [1], [0, 0, 1, 1], [], []>, transpose_lhs_hint = false} : vector<400x128xbf16>, vector<128x64xbf16>, vector<400x64xf32> -> vector<400x64xf32>
    %add3A_246 = arith.addf %dot_general3A_245, %add3A_18 : vector<400x64xf32>
    %max3A_247 = arith.constant 0.000000e+00 : f32
    %max3A_248 = vector.broadcast %max3A_247 : f32 to vector<400x64xf32>
    %max3A_249 = arith.maximumf %add3A_246, %max3A_248 : vector<400x64xf32>
    %convert_element_type3A_250 = arith.truncf %max3A_249 : vector<400x64xf32> to vector<400x64xbf16>
    %dot_general3A_251 = arith.constant dense<0.000000e+00> : vector<400x32xf32>
    %dot_general3A_252 = tpu.matmul %convert_element_type3A_250, %convert_element_type3A_8, %dot_general3A_251 {dimension_numbers = #tpu.dot_dimension_numbers<[1], [0], [0], [1], [0, 0, 1, 1], [], []>, transpose_lhs_hint = false} : vector<400x64xbf16>, vector<64x32xbf16>, vector<400x32xf32> -> vector<400x32xf32>
    %max3A_253 = arith.maximumf %max3A_236, %dot_general3A_252 : vector<400x32xf32>
    %get3A_254 = arith.constant 0 : index
    %get3A_255 = arith.constant 14 : index
    %get3A_256 = arith.constant 0 : index
    %get3A_257 = vector.load %arg2[%get3A_254, %get3A_255, %get3A_256] : memref<400x16x128xf32, #tpu.memory_space<vmem>>, vector<400x1x128xf32>
    %get3A_258 = vector.shape_cast %get3A_257 : vector<400x1x128xf32> to vector<400x128xf32>
    %sub3A_259 = arith.subf %get3A_258, %get3A_1 : vector<400x128xf32>
    %convert_element_type3A_260 = arith.truncf %sub3A_259 : vector<400x128xf32> to vector<400x128xbf16>
    %dot_general3A_261 = arith.constant dense<0.000000e+00> : vector<400x64xf32>
    %dot_general3A_262 = tpu.matmul %convert_element_type3A_260, %convert_element_type3A, %dot_general3A_261 {dimension_numbers = #tpu.dot_dimension_numbers<[1], [0], [0], [1], [0, 0, 1, 1], [], []>, transpose_lhs_hint = false} : vector<400x128xbf16>, vector<128x64xbf16>, vector<400x64xf32> -> vector<400x64xf32>
    %add3A_263 = arith.addf %dot_general3A_262, %add3A_18 : vector<400x64xf32>
    %max3A_264 = arith.constant 0.000000e+00 : f32
    %max3A_265 = vector.broadcast %max3A_264 : f32 to vector<400x64xf32>
    %max3A_266 = arith.maximumf %add3A_263, %max3A_265 : vector<400x64xf32>
    %convert_element_type3A_267 = arith.truncf %max3A_266 : vector<400x64xf32> to vector<400x64xbf16>
    %dot_general3A_268 = arith.constant dense<0.000000e+00> : vector<400x32xf32>
    %dot_general3A_269 = tpu.matmul %convert_element_type3A_267, %convert_element_type3A_8, %dot_general3A_268 {dimension_numbers = #tpu.dot_dimension_numbers<[1], [0], [0], [1], [0, 0, 1, 1], [], []>, transpose_lhs_hint = false} : vector<400x64xbf16>, vector<64x32xbf16>, vector<400x32xf32> -> vector<400x32xf32>
    %max3A_270 = arith.maximumf %max3A_253, %dot_general3A_269 : vector<400x32xf32>
    %get3A_271 = arith.constant 0 : index
    %get3A_272 = arith.constant 15 : index
    %get3A_273 = arith.constant 0 : index
    %get3A_274 = vector.load %arg2[%get3A_271, %get3A_272, %get3A_273] : memref<400x16x128xf32, #tpu.memory_space<vmem>>, vector<400x1x128xf32>
    %get3A_275 = vector.shape_cast %get3A_274 : vector<400x1x128xf32> to vector<400x128xf32>
    %sub3A_276 = arith.subf %get3A_275, %get3A_1 : vector<400x128xf32>
    %convert_element_type3A_277 = arith.truncf %sub3A_276 : vector<400x128xf32> to vector<400x128xbf16>
    %dot_general3A_278 = arith.constant dense<0.000000e+00> : vector<400x64xf32>
    %dot_general3A_279 = tpu.matmul %convert_element_type3A_277, %convert_element_type3A, %dot_general3A_278 {dimension_numbers = #tpu.dot_dimension_numbers<[1], [0], [0], [1], [0, 0, 1, 1], [], []>, transpose_lhs_hint = false} : vector<400x128xbf16>, vector<128x64xbf16>, vector<400x64xf32> -> vector<400x64xf32>
    %add3A_280 = arith.addf %dot_general3A_279, %add3A_18 : vector<400x64xf32>
    %max3A_281 = arith.constant 0.000000e+00 : f32
    %max3A_282 = vector.broadcast %max3A_281 : f32 to vector<400x64xf32>
    %max3A_283 = arith.maximumf %add3A_280, %max3A_282 : vector<400x64xf32>
    %convert_element_type3A_284 = arith.truncf %max3A_283 : vector<400x64xf32> to vector<400x64xbf16>
    %dot_general3A_285 = arith.constant dense<0.000000e+00> : vector<400x32xf32>
    %dot_general3A_286 = tpu.matmul %convert_element_type3A_284, %convert_element_type3A_8, %dot_general3A_285 {dimension_numbers = #tpu.dot_dimension_numbers<[1], [0], [0], [1], [0, 0, 1, 1], [], []>, transpose_lhs_hint = false} : vector<400x64xbf16>, vector<64x32xbf16>, vector<400x32xf32> -> vector<400x32xf32>
    %max3A_287 = arith.maximumf %max3A_270, %dot_general3A_286 : vector<400x32xf32>
    %get3A_288 = arith.constant 0 : index
    %get3A_289 = arith.constant 0 : index
    %get3A_290 = vector.load %arg7[%get3A_288, %get3A_289] : memref<1x32xf32, #tpu.memory_space<vmem>>, vector<1x32xf32>
    %add3A_291 = vector.broadcast %get3A_290 : vector<1x32xf32> to vector<400x32xf32>
    %add3A_292 = arith.addf %max3A_287, %add3A_291 : vector<400x32xf32>
    %max3A_293 = arith.constant 0.000000e+00 : f32
    %max3A_294 = vector.broadcast %max3A_293 : f32 to vector<400x32xf32>
    %max3A_295 = arith.maximumf %add3A_292, %max3A_294 : vector<400x32xf32>
    %swap3A = arith.constant 0 : index
    %swap3A_296 = arith.constant 0 : index
    %swap3A_297 = vector.load %arg8[%swap3A, %swap3A_296] : memref<400x32xf32, #tpu.memory_space<vmem>>, vector<400x32xf32>
    tpu.vector_store %arg8[%swap3A, %swap3A_296], %max3A_295 {strides = array<i32>} : memref<400x32xf32, #tpu.memory_space<vmem>>, vector<400x32xf32>,
    return
  }
  func.func @transform_0(%arg0: i32) -> (i32, i32) {
    %c0_i32 = arith.constant 0 : i32
    %c0_i32_0 = arith.constant 0 : i32
    return %arg0, %c0_i32 : i32, i32
  }
  func.func @transform_1(%arg0: i32) -> (i32, i32, i32) {
    %c0_i32 = arith.constant 0 : i32
    %c0_i32_0 = arith.constant 0 : i32
    %c0_i32_1 = arith.constant 0 : i32
    return %arg0, %c0_i32, %c0_i32_0 : i32, i32, i32
  }
  func.func @transform_2(%arg0: i32) -> (i32, i32) {
    %c0_i32 = arith.constant 0 : i32
    %c0_i32_0 = arith.constant 0 : i32
    %c0_i32_1 = arith.constant 0 : i32
    return %c0_i32, %c0_i32_0 : i32, i32
  }
  func.func @transform_3(%arg0: i32) -> (i32, i32) {
    %c0_i32 = arith.constant 0 : i32
    %c0_i32_0 = arith.constant 0 : i32
    %c0_i32_1 = arith.constant 0 : i32
    return %c0_i32, %c0_i32_0 : i32, i32
  }
  func.func @transform_4(%arg0: i32) -> (i32, i32) {
    %c0_i32 = arith.constant 0 : i32
    %c0_i32_0 = arith.constant 0 : i32
    %c0_i32_1 = arith.constant 0 : i32
    return %c0_i32, %c0_i32_0 : i32, i32
  }
  func.func @transform_5(%arg0: i32) -> (i32, i32) {
    %c0_i32 = arith.constant 0 : i32
    %c0_i32_0 = arith.constant 0 : i32
    %c0_i32_1 = arith.constant 0 : i32
    return %c0_i32, %c0_i32_0 : i32, i32
  }
  func.func @transform_6(%arg0: i32) -> (i32, i32) {
    %c0_i32 = arith.constant 0 : i32
    %c0_i32_0 = arith.constant 0 : i32
    %c0_i32_1 = arith.constant 0 : i32
    return %c0_i32, %c0_i32_0 : i32, i32
  }
  func.func @transform_7(%arg0: i32) -> (i32, i32) {
    %c0_i32 = arith.constant 0 : i32
    %c0_i32_0 = arith.constant 0 : i32
    return %arg0, %c0_i32 : i32, i32
  }
}

module attributes {stable_mosaic.version = 14 : i64} {
  func.func @_topk_body(%arg0: i32, %arg1: memref<256x32xf32, #tpu.memory_space<vmem>>, %arg2: memref<10240x32xf32, #tpu.memory_space<vmem>>, %arg3: memref<256x16xi32, #tpu.memory_space<vmem>>) attributes {dimension_semantics = [#tpu.dimension_semantics<arbitrary>], iteration_bounds = array<i64: 40>, scalar_prefetch = 0 : i64, scratch_operands = 0 : i64, tpu.core_type = #tpu.core_type<tc>, window_params = [{transform_indices = @transform_0, window_bounds = array<i64: 256, 32>}, {pipeline_mode = #tpu.pipeline_mode<synchronous>, transform_indices = @transform_1, window_bounds = array<i64: 10240, 32>}, {transform_indices = @transform_2, window_bounds = array<i64: 256, 16>}]} {
    %get3A = arith.constant 0 : index
    %get3A_0 = arith.constant 0 : index
    %get3A_1 = vector.load %arg1[%get3A, %get3A_0] : memref<256x32xf32, #tpu.memory_space<vmem>>, vector<256x32xf32>
    %convert_element_type3A = arith.truncf %get3A_1 : vector<256x32xf32> to vector<256x32xbf16>
    %mul3A = arith.mulf %get3A_1, %get3A_1 : vector<256x32xf32>
    %reduce_sum3A = arith.constant dense<0.000000e+00> : vector<256xf32>
    %reduce_sum3A_2 = vector.multi_reduction <add>, %mul3A, %reduce_sum3A [1] : vector<256x32xf32> to vector<256xf32>
    %broadcast_in_dim3A = vector.shape_cast %reduce_sum3A_2 : vector<256xf32> to vector<256x1xf32>
    %iota3A = tpu.iota {dimensions = array<i32: 1>} : vector<256x5120xi32>
    %broadcast_in_dim3A_3 = arith.constant 1.000000e+30 : f32
    %broadcast_in_dim3A_4 = vector.broadcast %broadcast_in_dim3A_3 : f32 to vector<256x16xf32>
    %broadcast_in_dim3A_5 = arith.constant 1073741823 : i32
    %broadcast_in_dim3A_6 = vector.broadcast %broadcast_in_dim3A_5 : i32 to vector<256x16xi32>
    %scan3A = arith.constant 0 : i32
    %scan3A_7 = arith.constant 2 : i32
    %scan3A_8 = arith.addi %scan3A, %scan3A_7 : i32
    %scan3A_9 = arith.constant 1 : i32
    %scan3A_10:2 = scf.for %scan3A_14 = %scan3A to %scan3A_8 step %scan3A_9 iter_args(%scan3A_15 = %broadcast_in_dim3A_4, %scan3A_16 = %broadcast_in_dim3A_6) -> (vector<256x16xf32>, vector<256x16xi32>)  : i32 {
      %mul3A_17 = arith.constant 5120 : i32
      %mul3A_18 = arith.muli %scan3A_14, %mul3A_17 : i32
      %get3A_19 = arith.index_cast %mul3A_18 : i32 to index
      %get3A_20 = arith.constant 0 : index
      %get3A_21 = vector.load %arg2[%get3A_19, %get3A_20] : memref<10240x32xf32, #tpu.memory_space<vmem>>, vector<5120x32xf32>
      %mul3A_22 = arith.mulf %get3A_21, %get3A_21 : vector<5120x32xf32>
      %reduce_sum3A_23 = arith.constant dense<0.000000e+00> : vector<5120xf32>
      %reduce_sum3A_24 = vector.multi_reduction <add>, %mul3A_22, %reduce_sum3A_23 [1] : vector<5120x32xf32> to vector<5120xf32>
      %convert_element_type3A_25 = arith.truncf %get3A_21 : vector<5120x32xf32> to vector<5120x32xbf16>
      %dot_general3A = arith.constant dense<0.000000e+00> : vector<256x5120xf32>
      %dot_general3A_26 = tpu.matmul %convert_element_type3A, %convert_element_type3A_25, %dot_general3A {dimension_numbers = #tpu.dot_dimension_numbers<[1], [1], [0], [0], [0, 0, 1, 0], [], []>, transpose_lhs_hint = false} : vector<256x32xbf16>, vector<5120x32xbf16>, vector<256x5120xf32> -> vector<256x5120xf32>
      %mul3A_27 = arith.constant 5120 : i32
      %mul3A_28 = arith.muli %scan3A_14, %mul3A_27 : i32
      %add3A = vector.broadcast %mul3A_28 : i32 to vector<256x5120xi32>
      %add3A_29 = arith.addi %iota3A, %add3A : vector<256x5120xi32>
      %broadcast_in_dim3A_30 = vector.shape_cast %reduce_sum3A_24 : vector<5120xf32> to vector<1x5120xf32>
      %add3A_31 = vector.broadcast %broadcast_in_dim3A : vector<256x1xf32> to vector<256x5120xf32>
      %add3A_32 = vector.broadcast %broadcast_in_dim3A_30 : vector<1x5120xf32> to vector<256x5120xf32>
      %add3A_33 = arith.addf %add3A_31, %add3A_32 : vector<256x5120xf32>
      %mul3A_34 = arith.constant 2.000000e+00 : f32
      %mul3A_35 = vector.broadcast %mul3A_34 : f32 to vector<256x5120xf32>
      %mul3A_36 = arith.mulf %mul3A_35, %dot_general3A_26 : vector<256x5120xf32>
      %sub3A = arith.subf %add3A_33, %mul3A_36 : vector<256x5120xf32>
      %lt3A = arith.constant 10000 : i32
      %lt3A_37 = vector.broadcast %lt3A : i32 to vector<256x5120xi32>
      %lt3A_38 = arith.cmpi slt, %add3A_29, %lt3A_37 : vector<256x5120xi32>
      %jit3A = arith.constant 1.000000e+30 : f32
      %broadcast_in_dim3A_39 = vector.broadcast %jit3A : f32 to vector<256x5120xf32>
      %select_n3A = arith.select %lt3A_38, %sub3A, %broadcast_in_dim3A_39 : vector<256x5120xi1>, vector<256x5120xf32>
      %concatenate3A = tpu.concatenate %select_n3A, %scan3A_15 in 1 : vector<256x5120xf32>, vector<256x16xf32> -> vector<256x5136xf32>
      %concatenate3A_40 = tpu.concatenate %add3A_29, %scan3A_16 in 1 : vector<256x5120xi32>, vector<256x16xi32> -> vector<256x5136xi32>
      %reduce_min3A = arith.constant dense<0x7F800000> : vector<256xf32>
      %reduce_min3A_41 = vector.multi_reduction <minimumf>, %concatenate3A, %reduce_min3A [1] : vector<256x5136xf32> to vector<256xf32>
      %broadcast_in_dim3A_42 = vector.shape_cast %reduce_min3A_41 : vector<256xf32> to vector<256x1xf32>
      %eq3A = vector.broadcast %broadcast_in_dim3A_42 : vector<256x1xf32> to vector<256x5136xf32>
      %eq3A_43 = arith.cmpf oeq, %concatenate3A, %eq3A : vector<256x5136xf32>
      %jit3A_44 = arith.constant 1073741823 : i32
      %broadcast_in_dim3A_45 = vector.broadcast %jit3A_44 : i32 to vector<256x5136xi32>
      %select_n3A_46 = arith.select %eq3A_43, %concatenate3A_40, %broadcast_in_dim3A_45 : vector<256x5136xi1>, vector<256x5136xi32>
      %reduce_min3A_47 = arith.constant dense<2147483647> : vector<256xi32>
      %reduce_min3A_48 = vector.multi_reduction <minsi>, %select_n3A_46, %reduce_min3A_47 [1] : vector<256x5136xi32> to vector<256xi32>
      %broadcast_in_dim3A_49 = vector.shape_cast %reduce_min3A_48 : vector<256xi32> to vector<256x1xi32>
      %eq3A_50 = vector.broadcast %broadcast_in_dim3A_49 : vector<256x1xi32> to vector<256x5136xi32>
      %eq3A_51 = arith.cmpi eq, %concatenate3A_40, %eq3A_50 : vector<256x5136xi32>
      %jit3A_52 = arith.constant 1.000000e+30 : f32
      %broadcast_in_dim3A_53 = vector.broadcast %jit3A_52 : f32 to vector<256x5136xf32>
      %select_n3A_54 = arith.select %eq3A_51, %broadcast_in_dim3A_53, %concatenate3A : vector<256x5136xi1>, vector<256x5136xf32>
      %reduce_min3A_55 = arith.constant dense<0x7F800000> : vector<256xf32>
      %reduce_min3A_56 = vector.multi_reduction <minimumf>, %select_n3A_54, %reduce_min3A_55 [1] : vector<256x5136xf32> to vector<256xf32>
      %broadcast_in_dim3A_57 = vector.shape_cast %reduce_min3A_56 : vector<256xf32> to vector<256x1xf32>
      %eq3A_58 = vector.broadcast %broadcast_in_dim3A_57 : vector<256x1xf32> to vector<256x5136xf32>
      %eq3A_59 = arith.cmpf oeq, %select_n3A_54, %eq3A_58 : vector<256x5136xf32>
      %jit3A_60 = arith.constant 1073741823 : i32
      %broadcast_in_dim3A_61 = vector.broadcast %jit3A_60 : i32 to vector<256x5136xi32>
      %select_n3A_62 = arith.select %eq3A_59, %concatenate3A_40, %broadcast_in_dim3A_61 : vector<256x5136xi1>, vector<256x5136xi32>
      %reduce_min3A_63 = arith.constant dense<2147483647> : vector<256xi32>
      %reduce_min3A_64 = vector.multi_reduction <minsi>, %select_n3A_62, %reduce_min3A_63 [1] : vector<256x5136xi32> to vector<256xi32>
      %broadcast_in_dim3A_65 = vector.shape_cast %reduce_min3A_64 : vector<256xi32> to vector<256x1xi32>
      %eq3A_66 = vector.broadcast %broadcast_in_dim3A_65 : vector<256x1xi32> to vector<256x5136xi32>
      %eq3A_67 = arith.cmpi eq, %concatenate3A_40, %eq3A_66 : vector<256x5136xi32>
      %jit3A_68 = arith.constant 1.000000e+30 : f32
      %broadcast_in_dim3A_69 = vector.broadcast %jit3A_68 : f32 to vector<256x5136xf32>
      %select_n3A_70 = arith.select %eq3A_67, %broadcast_in_dim3A_69, %select_n3A_54 : vector<256x5136xi1>, vector<256x5136xf32>
      %reduce_min3A_71 = arith.constant dense<0x7F800000> : vector<256xf32>
      %reduce_min3A_72 = vector.multi_reduction <minimumf>, %select_n3A_70, %reduce_min3A_71 [1] : vector<256x5136xf32> to vector<256xf32>
      %broadcast_in_dim3A_73 = vector.shape_cast %reduce_min3A_72 : vector<256xf32> to vector<256x1xf32>
      %eq3A_74 = vector.broadcast %broadcast_in_dim3A_73 : vector<256x1xf32> to vector<256x5136xf32>
      %eq3A_75 = arith.cmpf oeq, %select_n3A_70, %eq3A_74 : vector<256x5136xf32>
      %jit3A_76 = arith.constant 1073741823 : i32
      %broadcast_in_dim3A_77 = vector.broadcast %jit3A_76 : i32 to vector<256x5136xi32>
      %select_n3A_78 = arith.select %eq3A_75, %concatenate3A_40, %broadcast_in_dim3A_77 : vector<256x5136xi1>, vector<256x5136xi32>
      %reduce_min3A_79 = arith.constant dense<2147483647> : vector<256xi32>
      %reduce_min3A_80 = vector.multi_reduction <minsi>, %select_n3A_78, %reduce_min3A_79 [1] : vector<256x5136xi32> to vector<256xi32>
      %broadcast_in_dim3A_81 = vector.shape_cast %reduce_min3A_80 : vector<256xi32> to vector<256x1xi32>
      %eq3A_82 = vector.broadcast %broadcast_in_dim3A_81 : vector<256x1xi32> to vector<256x5136xi32>
      %eq3A_83 = arith.cmpi eq, %concatenate3A_40, %eq3A_82 : vector<256x5136xi32>
      %jit3A_84 = arith.constant 1.000000e+30 : f32
      %broadcast_in_dim3A_85 = vector.broadcast %jit3A_84 : f32 to vector<256x5136xf32>
      %select_n3A_86 = arith.select %eq3A_83, %broadcast_in_dim3A_85, %select_n3A_70 : vector<256x5136xi1>, vector<256x5136xf32>
      %reduce_min3A_87 = arith.constant dense<0x7F800000> : vector<256xf32>
      %reduce_min3A_88 = vector.multi_reduction <minimumf>, %select_n3A_86, %reduce_min3A_87 [1] : vector<256x5136xf32> to vector<256xf32>
      %broadcast_in_dim3A_89 = vector.shape_cast %reduce_min3A_88 : vector<256xf32> to vector<256x1xf32>
      %eq3A_90 = vector.broadcast %broadcast_in_dim3A_89 : vector<256x1xf32> to vector<256x5136xf32>
      %eq3A_91 = arith.cmpf oeq, %select_n3A_86, %eq3A_90 : vector<256x5136xf32>
      %jit3A_92 = arith.constant 1073741823 : i32
      %broadcast_in_dim3A_93 = vector.broadcast %jit3A_92 : i32 to vector<256x5136xi32>
      %select_n3A_94 = arith.select %eq3A_91, %concatenate3A_40, %broadcast_in_dim3A_93 : vector<256x5136xi1>, vector<256x5136xi32>
      %reduce_min3A_95 = arith.constant dense<2147483647> : vector<256xi32>
      %reduce_min3A_96 = vector.multi_reduction <minsi>, %select_n3A_94, %reduce_min3A_95 [1] : vector<256x5136xi32> to vector<256xi32>
      %broadcast_in_dim3A_97 = vector.shape_cast %reduce_min3A_96 : vector<256xi32> to vector<256x1xi32>
      %eq3A_98 = vector.broadcast %broadcast_in_dim3A_97 : vector<256x1xi32> to vector<256x5136xi32>
      %eq3A_99 = arith.cmpi eq, %concatenate3A_40, %eq3A_98 : vector<256x5136xi32>
      %jit3A_100 = arith.constant 1.000000e+30 : f32
      %broadcast_in_dim3A_101 = vector.broadcast %jit3A_100 : f32 to vector<256x5136xf32>
      %select_n3A_102 = arith.select %eq3A_99, %broadcast_in_dim3A_101, %select_n3A_86 : vector<256x5136xi1>, vector<256x5136xf32>
      %reduce_min3A_103 = arith.constant dense<0x7F800000> : vector<256xf32>
      %reduce_min3A_104 = vector.multi_reduction <minimumf>, %select_n3A_102, %reduce_min3A_103 [1] : vector<256x5136xf32> to vector<256xf32>
      %broadcast_in_dim3A_105 = vector.shape_cast %reduce_min3A_104 : vector<256xf32> to vector<256x1xf32>
      %eq3A_106 = vector.broadcast %broadcast_in_dim3A_105 : vector<256x1xf32> to vector<256x5136xf32>
      %eq3A_107 = arith.cmpf oeq, %select_n3A_102, %eq3A_106 : vector<256x5136xf32>
      %jit3A_108 = arith.constant 1073741823 : i32
      %broadcast_in_dim3A_109 = vector.broadcast %jit3A_108 : i32 to vector<256x5136xi32>
      %select_n3A_110 = arith.select %eq3A_107, %concatenate3A_40, %broadcast_in_dim3A_109 : vector<256x5136xi1>, vector<256x5136xi32>
      %reduce_min3A_111 = arith.constant dense<2147483647> : vector<256xi32>
      %reduce_min3A_112 = vector.multi_reduction <minsi>, %select_n3A_110, %reduce_min3A_111 [1] : vector<256x5136xi32> to vector<256xi32>
      %broadcast_in_dim3A_113 = vector.shape_cast %reduce_min3A_112 : vector<256xi32> to vector<256x1xi32>
      %eq3A_114 = vector.broadcast %broadcast_in_dim3A_113 : vector<256x1xi32> to vector<256x5136xi32>
      %eq3A_115 = arith.cmpi eq, %concatenate3A_40, %eq3A_114 : vector<256x5136xi32>
      %jit3A_116 = arith.constant 1.000000e+30 : f32
      %broadcast_in_dim3A_117 = vector.broadcast %jit3A_116 : f32 to vector<256x5136xf32>
      %select_n3A_118 = arith.select %eq3A_115, %broadcast_in_dim3A_117, %select_n3A_102 : vector<256x5136xi1>, vector<256x5136xf32>
      %reduce_min3A_119 = arith.constant dense<0x7F800000> : vector<256xf32>
      %reduce_min3A_120 = vector.multi_reduction <minimumf>, %select_n3A_118, %reduce_min3A_119 [1] : vector<256x5136xf32> to vector<256xf32>
      %broadcast_in_dim3A_121 = vector.shape_cast %reduce_min3A_120 : vector<256xf32> to vector<256x1xf32>
      %eq3A_122 = vector.broadcast %broadcast_in_dim3A_121 : vector<256x1xf32> to vector<256x5136xf32>
      %eq3A_123 = arith.cmpf oeq, %select_n3A_118, %eq3A_122 : vector<256x5136xf32>
      %jit3A_124 = arith.constant 1073741823 : i32
      %broadcast_in_dim3A_125 = vector.broadcast %jit3A_124 : i32 to vector<256x5136xi32>
      %select_n3A_126 = arith.select %eq3A_123, %concatenate3A_40, %broadcast_in_dim3A_125 : vector<256x5136xi1>, vector<256x5136xi32>
      %reduce_min3A_127 = arith.constant dense<2147483647> : vector<256xi32>
      %reduce_min3A_128 = vector.multi_reduction <minsi>, %select_n3A_126, %reduce_min3A_127 [1] : vector<256x5136xi32> to vector<256xi32>
      %broadcast_in_dim3A_129 = vector.shape_cast %reduce_min3A_128 : vector<256xi32> to vector<256x1xi32>
      %eq3A_130 = vector.broadcast %broadcast_in_dim3A_129 : vector<256x1xi32> to vector<256x5136xi32>
      %eq3A_131 = arith.cmpi eq, %concatenate3A_40, %eq3A_130 : vector<256x5136xi32>
      %jit3A_132 = arith.constant 1.000000e+30 : f32
      %broadcast_in_dim3A_133 = vector.broadcast %jit3A_132 : f32 to vector<256x5136xf32>
      %select_n3A_134 = arith.select %eq3A_131, %broadcast_in_dim3A_133, %select_n3A_118 : vector<256x5136xi1>, vector<256x5136xf32>
      %reduce_min3A_135 = arith.constant dense<0x7F800000> : vector<256xf32>
      %reduce_min3A_136 = vector.multi_reduction <minimumf>, %select_n3A_134, %reduce_min3A_135 [1] : vector<256x5136xf32> to vector<256xf32>
      %broadcast_in_dim3A_137 = vector.shape_cast %reduce_min3A_136 : vector<256xf32> to vector<256x1xf32>
      %eq3A_138 = vector.broadcast %broadcast_in_dim3A_137 : vector<256x1xf32> to vector<256x5136xf32>
      %eq3A_139 = arith.cmpf oeq, %select_n3A_134, %eq3A_138 : vector<256x5136xf32>
      %jit3A_140 = arith.constant 1073741823 : i32
      %broadcast_in_dim3A_141 = vector.broadcast %jit3A_140 : i32 to vector<256x5136xi32>
      %select_n3A_142 = arith.select %eq3A_139, %concatenate3A_40, %broadcast_in_dim3A_141 : vector<256x5136xi1>, vector<256x5136xi32>
      %reduce_min3A_143 = arith.constant dense<2147483647> : vector<256xi32>
      %reduce_min3A_144 = vector.multi_reduction <minsi>, %select_n3A_142, %reduce_min3A_143 [1] : vector<256x5136xi32> to vector<256xi32>
      %broadcast_in_dim3A_145 = vector.shape_cast %reduce_min3A_144 : vector<256xi32> to vector<256x1xi32>
      %eq3A_146 = vector.broadcast %broadcast_in_dim3A_145 : vector<256x1xi32> to vector<256x5136xi32>
      %eq3A_147 = arith.cmpi eq, %concatenate3A_40, %eq3A_146 : vector<256x5136xi32>
      %jit3A_148 = arith.constant 1.000000e+30 : f32
      %broadcast_in_dim3A_149 = vector.broadcast %jit3A_148 : f32 to vector<256x5136xf32>
      %select_n3A_150 = arith.select %eq3A_147, %broadcast_in_dim3A_149, %select_n3A_134 : vector<256x5136xi1>, vector<256x5136xf32>
      %reduce_min3A_151 = arith.constant dense<0x7F800000> : vector<256xf32>
      %reduce_min3A_152 = vector.multi_reduction <minimumf>, %select_n3A_150, %reduce_min3A_151 [1] : vector<256x5136xf32> to vector<256xf32>
      %broadcast_in_dim3A_153 = vector.shape_cast %reduce_min3A_152 : vector<256xf32> to vector<256x1xf32>
      %eq3A_154 = vector.broadcast %broadcast_in_dim3A_153 : vector<256x1xf32> to vector<256x5136xf32>
      %eq3A_155 = arith.cmpf oeq, %select_n3A_150, %eq3A_154 : vector<256x5136xf32>
      %jit3A_156 = arith.constant 1073741823 : i32
      %broadcast_in_dim3A_157 = vector.broadcast %jit3A_156 : i32 to vector<256x5136xi32>
      %select_n3A_158 = arith.select %eq3A_155, %concatenate3A_40, %broadcast_in_dim3A_157 : vector<256x5136xi1>, vector<256x5136xi32>
      %reduce_min3A_159 = arith.constant dense<2147483647> : vector<256xi32>
      %reduce_min3A_160 = vector.multi_reduction <minsi>, %select_n3A_158, %reduce_min3A_159 [1] : vector<256x5136xi32> to vector<256xi32>
      %broadcast_in_dim3A_161 = vector.shape_cast %reduce_min3A_160 : vector<256xi32> to vector<256x1xi32>
      %eq3A_162 = vector.broadcast %broadcast_in_dim3A_161 : vector<256x1xi32> to vector<256x5136xi32>
      %eq3A_163 = arith.cmpi eq, %concatenate3A_40, %eq3A_162 : vector<256x5136xi32>
      %jit3A_164 = arith.constant 1.000000e+30 : f32
      %broadcast_in_dim3A_165 = vector.broadcast %jit3A_164 : f32 to vector<256x5136xf32>
      %select_n3A_166 = arith.select %eq3A_163, %broadcast_in_dim3A_165, %select_n3A_150 : vector<256x5136xi1>, vector<256x5136xf32>
      %reduce_min3A_167 = arith.constant dense<0x7F800000> : vector<256xf32>
      %reduce_min3A_168 = vector.multi_reduction <minimumf>, %select_n3A_166, %reduce_min3A_167 [1] : vector<256x5136xf32> to vector<256xf32>
      %broadcast_in_dim3A_169 = vector.shape_cast %reduce_min3A_168 : vector<256xf32> to vector<256x1xf32>
      %eq3A_170 = vector.broadcast %broadcast_in_dim3A_169 : vector<256x1xf32> to vector<256x5136xf32>
      %eq3A_171 = arith.cmpf oeq, %select_n3A_166, %eq3A_170 : vector<256x5136xf32>
      %jit3A_172 = arith.constant 1073741823 : i32
      %broadcast_in_dim3A_173 = vector.broadcast %jit3A_172 : i32 to vector<256x5136xi32>
      %select_n3A_174 = arith.select %eq3A_171, %concatenate3A_40, %broadcast_in_dim3A_173 : vector<256x5136xi1>, vector<256x5136xi32>
      %reduce_min3A_175 = arith.constant dense<2147483647> : vector<256xi32>
      %reduce_min3A_176 = vector.multi_reduction <minsi>, %select_n3A_174, %reduce_min3A_175 [1] : vector<256x5136xi32> to vector<256xi32>
      %broadcast_in_dim3A_177 = vector.shape_cast %reduce_min3A_176 : vector<256xi32> to vector<256x1xi32>
      %eq3A_178 = vector.broadcast %broadcast_in_dim3A_177 : vector<256x1xi32> to vector<256x5136xi32>
      %eq3A_179 = arith.cmpi eq, %concatenate3A_40, %eq3A_178 : vector<256x5136xi32>
      %jit3A_180 = arith.constant 1.000000e+30 : f32
      %broadcast_in_dim3A_181 = vector.broadcast %jit3A_180 : f32 to vector<256x5136xf32>
      %select_n3A_182 = arith.select %eq3A_179, %broadcast_in_dim3A_181, %select_n3A_166 : vector<256x5136xi1>, vector<256x5136xf32>
      %reduce_min3A_183 = arith.constant dense<0x7F800000> : vector<256xf32>
      %reduce_min3A_184 = vector.multi_reduction <minimumf>, %select_n3A_182, %reduce_min3A_183 [1] : vector<256x5136xf32> to vector<256xf32>
      %broadcast_in_dim3A_185 = vector.shape_cast %reduce_min3A_184 : vector<256xf32> to vector<256x1xf32>
      %eq3A_186 = vector.broadcast %broadcast_in_dim3A_185 : vector<256x1xf32> to vector<256x5136xf32>
      %eq3A_187 = arith.cmpf oeq, %select_n3A_182, %eq3A_186 : vector<256x5136xf32>
      %jit3A_188 = arith.constant 1073741823 : i32
      %broadcast_in_dim3A_189 = vector.broadcast %jit3A_188 : i32 to vector<256x5136xi32>
      %select_n3A_190 = arith.select %eq3A_187, %concatenate3A_40, %broadcast_in_dim3A_189 : vector<256x5136xi1>, vector<256x5136xi32>
      %reduce_min3A_191 = arith.constant dense<2147483647> : vector<256xi32>
      %reduce_min3A_192 = vector.multi_reduction <minsi>, %select_n3A_190, %reduce_min3A_191 [1] : vector<256x5136xi32> to vector<256xi32>
      %broadcast_in_dim3A_193 = vector.shape_cast %reduce_min3A_192 : vector<256xi32> to vector<256x1xi32>
      %eq3A_194 = vector.broadcast %broadcast_in_dim3A_193 : vector<256x1xi32> to vector<256x5136xi32>
      %eq3A_195 = arith.cmpi eq, %concatenate3A_40, %eq3A_194 : vector<256x5136xi32>
      %jit3A_196 = arith.constant 1.000000e+30 : f32
      %broadcast_in_dim3A_197 = vector.broadcast %jit3A_196 : f32 to vector<256x5136xf32>
      %select_n3A_198 = arith.select %eq3A_195, %broadcast_in_dim3A_197, %select_n3A_182 : vector<256x5136xi1>, vector<256x5136xf32>
      %reduce_min3A_199 = arith.constant dense<0x7F800000> : vector<256xf32>
      %reduce_min3A_200 = vector.multi_reduction <minimumf>, %select_n3A_198, %reduce_min3A_199 [1] : vector<256x5136xf32> to vector<256xf32>
      %broadcast_in_dim3A_201 = vector.shape_cast %reduce_min3A_200 : vector<256xf32> to vector<256x1xf32>
      %eq3A_202 = vector.broadcast %broadcast_in_dim3A_201 : vector<256x1xf32> to vector<256x5136xf32>
      %eq3A_203 = arith.cmpf oeq, %select_n3A_198, %eq3A_202 : vector<256x5136xf32>
      %jit3A_204 = arith.constant 1073741823 : i32
      %broadcast_in_dim3A_205 = vector.broadcast %jit3A_204 : i32 to vector<256x5136xi32>
      %select_n3A_206 = arith.select %eq3A_203, %concatenate3A_40, %broadcast_in_dim3A_205 : vector<256x5136xi1>, vector<256x5136xi32>
      %reduce_min3A_207 = arith.constant dense<2147483647> : vector<256xi32>
      %reduce_min3A_208 = vector.multi_reduction <minsi>, %select_n3A_206, %reduce_min3A_207 [1] : vector<256x5136xi32> to vector<256xi32>
      %broadcast_in_dim3A_209 = vector.shape_cast %reduce_min3A_208 : vector<256xi32> to vector<256x1xi32>
      %eq3A_210 = vector.broadcast %broadcast_in_dim3A_209 : vector<256x1xi32> to vector<256x5136xi32>
      %eq3A_211 = arith.cmpi eq, %concatenate3A_40, %eq3A_210 : vector<256x5136xi32>
      %jit3A_212 = arith.constant 1.000000e+30 : f32
      %broadcast_in_dim3A_213 = vector.broadcast %jit3A_212 : f32 to vector<256x5136xf32>
      %select_n3A_214 = arith.select %eq3A_211, %broadcast_in_dim3A_213, %select_n3A_198 : vector<256x5136xi1>, vector<256x5136xf32>
      %reduce_min3A_215 = arith.constant dense<0x7F800000> : vector<256xf32>
      %reduce_min3A_216 = vector.multi_reduction <minimumf>, %select_n3A_214, %reduce_min3A_215 [1] : vector<256x5136xf32> to vector<256xf32>
      %broadcast_in_dim3A_217 = vector.shape_cast %reduce_min3A_216 : vector<256xf32> to vector<256x1xf32>
      %eq3A_218 = vector.broadcast %broadcast_in_dim3A_217 : vector<256x1xf32> to vector<256x5136xf32>
      %eq3A_219 = arith.cmpf oeq, %select_n3A_214, %eq3A_218 : vector<256x5136xf32>
      %jit3A_220 = arith.constant 1073741823 : i32
      %broadcast_in_dim3A_221 = vector.broadcast %jit3A_220 : i32 to vector<256x5136xi32>
      %select_n3A_222 = arith.select %eq3A_219, %concatenate3A_40, %broadcast_in_dim3A_221 : vector<256x5136xi1>, vector<256x5136xi32>
      %reduce_min3A_223 = arith.constant dense<2147483647> : vector<256xi32>
      %reduce_min3A_224 = vector.multi_reduction <minsi>, %select_n3A_222, %reduce_min3A_223 [1] : vector<256x5136xi32> to vector<256xi32>
      %broadcast_in_dim3A_225 = vector.shape_cast %reduce_min3A_224 : vector<256xi32> to vector<256x1xi32>
      %eq3A_226 = vector.broadcast %broadcast_in_dim3A_225 : vector<256x1xi32> to vector<256x5136xi32>
      %eq3A_227 = arith.cmpi eq, %concatenate3A_40, %eq3A_226 : vector<256x5136xi32>
      %jit3A_228 = arith.constant 1.000000e+30 : f32
      %broadcast_in_dim3A_229 = vector.broadcast %jit3A_228 : f32 to vector<256x5136xf32>
      %select_n3A_230 = arith.select %eq3A_227, %broadcast_in_dim3A_229, %select_n3A_214 : vector<256x5136xi1>, vector<256x5136xf32>
      %reduce_min3A_231 = arith.constant dense<0x7F800000> : vector<256xf32>
      %reduce_min3A_232 = vector.multi_reduction <minimumf>, %select_n3A_230, %reduce_min3A_231 [1] : vector<256x5136xf32> to vector<256xf32>
      %broadcast_in_dim3A_233 = vector.shape_cast %reduce_min3A_232 : vector<256xf32> to vector<256x1xf32>
      %eq3A_234 = vector.broadcast %broadcast_in_dim3A_233 : vector<256x1xf32> to vector<256x5136xf32>
      %eq3A_235 = arith.cmpf oeq, %select_n3A_230, %eq3A_234 : vector<256x5136xf32>
      %jit3A_236 = arith.constant 1073741823 : i32
      %broadcast_in_dim3A_237 = vector.broadcast %jit3A_236 : i32 to vector<256x5136xi32>
      %select_n3A_238 = arith.select %eq3A_235, %concatenate3A_40, %broadcast_in_dim3A_237 : vector<256x5136xi1>, vector<256x5136xi32>
      %reduce_min3A_239 = arith.constant dense<2147483647> : vector<256xi32>
      %reduce_min3A_240 = vector.multi_reduction <minsi>, %select_n3A_238, %reduce_min3A_239 [1] : vector<256x5136xi32> to vector<256xi32>
      %broadcast_in_dim3A_241 = vector.shape_cast %reduce_min3A_240 : vector<256xi32> to vector<256x1xi32>
      %eq3A_242 = vector.broadcast %broadcast_in_dim3A_241 : vector<256x1xi32> to vector<256x5136xi32>
      %eq3A_243 = arith.cmpi eq, %concatenate3A_40, %eq3A_242 : vector<256x5136xi32>
      %jit3A_244 = arith.constant 1.000000e+30 : f32
      %broadcast_in_dim3A_245 = vector.broadcast %jit3A_244 : f32 to vector<256x5136xf32>
      %select_n3A_246 = arith.select %eq3A_243, %broadcast_in_dim3A_245, %select_n3A_230 : vector<256x5136xi1>, vector<256x5136xf32>
      %reduce_min3A_247 = arith.constant dense<0x7F800000> : vector<256xf32>
      %reduce_min3A_248 = vector.multi_reduction <minimumf>, %select_n3A_246, %reduce_min3A_247 [1] : vector<256x5136xf32> to vector<256xf32>
      %broadcast_in_dim3A_249 = vector.shape_cast %reduce_min3A_248 : vector<256xf32> to vector<256x1xf32>
      %eq3A_250 = vector.broadcast %broadcast_in_dim3A_249 : vector<256x1xf32> to vector<256x5136xf32>
      %eq3A_251 = arith.cmpf oeq, %select_n3A_246, %eq3A_250 : vector<256x5136xf32>
      %jit3A_252 = arith.constant 1073741823 : i32
      %broadcast_in_dim3A_253 = vector.broadcast %jit3A_252 : i32 to vector<256x5136xi32>
      %select_n3A_254 = arith.select %eq3A_251, %concatenate3A_40, %broadcast_in_dim3A_253 : vector<256x5136xi1>, vector<256x5136xi32>
      %reduce_min3A_255 = arith.constant dense<2147483647> : vector<256xi32>
      %reduce_min3A_256 = vector.multi_reduction <minsi>, %select_n3A_254, %reduce_min3A_255 [1] : vector<256x5136xi32> to vector<256xi32>
      %broadcast_in_dim3A_257 = vector.shape_cast %reduce_min3A_256 : vector<256xi32> to vector<256x1xi32>
      %eq3A_258 = vector.broadcast %broadcast_in_dim3A_257 : vector<256x1xi32> to vector<256x5136xi32>
      %eq3A_259 = arith.cmpi eq, %concatenate3A_40, %eq3A_258 : vector<256x5136xi32>
      %jit3A_260 = arith.constant 1.000000e+30 : f32
      %broadcast_in_dim3A_261 = vector.broadcast %jit3A_260 : f32 to vector<256x5136xf32>
      %select_n3A_262 = arith.select %eq3A_259, %broadcast_in_dim3A_261, %select_n3A_246 : vector<256x5136xi1>, vector<256x5136xf32>
      %reduce_min3A_263 = arith.constant dense<0x7F800000> : vector<256xf32>
      %reduce_min3A_264 = vector.multi_reduction <minimumf>, %select_n3A_262, %reduce_min3A_263 [1] : vector<256x5136xf32> to vector<256xf32>
      %broadcast_in_dim3A_265 = vector.shape_cast %reduce_min3A_264 : vector<256xf32> to vector<256x1xf32>
      %eq3A_266 = vector.broadcast %broadcast_in_dim3A_265 : vector<256x1xf32> to vector<256x5136xf32>
      %eq3A_267 = arith.cmpf oeq, %select_n3A_262, %eq3A_266 : vector<256x5136xf32>
      %jit3A_268 = arith.constant 1073741823 : i32
      %broadcast_in_dim3A_269 = vector.broadcast %jit3A_268 : i32 to vector<256x5136xi32>
      %select_n3A_270 = arith.select %eq3A_267, %concatenate3A_40, %broadcast_in_dim3A_269 : vector<256x5136xi1>, vector<256x5136xi32>
      %reduce_min3A_271 = arith.constant dense<2147483647> : vector<256xi32>
      %reduce_min3A_272 = vector.multi_reduction <minsi>, %select_n3A_270, %reduce_min3A_271 [1] : vector<256x5136xi32> to vector<256xi32>
      %broadcast_in_dim3A_273 = vector.shape_cast %reduce_min3A_272 : vector<256xi32> to vector<256x1xi32>
      %eq3A_274 = vector.broadcast %broadcast_in_dim3A_273 : vector<256x1xi32> to vector<256x5136xi32>
      %eq3A_275 = arith.cmpi eq, %concatenate3A_40, %eq3A_274 : vector<256x5136xi32>
      %jit3A_276 = arith.constant 1.000000e+30 : f32
      %broadcast_in_dim3A_277 = vector.broadcast %jit3A_276 : f32 to vector<256x5136xf32>
      %select_n3A_278 = arith.select %eq3A_275, %broadcast_in_dim3A_277, %select_n3A_262 : vector<256x5136xi1>, vector<256x5136xf32>
      %reduce_min3A_279 = arith.constant dense<0x7F800000> : vector<256xf32>
      %reduce_min3A_280 = vector.multi_reduction <minimumf>, %select_n3A_278, %reduce_min3A_279 [1] : vector<256x5136xf32> to vector<256xf32>
      %broadcast_in_dim3A_281 = vector.shape_cast %reduce_min3A_280 : vector<256xf32> to vector<256x1xf32>
      %eq3A_282 = vector.broadcast %broadcast_in_dim3A_281 : vector<256x1xf32> to vector<256x5136xf32>
      %eq3A_283 = arith.cmpf oeq, %select_n3A_278, %eq3A_282 : vector<256x5136xf32>
      %jit3A_284 = arith.constant 1073741823 : i32
      %broadcast_in_dim3A_285 = vector.broadcast %jit3A_284 : i32 to vector<256x5136xi32>
      %select_n3A_286 = arith.select %eq3A_283, %concatenate3A_40, %broadcast_in_dim3A_285 : vector<256x5136xi1>, vector<256x5136xi32>
      %reduce_min3A_287 = arith.constant dense<2147483647> : vector<256xi32>
      %reduce_min3A_288 = vector.multi_reduction <minsi>, %select_n3A_286, %reduce_min3A_287 [1] : vector<256x5136xi32> to vector<256xi32>
      %broadcast_in_dim3A_289 = vector.shape_cast %reduce_min3A_288 : vector<256xi32> to vector<256x1xi32>
      %concatenate3A_290 = tpu.concatenate %broadcast_in_dim3A_42, %broadcast_in_dim3A_57, %broadcast_in_dim3A_73, %broadcast_in_dim3A_89, %broadcast_in_dim3A_105, %broadcast_in_dim3A_121, %broadcast_in_dim3A_137, %broadcast_in_dim3A_153, %broadcast_in_dim3A_169, %broadcast_in_dim3A_185, %broadcast_in_dim3A_201, %broadcast_in_dim3A_217, %broadcast_in_dim3A_233, %broadcast_in_dim3A_249, %broadcast_in_dim3A_265, %broadcast_in_dim3A_281 in 1 : vector<256x1xf32>, vector<256x1xf32>, vector<256x1xf32>, vector<256x1xf32>, vector<256x1xf32>, vector<256x1xf32>, vector<256x1xf32>, vector<256x1xf32>, vector<256x1xf32>, vector<256x1xf32>, vector<256x1xf32>, vector<256x1xf32>, vector<256x1xf32>, vector<256x1xf32>, vector<256x1xf32>, vector<256x1xf32> -> vector<256x16xf32>
      %concatenate3A_291 = tpu.concatenate %broadcast_in_dim3A_49, %broadcast_in_dim3A_65, %broadcast_in_dim3A_81, %broadcast_in_dim3A_97, %broadcast_in_dim3A_113, %broadcast_in_dim3A_129, %broadcast_in_dim3A_145, %broadcast_in_dim3A_161, %broadcast_in_dim3A_177, %broadcast_in_dim3A_193, %broadcast_in_dim3A_209, %broadcast_in_dim3A_225, %broadcast_in_dim3A_241, %broadcast_in_dim3A_257, %broadcast_in_dim3A_273, %broadcast_in_dim3A_289 in 1 : vector<256x1xi32>, vector<256x1xi32>, vector<256x1xi32>, vector<256x1xi32>, vector<256x1xi32>, vector<256x1xi32>, vector<256x1xi32>, vector<256x1xi32>, vector<256x1xi32>, vector<256x1xi32>, vector<256x1xi32>, vector<256x1xi32>, vector<256x1xi32>, vector<256x1xi32>, vector<256x1xi32>, vector<256x1xi32> -> vector<256x16xi32>
      scf.yield %concatenate3A_290, %concatenate3A_291 : vector<256x16xf32>, vector<256x16xi32>
    }
    %scan3A_11 = arith.constant 2 : i32
    %swap3A = arith.constant 0 : index
    %swap3A_12 = arith.constant 0 : index
    %swap3A_13 = vector.load %arg3[%swap3A, %swap3A_12] : memref<256x16xi32, #tpu.memory_space<vmem>>, vector<256x16xi32>
    tpu.vector_store %arg3[%swap3A, %swap3A_12], %scan3A_10#1 {strides = array<i32>} : memref<256x16xi32, #tpu.memory_space<vmem>>, vector<256x16xi32>,
    return
  }
  func.func @transform_0(%arg0: i32) -> (i32, i32) {
    %c0_i32 = arith.constant 0 : i32
    %c0_i32_0 = arith.constant 0 : i32
    return %arg0, %c0_i32 : i32, i32
  }
  func.func @transform_1(%arg0: i32) -> (i32, i32) {
    %c0_i32 = arith.constant 0 : i32
    %c0_i32_0 = arith.constant 0 : i32
    %c0_i32_1 = arith.constant 0 : i32
    return %c0_i32, %c0_i32_0 : i32, i32
  }
  func.func @transform_2(%arg0: i32) -> (i32, i32) {
    %c0_i32 = arith.constant 0 : i32
    %c0_i32_0 = arith.constant 0 : i32
    return %arg0, %c0_i32 : i32, i32
  }
}

module attributes {stable_mosaic.version = 14 : i64} {
  func.func @_msg_max_body(%arg0: i32, %arg1: memref<400x32xf32, #tpu.memory_space<vmem>>, %arg2: memref<400x16x32xf32, #tpu.memory_space<vmem>>, %arg3: memref<32x16xf32, #tpu.memory_space<vmem>>, %arg4: memref<32x16xf32, #tpu.memory_space<vmem>>, %arg5: memref<1x16xf32, #tpu.memory_space<vmem>>, %arg6: memref<16x8xf32, #tpu.memory_space<vmem>>, %arg7: memref<1x8xf32, #tpu.memory_space<vmem>>, %arg8: memref<400x16xf32, #tpu.memory_space<vmem>>) attributes {dimension_semantics = [#tpu.dimension_semantics<arbitrary>], iteration_bounds = array<i64: 25>, scalar_prefetch = 0 : i64, scratch_operands = 0 : i64, tpu.core_type = #tpu.core_type<tc>, window_params = [{transform_indices = @transform_0, window_bounds = array<i64: 400, 32>}, {transform_indices = @transform_1, window_bounds = array<i64: 400, 16, 32>}, {pipeline_mode = #tpu.pipeline_mode<synchronous>, transform_indices = @transform_2, window_bounds = array<i64: 32, 16>}, {pipeline_mode = #tpu.pipeline_mode<synchronous>, transform_indices = @transform_3, window_bounds = array<i64: 32, 16>}, {pipeline_mode = #tpu.pipeline_mode<synchronous>, transform_indices = @transform_4, window_bounds = array<i64: 1, 16>}, {pipeline_mode = #tpu.pipeline_mode<synchronous>, transform_indices = @transform_5, window_bounds = array<i64: 16, 8>}, {pipeline_mode = #tpu.pipeline_mode<synchronous>, transform_indices = @transform_6, window_bounds = array<i64: 1, 8>}, {transform_indices = @transform_7, window_bounds = array<i64: 400, 16>}]} {
    %get3A = arith.constant 0 : index
    %get3A_0 = arith.constant 0 : index
    %get3A_1 = vector.load %arg1[%get3A, %get3A_0] : memref<400x32xf32, #tpu.memory_space<vmem>>, vector<400x32xf32>
    %get3A_2 = arith.constant 0 : index
    %get3A_3 = arith.constant 0 : index
    %get3A_4 = vector.load %arg4[%get3A_2, %get3A_3] : memref<32x16xf32, #tpu.memory_space<vmem>>, vector<32x16xf32>
    %convert_element_type3A = arith.truncf %get3A_4 : vector<32x16xf32> to vector<32x16xbf16>
    %get3A_5 = arith.constant 0 : index
    %get3A_6 = arith.constant 0 : index
    %get3A_7 = vector.load %arg6[%get3A_5, %get3A_6] : memref<16x8xf32, #tpu.memory_space<vmem>>, vector<16x8xf32>
    %convert_element_type3A_8 = arith.truncf %get3A_7 : vector<16x8xf32> to vector<16x8xbf16>
    %get3A_9 = arith.constant 0 : index
    %get3A_10 = arith.constant 0 : index
    %get3A_11 = vector.load %arg3[%get3A_9, %get3A_10] : memref<32x16xf32, #tpu.memory_space<vmem>>, vector<32x16xf32>
    %convert_element_type3A_12 = arith.truncf %get3A_1 : vector<400x32xf32> to vector<400x32xbf16>
    %convert_element_type3A_13 = arith.truncf %get3A_11 : vector<32x16xf32> to vector<32x16xbf16>
    %dot_general3A = arith.constant dense<0.000000e+00> : vector<400x16xf32>
    %dot_general3A_14 = tpu.matmul %convert_element_type3A_12, %convert_element_type3A_13, %dot_general3A {dimension_numbers = #tpu.dot_dimension_numbers<[1], [0], [0], [1], [0, 0, 1, 1], [], []>, transpose_lhs_hint = false} : vector<400x32xbf16>, vector<32x16xbf16>, vector<400x16xf32> -> vector<400x16xf32>
    %get3A_15 = arith.constant 0 : index
    %get3A_16 = arith.constant 0 : index
    %get3A_17 = vector.load %arg5[%get3A_15, %get3A_16] : memref<1x16xf32, #tpu.memory_space<vmem>>, vector<1x16xf32>
    %add3A = vector.broadcast %get3A_17 : vector<1x16xf32> to vector<400x16xf32>
    %add3A_18 = arith.addf %dot_general3A_14, %add3A : vector<400x16xf32>
    %get3A_19 = arith.constant 0 : index
    %get3A_20 = arith.constant 0 : index
    %get3A_21 = arith.constant 0 : index
    %get3A_22 = vector.load %arg2[%get3A_19, %get3A_20, %get3A_21] : memref<400x16x32xf32, #tpu.memory_space<vmem>>, vector<400x1x32xf32>
    %get3A_23 = vector.shape_cast %get3A_22 : vector<400x1x32xf32> to vector<400x32xf32>
    %sub3A = arith.subf %get3A_23, %get3A_1 : vector<400x32xf32>
    %convert_element_type3A_24 = arith.truncf %sub3A : vector<400x32xf32> to vector<400x32xbf16>
    %dot_general3A_25 = arith.constant dense<0.000000e+00> : vector<400x16xf32>
    %dot_general3A_26 = tpu.matmul %convert_element_type3A_24, %convert_element_type3A, %dot_general3A_25 {dimension_numbers = #tpu.dot_dimension_numbers<[1], [0], [0], [1], [0, 0, 1, 1], [], []>, transpose_lhs_hint = false} : vector<400x32xbf16>, vector<32x16xbf16>, vector<400x16xf32> -> vector<400x16xf32>
    %add3A_27 = arith.addf %dot_general3A_26, %add3A_18 : vector<400x16xf32>
    %max3A = arith.constant 0.000000e+00 : f32
    %max3A_28 = vector.broadcast %max3A : f32 to vector<400x16xf32>
    %max3A_29 = arith.maximumf %add3A_27, %max3A_28 : vector<400x16xf32>
    %convert_element_type3A_30 = arith.truncf %max3A_29 : vector<400x16xf32> to vector<400x16xbf16>
    %dot_general3A_31 = arith.constant dense<0.000000e+00> : vector<400x8xf32>
    %dot_general3A_32 = tpu.matmul %convert_element_type3A_30, %convert_element_type3A_8, %dot_general3A_31 {dimension_numbers = #tpu.dot_dimension_numbers<[1], [0], [0], [1], [0, 0, 1, 1], [], []>, transpose_lhs_hint = false} : vector<400x16xbf16>, vector<16x8xbf16>, vector<400x8xf32> -> vector<400x8xf32>
    %get3A_33 = arith.constant 0 : index
    %get3A_34 = arith.constant 1 : index
    %get3A_35 = arith.constant 0 : index
    %get3A_36 = vector.load %arg2[%get3A_33, %get3A_34, %get3A_35] : memref<400x16x32xf32, #tpu.memory_space<vmem>>, vector<400x1x32xf32>
    %get3A_37 = vector.shape_cast %get3A_36 : vector<400x1x32xf32> to vector<400x32xf32>
    %sub3A_38 = arith.subf %get3A_37, %get3A_1 : vector<400x32xf32>
    %convert_element_type3A_39 = arith.truncf %sub3A_38 : vector<400x32xf32> to vector<400x32xbf16>
    %dot_general3A_40 = arith.constant dense<0.000000e+00> : vector<400x16xf32>
    %dot_general3A_41 = tpu.matmul %convert_element_type3A_39, %convert_element_type3A, %dot_general3A_40 {dimension_numbers = #tpu.dot_dimension_numbers<[1], [0], [0], [1], [0, 0, 1, 1], [], []>, transpose_lhs_hint = false} : vector<400x32xbf16>, vector<32x16xbf16>, vector<400x16xf32> -> vector<400x16xf32>
    %add3A_42 = arith.addf %dot_general3A_41, %add3A_18 : vector<400x16xf32>
    %max3A_43 = arith.constant 0.000000e+00 : f32
    %max3A_44 = vector.broadcast %max3A_43 : f32 to vector<400x16xf32>
    %max3A_45 = arith.maximumf %add3A_42, %max3A_44 : vector<400x16xf32>
    %convert_element_type3A_46 = arith.truncf %max3A_45 : vector<400x16xf32> to vector<400x16xbf16>
    %dot_general3A_47 = arith.constant dense<0.000000e+00> : vector<400x8xf32>
    %dot_general3A_48 = tpu.matmul %convert_element_type3A_46, %convert_element_type3A_8, %dot_general3A_47 {dimension_numbers = #tpu.dot_dimension_numbers<[1], [0], [0], [1], [0, 0, 1, 1], [], []>, transpose_lhs_hint = false} : vector<400x16xbf16>, vector<16x8xbf16>, vector<400x8xf32> -> vector<400x8xf32>
    %max3A_49 = arith.maximumf %dot_general3A_32, %dot_general3A_48 : vector<400x8xf32>
    %get3A_50 = arith.constant 0 : index
    %get3A_51 = arith.constant 2 : index
    %get3A_52 = arith.constant 0 : index
    %get3A_53 = vector.load %arg2[%get3A_50, %get3A_51, %get3A_52] : memref<400x16x32xf32, #tpu.memory_space<vmem>>, vector<400x1x32xf32>
    %get3A_54 = vector.shape_cast %get3A_53 : vector<400x1x32xf32> to vector<400x32xf32>
    %sub3A_55 = arith.subf %get3A_54, %get3A_1 : vector<400x32xf32>
    %convert_element_type3A_56 = arith.truncf %sub3A_55 : vector<400x32xf32> to vector<400x32xbf16>
    %dot_general3A_57 = arith.constant dense<0.000000e+00> : vector<400x16xf32>
    %dot_general3A_58 = tpu.matmul %convert_element_type3A_56, %convert_element_type3A, %dot_general3A_57 {dimension_numbers = #tpu.dot_dimension_numbers<[1], [0], [0], [1], [0, 0, 1, 1], [], []>, transpose_lhs_hint = false} : vector<400x32xbf16>, vector<32x16xbf16>, vector<400x16xf32> -> vector<400x16xf32>
    %add3A_59 = arith.addf %dot_general3A_58, %add3A_18 : vector<400x16xf32>
    %max3A_60 = arith.constant 0.000000e+00 : f32
    %max3A_61 = vector.broadcast %max3A_60 : f32 to vector<400x16xf32>
    %max3A_62 = arith.maximumf %add3A_59, %max3A_61 : vector<400x16xf32>
    %convert_element_type3A_63 = arith.truncf %max3A_62 : vector<400x16xf32> to vector<400x16xbf16>
    %dot_general3A_64 = arith.constant dense<0.000000e+00> : vector<400x8xf32>
    %dot_general3A_65 = tpu.matmul %convert_element_type3A_63, %convert_element_type3A_8, %dot_general3A_64 {dimension_numbers = #tpu.dot_dimension_numbers<[1], [0], [0], [1], [0, 0, 1, 1], [], []>, transpose_lhs_hint = false} : vector<400x16xbf16>, vector<16x8xbf16>, vector<400x8xf32> -> vector<400x8xf32>
    %max3A_66 = arith.maximumf %max3A_49, %dot_general3A_65 : vector<400x8xf32>
    %get3A_67 = arith.constant 0 : index
    %get3A_68 = arith.constant 3 : index
    %get3A_69 = arith.constant 0 : index
    %get3A_70 = vector.load %arg2[%get3A_67, %get3A_68, %get3A_69] : memref<400x16x32xf32, #tpu.memory_space<vmem>>, vector<400x1x32xf32>
    %get3A_71 = vector.shape_cast %get3A_70 : vector<400x1x32xf32> to vector<400x32xf32>
    %sub3A_72 = arith.subf %get3A_71, %get3A_1 : vector<400x32xf32>
    %convert_element_type3A_73 = arith.truncf %sub3A_72 : vector<400x32xf32> to vector<400x32xbf16>
    %dot_general3A_74 = arith.constant dense<0.000000e+00> : vector<400x16xf32>
    %dot_general3A_75 = tpu.matmul %convert_element_type3A_73, %convert_element_type3A, %dot_general3A_74 {dimension_numbers = #tpu.dot_dimension_numbers<[1], [0], [0], [1], [0, 0, 1, 1], [], []>, transpose_lhs_hint = false} : vector<400x32xbf16>, vector<32x16xbf16>, vector<400x16xf32> -> vector<400x16xf32>
    %add3A_76 = arith.addf %dot_general3A_75, %add3A_18 : vector<400x16xf32>
    %max3A_77 = arith.constant 0.000000e+00 : f32
    %max3A_78 = vector.broadcast %max3A_77 : f32 to vector<400x16xf32>
    %max3A_79 = arith.maximumf %add3A_76, %max3A_78 : vector<400x16xf32>
    %convert_element_type3A_80 = arith.truncf %max3A_79 : vector<400x16xf32> to vector<400x16xbf16>
    %dot_general3A_81 = arith.constant dense<0.000000e+00> : vector<400x8xf32>
    %dot_general3A_82 = tpu.matmul %convert_element_type3A_80, %convert_element_type3A_8, %dot_general3A_81 {dimension_numbers = #tpu.dot_dimension_numbers<[1], [0], [0], [1], [0, 0, 1, 1], [], []>, transpose_lhs_hint = false} : vector<400x16xbf16>, vector<16x8xbf16>, vector<400x8xf32> -> vector<400x8xf32>
    %max3A_83 = arith.maximumf %max3A_66, %dot_general3A_82 : vector<400x8xf32>
    %get3A_84 = arith.constant 0 : index
    %get3A_85 = arith.constant 4 : index
    %get3A_86 = arith.constant 0 : index
    %get3A_87 = vector.load %arg2[%get3A_84, %get3A_85, %get3A_86] : memref<400x16x32xf32, #tpu.memory_space<vmem>>, vector<400x1x32xf32>
    %get3A_88 = vector.shape_cast %get3A_87 : vector<400x1x32xf32> to vector<400x32xf32>
    %sub3A_89 = arith.subf %get3A_88, %get3A_1 : vector<400x32xf32>
    %convert_element_type3A_90 = arith.truncf %sub3A_89 : vector<400x32xf32> to vector<400x32xbf16>
    %dot_general3A_91 = arith.constant dense<0.000000e+00> : vector<400x16xf32>
    %dot_general3A_92 = tpu.matmul %convert_element_type3A_90, %convert_element_type3A, %dot_general3A_91 {dimension_numbers = #tpu.dot_dimension_numbers<[1], [0], [0], [1], [0, 0, 1, 1], [], []>, transpose_lhs_hint = false} : vector<400x32xbf16>, vector<32x16xbf16>, vector<400x16xf32> -> vector<400x16xf32>
    %add3A_93 = arith.addf %dot_general3A_92, %add3A_18 : vector<400x16xf32>
    %max3A_94 = arith.constant 0.000000e+00 : f32
    %max3A_95 = vector.broadcast %max3A_94 : f32 to vector<400x16xf32>
    %max3A_96 = arith.maximumf %add3A_93, %max3A_95 : vector<400x16xf32>
    %convert_element_type3A_97 = arith.truncf %max3A_96 : vector<400x16xf32> to vector<400x16xbf16>
    %dot_general3A_98 = arith.constant dense<0.000000e+00> : vector<400x8xf32>
    %dot_general3A_99 = tpu.matmul %convert_element_type3A_97, %convert_element_type3A_8, %dot_general3A_98 {dimension_numbers = #tpu.dot_dimension_numbers<[1], [0], [0], [1], [0, 0, 1, 1], [], []>, transpose_lhs_hint = false} : vector<400x16xbf16>, vector<16x8xbf16>, vector<400x8xf32> -> vector<400x8xf32>
    %max3A_100 = arith.maximumf %max3A_83, %dot_general3A_99 : vector<400x8xf32>
    %get3A_101 = arith.constant 0 : index
    %get3A_102 = arith.constant 5 : index
    %get3A_103 = arith.constant 0 : index
    %get3A_104 = vector.load %arg2[%get3A_101, %get3A_102, %get3A_103] : memref<400x16x32xf32, #tpu.memory_space<vmem>>, vector<400x1x32xf32>
    %get3A_105 = vector.shape_cast %get3A_104 : vector<400x1x32xf32> to vector<400x32xf32>
    %sub3A_106 = arith.subf %get3A_105, %get3A_1 : vector<400x32xf32>
    %convert_element_type3A_107 = arith.truncf %sub3A_106 : vector<400x32xf32> to vector<400x32xbf16>
    %dot_general3A_108 = arith.constant dense<0.000000e+00> : vector<400x16xf32>
    %dot_general3A_109 = tpu.matmul %convert_element_type3A_107, %convert_element_type3A, %dot_general3A_108 {dimension_numbers = #tpu.dot_dimension_numbers<[1], [0], [0], [1], [0, 0, 1, 1], [], []>, transpose_lhs_hint = false} : vector<400x32xbf16>, vector<32x16xbf16>, vector<400x16xf32> -> vector<400x16xf32>
    %add3A_110 = arith.addf %dot_general3A_109, %add3A_18 : vector<400x16xf32>
    %max3A_111 = arith.constant 0.000000e+00 : f32
    %max3A_112 = vector.broadcast %max3A_111 : f32 to vector<400x16xf32>
    %max3A_113 = arith.maximumf %add3A_110, %max3A_112 : vector<400x16xf32>
    %convert_element_type3A_114 = arith.truncf %max3A_113 : vector<400x16xf32> to vector<400x16xbf16>
    %dot_general3A_115 = arith.constant dense<0.000000e+00> : vector<400x8xf32>
    %dot_general3A_116 = tpu.matmul %convert_element_type3A_114, %convert_element_type3A_8, %dot_general3A_115 {dimension_numbers = #tpu.dot_dimension_numbers<[1], [0], [0], [1], [0, 0, 1, 1], [], []>, transpose_lhs_hint = false} : vector<400x16xbf16>, vector<16x8xbf16>, vector<400x8xf32> -> vector<400x8xf32>
    %max3A_117 = arith.maximumf %max3A_100, %dot_general3A_116 : vector<400x8xf32>
    %get3A_118 = arith.constant 0 : index
    %get3A_119 = arith.constant 6 : index
    %get3A_120 = arith.constant 0 : index
    %get3A_121 = vector.load %arg2[%get3A_118, %get3A_119, %get3A_120] : memref<400x16x32xf32, #tpu.memory_space<vmem>>, vector<400x1x32xf32>
    %get3A_122 = vector.shape_cast %get3A_121 : vector<400x1x32xf32> to vector<400x32xf32>
    %sub3A_123 = arith.subf %get3A_122, %get3A_1 : vector<400x32xf32>
    %convert_element_type3A_124 = arith.truncf %sub3A_123 : vector<400x32xf32> to vector<400x32xbf16>
    %dot_general3A_125 = arith.constant dense<0.000000e+00> : vector<400x16xf32>
    %dot_general3A_126 = tpu.matmul %convert_element_type3A_124, %convert_element_type3A, %dot_general3A_125 {dimension_numbers = #tpu.dot_dimension_numbers<[1], [0], [0], [1], [0, 0, 1, 1], [], []>, transpose_lhs_hint = false} : vector<400x32xbf16>, vector<32x16xbf16>, vector<400x16xf32> -> vector<400x16xf32>
    %add3A_127 = arith.addf %dot_general3A_126, %add3A_18 : vector<400x16xf32>
    %max3A_128 = arith.constant 0.000000e+00 : f32
    %max3A_129 = vector.broadcast %max3A_128 : f32 to vector<400x16xf32>
    %max3A_130 = arith.maximumf %add3A_127, %max3A_129 : vector<400x16xf32>
    %convert_element_type3A_131 = arith.truncf %max3A_130 : vector<400x16xf32> to vector<400x16xbf16>
    %dot_general3A_132 = arith.constant dense<0.000000e+00> : vector<400x8xf32>
    %dot_general3A_133 = tpu.matmul %convert_element_type3A_131, %convert_element_type3A_8, %dot_general3A_132 {dimension_numbers = #tpu.dot_dimension_numbers<[1], [0], [0], [1], [0, 0, 1, 1], [], []>, transpose_lhs_hint = false} : vector<400x16xbf16>, vector<16x8xbf16>, vector<400x8xf32> -> vector<400x8xf32>
    %max3A_134 = arith.maximumf %max3A_117, %dot_general3A_133 : vector<400x8xf32>
    %get3A_135 = arith.constant 0 : index
    %get3A_136 = arith.constant 7 : index
    %get3A_137 = arith.constant 0 : index
    %get3A_138 = vector.load %arg2[%get3A_135, %get3A_136, %get3A_137] : memref<400x16x32xf32, #tpu.memory_space<vmem>>, vector<400x1x32xf32>
    %get3A_139 = vector.shape_cast %get3A_138 : vector<400x1x32xf32> to vector<400x32xf32>
    %sub3A_140 = arith.subf %get3A_139, %get3A_1 : vector<400x32xf32>
    %convert_element_type3A_141 = arith.truncf %sub3A_140 : vector<400x32xf32> to vector<400x32xbf16>
    %dot_general3A_142 = arith.constant dense<0.000000e+00> : vector<400x16xf32>
    %dot_general3A_143 = tpu.matmul %convert_element_type3A_141, %convert_element_type3A, %dot_general3A_142 {dimension_numbers = #tpu.dot_dimension_numbers<[1], [0], [0], [1], [0, 0, 1, 1], [], []>, transpose_lhs_hint = false} : vector<400x32xbf16>, vector<32x16xbf16>, vector<400x16xf32> -> vector<400x16xf32>
    %add3A_144 = arith.addf %dot_general3A_143, %add3A_18 : vector<400x16xf32>
    %max3A_145 = arith.constant 0.000000e+00 : f32
    %max3A_146 = vector.broadcast %max3A_145 : f32 to vector<400x16xf32>
    %max3A_147 = arith.maximumf %add3A_144, %max3A_146 : vector<400x16xf32>
    %convert_element_type3A_148 = arith.truncf %max3A_147 : vector<400x16xf32> to vector<400x16xbf16>
    %dot_general3A_149 = arith.constant dense<0.000000e+00> : vector<400x8xf32>
    %dot_general3A_150 = tpu.matmul %convert_element_type3A_148, %convert_element_type3A_8, %dot_general3A_149 {dimension_numbers = #tpu.dot_dimension_numbers<[1], [0], [0], [1], [0, 0, 1, 1], [], []>, transpose_lhs_hint = false} : vector<400x16xbf16>, vector<16x8xbf16>, vector<400x8xf32> -> vector<400x8xf32>
    %max3A_151 = arith.maximumf %max3A_134, %dot_general3A_150 : vector<400x8xf32>
    %get3A_152 = arith.constant 0 : index
    %get3A_153 = arith.constant 8 : index
    %get3A_154 = arith.constant 0 : index
    %get3A_155 = vector.load %arg2[%get3A_152, %get3A_153, %get3A_154] : memref<400x16x32xf32, #tpu.memory_space<vmem>>, vector<400x1x32xf32>
    %get3A_156 = vector.shape_cast %get3A_155 : vector<400x1x32xf32> to vector<400x32xf32>
    %sub3A_157 = arith.subf %get3A_156, %get3A_1 : vector<400x32xf32>
    %convert_element_type3A_158 = arith.truncf %sub3A_157 : vector<400x32xf32> to vector<400x32xbf16>
    %dot_general3A_159 = arith.constant dense<0.000000e+00> : vector<400x16xf32>
    %dot_general3A_160 = tpu.matmul %convert_element_type3A_158, %convert_element_type3A, %dot_general3A_159 {dimension_numbers = #tpu.dot_dimension_numbers<[1], [0], [0], [1], [0, 0, 1, 1], [], []>, transpose_lhs_hint = false} : vector<400x32xbf16>, vector<32x16xbf16>, vector<400x16xf32> -> vector<400x16xf32>
    %add3A_161 = arith.addf %dot_general3A_160, %add3A_18 : vector<400x16xf32>
    %max3A_162 = arith.constant 0.000000e+00 : f32
    %max3A_163 = vector.broadcast %max3A_162 : f32 to vector<400x16xf32>
    %max3A_164 = arith.maximumf %add3A_161, %max3A_163 : vector<400x16xf32>
    %convert_element_type3A_165 = arith.truncf %max3A_164 : vector<400x16xf32> to vector<400x16xbf16>
    %dot_general3A_166 = arith.constant dense<0.000000e+00> : vector<400x8xf32>
    %dot_general3A_167 = tpu.matmul %convert_element_type3A_165, %convert_element_type3A_8, %dot_general3A_166 {dimension_numbers = #tpu.dot_dimension_numbers<[1], [0], [0], [1], [0, 0, 1, 1], [], []>, transpose_lhs_hint = false} : vector<400x16xbf16>, vector<16x8xbf16>, vector<400x8xf32> -> vector<400x8xf32>
    %max3A_168 = arith.maximumf %max3A_151, %dot_general3A_167 : vector<400x8xf32>
    %get3A_169 = arith.constant 0 : index
    %get3A_170 = arith.constant 9 : index
    %get3A_171 = arith.constant 0 : index
    %get3A_172 = vector.load %arg2[%get3A_169, %get3A_170, %get3A_171] : memref<400x16x32xf32, #tpu.memory_space<vmem>>, vector<400x1x32xf32>
    %get3A_173 = vector.shape_cast %get3A_172 : vector<400x1x32xf32> to vector<400x32xf32>
    %sub3A_174 = arith.subf %get3A_173, %get3A_1 : vector<400x32xf32>
    %convert_element_type3A_175 = arith.truncf %sub3A_174 : vector<400x32xf32> to vector<400x32xbf16>
    %dot_general3A_176 = arith.constant dense<0.000000e+00> : vector<400x16xf32>
    %dot_general3A_177 = tpu.matmul %convert_element_type3A_175, %convert_element_type3A, %dot_general3A_176 {dimension_numbers = #tpu.dot_dimension_numbers<[1], [0], [0], [1], [0, 0, 1, 1], [], []>, transpose_lhs_hint = false} : vector<400x32xbf16>, vector<32x16xbf16>, vector<400x16xf32> -> vector<400x16xf32>
    %add3A_178 = arith.addf %dot_general3A_177, %add3A_18 : vector<400x16xf32>
    %max3A_179 = arith.constant 0.000000e+00 : f32
    %max3A_180 = vector.broadcast %max3A_179 : f32 to vector<400x16xf32>
    %max3A_181 = arith.maximumf %add3A_178, %max3A_180 : vector<400x16xf32>
    %convert_element_type3A_182 = arith.truncf %max3A_181 : vector<400x16xf32> to vector<400x16xbf16>
    %dot_general3A_183 = arith.constant dense<0.000000e+00> : vector<400x8xf32>
    %dot_general3A_184 = tpu.matmul %convert_element_type3A_182, %convert_element_type3A_8, %dot_general3A_183 {dimension_numbers = #tpu.dot_dimension_numbers<[1], [0], [0], [1], [0, 0, 1, 1], [], []>, transpose_lhs_hint = false} : vector<400x16xbf16>, vector<16x8xbf16>, vector<400x8xf32> -> vector<400x8xf32>
    %max3A_185 = arith.maximumf %max3A_168, %dot_general3A_184 : vector<400x8xf32>
    %get3A_186 = arith.constant 0 : index
    %get3A_187 = arith.constant 10 : index
    %get3A_188 = arith.constant 0 : index
    %get3A_189 = vector.load %arg2[%get3A_186, %get3A_187, %get3A_188] : memref<400x16x32xf32, #tpu.memory_space<vmem>>, vector<400x1x32xf32>
    %get3A_190 = vector.shape_cast %get3A_189 : vector<400x1x32xf32> to vector<400x32xf32>
    %sub3A_191 = arith.subf %get3A_190, %get3A_1 : vector<400x32xf32>
    %convert_element_type3A_192 = arith.truncf %sub3A_191 : vector<400x32xf32> to vector<400x32xbf16>
    %dot_general3A_193 = arith.constant dense<0.000000e+00> : vector<400x16xf32>
    %dot_general3A_194 = tpu.matmul %convert_element_type3A_192, %convert_element_type3A, %dot_general3A_193 {dimension_numbers = #tpu.dot_dimension_numbers<[1], [0], [0], [1], [0, 0, 1, 1], [], []>, transpose_lhs_hint = false} : vector<400x32xbf16>, vector<32x16xbf16>, vector<400x16xf32> -> vector<400x16xf32>
    %add3A_195 = arith.addf %dot_general3A_194, %add3A_18 : vector<400x16xf32>
    %max3A_196 = arith.constant 0.000000e+00 : f32
    %max3A_197 = vector.broadcast %max3A_196 : f32 to vector<400x16xf32>
    %max3A_198 = arith.maximumf %add3A_195, %max3A_197 : vector<400x16xf32>
    %convert_element_type3A_199 = arith.truncf %max3A_198 : vector<400x16xf32> to vector<400x16xbf16>
    %dot_general3A_200 = arith.constant dense<0.000000e+00> : vector<400x8xf32>
    %dot_general3A_201 = tpu.matmul %convert_element_type3A_199, %convert_element_type3A_8, %dot_general3A_200 {dimension_numbers = #tpu.dot_dimension_numbers<[1], [0], [0], [1], [0, 0, 1, 1], [], []>, transpose_lhs_hint = false} : vector<400x16xbf16>, vector<16x8xbf16>, vector<400x8xf32> -> vector<400x8xf32>
    %max3A_202 = arith.maximumf %max3A_185, %dot_general3A_201 : vector<400x8xf32>
    %get3A_203 = arith.constant 0 : index
    %get3A_204 = arith.constant 11 : index
    %get3A_205 = arith.constant 0 : index
    %get3A_206 = vector.load %arg2[%get3A_203, %get3A_204, %get3A_205] : memref<400x16x32xf32, #tpu.memory_space<vmem>>, vector<400x1x32xf32>
    %get3A_207 = vector.shape_cast %get3A_206 : vector<400x1x32xf32> to vector<400x32xf32>
    %sub3A_208 = arith.subf %get3A_207, %get3A_1 : vector<400x32xf32>
    %convert_element_type3A_209 = arith.truncf %sub3A_208 : vector<400x32xf32> to vector<400x32xbf16>
    %dot_general3A_210 = arith.constant dense<0.000000e+00> : vector<400x16xf32>
    %dot_general3A_211 = tpu.matmul %convert_element_type3A_209, %convert_element_type3A, %dot_general3A_210 {dimension_numbers = #tpu.dot_dimension_numbers<[1], [0], [0], [1], [0, 0, 1, 1], [], []>, transpose_lhs_hint = false} : vector<400x32xbf16>, vector<32x16xbf16>, vector<400x16xf32> -> vector<400x16xf32>
    %add3A_212 = arith.addf %dot_general3A_211, %add3A_18 : vector<400x16xf32>
    %max3A_213 = arith.constant 0.000000e+00 : f32
    %max3A_214 = vector.broadcast %max3A_213 : f32 to vector<400x16xf32>
    %max3A_215 = arith.maximumf %add3A_212, %max3A_214 : vector<400x16xf32>
    %convert_element_type3A_216 = arith.truncf %max3A_215 : vector<400x16xf32> to vector<400x16xbf16>
    %dot_general3A_217 = arith.constant dense<0.000000e+00> : vector<400x8xf32>
    %dot_general3A_218 = tpu.matmul %convert_element_type3A_216, %convert_element_type3A_8, %dot_general3A_217 {dimension_numbers = #tpu.dot_dimension_numbers<[1], [0], [0], [1], [0, 0, 1, 1], [], []>, transpose_lhs_hint = false} : vector<400x16xbf16>, vector<16x8xbf16>, vector<400x8xf32> -> vector<400x8xf32>
    %max3A_219 = arith.maximumf %max3A_202, %dot_general3A_218 : vector<400x8xf32>
    %get3A_220 = arith.constant 0 : index
    %get3A_221 = arith.constant 12 : index
    %get3A_222 = arith.constant 0 : index
    %get3A_223 = vector.load %arg2[%get3A_220, %get3A_221, %get3A_222] : memref<400x16x32xf32, #tpu.memory_space<vmem>>, vector<400x1x32xf32>
    %get3A_224 = vector.shape_cast %get3A_223 : vector<400x1x32xf32> to vector<400x32xf32>
    %sub3A_225 = arith.subf %get3A_224, %get3A_1 : vector<400x32xf32>
    %convert_element_type3A_226 = arith.truncf %sub3A_225 : vector<400x32xf32> to vector<400x32xbf16>
    %dot_general3A_227 = arith.constant dense<0.000000e+00> : vector<400x16xf32>
    %dot_general3A_228 = tpu.matmul %convert_element_type3A_226, %convert_element_type3A, %dot_general3A_227 {dimension_numbers = #tpu.dot_dimension_numbers<[1], [0], [0], [1], [0, 0, 1, 1], [], []>, transpose_lhs_hint = false} : vector<400x32xbf16>, vector<32x16xbf16>, vector<400x16xf32> -> vector<400x16xf32>
    %add3A_229 = arith.addf %dot_general3A_228, %add3A_18 : vector<400x16xf32>
    %max3A_230 = arith.constant 0.000000e+00 : f32
    %max3A_231 = vector.broadcast %max3A_230 : f32 to vector<400x16xf32>
    %max3A_232 = arith.maximumf %add3A_229, %max3A_231 : vector<400x16xf32>
    %convert_element_type3A_233 = arith.truncf %max3A_232 : vector<400x16xf32> to vector<400x16xbf16>
    %dot_general3A_234 = arith.constant dense<0.000000e+00> : vector<400x8xf32>
    %dot_general3A_235 = tpu.matmul %convert_element_type3A_233, %convert_element_type3A_8, %dot_general3A_234 {dimension_numbers = #tpu.dot_dimension_numbers<[1], [0], [0], [1], [0, 0, 1, 1], [], []>, transpose_lhs_hint = false} : vector<400x16xbf16>, vector<16x8xbf16>, vector<400x8xf32> -> vector<400x8xf32>
    %max3A_236 = arith.maximumf %max3A_219, %dot_general3A_235 : vector<400x8xf32>
    %get3A_237 = arith.constant 0 : index
    %get3A_238 = arith.constant 13 : index
    %get3A_239 = arith.constant 0 : index
    %get3A_240 = vector.load %arg2[%get3A_237, %get3A_238, %get3A_239] : memref<400x16x32xf32, #tpu.memory_space<vmem>>, vector<400x1x32xf32>
    %get3A_241 = vector.shape_cast %get3A_240 : vector<400x1x32xf32> to vector<400x32xf32>
    %sub3A_242 = arith.subf %get3A_241, %get3A_1 : vector<400x32xf32>
    %convert_element_type3A_243 = arith.truncf %sub3A_242 : vector<400x32xf32> to vector<400x32xbf16>
    %dot_general3A_244 = arith.constant dense<0.000000e+00> : vector<400x16xf32>
    %dot_general3A_245 = tpu.matmul %convert_element_type3A_243, %convert_element_type3A, %dot_general3A_244 {dimension_numbers = #tpu.dot_dimension_numbers<[1], [0], [0], [1], [0, 0, 1, 1], [], []>, transpose_lhs_hint = false} : vector<400x32xbf16>, vector<32x16xbf16>, vector<400x16xf32> -> vector<400x16xf32>
    %add3A_246 = arith.addf %dot_general3A_245, %add3A_18 : vector<400x16xf32>
    %max3A_247 = arith.constant 0.000000e+00 : f32
    %max3A_248 = vector.broadcast %max3A_247 : f32 to vector<400x16xf32>
    %max3A_249 = arith.maximumf %add3A_246, %max3A_248 : vector<400x16xf32>
    %convert_element_type3A_250 = arith.truncf %max3A_249 : vector<400x16xf32> to vector<400x16xbf16>
    %dot_general3A_251 = arith.constant dense<0.000000e+00> : vector<400x8xf32>
    %dot_general3A_252 = tpu.matmul %convert_element_type3A_250, %convert_element_type3A_8, %dot_general3A_251 {dimension_numbers = #tpu.dot_dimension_numbers<[1], [0], [0], [1], [0, 0, 1, 1], [], []>, transpose_lhs_hint = false} : vector<400x16xbf16>, vector<16x8xbf16>, vector<400x8xf32> -> vector<400x8xf32>
    %max3A_253 = arith.maximumf %max3A_236, %dot_general3A_252 : vector<400x8xf32>
    %get3A_254 = arith.constant 0 : index
    %get3A_255 = arith.constant 14 : index
    %get3A_256 = arith.constant 0 : index
    %get3A_257 = vector.load %arg2[%get3A_254, %get3A_255, %get3A_256] : memref<400x16x32xf32, #tpu.memory_space<vmem>>, vector<400x1x32xf32>
    %get3A_258 = vector.shape_cast %get3A_257 : vector<400x1x32xf32> to vector<400x32xf32>
    %sub3A_259 = arith.subf %get3A_258, %get3A_1 : vector<400x32xf32>
    %convert_element_type3A_260 = arith.truncf %sub3A_259 : vector<400x32xf32> to vector<400x32xbf16>
    %dot_general3A_261 = arith.constant dense<0.000000e+00> : vector<400x16xf32>
    %dot_general3A_262 = tpu.matmul %convert_element_type3A_260, %convert_element_type3A, %dot_general3A_261 {dimension_numbers = #tpu.dot_dimension_numbers<[1], [0], [0], [1], [0, 0, 1, 1], [], []>, transpose_lhs_hint = false} : vector<400x32xbf16>, vector<32x16xbf16>, vector<400x16xf32> -> vector<400x16xf32>
    %add3A_263 = arith.addf %dot_general3A_262, %add3A_18 : vector<400x16xf32>
    %max3A_264 = arith.constant 0.000000e+00 : f32
    %max3A_265 = vector.broadcast %max3A_264 : f32 to vector<400x16xf32>
    %max3A_266 = arith.maximumf %add3A_263, %max3A_265 : vector<400x16xf32>
    %convert_element_type3A_267 = arith.truncf %max3A_266 : vector<400x16xf32> to vector<400x16xbf16>
    %dot_general3A_268 = arith.constant dense<0.000000e+00> : vector<400x8xf32>
    %dot_general3A_269 = tpu.matmul %convert_element_type3A_267, %convert_element_type3A_8, %dot_general3A_268 {dimension_numbers = #tpu.dot_dimension_numbers<[1], [0], [0], [1], [0, 0, 1, 1], [], []>, transpose_lhs_hint = false} : vector<400x16xbf16>, vector<16x8xbf16>, vector<400x8xf32> -> vector<400x8xf32>
    %max3A_270 = arith.maximumf %max3A_253, %dot_general3A_269 : vector<400x8xf32>
    %get3A_271 = arith.constant 0 : index
    %get3A_272 = arith.constant 15 : index
    %get3A_273 = arith.constant 0 : index
    %get3A_274 = vector.load %arg2[%get3A_271, %get3A_272, %get3A_273] : memref<400x16x32xf32, #tpu.memory_space<vmem>>, vector<400x1x32xf32>
    %get3A_275 = vector.shape_cast %get3A_274 : vector<400x1x32xf32> to vector<400x32xf32>
    %sub3A_276 = arith.subf %get3A_275, %get3A_1 : vector<400x32xf32>
    %convert_element_type3A_277 = arith.truncf %sub3A_276 : vector<400x32xf32> to vector<400x32xbf16>
    %dot_general3A_278 = arith.constant dense<0.000000e+00> : vector<400x16xf32>
    %dot_general3A_279 = tpu.matmul %convert_element_type3A_277, %convert_element_type3A, %dot_general3A_278 {dimension_numbers = #tpu.dot_dimension_numbers<[1], [0], [0], [1], [0, 0, 1, 1], [], []>, transpose_lhs_hint = false} : vector<400x32xbf16>, vector<32x16xbf16>, vector<400x16xf32> -> vector<400x16xf32>
    %add3A_280 = arith.addf %dot_general3A_279, %add3A_18 : vector<400x16xf32>
    %max3A_281 = arith.constant 0.000000e+00 : f32
    %max3A_282 = vector.broadcast %max3A_281 : f32 to vector<400x16xf32>
    %max3A_283 = arith.maximumf %add3A_280, %max3A_282 : vector<400x16xf32>
    %convert_element_type3A_284 = arith.truncf %max3A_283 : vector<400x16xf32> to vector<400x16xbf16>
    %dot_general3A_285 = arith.constant dense<0.000000e+00> : vector<400x8xf32>
    %dot_general3A_286 = tpu.matmul %convert_element_type3A_284, %convert_element_type3A_8, %dot_general3A_285 {dimension_numbers = #tpu.dot_dimension_numbers<[1], [0], [0], [1], [0, 0, 1, 1], [], []>, transpose_lhs_hint = false} : vector<400x16xbf16>, vector<16x8xbf16>, vector<400x8xf32> -> vector<400x8xf32>
    %max3A_287 = arith.maximumf %max3A_270, %dot_general3A_286 : vector<400x8xf32>
    %get3A_288 = arith.constant 0 : index
    %get3A_289 = arith.constant 0 : index
    %get3A_290 = vector.load %arg7[%get3A_288, %get3A_289] : memref<1x8xf32, #tpu.memory_space<vmem>>, vector<1x8xf32>
    %add3A_291 = vector.broadcast %get3A_290 : vector<1x8xf32> to vector<400x8xf32>
    %add3A_292 = arith.addf %max3A_287, %add3A_291 : vector<400x8xf32>
    %max3A_293 = arith.constant 0.000000e+00 : f32
    %max3A_294 = vector.broadcast %max3A_293 : f32 to vector<400x8xf32>
    %max3A_295 = arith.maximumf %add3A_292, %max3A_294 : vector<400x8xf32>
    %broadcast_in_dim3A = arith.constant 0.000000e+00 : f32
    %broadcast_in_dim3A_296 = vector.broadcast %broadcast_in_dim3A : f32 to vector<400x8xf32>
    %concatenate3A = tpu.concatenate %max3A_295, %broadcast_in_dim3A_296 in 1 : vector<400x8xf32>, vector<400x8xf32> -> vector<400x16xf32>
    %swap3A = arith.constant 0 : index
    %swap3A_297 = arith.constant 0 : index
    %swap3A_298 = vector.load %arg8[%swap3A, %swap3A_297] : memref<400x16xf32, #tpu.memory_space<vmem>>, vector<400x16xf32>
    tpu.vector_store %arg8[%swap3A, %swap3A_297], %concatenate3A {strides = array<i32>} : memref<400x16xf32, #tpu.memory_space<vmem>>, vector<400x16xf32>,
    return
  }
  func.func @transform_0(%arg0: i32) -> (i32, i32) {
    %c0_i32 = arith.constant 0 : i32
    %c0_i32_0 = arith.constant 0 : i32
    return %arg0, %c0_i32 : i32, i32
  }
  func.func @transform_1(%arg0: i32) -> (i32, i32, i32) {
    %c0_i32 = arith.constant 0 : i32
    %c0_i32_0 = arith.constant 0 : i32
    %c0_i32_1 = arith.constant 0 : i32
    return %arg0, %c0_i32, %c0_i32_0 : i32, i32, i32
  }
  func.func @transform_2(%arg0: i32) -> (i32, i32) {
    %c0_i32 = arith.constant 0 : i32
    %c0_i32_0 = arith.constant 0 : i32
    %c0_i32_1 = arith.constant 0 : i32
    return %c0_i32, %c0_i32_0 : i32, i32
  }
  func.func @transform_3(%arg0: i32) -> (i32, i32) {
    %c0_i32 = arith.constant 0 : i32
    %c0_i32_0 = arith.constant 0 : i32
    %c0_i32_1 = arith.constant 0 : i32
    return %c0_i32, %c0_i32_0 : i32, i32
  }
  func.func @transform_4(%arg0: i32) -> (i32, i32) {
    %c0_i32 = arith.constant 0 : i32
    %c0_i32_0 = arith.constant 0 : i32
    %c0_i32_1 = arith.constant 0 : i32
    return %c0_i32, %c0_i32_0 : i32, i32
  }
  func.func @transform_5(%arg0: i32) -> (i32, i32) {
    %c0_i32 = arith.constant 0 : i32
    %c0_i32_0 = arith.constant 0 : i32
    %c0_i32_1 = arith.constant 0 : i32
    return %c0_i32, %c0_i32_0 : i32, i32
  }
  func.func @transform_6(%arg0: i32) -> (i32, i32) {
    %c0_i32 = arith.constant 0 : i32
    %c0_i32_0 = arith.constant 0 : i32
    %c0_i32_1 = arith.constant 0 : i32
    return %c0_i32, %c0_i32_0 : i32, i32
  }
  func.func @transform_7(%arg0: i32) -> (i32, i32) {
    %c0_i32 = arith.constant 0 : i32
    %c0_i32_0 = arith.constant 0 : i32
    return %arg0, %c0_i32 : i32, i32
  }
}

module attributes {stable_mosaic.version = 14 : i64} {
  func.func @_edge_mlp_body(%arg0: i32, %arg1: memref<4000x16xf32, #tpu.memory_space<vmem>>, %arg2: memref<4000x16xf32, #tpu.memory_space<vmem>>, %arg3: memref<4000x6xf32, #tpu.memory_space<vmem>>, %arg4: memref<16x16xf32, #tpu.memory_space<vmem>>, %arg5: memref<16x16xf32, #tpu.memory_space<vmem>>, %arg6: memref<6x16xf32, #tpu.memory_space<vmem>>, %arg7: memref<1x16xf32, #tpu.memory_space<vmem>>, %arg8: memref<1x16xf32, #tpu.memory_space<vmem>>, %arg9: memref<1x1xf32, #tpu.memory_space<vmem>>, %arg10: memref<4000x1xf32, #tpu.memory_space<vmem>>) attributes {dimension_semantics = [#tpu.dimension_semantics<arbitrary>], iteration_bounds = array<i64: 40>, scalar_prefetch = 0 : i64, scratch_operands = 0 : i64, tpu.core_type = #tpu.core_type<tc>, window_params = [{transform_indices = @transform_0, window_bounds = array<i64: 4000, 16>}, {transform_indices = @transform_1, window_bounds = array<i64: 4000, 16>}, {transform_indices = @transform_2, window_bounds = array<i64: 4000, 6>}, {pipeline_mode = #tpu.pipeline_mode<synchronous>, transform_indices = @transform_3, window_bounds = array<i64: 16, 16>}, {pipeline_mode = #tpu.pipeline_mode<synchronous>, transform_indices = @transform_4, window_bounds = array<i64: 16, 16>}, {pipeline_mode = #tpu.pipeline_mode<synchronous>, transform_indices = @transform_5, window_bounds = array<i64: 6, 16>}, {pipeline_mode = #tpu.pipeline_mode<synchronous>, transform_indices = @transform_6, window_bounds = array<i64: 1, 16>}, {pipeline_mode = #tpu.pipeline_mode<synchronous>, transform_indices = @transform_7, window_bounds = array<i64: 1, 16>}, {pipeline_mode = #tpu.pipeline_mode<synchronous>, transform_indices = @transform_8, window_bounds = array<i64: 1, 1>}, {transform_indices = @transform_9, window_bounds = array<i64: 4000, 1>}]} {
    %get3A = arith.constant 0 : index
    %get3A_0 = arith.constant 0 : index
    %get3A_1 = vector.load %arg1[%get3A, %get3A_0] : memref<4000x16xf32, #tpu.memory_space<vmem>>, vector<4000x16xf32>
    %get3A_2 = arith.constant 0 : index
    %get3A_3 = arith.constant 0 : index
    %get3A_4 = vector.load %arg4[%get3A_2, %get3A_3] : memref<16x16xf32, #tpu.memory_space<vmem>>, vector<16x16xf32>
    %convert_element_type3A = arith.truncf %get3A_1 : vector<4000x16xf32> to vector<4000x16xbf16>
    %convert_element_type3A_5 = arith.truncf %get3A_4 : vector<16x16xf32> to vector<16x16xbf16>
    %dot_general3A = arith.constant dense<0.000000e+00> : vector<4000x16xf32>
    %dot_general3A_6 = tpu.matmul %convert_element_type3A, %convert_element_type3A_5, %dot_general3A {dimension_numbers = #tpu.dot_dimension_numbers<[1], [0], [0], [1], [0, 0, 1, 1], [], []>, transpose_lhs_hint = false} : vector<4000x16xbf16>, vector<16x16xbf16>, vector<4000x16xf32> -> vector<4000x16xf32>
    %get3A_7 = arith.constant 0 : index
    %get3A_8 = arith.constant 0 : index
    %get3A_9 = vector.load %arg2[%get3A_7, %get3A_8] : memref<4000x16xf32, #tpu.memory_space<vmem>>, vector<4000x16xf32>
    %get3A_10 = arith.constant 0 : index
    %get3A_11 = arith.constant 0 : index
    %get3A_12 = vector.load %arg5[%get3A_10, %get3A_11] : memref<16x16xf32, #tpu.memory_space<vmem>>, vector<16x16xf32>
    %convert_element_type3A_13 = arith.truncf %get3A_9 : vector<4000x16xf32> to vector<4000x16xbf16>
    %convert_element_type3A_14 = arith.truncf %get3A_12 : vector<16x16xf32> to vector<16x16xbf16>
    %dot_general3A_15 = arith.constant dense<0.000000e+00> : vector<4000x16xf32>
    %dot_general3A_16 = tpu.matmul %convert_element_type3A_13, %convert_element_type3A_14, %dot_general3A_15 {dimension_numbers = #tpu.dot_dimension_numbers<[1], [0], [0], [1], [0, 0, 1, 1], [], []>, transpose_lhs_hint = false} : vector<4000x16xbf16>, vector<16x16xbf16>, vector<4000x16xf32> -> vector<4000x16xf32>
    %add3A = arith.addf %dot_general3A_6, %dot_general3A_16 : vector<4000x16xf32>
    %get3A_17 = arith.constant 0 : index
    %get3A_18 = arith.constant 0 : index
    %get3A_19 = vector.load %arg3[%get3A_17, %get3A_18] : memref<4000x6xf32, #tpu.memory_space<vmem>>, vector<4000x6xf32>
    %get3A_20 = arith.constant 0 : index
    %get3A_21 = arith.constant 0 : index
    %get3A_22 = vector.load %arg6[%get3A_20, %get3A_21] : memref<6x16xf32, #tpu.memory_space<vmem>>, vector<6x16xf32>
    %convert_element_type3A_23 = arith.truncf %get3A_19 : vector<4000x6xf32> to vector<4000x6xbf16>
    %convert_element_type3A_24 = arith.truncf %get3A_22 : vector<6x16xf32> to vector<6x16xbf16>
    %dot_general3A_25 = arith.constant dense<0.000000e+00> : vector<4000x16xf32>
    %dot_general3A_26 = tpu.matmul %convert_element_type3A_23, %convert_element_type3A_24, %dot_general3A_25 {dimension_numbers = #tpu.dot_dimension_numbers<[1], [0], [0], [1], [0, 0, 1, 1], [], []>, transpose_lhs_hint = false} : vector<4000x6xbf16>, vector<6x16xbf16>, vector<4000x16xf32> -> vector<4000x16xf32>
    %add3A_27 = arith.addf %add3A, %dot_general3A_26 : vector<4000x16xf32>
    %get3A_28 = arith.constant 0 : index
    %get3A_29 = arith.constant 0 : index
    %get3A_30 = vector.load %arg7[%get3A_28, %get3A_29] : memref<1x16xf32, #tpu.memory_space<vmem>>, vector<1x16xf32>
    %add3A_31 = vector.broadcast %get3A_30 : vector<1x16xf32> to vector<4000x16xf32>
    %add3A_32 = arith.addf %add3A_27, %add3A_31 : vector<4000x16xf32>
    %max3A = arith.constant 0.000000e+00 : f32
    %max3A_33 = vector.broadcast %max3A : f32 to vector<4000x16xf32>
    %max3A_34 = arith.maximumf %add3A_32, %max3A_33 : vector<4000x16xf32>
    %convert_element_type3A_35 = arith.truncf %max3A_34 : vector<4000x16xf32> to vector<4000x16xbf16>
    %convert_element_type3A_36 = arith.extf %convert_element_type3A_35 : vector<4000x16xbf16> to vector<4000x16xf32>
    %get3A_37 = arith.constant 0 : index
    %get3A_38 = arith.constant 0 : index
    %get3A_39 = vector.load %arg8[%get3A_37, %get3A_38] : memref<1x16xf32, #tpu.memory_space<vmem>>, vector<1x16xf32>
    %convert_element_type3A_40 = arith.truncf %get3A_39 : vector<1x16xf32> to vector<1x16xbf16>
    %convert_element_type3A_41 = arith.extf %convert_element_type3A_40 : vector<1x16xbf16> to vector<1x16xf32>
    %mul3A = vector.broadcast %convert_element_type3A_41 : vector<1x16xf32> to vector<4000x16xf32>
    %mul3A_42 = arith.mulf %convert_element_type3A_36, %mul3A : vector<4000x16xf32>
    %reduce_sum3A = arith.constant dense<0.000000e+00> : vector<4000xf32>
    %reduce_sum3A_43 = vector.multi_reduction <add>, %mul3A_42, %reduce_sum3A [1] : vector<4000x16xf32> to vector<4000xf32>
    %broadcast_in_dim3A = vector.shape_cast %reduce_sum3A_43 : vector<4000xf32> to vector<4000x1xf32>
    %get3A_44 = arith.constant 0 : index
    %get3A_45 = arith.constant 0 : index
    %get3A_46 = vector.load %arg9[%get3A_44, %get3A_45] : memref<1x1xf32, #tpu.memory_space<vmem>>, vector<1x1xf32>
    %add3A_47 = vector.broadcast %get3A_46 : vector<1x1xf32> to vector<4000x1xf32>
    %add3A_48 = arith.addf %broadcast_in_dim3A, %add3A_47 : vector<4000x1xf32>
    %swap3A = arith.constant 0 : index
    %swap3A_49 = arith.constant 0 : index
    %swap3A_50 = vector.load %arg10[%swap3A, %swap3A_49] : memref<4000x1xf32, #tpu.memory_space<vmem>>, vector<4000x1xf32>
    tpu.vector_store %arg10[%swap3A, %swap3A_49], %add3A_48 {strides = array<i32>} : memref<4000x1xf32, #tpu.memory_space<vmem>>, vector<4000x1xf32>,
    return
  }
  func.func @transform_0(%arg0: i32) -> (i32, i32) {
    %c0_i32 = arith.constant 0 : i32
    %c0_i32_0 = arith.constant 0 : i32
    return %arg0, %c0_i32 : i32, i32
  }
  func.func @transform_1(%arg0: i32) -> (i32, i32) {
    %add3A = arith.constant 40 : i32
    %add3A_0 = arith.addi %arg0, %add3A : i32
    %c0_i32 = arith.constant 0 : i32
    %c0_i32_1 = arith.constant 0 : i32
    return %add3A_0, %c0_i32 : i32, i32
  }
  func.func @transform_2(%arg0: i32) -> (i32, i32) {
    %c0_i32 = arith.constant 0 : i32
    %c0_i32_0 = arith.constant 0 : i32
    return %arg0, %c0_i32 : i32, i32
  }
  func.func @transform_3(%arg0: i32) -> (i32, i32) {
    %c0_i32 = arith.constant 0 : i32
    %c0_i32_0 = arith.constant 0 : i32
    %c0_i32_1 = arith.constant 0 : i32
    return %c0_i32, %c0_i32_0 : i32, i32
  }
  func.func @transform_4(%arg0: i32) -> (i32, i32) {
    %c0_i32 = arith.constant 0 : i32
    %c0_i32_0 = arith.constant 0 : i32
    %c0_i32_1 = arith.constant 0 : i32
    return %c0_i32, %c0_i32_0 : i32, i32
  }
  func.func @transform_5(%arg0: i32) -> (i32, i32) {
    %c0_i32 = arith.constant 0 : i32
    %c0_i32_0 = arith.constant 0 : i32
    %c0_i32_1 = arith.constant 0 : i32
    return %c0_i32, %c0_i32_0 : i32, i32
  }
  func.func @transform_6(%arg0: i32) -> (i32, i32) {
    %c0_i32 = arith.constant 0 : i32
    %c0_i32_0 = arith.constant 0 : i32
    %c0_i32_1 = arith.constant 0 : i32
    return %c0_i32, %c0_i32_0 : i32, i32
  }
  func.func @transform_7(%arg0: i32) -> (i32, i32) {
    %c0_i32 = arith.constant 0 : i32
    %c0_i32_0 = arith.constant 0 : i32
    %c0_i32_1 = arith.constant 0 : i32
    return %c0_i32, %c0_i32_0 : i32, i32
  }
  func.func @transform_8(%arg0: i32) -> (i32, i32) {
    %c0_i32 = arith.constant 0 : i32
    %c0_i32_0 = arith.constant 0 : i32
    %c0_i32_1 = arith.constant 0 : i32
    return %c0_i32, %c0_i32_0 : i32, i32
  }
  func.func @transform_9(%arg0: i32) -> (i32, i32) {
    %c0_i32 = arith.constant 0 : i32
    %c0_i32_0 = arith.constant 0 : i32
    return %arg0, %c0_i32 : i32, i32
  }
}

</mosaic_0001>

<sc_bundles>
// kernel: kernel.13.cloned.1.call-start
scs
__scs_entry_jumppad:
0x0: {  	(pc) =	sbr.rel $0x88, $3  }
0x1: {  	(tag) =	ssettag $0x0;
	lr =	simm.s32 $0x1  }
0x2: {  	[smem:$0x3F8C] =	sst lr;
	_ =	strace $0xD0000000  }
0x3: {  	_ = 	snop  }
0x4: {  	_ = 	snop  }
0x5: {  	_ = 	snop  }
0x6: {  	_ = 	snop  }
0x7: {  	_ = 	snop  }
__scs_overlays_trampoline_lowered:
0x8: {  	[smem:$0x3F9B] =	sst s0  }
0x9: {  	[smem:$0x3F9C] =	sst s1  }
0xa: {  	[smem:$0x3F9D] =	sst s2  }
0xb: {  	[smem:$0x3F9E] =	sst s3  }
0xc: {  	[smem:$0x3F9F] =	sst s4  }
0xd: {  	[smem:$0x3FA0] =	sst s5  }
0xe: {  	[smem:$0x3FA1] =	sst s6  }
0xf: {  	[smem:$0x3FA2] =	sst s7  }
0x10: {  	[smem:$0x3FA3] =	sst s8  }
0x11: {  	[smem:$0x3FA4] =	sst s9;
	s0 =	simm.s32 @!p0 $0x0  }
0x12: {  	s1 =	sld [smem:$0x3F8A];
	s0 =	simm.s32 @p0 $0x1  }
0x13: {  	[smem:$0x3FA5] =	sst s0;
	s0 =	simm.s32 @!p1 $0x0  }
0x14: {  	s2 =	sld [smem:$0x3F89];
	s0 =	simm.s32 @p1 $0x1  }
0x15: {  	[smem:$0x3FA6] =	sst s0;
	s0 =	simm.s32 @!p2 $0x0  }
0x16: {  	s3 =	sld [smem:$0x3FDB];
	s0 =	simm.s32 @p2 $0x1  }
0x17: {  	s4 =	simm.s32 $0x1BF5;
	[smem:$0x3FA8] =	sst s0  }
0x18: {  	s0 =	sld [smem:$0x3F8B];
	_ =	swait.ge [sflag:s4], $0x0  }
0x19: {  	s7 =	sld [smem:$0x3F8C]  }
0x1a: {  	s8 =	sadd.s32 $0xFFFFE003, lr  }
0x1b: {  	s9 =	sadd.s32 $0xFFFFFEF7, lr;
	s5 =	simm.s32 $0xFFFFFFFF;
	p2 =	slt.u32 s8, $0xFFFFF086  }
0x1c: {  	p1 =	slt.u32 s9, $0xF7A;
	s5 =	simm.s32 @!p2 $0x0  }
0x1d: {  	s5 =	simm.s32 @p1 $0x1;
	p0 =	seq.s32 s7, s2  }
0x1e: {  	s7 =	smul.u32 @!p0 $0xF7A, s2;
	p2 =	seq.s32 @!p0 s5, $0x0  }
0x1f: {  	s9 =	smul.u32 $0xF7A, s1;
	s8 =	simm.s32 @!p0 $0x1BF5;
	p2 =	por !p2, p0  }
0x20: {  	[sflag:s8] =	ssyncset.s32 @!p0 $0xFFFFF086;
	s6 =	sadd.s32 @!p0 s3, s7;
	s7 =	simm.s32 @!p0 $0x108  }
0x21: {  	s3 =	sadd.s32 s3, s9;
	s6 =	sadd.s32 @!p0 $0x88, s6;
	s7 =	simm.s32 @p2 $0x1082  }
0x22: {  	[simem:s7], [sflag:s8] =	dma.local @!p0 [hbm:s6], $0xF7A  }
0x23: {  	s9 =	sor.u32 $0xD0000000, s2;
	s6 =	simm.s32 $0x108;
	_ =	swait.ge @!p0 [sflag:s8], $0x0  }
0x24: {  	s3 =	sadd.s32 $0x88, s3;
	s6 =	simm.s32 @!p1 $0x1082;
	[sflag:s4] =	ssyncset.s32 $0xFFFFF086  }
0x25: {  	[simem:s6], [sflag:s4] =	dma.local [hbm:s3], $0xF7A  }
0x26: {  	[smem:$0x3F8C] =	sst s1;
	(tag) =	ssettag s2;
	_ =	strace s9  }
0x27: {  	s1 =	sld [smem:$0x3F9C]  }
0x28: {  	s2 =	sld [smem:$0x3F9D]  }
0x29: {  	s4 =	sld [smem:$0x3F9F]  }
0x2a: {  	p0 =	seq.s32 s5, $0x0;
	s5 =	sld [smem:$0x3FA0]  }
0x2b: {  	s6 =	sld [smem:$0x3FA1]  }
0x2c: {  	s7 =	sld [smem:$0x3FA2]  }
0x2d: {  	s3 =	simm.s32 $0x108;
	s8 =	sld [smem:$0x3FA3]  }
0x2e: {  	s3 =	simm.s32 @!p0 $0x1082;
	s9 =	sld [smem:$0x3FA4]  }
0x2f: {  	lr =	sadd.s32 s0, s3;
	s0 =	sld [smem:$0x3F9B]  }
0x30: {  	s3 =	sld [smem:$0x3F9E]  }
0x31: {  	[smem:$0x3FA7] =	sst s10  }
0x32: {  	s10 =	sld [smem:$0x3FA5];
	_ =	sdelay $0x3  }
0x33: {  	p0 =	seq.s32 s10, $0x1;
	s10 =	sld [smem:$0x3FA7];
	_ =	sdelay $0x3  }
0x34: {  	[smem:$0x3FA7] =	sst s10  }
0x35: {  	s10 =	sld [smem:$0x3FA6];
	_ =	sdelay $0x3  }
0x36: {  	p1 =	seq.s32 s10, $0x1;
	s10 =	sld [smem:$0x3FA7];
	_ =	sdelay $0x3  }
0x37: {  	[smem:$0x3FA7] =	sst s10  }
0x38: {  	s10 =	sld [smem:$0x3FA8]  }
0x39: {  	_ = 	snop;
	(pc) =	sbr.ind lr, $3  }
0x3a: {  	_ = 	snop  }
0x3b: {  	_ = 	snop  }
0x3c: {  	p2 =	seq.s32 s10, $0x1;
	s10 =	sld [smem:$0x3FA7]  }
0x3d: {  	_ =	shalt  }
0x3e: {  	_ =	shalt  }
0x3f: {  	_ =	shalt  }
0x40: {  	_ =	shalt  }
0x41: {  	_ =	shalt  }
0x42: {  	_ =	shalt  }
0x43: {  	_ =	shalt  }
0x44: {  	_ =	shalt  }
0x45: {  	_ =	shalt  }
0x46: {  	_ =	shalt  }
0x47: {  	_ =	shalt  }
0x48: {  	_ =	shalt  }
0x49: {  	_ =	shalt  }
0x4a: {  	_ =	shalt  }
0x4b: {  	_ =	shalt  }
0x4c: {  	_ =	shalt  }
0x4d: {  	_ =	shalt  }
0x4e: {  	_ =	shalt  }
0x4f: {  	_ =	shalt  }
0x50: {  	_ =	shalt  }
0x51: {  	_ =	shalt  }
0x52: {  	_ =	shalt  }
0x53: {  	_ =	shalt  }
0x54: {  	_ =	shalt  }
0x55: {  	_ =	shalt  }
0x56: {  	_ =	shalt  }
0x57: {  	_ =	shalt  }
0x58: {  	_ =	shalt  }
0x59: {  	_ =	shalt  }
0x5a: {  	_ =	shalt  }
0x5b: {  	_ =	shalt  }
0x5c: {  	_ =	shalt  }
0x5d: {  	_ =	shalt  }
0x5e: {  	_ =	shalt  }
0x5f: {  	_ =	shalt  }
0x60: {  	_ =	shalt  }
0x61: {  	_ =	shalt  }
0x62: {  	_ =	shalt  }
0x63: {  	_ =	shalt  }
0x64: {  	_ =	shalt  }
0x65: {  	_ =	shalt  }
0x66: {  	_ =	shalt  }
0x67: {  	_ =	shalt  }
0x68: {  	_ =	shalt  }
0x69: {  	_ =	shalt  }
0x6a: {  	_ =	shalt  }
0x6b: {  	_ =	shalt  }
0x6c: {  	_ =	shalt  }
0x6d: {  	_ =	shalt  }
0x6e: {  	_ =	shalt  }
0x6f: {  	_ =	shalt  }
0x70: {  	_ =	shalt  }
0x71: {  	_ =	shalt  }
0x72: {  	_ =	shalt  }
0x73: {  	_ =	shalt  }
0x74: {  	_ =	shalt  }
0x75: {  	_ =	shalt  }
0x76: {  	_ =	shalt  }
0x77: {  	_ =	shalt  }
0x78: {  	_ =	shalt  }
0x79: {  	_ =	shalt  }
0x7a: {  	_ =	shalt  }
0x7b: {  	_ =	shalt  }
0x7c: {  	_ =	shalt  }
0x7d: {  	_ =	shalt  }
0x7e: {  	_ =	shalt  }
0x7f: {  	_ =	shalt  }
0x80: {  	_ =	shalt  }
0x81: {  	_ =	shalt  }
0x82: {  	_ =	shalt  }
0x83: {  	_ =	shalt  }
0x84: {  	_ =	shalt  }
0x85: {  	_ =	shalt  }
0x86: {  	_ =	shalt  }
0x87: {  	_ =	shalt  }
.Lfunc_end0:
.L_simem_size_0:
called_computation_lowered:
.L_overlay_start_0:
0x88: {  	s2 =	sld [smem:$0x3FD9]  }
0x89: {  	s3 =	sld [smem:$0x3FFE];
	_ =	sdelay $0x1  }
0x8a: {  	s1 =	srdreg.scid  }
0x8b: {  	s0 =	sand.u32 $0x1, s1  }
0x8c: {  	s17 =	sshll.u32 s0, $0xA;
	s2 =	sadd.s32 s3, s2  }
0x8d: {  	s2 =	sadd.s32 s2, s17  }
0x8e: {  	[smem:$0x3FB3] =	sst s2  }
0x8f: {  	_ = 	snop  }
0x90: {  	s2 =	sld [smem:$0x3FD0];
	(tm) =	ssettm $0x1  }
0x91: {  	s18 =	sld [smem:$0x3FFB];
	_ =	sdelay $0x3  }
0x92: {  	_ =	strace s18  }
0x93: {  	s3 =	sld [smem:$0x3FFC];
	_ =	sdelay $0x3  }
0x94: {  	_ =	strace s3  }
0x95: {  	s3 =	sld [smem:$0x3FFD];
	_ =	sdelay $0x3  }
0x96: {  	_ =	strace s3  }
0x97: {  	_ =	strace $0x8FFFFFFF  }
0x98: {  	s19 =	sld [smem:$0x3FDB];
	_ =	sdelay $0x1  }
0x99: {  	s4 =	simm.s32 $_scs_section_size  }
0x9a: {  	s5 =	simm.s32 $_size__tile_overlayer_lowered;
	s6 =	simm.s32 $_tile_overlayer_lowered  }
0x9b: {  	s22 =	simm.s32 $0x1BFF;
	s21 =	sshll.u32 s6, $0x1;
	s3 =	sadd.s32 s4, s19  }
0x9c: {  	s7 =	simm.s32 $0x0;
	s20 =	sshll.u32 s5, $0x1;
	s5 =	sadd.s32 s21, s3  }
0x9d: {  	[timem:s7], [sflag:s22] =	dma.local [hbm:s5], s20  }
0x9e: {  	_ =	swait.ge [sflag:s22], s20  }
0x9f: {  	s4 =	ssub.s32 $0x0, s20;
	[sflag:s22] =	ssyncset.done $0x0  }
0xa0: {  	[sflag:s22] =	ssyncadd.s32 s4;
	_ =	sdelay $0x1  }
0xa1: {  	s23 =	simm.s32 $0x1B8B  }
0xa2: {  	_ =	swait.ge [sflag:s23], $0x1  }
0xa3: {  	[sflag:s23] =	ssyncset.done $0x0  }
0xa4: {  	s25 =	simm.s32 $0x1B8E;
	s24 =	sld [smem:$0x3FFE];
	[sflag:s23] =	ssyncadd.s32 $0xFFFFFFFF  }
0xa5: {  	s26 =	simm.s32 $execute0_lowered;
	[smem:$0x3FD2] =	sst s25  }
0xa6: {  	s5 =	sshll.u32 s26, $0x1;
	_ =	strace $0x80000046;
	[dreg:$0x1] =	wrdreg $0xFFFFFFFF  }
0xa7: {  	s28 =	simm.s32 $_size_execute0_lowered;
	s3 =	sadd.s32 s3, s5;
	[dreg:$0x0] =	wrdreg $0x0  }
0xa8: {  	s5 =	sshll.u32 s28, $0x1;
	[dreg:$0x2] =	wrdreg s3  }
0xa9: {  	[dreg:$0x3] =	wrdreg s5  }
0xaa: {  	[dreg:$0x4] =	wrdreg $0xC0  }
0xab: {  	_ =	task [dreg:s7], $0x5FFFF  }
0xac: {  	[dreg:$0x1] =	wrdreg $0xFFFFFFFF  }
0xad: {  	[dreg:$0x0] =	wrdreg $0x60  }
0xae: {  	[dreg:$0x2] =	wrdreg s24  }
0xaf: {  	[dreg:$0x3] =	wrdreg s2  }
0xb0: {  	[dreg:$0x4] =	wrdreg $0x9  }
0xb1: {  	_ =	task.clear_ibuf [dreg:s7], $0x5FFFF;
	_ =	strace $0x90000046  }
0xb2: {  	s29 =	simm.s32 $0x9;
	_ =	strace $0x80000048  }
0xb3: {  	_ =	swait.ge [sflag:s29], $0x1  }
0xb4: {  	[sflag:s29] =	ssyncadd.s32 $0xFFFFFFFF  }
0xb5: {  	_ =	strace $0x90000048  }
0xb6: {  	_ =	sfence  }
0xb7: {  	s30 =	sld [smem:$0x0];
	_ =	sdelay $0x2  }
0xb8: {  	s31 =	sshll.u32 s1, $0xD;
	s1 =	sshrl.u32 s1, $0x2  }
0xb9: {  	s3 =	sand.u32 $0x4000, s31;
	s1 =	sadd.s32 s1, s30  }
0xba: {  	s0 =	sor.u32 s3, s0;
	s1 =	sshll.u32 s1, $0x11  }
0xbb: {  	s0 =	sor.u32 s1, s0  }
0xbc: {  	s0 =	sadd.s32 $0x8F2B, s0  }
0xbd: {  	[sflag:s0] =	ssyncadd.remote.s32 $0x1  }
0xbe: {  	_ =	sfence.sel $0xFFFF  }
0xbf: {  	[dreg:$0x0] =	wrdreg $0xFFFFFFFF;
	(pc) =	sbr.abs _section_cstart, $3  }
0xc0: {  	[dreg:$0x1] =	wrdreg $0xFFFFFFFF  }
0xc1: {  	_ =	task.clear_ibuf [dreg:s7], $0x2FFFF;
	_ =	strace $0x9FFFFFFF  }
0xc2: {  	(tm) =	ssettm $0x7FFFFFFF  }
0xc3: {  	_ =	shalt  }
tec
execute0_lowered:
.L_overlay_start_1:
0x0: {  	(tag) =	ssettag $0x1  }
0x1: {  	s1 =	srdreg.scid;
	s0 =	stileid.u32  }
0x2: {  	s16 =	sand.u32 $0x1, s1;
	s26 =	sshll.u32 s0, $0x1  }
0x3: {  	s8 =	rddreg [dreg:$0x0];
	s9 =	sor.u32 s16, s26  }
0x4: {  	s15 =	rddreg [dreg:$0x1];
	s17 =	smul.u32 $0x1388, s9  }
0x5: {  	s2 =	simm.s32 $0x0;
	s1 =	rddreg [dreg:$0x2]  }
0x6: {  	[smem:$0x7FF] =	sst s2;
	s3 =	sshrl.u32 s17, $0x3  }
0x7: {  	_ =	strace $0x80000047;
	s4 =	sadd.s32 s15, s3;
	s3 =	simm.s32 $0x2  }
0x8: {  	[tilespmem:s2], [sflag:$0x2] =	stream.linear.gather [hbm4b:s4+s2], $0x3E8, $0x38;
	[tilespmem:$0x1F7E8] =	vst v63  }
0x9: {  	_ =	swait.ge [sflag:s3], $0x3E8  }
0xa: {  	s6 =	simm.s32 $0x3E8;
	[sflag:s3] =	ssyncset.done $0x0  }
0xb: {  	s7 =	simm.s32 $0x1;
	s5 =	sadd.s32 $0x4E00, s8;
	[sflag:s3] =	ssyncadd.s32 $0xFFFFFC18  }
0xc: {  	[tilespmem:s6], [sflag:$0x1] =	stream.indirect.gather [hbm4b:s5+s6], $0x80, s2, s6, $0xb8;
	[tilespmem:$0x1F7E8] =	vst v63  }
0xd: {  	s9 =	smul.u32 $0x13880, s9;
	_ =	swait.ge [sflag:s7], $0x1F400  }
0xe: {  	s18 =	sadd.s32 $0x2CE00, s8;
	[sflag:s7] =	ssyncset.done $0x0  }
0xf: {  	s8 =	sadd.s32 s18, s9;
	[sflag:s7] =	ssyncadd.s32 $0xFFFE0C00  }
0x10: {  	[hbm4b:s8+s2] =	stream.linear.scatter [tilespmem:s6], [sflag:$0x2], $0x1F400, $0x38;
	[tilespmem:$0x1F7E8] =	vst v63  }
0x11: {  	s10 =	sadd.s32 $0x3E8, s17;
	_ =	swait.ge [sflag:s3], $0x1F400  }
0x12: {  	s28 =	sshrl.u32 s10, $0x3;
	[sflag:s3] =	ssyncset.done $0x0  }
0x13: {  	s9 =	sadd.s32 s15, s28;
	[sflag:s3] =	ssyncadd.s32 $0xFFFE0C00  }
0x14: {  	[tilespmem:s2], [sflag:$0x2] =	stream.linear.gather [hbm4b:s9+s2], $0x3E8, $0x38;
	[tilespmem:$0x1F7E8] =	vst v63  }
0x15: {  	_ =	swait.ge [sflag:s3], $0x3E8  }
0x16: {  	[sflag:s3] =	ssyncset.done $0x0  }
0x17: {  	[sflag:s3] =	ssyncadd.s32 $0xFFFFFC18  }
0x18: {  	[tilespmem:s6], [sflag:$0x1] =	stream.indirect.gather [hbm4b:s5+s6], $0x80, s2, s6, $0xb8;
	[tilespmem:$0x1F7E8] =	vst v63  }
0x19: {  	_ =	swait.ge [sflag:s7], $0x1F400  }
0x1a: {  	s10 =	sshll.u32 s10, $0x4;
	[sflag:s7] =	ssyncset.done $0x0  }
0x1b: {  	s10 =	sadd.s32 s18, s10;
	[sflag:s7] =	ssyncadd.s32 $0xFFFE0C00  }
0x1c: {  	[hbm4b:s10+s2] =	stream.linear.scatter [tilespmem:s6], [sflag:$0x2], $0x1F400, $0x38;
	[tilespmem:$0x1F7E8] =	vst v63  }
0x1d: {  	s12 =	sadd.s32 $0x7D0, s17;
	_ =	swait.ge [sflag:s3], $0x1F400  }
0x1e: {  	s11 =	sshrl.u32 s12, $0x3;
	[sflag:s3] =	ssyncset.done $0x0  }
0x1f: {  	s11 =	sadd.s32 s15, s11;
	[sflag:s3] =	ssyncadd.s32 $0xFFFE0C00  }
0x20: {  	[tilespmem:s2], [sflag:$0x2] =	stream.linear.gather [hbm4b:s11+s2], $0x3E8, $0x38;
	[tilespmem:$0x1F7E8] =	vst v63  }
0x21: {  	_ =	swait.ge [sflag:s3], $0x3E8  }
0x22: {  	[sflag:s3] =	ssyncset.done $0x0  }
0x23: {  	[sflag:s3] =	ssyncadd.s32 $0xFFFFFC18  }
0x24: {  	[tilespmem:s6], [sflag:$0x1] =	stream.indirect.gather [hbm4b:s5+s6], $0x80, s2, s6, $0xb8;
	[tilespmem:$0x1F7E8] =	vst v63  }
0x25: {  	_ =	swait.ge [sflag:s7], $0x1F400  }
0x26: {  	s12 =	sshll.u32 s12, $0x4;
	[sflag:s7] =	ssyncset.done $0x0  }
0x27: {  	s12 =	sadd.s32 s18, s12;
	[sflag:s7] =	ssyncadd.s32 $0xFFFE0C00  }
0x28: {  	[hbm4b:s12+s2] =	stream.linear.scatter [tilespmem:s6], [sflag:$0x2], $0x1F400, $0x38;
	[tilespmem:$0x1F7E8] =	vst v63  }
0x29: {  	s14 =	sadd.s32 $0xBB8, s17;
	_ =	swait.ge [sflag:s3], $0x1F400  }
0x2a: {  	s13 =	sshrl.u32 s14, $0x3;
	[sflag:s3] =	ssyncset.done $0x0  }
0x2b: {  	s13 =	sadd.s32 s15, s13;
	[sflag:s3] =	ssyncadd.s32 $0xFFFE0C00  }
0x2c: {  	[tilespmem:s2], [sflag:$0x2] =	stream.linear.gather [hbm4b:s13+s2], $0x3E8, $0x38;
	[tilespmem:$0x1F7E8] =	vst v63  }
0x2d: {  	_ =	swait.ge [sflag:s3], $0x3E8  }
0x2e: {  	[sflag:s3] =	ssyncset.done $0x0  }
0x2f: {  	[sflag:s3] =	ssyncadd.s32 $0xFFFFFC18  }
0x30: {  	[tilespmem:s6], [sflag:$0x1] =	stream.indirect.gather [hbm4b:s5+s6], $0x80, s2, s6, $0xb8;
	[tilespmem:$0x1F7E8] =	vst v63  }
0x31: {  	_ =	swait.ge [sflag:s7], $0x1F400  }
0x32: {  	s14 =	sshll.u32 s14, $0x4;
	[sflag:s7] =	ssyncset.done $0x0  }
0x33: {  	s14 =	sadd.s32 s18, s14;
	[sflag:s7] =	ssyncadd.s32 $0xFFFE0C00  }
0x34: {  	[hbm4b:s14+s2] =	stream.linear.scatter [tilespmem:s6], [sflag:$0x2], $0x1F400, $0x38;
	[tilespmem:$0x1F7E8] =	vst v63  }
0x35: {  	s17 =	sadd.s32 $0xFA0, s17;
	_ =	swait.ge [sflag:s3], $0x1F400  }
0x36: {  	s19 =	sshrl.u32 s17, $0x3;
	[sflag:s3] =	ssyncset.done $0x0  }
0x37: {  	s16 =	ssub.s32 $0x2, s16;
	s15 =	sadd.s32 s15, s19;
	[sflag:s3] =	ssyncadd.s32 $0xFFFE0C00  }
0x38: {  	[tilespmem:s2], [sflag:$0x2] =	stream.linear.gather [hbm4b:s15+s2], $0x3E8, $0x38;
	[tilespmem:$0x1F7E8] =	vst v63  }
0x39: {  	s29 =	sshrl.u32 s16, $0x1;
	_ =	swait.ge [sflag:s3], $0x3E8  }
0x3a: {  	s19 =	ssub.s32 s16, s29;
	[sflag:s3] =	ssyncset.done $0x0  }
0x3b: {  	s31 =	smax.u32 s19, $0x1;
	[sflag:s3] =	ssyncadd.s32 $0xFFFFFC18  }
0x3c: {  	[tilespmem:s6], [sflag:$0x1] =	stream.indirect.gather [hbm4b:s5+s6], $0x80, s2, s6, $0xb8;
	[tilespmem:$0x1F7E8] =	vst v63  }
0x3d: {  	p0 =	sne.s32 s31, $0x1;
	_ =	swait.ge [sflag:s7], $0x1F400  }
.Ltmp0:
0x3e: {  	s30 =	sshll.u32 s17, $0x4;
	[sflag:s7] =	ssyncset.done $0x0;
	(pc) =	sbr.rel @!p0 .LBB2_2-.Ltmp0, $4  }
0x3f: {  	s16 =	sadd.s32 s18, s30;
	[sflag:s7] =	ssyncadd.s32 $0xFFFE0C00  }
0x40: {  	[hbm4b:s16+s2] =	stream.linear.scatter [tilespmem:s6], [sflag:$0x2], $0x1F400, $0x38;
	[tilespmem:$0x1F7E8] =	vst v63  }
0x41: {  	_ =	swait.ge [sflag:s3], $0x1F400  }
0x42: {  	s17 =	sadd.s32 $0xFFFFFFFF, s31;
	[sflag:s3] =	ssyncset.done $0x0  }
.LBB2_1:
0x43: {  	p0 =	sne.s32 s17, $0x1;
	s17 =	sadd.s32 $0xFFFFFFFF, s17;
	[sflag:s3] =	ssyncadd.s32 $0xFFFE0C00  }
0x44: {  	[tilespmem:s2], [sflag:$0x2] =	stream.linear.gather [hbm4b:s4+s2], $0x3E8, $0x38;
	[tilespmem:$0x1F7E8] =	vst v63  }
0x45: {  	_ =	swait.ge [sflag:s3], $0x3E8  }
0x46: {  	[sflag:s3] =	ssyncset.done $0x0  }
0x47: {  	[sflag:s3] =	ssyncadd.s32 $0xFFFFFC18  }
0x48: {  	[tilespmem:s6], [sflag:$0x1] =	stream.indirect.gather [hbm4b:s5+s6], $0x80, s2, s6, $0xb8;
	[tilespmem:$0x1F7E8] =	vst v63  }
0x49: {  	_ =	swait.ge [sflag:s7], $0x1F400  }
0x4a: {  	[sflag:s7] =	ssyncset.done $0x0  }
0x4b: {  	[sflag:s7] =	ssyncadd.s32 $0xFFFE0C00  }
0x4c: {  	[hbm4b:s8+s2] =	stream.linear.scatter [tilespmem:s6], [sflag:$0x2], $0x1F400, $0x38;
	[tilespmem:$0x1F7E8] =	vst v63  }
0x4d: {  	_ =	swait.ge [sflag:s3], $0x1F400  }
0x4e: {  	[sflag:s3] =	ssyncset.done $0x0  }
0x4f: {  	[sflag:s3] =	ssyncadd.s32 $0xFFFE0C00  }
0x50: {  	[tilespmem:s2], [sflag:$0x2] =	stream.linear.gather [hbm4b:s9+s2], $0x3E8, $0x38;
	[tilespmem:$0x1F7E8] =	vst v63  }
0x51: {  	_ =	swait.ge [sflag:s3], $0x3E8  }
0x52: {  	[sflag:s3] =	ssyncset.done $0x0  }
0x53: {  	[sflag:s3] =	ssyncadd.s32 $0xFFFFFC18  }
0x54: {  	[tilespmem:s6], [sflag:$0x1] =	stream.indirect.gather [hbm4b:s5+s6], $0x80, s2, s6, $0xb8;
	[tilespmem:$0x1F7E8] =	vst v63  }
0x55: {  	_ =	swait.ge [sflag:s7], $0x1F400  }
0x56: {  	[sflag:s7] =	ssyncset.done $0x0  }
0x57: {  	[sflag:s7] =	ssyncadd.s32 $0xFFFE0C00  }
0x58: {  	[hbm4b:s10+s2] =	stream.linear.scatter [tilespmem:s6], [sflag:$0x2], $0x1F400, $0x38;
	[tilespmem:$0x1F7E8] =	vst v63  }
0x59: {  	_ =	swait.ge [sflag:s3], $0x1F400  }
0x5a: {  	[sflag:s3] =	ssyncset.done $0x0  }
0x5b: {  	[sflag:s3] =	ssyncadd.s32 $0xFFFE0C00  }
0x5c: {  	[tilespmem:s2], [sflag:$0x2] =	stream.linear.gather [hbm4b:s11+s2], $0x3E8, $0x38;
	[tilespmem:$0x1F7E8] =	vst v63  }
0x5d: {  	_ =	swait.ge [sflag:s3], $0x3E8  }
0x5e: {  	[sflag:s3] =	ssyncset.done $0x0  }
0x5f: {  	[sflag:s3] =	ssyncadd.s32 $0xFFFFFC18  }
0x60: {  	[tilespmem:s6], [sflag:$0x1] =	stream.indirect.gather [hbm4b:s5+s6], $0x80, s2, s6, $0xb8;
	[tilespmem:$0x1F7E8] =	vst v63  }
0x61: {  	_ =	swait.ge [sflag:s7], $0x1F400  }
0x62: {  	[sflag:s7] =	ssyncset.done $0x0  }
0x63: {  	[sflag:s7] =	ssyncadd.s32 $0xFFFE0C00  }
0x64: {  	[hbm4b:s12+s2] =	stream.linear.scatter [tilespmem:s6], [sflag:$0x2], $0x1F400, $0x38;
	[tilespmem:$0x1F7E8] =	vst v63  }
0x65: {  	_ =	swait.ge [sflag:s3], $0x1F400  }
0x66: {  	[sflag:s3] =	ssyncset.done $0x0  }
0x67: {  	[sflag:s3] =	ssyncadd.s32 $0xFFFE0C00  }
0x68: {  	[tilespmem:s2], [sflag:$0x2] =	stream.linear.gather [hbm4b:s13+s2], $0x3E8, $0x38;
	[tilespmem:$0x1F7E8] =	vst v63  }
0x69: {  	_ =	swait.ge [sflag:s3], $0x3E8  }
0x6a: {  	[sflag:s3] =	ssyncset.done $0x0  }
0x6b: {  	[sflag:s3] =	ssyncadd.s32 $0xFFFFFC18  }
0x6c: {  	[tilespmem:s6], [sflag:$0x1] =	stream.indirect.gather [hbm4b:s5+s6], $0x80, s2, s6, $0xb8;
	[tilespmem:$0x1F7E8] =	vst v63  }
0x6d: {  	_ =	swait.ge [sflag:s7], $0x1F400  }
0x6e: {  	[sflag:s7] =	ssyncset.done $0x0  }
0x6f: {  	[sflag:s7] =	ssyncadd.s32 $0xFFFE0C00  }
0x70: {  	[hbm4b:s14+s2] =	stream.linear.scatter [tilespmem:s6], [sflag:$0x2], $0x1F400, $0x38;
	[tilespmem:$0x1F7E8] =	vst v63  }
0x71: {  	_ =	swait.ge [sflag:s3], $0x1F400  }
0x72: {  	[sflag:s3] =	ssyncset.done $0x0  }
0x73: {  	[sflag:s3] =	ssyncadd.s32 $0xFFFE0C00  }
0x74: {  	[tilespmem:s2], [sflag:$0x2] =	stream.linear.gather [hbm4b:s15+s2], $0x3E8, $0x38;
	[tilespmem:$0x1F7E8] =	vst v63  }
0x75: {  	_ =	swait.ge [sflag:s3], $0x3E8  }
0x76: {  	[sflag:s3] =	ssyncset.done $0x0  }
0x77: {  	[sflag:s3] =	ssyncadd.s32 $0xFFFFFC18  }
0x78: {  	[tilespmem:s6], [sflag:$0x1] =	stream.indirect.gather [hbm4b:s5+s6], $0x80, s2, s6, $0xb8;
	[tilespmem:$0x1F7E8] =	vst v63  }
0x79: {  	_ =	swait.ge [sflag:s7], $0x1F400  }
.Ltmp1:
0x7a: {  	[sflag:s7] =	ssyncset.done $0x0;
	(pc) =	sbr.rel @p0 .LBB2_1-.Ltmp1, $4  }
0x7b: {  	[sflag:s7] =	ssyncadd.s32 $0xFFFE0C00  }
0x7c: {  	[hbm4b:s16+s2] =	stream.linear.scatter [tilespmem:s6], [sflag:$0x2], $0x1F400, $0x38;
	[tilespmem:$0x1F7E8] =	vst v63  }
0x7d: {  	_ =	swait.ge [sflag:s3], $0x1F400  }
0x7e: {  	[sflag:s3] =	ssyncset.done $0x0  }
.LBB2_2:
0x7f: {  	[sflag:s3] =	ssyncadd.s32 $0xFFFE0C00  }
0x80: {  	_ =	sfence.sel $0x180000  }
0x81: {  	[bflag:$0x0] =	sbarrier.arrive $0xFFFF  }
0x82: {  	p0 =	sne.s32 s0, $0x0;
	_ =	strace $0x90000047  }
0x83: {  	s0 =	sadd.s32 @!p0 $0x100000, s1;
	[bflag:$0x2] =	sbarrier.arrive $0xFFFF  }
0x84: {  	[sflag:s0] =	ssyncadd.tile.s32 @!p0 $0x1;
	_ =	shalt  }
.Lfunc_end2:
_tile_overlayer_lowered:
.L_overlay_start_2:
0x85: {  	(tag) =	ssettag $0x2  }
0x86: {  	s0 =	rddreg [dreg:$0x0];
	s2 =	stileid.u32  }
0x87: {  	s1 =	rddreg [dreg:$0x1];
	p0 =	sne.s32 s2, $0x0  }
0x88: {  	s3 =	rddreg [dreg:$0x2];
	[bflag:$0x3] =	sbarrier.arrive $0xFFFF;
	s2 =	simm.s32 @!p0 $0x1C02  }
0x89: {  	[timem:s3], [sflag:s2] =	dma.local @!p0 [hbm:s0], s1  }
0x8a: {  	s0 =	simm.s32 @!p0 $0x2  }
0x8b: {  	_ =	swait.ge @!p0 [sflag:s0], s1  }
0x8c: {  	s1 =	ssub.s32 @!p0 $0x0, s1;
	[sflag:s0] =	ssyncset.done @!p0 $0x0  }
0x8d: {  	[sflag:s0] =	ssyncadd.s32 @!p0 s1  }
0x8e: {  	[bflag:$0x3] =	sbarrier.arrive $0xFFFF  }
0x8f: {  	_ =	shalt  }

// kernel: kernel.16.cloned.1.call-start
scs
__scs_entry_jumppad:
0x0: {  	(pc) =	sbr.rel $0x88, $3  }
0x1: {  	(tag) =	ssettag $0x0;
	lr =	simm.s32 $0x1  }
0x2: {  	[smem:$0x3F8C] =	sst lr;
	_ =	strace $0xD0000000  }
0x3: {  	_ = 	snop  }
0x4: {  	_ = 	snop  }
0x5: {  	_ = 	snop  }
0x6: {  	_ = 	snop  }
0x7: {  	_ = 	snop  }
__scs_overlays_trampoline_lowered:
0x8: {  	[smem:$0x3F9B] =	sst s0  }
0x9: {  	[smem:$0x3F9C] =	sst s1  }
0xa: {  	[smem:$0x3F9D] =	sst s2  }
0xb: {  	[smem:$0x3F9E] =	sst s3  }
0xc: {  	[smem:$0x3F9F] =	sst s4  }
0xd: {  	[smem:$0x3FA0] =	sst s5  }
0xe: {  	[smem:$0x3FA1] =	sst s6  }
0xf: {  	[smem:$0x3FA2] =	sst s7  }
0x10: {  	[smem:$0x3FA3] =	sst s8  }
0x11: {  	[smem:$0x3FA4] =	sst s9;
	s0 =	simm.s32 @!p0 $0x0  }
0x12: {  	s1 =	sld [smem:$0x3F8A];
	s0 =	simm.s32 @p0 $0x1  }
0x13: {  	[smem:$0x3FA5] =	sst s0;
	s0 =	simm.s32 @!p1 $0x0  }
0x14: {  	s2 =	sld [smem:$0x3F89];
	s0 =	simm.s32 @p1 $0x1  }
0x15: {  	[smem:$0x3FA6] =	sst s0;
	s0 =	simm.s32 @!p2 $0x0  }
0x16: {  	s3 =	sld [smem:$0x3FDB];
	s0 =	simm.s32 @p2 $0x1  }
0x17: {  	s4 =	simm.s32 $0x1BF5;
	[smem:$0x3FA8] =	sst s0  }
0x18: {  	s0 =	sld [smem:$0x3F8B];
	_ =	swait.ge [sflag:s4], $0x0  }
0x19: {  	s7 =	sld [smem:$0x3F8C]  }
0x1a: {  	s8 =	sadd.s32 $0xFFFFE003, lr  }
0x1b: {  	s9 =	sadd.s32 $0xFFFFFEF7, lr;
	s5 =	simm.s32 $0xFFFFFFFF;
	p2 =	slt.u32 s8, $0xFFFFF086  }
0x1c: {  	p1 =	slt.u32 s9, $0xF7A;
	s5 =	simm.s32 @!p2 $0x0  }
0x1d: {  	s5 =	simm.s32 @p1 $0x1;
	p0 =	seq.s32 s7, s2  }
0x1e: {  	s7 =	smul.u32 @!p0 $0xF7A, s2;
	p2 =	seq.s32 @!p0 s5, $0x0  }
0x1f: {  	s9 =	smul.u32 $0xF7A, s1;
	s8 =	simm.s32 @!p0 $0x1BF5;
	p2 =	por !p2, p0  }
0x20: {  	[sflag:s8] =	ssyncset.s32 @!p0 $0xFFFFF086;
	s6 =	sadd.s32 @!p0 s3, s7;
	s7 =	simm.s32 @!p0 $0x108  }
0x21: {  	s3 =	sadd.s32 s3, s9;
	s6 =	sadd.s32 @!p0 $0x88, s6;
	s7 =	simm.s32 @p2 $0x1082  }
0x22: {  	[simem:s7], [sflag:s8] =	dma.local @!p0 [hbm:s6], $0xF7A  }
0x23: {  	s9 =	sor.u32 $0xD0000000, s2;
	s6 =	simm.s32 $0x108;
	_ =	swait.ge @!p0 [sflag:s8], $0x0  }
0x24: {  	s3 =	sadd.s32 $0x88, s3;
	s6 =	simm.s32 @!p1 $0x1082;
	[sflag:s4] =	ssyncset.s32 $0xFFFFF086  }
0x25: {  	[simem:s6], [sflag:s4] =	dma.local [hbm:s3], $0xF7A  }
0x26: {  	[smem:$0x3F8C] =	sst s1;
	(tag) =	ssettag s2;
	_ =	strace s9  }
0x27: {  	s1 =	sld [smem:$0x3F9C]  }
0x28: {  	s2 =	sld [smem:$0x3F9D]  }
0x29: {  	s4 =	sld [smem:$0x3F9F]  }
0x2a: {  	p0 =	seq.s32 s5, $0x0;
	s5 =	sld [smem:$0x3FA0]  }
0x2b: {  	s6 =	sld [smem:$0x3FA1]  }
0x2c: {  	s7 =	sld [smem:$0x3FA2]  }
0x2d: {  	s3 =	simm.s32 $0x108;
	s8 =	sld [smem:$0x3FA3]  }
0x2e: {  	s3 =	simm.s32 @!p0 $0x1082;
	s9 =	sld [smem:$0x3FA4]  }
0x2f: {  	lr =	sadd.s32 s0, s3;
	s0 =	sld [smem:$0x3F9B]  }
0x30: {  	s3 =	sld [smem:$0x3F9E]  }
0x31: {  	[smem:$0x3FA7] =	sst s10  }
0x32: {  	s10 =	sld [smem:$0x3FA5];
	_ =	sdelay $0x3  }
0x33: {  	p0 =	seq.s32 s10, $0x1;
	s10 =	sld [smem:$0x3FA7];
	_ =	sdelay $0x3  }
0x34: {  	[smem:$0x3FA7] =	sst s10  }
0x35: {  	s10 =	sld [smem:$0x3FA6];
	_ =	sdelay $0x3  }
0x36: {  	p1 =	seq.s32 s10, $0x1;
	s10 =	sld [smem:$0x3FA7];
	_ =	sdelay $0x3  }
0x37: {  	[smem:$0x3FA7] =	sst s10  }
0x38: {  	s10 =	sld [smem:$0x3FA8]  }
0x39: {  	_ = 	snop;
	(pc) =	sbr.ind lr, $3  }
0x3a: {  	_ = 	snop  }
0x3b: {  	_ = 	snop  }
0x3c: {  	p2 =	seq.s32 s10, $0x1;
	s10 =	sld [smem:$0x3FA7]  }
0x3d: {  	_ =	shalt  }
0x3e: {  	_ =	shalt  }
0x3f: {  	_ =	shalt  }
0x40: {  	_ =	shalt  }
0x41: {  	_ =	shalt  }
0x42: {  	_ =	shalt  }
0x43: {  	_ =	shalt  }
0x44: {  	_ =	shalt  }
0x45: {  	_ =	shalt  }
0x46: {  	_ =	shalt  }
0x47: {  	_ =	shalt  }
0x48: {  	_ =	shalt  }
0x49: {  	_ =	shalt  }
0x4a: {  	_ =	shalt  }
0x4b: {  	_ =	shalt  }
0x4c: {  	_ =	shalt  }
0x4d: {  	_ =	shalt  }
0x4e: {  	_ =	shalt  }
0x4f: {  	_ =	shalt  }
0x50: {  	_ =	shalt  }
0x51: {  	_ =	shalt  }
0x52: {  	_ =	shalt  }
0x53: {  	_ =	shalt  }
0x54: {  	_ =	shalt  }
0x55: {  	_ =	shalt  }
0x56: {  	_ =	shalt  }
0x57: {  	_ =	shalt  }
0x58: {  	_ =	shalt  }
0x59: {  	_ =	shalt  }
0x5a: {  	_ =	shalt  }
0x5b: {  	_ =	shalt  }
0x5c: {  	_ =	shalt  }
0x5d: {  	_ =	shalt  }
0x5e: {  	_ =	shalt  }
0x5f: {  	_ =	shalt  }
0x60: {  	_ =	shalt  }
0x61: {  	_ =	shalt  }
0x62: {  	_ =	shalt  }
0x63: {  	_ =	shalt  }
0x64: {  	_ =	shalt  }
0x65: {  	_ =	shalt  }
0x66: {  	_ =	shalt  }
0x67: {  	_ =	shalt  }
0x68: {  	_ =	shalt  }
0x69: {  	_ =	shalt  }
0x6a: {  	_ =	shalt  }
0x6b: {  	_ =	shalt  }
0x6c: {  	_ =	shalt  }
0x6d: {  	_ =	shalt  }
0x6e: {  	_ =	shalt  }
0x6f: {  	_ =	shalt  }
0x70: {  	_ =	shalt  }
0x71: {  	_ =	shalt  }
0x72: {  	_ =	shalt  }
0x73: {  	_ =	shalt  }
0x74: {  	_ =	shalt  }
0x75: {  	_ =	shalt  }
0x76: {  	_ =	shalt  }
0x77: {  	_ =	shalt  }
0x78: {  	_ =	shalt  }
0x79: {  	_ =	shalt  }
0x7a: {  	_ =	shalt  }
0x7b: {  	_ =	shalt  }
0x7c: {  	_ =	shalt  }
0x7d: {  	_ =	shalt  }
0x7e: {  	_ =	shalt  }
0x7f: {  	_ =	shalt  }
0x80: {  	_ =	shalt  }
0x81: {  	_ =	shalt  }
0x82: {  	_ =	shalt  }
0x83: {  	_ =	shalt  }
0x84: {  	_ =	shalt  }
0x85: {  	_ =	shalt  }
0x86: {  	_ =	shalt  }
0x87: {  	_ =	shalt  }
.Lfunc_end0:
.L_simem_size_0:
called_computation.1_lowered:
.L_overlay_start_0:
0x88: {  	s2 =	sld [smem:$0x3FD9]  }
0x89: {  	s3 =	sld [smem:$0x3FFE];
	_ =	sdelay $0x1  }
0x8a: {  	s1 =	srdreg.scid  }
0x8b: {  	s0 =	sand.u32 $0x1, s1  }
0x8c: {  	s17 =	sshll.u32 s0, $0xA;
	s2 =	sadd.s32 s3, s2  }
0x8d: {  	s2 =	sadd.s32 s2, s17  }
0x8e: {  	[smem:$0x3FB3] =	sst s2  }
0x8f: {  	_ = 	snop  }
0x90: {  	s2 =	sld [smem:$0x3FD0];
	(tm) =	ssettm $0x1  }
0x91: {  	s18 =	sld [smem:$0x3FFB];
	_ =	sdelay $0x3  }
0x92: {  	_ =	strace s18  }
0x93: {  	s3 =	sld [smem:$0x3FFC];
	_ =	sdelay $0x3  }
0x94: {  	_ =	strace s3  }
0x95: {  	s3 =	sld [smem:$0x3FFD];
	_ =	sdelay $0x3  }
0x96: {  	_ =	strace s3  }
0x97: {  	_ =	strace $0x8FFFFFFF  }
0x98: {  	s19 =	sld [smem:$0x3FDB];
	_ =	sdelay $0x1  }
0x99: {  	s4 =	simm.s32 $_scs_section_size  }
0x9a: {  	s5 =	simm.s32 $_size__tile_overlayer_lowered;
	s6 =	simm.s32 $_tile_overlayer_lowered  }
0x9b: {  	s22 =	simm.s32 $0x1BFF;
	s21 =	sshll.u32 s6, $0x1;
	s3 =	sadd.s32 s4, s19  }
0x9c: {  	s7 =	simm.s32 $0x0;
	s20 =	sshll.u32 s5, $0x1;
	s5 =	sadd.s32 s21, s3  }
0x9d: {  	[timem:s7], [sflag:s22] =	dma.local [hbm:s5], s20  }
0x9e: {  	_ =	swait.ge [sflag:s22], s20  }
0x9f: {  	s4 =	ssub.s32 $0x0, s20;
	[sflag:s22] =	ssyncset.done $0x0  }
0xa0: {  	[sflag:s22] =	ssyncadd.s32 s4;
	_ =	sdelay $0x1  }
0xa1: {  	s23 =	simm.s32 $0x1B8B  }
0xa2: {  	_ =	swait.ge [sflag:s23], $0x1  }
0xa3: {  	[sflag:s23] =	ssyncset.done $0x0  }
0xa4: {  	s25 =	simm.s32 $0x1B8E;
	s24 =	sld [smem:$0x3FFE];
	[sflag:s23] =	ssyncadd.s32 $0xFFFFFFFF  }
0xa5: {  	s26 =	simm.s32 $execute0_lowered;
	[smem:$0x3FD2] =	sst s25  }
0xa6: {  	s5 =	sshll.u32 s26, $0x1;
	_ =	strace $0x80000049;
	[dreg:$0x1] =	wrdreg $0xFFFFFFFF  }
0xa7: {  	s28 =	simm.s32 $_size_execute0_lowered;
	s3 =	sadd.s32 s3, s5;
	[dreg:$0x0] =	wrdreg $0x0  }
0xa8: {  	s5 =	sshll.u32 s28, $0x1;
	[dreg:$0x2] =	wrdreg s3  }
0xa9: {  	[dreg:$0x3] =	wrdreg s5  }
0xaa: {  	[dreg:$0x4] =	wrdreg $0xC0  }
0xab: {  	_ =	task [dreg:s7], $0x5FFFF  }
0xac: {  	[dreg:$0x1] =	wrdreg $0xFFFFFFFF  }
0xad: {  	[dreg:$0x0] =	wrdreg $0x60  }
0xae: {  	[dreg:$0x2] =	wrdreg s24  }
0xaf: {  	[dreg:$0x3] =	wrdreg s2  }
0xb0: {  	[dreg:$0x4] =	wrdreg $0x9  }
0xb1: {  	_ =	task.clear_ibuf [dreg:s7], $0x5FFFF;
	_ =	strace $0x90000049  }
0xb2: {  	s29 =	simm.s32 $0x9;
	_ =	strace $0x8000004B  }
0xb3: {  	_ =	swait.ge [sflag:s29], $0x1  }
0xb4: {  	[sflag:s29] =	ssyncadd.s32 $0xFFFFFFFF  }
0xb5: {  	_ =	strace $0x9000004B  }
0xb6: {  	_ =	sfence  }
0xb7: {  	s30 =	sld [smem:$0x0];
	_ =	sdelay $0x2  }
0xb8: {  	s31 =	sshll.u32 s1, $0xD;
	s1 =	sshrl.u32 s1, $0x2  }
0xb9: {  	s3 =	sand.u32 $0x4000, s31;
	s1 =	sadd.s32 s1, s30  }
0xba: {  	s0 =	sor.u32 s3, s0;
	s1 =	sshll.u32 s1, $0x11  }
0xbb: {  	s0 =	sor.u32 s1, s0  }
0xbc: {  	s0 =	sadd.s32 $0x8F2B, s0  }
0xbd: {  	[sflag:s0] =	ssyncadd.remote.s32 $0x1  }
0xbe: {  	_ =	sfence.sel $0xFFFF  }
0xbf: {  	[dreg:$0x0] =	wrdreg $0xFFFFFFFF;
	(pc) =	sbr.abs _section_cstart, $3  }
0xc0: {  	[dreg:$0x1] =	wrdreg $0xFFFFFFFF  }
0xc1: {  	_ =	task.clear_ibuf [dreg:s7], $0x2FFFF;
	_ =	strace $0x9FFFFFFF  }
0xc2: {  	(tm) =	ssettm $0x7FFFFFFF  }
0xc3: {  	_ =	shalt  }
tec
execute0_lowered:
.L_overlay_start_1:
0x0: {  	(tag) =	ssettag $0x1  }
0x1: {  	s1 =	srdreg.scid;
	s0 =	stileid.u32  }
0x2: {  	s16 =	sand.u32 $0x1, s1;
	s26 =	sshll.u32 s0, $0x1  }
0x3: {  	s8 =	rddreg [dreg:$0x0];
	s9 =	sor.u32 s16, s26  }
0x4: {  	s15 =	rddreg [dreg:$0x1];
	s17 =	smul.u32 $0x1388, s9  }
0x5: {  	s2 =	simm.s32 $0x0;
	s1 =	rddreg [dreg:$0x2]  }
0x6: {  	[smem:$0x7FF] =	sst s2;
	s3 =	sshrl.u32 s17, $0x3  }
0x7: {  	_ =	strace $0x8000004A;
	s4 =	sadd.s32 s15, s3;
	s3 =	simm.s32 $0x2  }
0x8: {  	[tilespmem:s2], [sflag:$0x2] =	stream.linear.gather [hbm4b:s4+s2], $0x3E8, $0x38;
	[tilespmem:$0x1F7E8] =	vst v63  }
0x9: {  	_ =	swait.ge [sflag:s3], $0x3E8  }
0xa: {  	s6 =	simm.s32 $0x3E8;
	[sflag:s3] =	ssyncset.done $0x0  }
0xb: {  	s7 =	simm.s32 $0x1;
	s5 =	sadd.s32 $0x4E00, s8;
	[sflag:s3] =	ssyncadd.s32 $0xFFFFFC18  }
0xc: {  	[tilespmem:s6], [sflag:$0x1] =	stream.indirect.gather [hbm4b:s5+s6], $0x80, s2, s6, $0xb8;
	[tilespmem:$0x1F7E8] =	vst v63  }
0xd: {  	s9 =	smul.u32 $0x13880, s9;
	_ =	swait.ge [sflag:s7], $0x1F400  }
0xe: {  	s18 =	sadd.s32 $0x2CE00, s8;
	[sflag:s7] =	ssyncset.done $0x0  }
0xf: {  	s8 =	sadd.s32 s18, s9;
	[sflag:s7] =	ssyncadd.s32 $0xFFFE0C00  }
0x10: {  	[hbm4b:s8+s2] =	stream.linear.scatter [tilespmem:s6], [sflag:$0x2], $0x1F400, $0x38;
	[tilespmem:$0x1F7E8] =	vst v63  }
0x11: {  	s10 =	sadd.s32 $0x3E8, s17;
	_ =	swait.ge [sflag:s3], $0x1F400  }
0x12: {  	s28 =	sshrl.u32 s10, $0x3;
	[sflag:s3] =	ssyncset.done $0x0  }
0x13: {  	s9 =	sadd.s32 s15, s28;
	[sflag:s3] =	ssyncadd.s32 $0xFFFE0C00  }
0x14: {  	[tilespmem:s2], [sflag:$0x2] =	stream.linear.gather [hbm4b:s9+s2], $0x3E8, $0x38;
	[tilespmem:$0x1F7E8] =	vst v63  }
0x15: {  	_ =	swait.ge [sflag:s3], $0x3E8  }
0x16: {  	[sflag:s3] =	ssyncset.done $0x0  }
0x17: {  	[sflag:s3] =	ssyncadd.s32 $0xFFFFFC18  }
0x18: {  	[tilespmem:s6], [sflag:$0x1] =	stream.indirect.gather [hbm4b:s5+s6], $0x80, s2, s6, $0xb8;
	[tilespmem:$0x1F7E8] =	vst v63  }
0x19: {  	_ =	swait.ge [sflag:s7], $0x1F400  }
0x1a: {  	s10 =	sshll.u32 s10, $0x4;
	[sflag:s7] =	ssyncset.done $0x0  }
0x1b: {  	s10 =	sadd.s32 s18, s10;
	[sflag:s7] =	ssyncadd.s32 $0xFFFE0C00  }
0x1c: {  	[hbm4b:s10+s2] =	stream.linear.scatter [tilespmem:s6], [sflag:$0x2], $0x1F400, $0x38;
	[tilespmem:$0x1F7E8] =	vst v63  }
0x1d: {  	s12 =	sadd.s32 $0x7D0, s17;
	_ =	swait.ge [sflag:s3], $0x1F400  }
0x1e: {  	s11 =	sshrl.u32 s12, $0x3;
	[sflag:s3] =	ssyncset.done $0x0  }
0x1f: {  	s11 =	sadd.s32 s15, s11;
	[sflag:s3] =	ssyncadd.s32 $0xFFFE0C00  }
0x20: {  	[tilespmem:s2], [sflag:$0x2] =	stream.linear.gather [hbm4b:s11+s2], $0x3E8, $0x38;
	[tilespmem:$0x1F7E8] =	vst v63  }
0x21: {  	_ =	swait.ge [sflag:s3], $0x3E8  }
0x22: {  	[sflag:s3] =	ssyncset.done $0x0  }
0x23: {  	[sflag:s3] =	ssyncadd.s32 $0xFFFFFC18  }
0x24: {  	[tilespmem:s6], [sflag:$0x1] =	stream.indirect.gather [hbm4b:s5+s6], $0x80, s2, s6, $0xb8;
	[tilespmem:$0x1F7E8] =	vst v63  }
0x25: {  	_ =	swait.ge [sflag:s7], $0x1F400  }
0x26: {  	s12 =	sshll.u32 s12, $0x4;
	[sflag:s7] =	ssyncset.done $0x0  }
0x27: {  	s12 =	sadd.s32 s18, s12;
	[sflag:s7] =	ssyncadd.s32 $0xFFFE0C00  }
0x28: {  	[hbm4b:s12+s2] =	stream.linear.scatter [tilespmem:s6], [sflag:$0x2], $0x1F400, $0x38;
	[tilespmem:$0x1F7E8] =	vst v63  }
0x29: {  	s14 =	sadd.s32 $0xBB8, s17;
	_ =	swait.ge [sflag:s3], $0x1F400  }
0x2a: {  	s13 =	sshrl.u32 s14, $0x3;
	[sflag:s3] =	ssyncset.done $0x0  }
0x2b: {  	s13 =	sadd.s32 s15, s13;
	[sflag:s3] =	ssyncadd.s32 $0xFFFE0C00  }
0x2c: {  	[tilespmem:s2], [sflag:$0x2] =	stream.linear.gather [hbm4b:s13+s2], $0x3E8, $0x38;
	[tilespmem:$0x1F7E8] =	vst v63  }
0x2d: {  	_ =	swait.ge [sflag:s3], $0x3E8  }
0x2e: {  	[sflag:s3] =	ssyncset.done $0x0  }
0x2f: {  	[sflag:s3] =	ssyncadd.s32 $0xFFFFFC18  }
0x30: {  	[tilespmem:s6], [sflag:$0x1] =	stream.indirect.gather [hbm4b:s5+s6], $0x80, s2, s6, $0xb8;
	[tilespmem:$0x1F7E8] =	vst v63  }
0x31: {  	_ =	swait.ge [sflag:s7], $0x1F400  }
0x32: {  	s14 =	sshll.u32 s14, $0x4;
	[sflag:s7] =	ssyncset.done $0x0  }
0x33: {  	s14 =	sadd.s32 s18, s14;
	[sflag:s7] =	ssyncadd.s32 $0xFFFE0C00  }
0x34: {  	[hbm4b:s14+s2] =	stream.linear.scatter [tilespmem:s6], [sflag:$0x2], $0x1F400, $0x38;
	[tilespmem:$0x1F7E8] =	vst v63  }
0x35: {  	s17 =	sadd.s32 $0xFA0, s17;
	_ =	swait.ge [sflag:s3], $0x1F400  }
0x36: {  	s19 =	sshrl.u32 s17, $0x3;
	[sflag:s3] =	ssyncset.done $0x0  }
0x37: {  	s16 =	ssub.s32 $0x2, s16;
	s15 =	sadd.s32 s15, s19;
	[sflag:s3] =	ssyncadd.s32 $0xFFFE0C00  }
0x38: {  	[tilespmem:s2], [sflag:$0x2] =	stream.linear.gather [hbm4b:s15+s2], $0x3E8, $0x38;
	[tilespmem:$0x1F7E8] =	vst v63  }
0x39: {  	s29 =	sshrl.u32 s16, $0x1;
	_ =	swait.ge [sflag:s3], $0x3E8  }
0x3a: {  	s19 =	ssub.s32 s16, s29;
	[sflag:s3] =	ssyncset.done $0x0  }
0x3b: {  	s31 =	smax.u32 s19, $0x1;
	[sflag:s3] =	ssyncadd.s32 $0xFFFFFC18  }
0x3c: {  	[tilespmem:s6], [sflag:$0x1] =	stream.indirect.gather [hbm4b:s5+s6], $0x80, s2, s6, $0xb8;
	[tilespmem:$0x1F7E8] =	vst v63  }
0x3d: {  	p0 =	sne.s32 s31, $0x1;
	_ =	swait.ge [sflag:s7], $0x1F400  }
.Ltmp0:
0x3e: {  	s30 =	sshll.u32 s17, $0x4;
	[sflag:s7] =	ssyncset.done $0x0;
	(pc) =	sbr.rel @!p0 .LBB2_2-.Ltmp0, $4  }
0x3f: {  	s16 =	sadd.s32 s18, s30;
	[sflag:s7] =	ssyncadd.s32 $0xFFFE0C00  }
0x40: {  	[hbm4b:s16+s2] =	stream.linear.scatter [tilespmem:s6], [sflag:$0x2], $0x1F400, $0x38;
	[tilespmem:$0x1F7E8] =	vst v63  }
0x41: {  	_ =	swait.ge [sflag:s3], $0x1F400  }
0x42: {  	s17 =	sadd.s32 $0xFFFFFFFF, s31;
	[sflag:s3] =	ssyncset.done $0x0  }
.LBB2_1:
0x43: {  	p0 =	sne.s32 s17, $0x1;
	s17 =	sadd.s32 $0xFFFFFFFF, s17;
	[sflag:s3] =	ssyncadd.s32 $0xFFFE0C00  }
0x44: {  	[tilespmem:s2], [sflag:$0x2] =	stream.linear.gather [hbm4b:s4+s2], $0x3E8, $0x38;
	[tilespmem:$0x1F7E8] =	vst v63  }
0x45: {  	_ =	swait.ge [sflag:s3], $0x3E8  }
0x46: {  	[sflag:s3] =	ssyncset.done $0x0  }
0x47: {  	[sflag:s3] =	ssyncadd.s32 $0xFFFFFC18  }
0x48: {  	[tilespmem:s6], [sflag:$0x1] =	stream.indirect.gather [hbm4b:s5+s6], $0x80, s2, s6, $0xb8;
	[tilespmem:$0x1F7E8] =	vst v63  }
0x49: {  	_ =	swait.ge [sflag:s7], $0x1F400  }
0x4a: {  	[sflag:s7] =	ssyncset.done $0x0  }
0x4b: {  	[sflag:s7] =	ssyncadd.s32 $0xFFFE0C00  }
0x4c: {  	[hbm4b:s8+s2] =	stream.linear.scatter [tilespmem:s6], [sflag:$0x2], $0x1F400, $0x38;
	[tilespmem:$0x1F7E8] =	vst v63  }
0x4d: {  	_ =	swait.ge [sflag:s3], $0x1F400  }
0x4e: {  	[sflag:s3] =	ssyncset.done $0x0  }
0x4f: {  	[sflag:s3] =	ssyncadd.s32 $0xFFFE0C00  }
0x50: {  	[tilespmem:s2], [sflag:$0x2] =	stream.linear.gather [hbm4b:s9+s2], $0x3E8, $0x38;
	[tilespmem:$0x1F7E8] =	vst v63  }
0x51: {  	_ =	swait.ge [sflag:s3], $0x3E8  }
0x52: {  	[sflag:s3] =	ssyncset.done $0x0  }
0x53: {  	[sflag:s3] =	ssyncadd.s32 $0xFFFFFC18  }
0x54: {  	[tilespmem:s6], [sflag:$0x1] =	stream.indirect.gather [hbm4b:s5+s6], $0x80, s2, s6, $0xb8;
	[tilespmem:$0x1F7E8] =	vst v63  }
0x55: {  	_ =	swait.ge [sflag:s7], $0x1F400  }
0x56: {  	[sflag:s7] =	ssyncset.done $0x0  }
0x57: {  	[sflag:s7] =	ssyncadd.s32 $0xFFFE0C00  }
0x58: {  	[hbm4b:s10+s2] =	stream.linear.scatter [tilespmem:s6], [sflag:$0x2], $0x1F400, $0x38;
	[tilespmem:$0x1F7E8] =	vst v63  }
0x59: {  	_ =	swait.ge [sflag:s3], $0x1F400  }
0x5a: {  	[sflag:s3] =	ssyncset.done $0x0  }
0x5b: {  	[sflag:s3] =	ssyncadd.s32 $0xFFFE0C00  }
0x5c: {  	[tilespmem:s2], [sflag:$0x2] =	stream.linear.gather [hbm4b:s11+s2], $0x3E8, $0x38;
	[tilespmem:$0x1F7E8] =	vst v63  }
0x5d: {  	_ =	swait.ge [sflag:s3], $0x3E8  }
0x5e: {  	[sflag:s3] =	ssyncset.done $0x0  }
0x5f: {  	[sflag:s3] =	ssyncadd.s32 $0xFFFFFC18  }
0x60: {  	[tilespmem:s6], [sflag:$0x1] =	stream.indirect.gather [hbm4b:s5+s6], $0x80, s2, s6, $0xb8;
	[tilespmem:$0x1F7E8] =	vst v63  }
0x61: {  	_ =	swait.ge [sflag:s7], $0x1F400  }
0x62: {  	[sflag:s7] =	ssyncset.done $0x0  }
0x63: {  	[sflag:s7] =	ssyncadd.s32 $0xFFFE0C00  }
0x64: {  	[hbm4b:s12+s2] =	stream.linear.scatter [tilespmem:s6], [sflag:$0x2], $0x1F400, $0x38;
	[tilespmem:$0x1F7E8] =	vst v63  }
0x65: {  	_ =	swait.ge [sflag:s3], $0x1F400  }
0x66: {  	[sflag:s3] =	ssyncset.done $0x0  }
0x67: {  	[sflag:s3] =	ssyncadd.s32 $0xFFFE0C00  }
0x68: {  	[tilespmem:s2], [sflag:$0x2] =	stream.linear.gather [hbm4b:s13+s2], $0x3E8, $0x38;
	[tilespmem:$0x1F7E8] =	vst v63  }
0x69: {  	_ =	swait.ge [sflag:s3], $0x3E8  }
0x6a: {  	[sflag:s3] =	ssyncset.done $0x0  }
0x6b: {  	[sflag:s3] =	ssyncadd.s32 $0xFFFFFC18  }
0x6c: {  	[tilespmem:s6], [sflag:$0x1] =	stream.indirect.gather [hbm4b:s5+s6], $0x80, s2, s6, $0xb8;
	[tilespmem:$0x1F7E8] =	vst v63  }
0x6d: {  	_ =	swait.ge [sflag:s7], $0x1F400  }
0x6e: {  	[sflag:s7] =	ssyncset.done $0x0  }
0x6f: {  	[sflag:s7] =	ssyncadd.s32 $0xFFFE0C00  }
0x70: {  	[hbm4b:s14+s2] =	stream.linear.scatter [tilespmem:s6], [sflag:$0x2], $0x1F400, $0x38;
	[tilespmem:$0x1F7E8] =	vst v63  }
0x71: {  	_ =	swait.ge [sflag:s3], $0x1F400  }
0x72: {  	[sflag:s3] =	ssyncset.done $0x0  }
0x73: {  	[sflag:s3] =	ssyncadd.s32 $0xFFFE0C00  }
0x74: {  	[tilespmem:s2], [sflag:$0x2] =	stream.linear.gather [hbm4b:s15+s2], $0x3E8, $0x38;
	[tilespmem:$0x1F7E8] =	vst v63  }
0x75: {  	_ =	swait.ge [sflag:s3], $0x3E8  }
0x76: {  	[sflag:s3] =	ssyncset.done $0x0  }
0x77: {  	[sflag:s3] =	ssyncadd.s32 $0xFFFFFC18  }
0x78: {  	[tilespmem:s6], [sflag:$0x1] =	stream.indirect.gather [hbm4b:s5+s6], $0x80, s2, s6, $0xb8;
	[tilespmem:$0x1F7E8] =	vst v63  }
0x79: {  	_ =	swait.ge [sflag:s7], $0x1F400  }
.Ltmp1:
0x7a: {  	[sflag:s7] =	ssyncset.done $0x0;
	(pc) =	sbr.rel @p0 .LBB2_1-.Ltmp1, $4  }
0x7b: {  	[sflag:s7] =	ssyncadd.s32 $0xFFFE0C00  }
0x7c: {  	[hbm4b:s16+s2] =	stream.linear.scatter [tilespmem:s6], [sflag:$0x2], $0x1F400, $0x38;
	[tilespmem:$0x1F7E8] =	vst v63  }
0x7d: {  	_ =	swait.ge [sflag:s3], $0x1F400  }
0x7e: {  	[sflag:s3] =	ssyncset.done $0x0  }
.LBB2_2:
0x7f: {  	[sflag:s3] =	ssyncadd.s32 $0xFFFE0C00  }
0x80: {  	_ =	sfence.sel $0x180000  }
0x81: {  	[bflag:$0x0] =	sbarrier.arrive $0xFFFF  }
0x82: {  	p0 =	sne.s32 s0, $0x0;
	_ =	strace $0x9000004A  }
0x83: {  	s0 =	sadd.s32 @!p0 $0x100000, s1;
	[bflag:$0x2] =	sbarrier.arrive $0xFFFF  }
0x84: {  	[sflag:s0] =	ssyncadd.tile.s32 @!p0 $0x1;
	_ =	shalt  }
.Lfunc_end2:
_tile_overlayer_lowered:
.L_overlay_start_2:
0x85: {  	(tag) =	ssettag $0x2  }
0x86: {  	s0 =	rddreg [dreg:$0x0];
	s2 =	stileid.u32  }
0x87: {  	s1 =	rddreg [dreg:$0x1];
	p0 =	sne.s32 s2, $0x0  }
0x88: {  	s3 =	rddreg [dreg:$0x2];
	[bflag:$0x3] =	sbarrier.arrive $0xFFFF;
	s2 =	simm.s32 @!p0 $0x1C02  }
0x89: {  	[timem:s3], [sflag:s2] =	dma.local @!p0 [hbm:s0], s1  }
0x8a: {  	s0 =	simm.s32 @!p0 $0x2  }
0x8b: {  	_ =	swait.ge @!p0 [sflag:s0], s1  }
0x8c: {  	s1 =	ssub.s32 @!p0 $0x0, s1;
	[sflag:s0] =	ssyncset.done @!p0 $0x0  }
0x8d: {  	[sflag:s0] =	ssyncadd.s32 @!p0 s1  }
0x8e: {  	[bflag:$0x3] =	sbarrier.arrive $0xFFFF  }
0x8f: {  	_ =	shalt  }

// kernel: kernel.19.cloned.1.call-start
scs
__scs_entry_jumppad:
0x0: {  	(pc) =	sbr.rel $0x88, $3  }
0x1: {  	(tag) =	ssettag $0x0;
	lr =	simm.s32 $0x1  }
0x2: {  	[smem:$0x3F8C] =	sst lr;
	_ =	strace $0xD0000000  }
0x3: {  	_ = 	snop  }
0x4: {  	_ = 	snop  }
0x5: {  	_ = 	snop  }
0x6: {  	_ = 	snop  }
0x7: {  	_ = 	snop  }
__scs_overlays_trampoline_lowered:
0x8: {  	[smem:$0x3F9B] =	sst s0  }
0x9: {  	[smem:$0x3F9C] =	sst s1  }
0xa: {  	[smem:$0x3F9D] =	sst s2  }
0xb: {  	[smem:$0x3F9E] =	sst s3  }
0xc: {  	[smem:$0x3F9F] =	sst s4  }
0xd: {  	[smem:$0x3FA0] =	sst s5  }
0xe: {  	[smem:$0x3FA1] =	sst s6  }
0xf: {  	[smem:$0x3FA2] =	sst s7  }
0x10: {  	[smem:$0x3FA3] =	sst s8  }
0x11: {  	[smem:$0x3FA4] =	sst s9;
	s0 =	simm.s32 @!p0 $0x0  }
0x12: {  	s1 =	sld [smem:$0x3F8A];
	s0 =	simm.s32 @p0 $0x1  }
0x13: {  	[smem:$0x3FA5] =	sst s0;
	s0 =	simm.s32 @!p1 $0x0  }
0x14: {  	s2 =	sld [smem:$0x3F89];
	s0 =	simm.s32 @p1 $0x1  }
0x15: {  	[smem:$0x3FA6] =	sst s0;
	s0 =	simm.s32 @!p2 $0x0  }
0x16: {  	s3 =	sld [smem:$0x3FDB];
	s0 =	simm.s32 @p2 $0x1  }
0x17: {  	s4 =	simm.s32 $0x1BF5;
	[smem:$0x3FA8] =	sst s0  }
0x18: {  	s0 =	sld [smem:$0x3F8B];
	_ =	swait.ge [sflag:s4], $0x0  }
0x19: {  	s7 =	sld [smem:$0x3F8C]  }
0x1a: {  	s8 =	sadd.s32 $0xFFFFE003, lr  }
0x1b: {  	s9 =	sadd.s32 $0xFFFFFEF7, lr;
	s5 =	simm.s32 $0xFFFFFFFF;
	p2 =	slt.u32 s8, $0xFFFFF086  }
0x1c: {  	p1 =	slt.u32 s9, $0xF7A;
	s5 =	simm.s32 @!p2 $0x0  }
0x1d: {  	s5 =	simm.s32 @p1 $0x1;
	p0 =	seq.s32 s7, s2  }
0x1e: {  	s7 =	smul.u32 @!p0 $0xF7A, s2;
	p2 =	seq.s32 @!p0 s5, $0x0  }
0x1f: {  	s9 =	smul.u32 $0xF7A, s1;
	s8 =	simm.s32 @!p0 $0x1BF5;
	p2 =	por !p2, p0  }
0x20: {  	[sflag:s8] =	ssyncset.s32 @!p0 $0xFFFFF086;
	s6 =	sadd.s32 @!p0 s3, s7;
	s7 =	simm.s32 @!p0 $0x108  }
0x21: {  	s3 =	sadd.s32 s3, s9;
	s6 =	sadd.s32 @!p0 $0x88, s6;
	s7 =	simm.s32 @p2 $0x1082  }
0x22: {  	[simem:s7], [sflag:s8] =	dma.local @!p0 [hbm:s6], $0xF7A  }
0x23: {  	s9 =	sor.u32 $0xD0000000, s2;
	s6 =	simm.s32 $0x108;
	_ =	swait.ge @!p0 [sflag:s8], $0x0  }
0x24: {  	s3 =	sadd.s32 $0x88, s3;
	s6 =	simm.s32 @!p1 $0x1082;
	[sflag:s4] =	ssyncset.s32 $0xFFFFF086  }
0x25: {  	[simem:s6], [sflag:s4] =	dma.local [hbm:s3], $0xF7A  }
0x26: {  	[smem:$0x3F8C] =	sst s1;
	(tag) =	ssettag s2;
	_ =	strace s9  }
0x27: {  	s1 =	sld [smem:$0x3F9C]  }
0x28: {  	s2 =	sld [smem:$0x3F9D]  }
0x29: {  	s4 =	sld [smem:$0x3F9F]  }
0x2a: {  	p0 =	seq.s32 s5, $0x0;
	s5 =	sld [smem:$0x3FA0]  }
0x2b: {  	s6 =	sld [smem:$0x3FA1]  }
0x2c: {  	s7 =	sld [smem:$0x3FA2]  }
0x2d: {  	s3 =	simm.s32 $0x108;
	s8 =	sld [smem:$0x3FA3]  }
0x2e: {  	s3 =	simm.s32 @!p0 $0x1082;
	s9 =	sld [smem:$0x3FA4]  }
0x2f: {  	lr =	sadd.s32 s0, s3;
	s0 =	sld [smem:$0x3F9B]  }
0x30: {  	s3 =	sld [smem:$0x3F9E]  }
0x31: {  	[smem:$0x3FA7] =	sst s10  }
0x32: {  	s10 =	sld [smem:$0x3FA5];
	_ =	sdelay $0x3  }
0x33: {  	p0 =	seq.s32 s10, $0x1;
	s10 =	sld [smem:$0x3FA7];
	_ =	sdelay $0x3  }
0x34: {  	[smem:$0x3FA7] =	sst s10  }
0x35: {  	s10 =	sld [smem:$0x3FA6];
	_ =	sdelay $0x3  }
0x36: {  	p1 =	seq.s32 s10, $0x1;
	s10 =	sld [smem:$0x3FA7];
	_ =	sdelay $0x3  }
0x37: {  	[smem:$0x3FA7] =	sst s10  }
0x38: {  	s10 =	sld [smem:$0x3FA8]  }
0x39: {  	_ = 	snop;
	(pc) =	sbr.ind lr, $3  }
0x3a: {  	_ = 	snop  }
0x3b: {  	_ = 	snop  }
0x3c: {  	p2 =	seq.s32 s10, $0x1;
	s10 =	sld [smem:$0x3FA7]  }
0x3d: {  	_ =	shalt  }
0x3e: {  	_ =	shalt  }
0x3f: {  	_ =	shalt  }
0x40: {  	_ =	shalt  }
0x41: {  	_ =	shalt  }
0x42: {  	_ =	shalt  }
0x43: {  	_ =	shalt  }
0x44: {  	_ =	shalt  }
0x45: {  	_ =	shalt  }
0x46: {  	_ =	shalt  }
0x47: {  	_ =	shalt  }
0x48: {  	_ =	shalt  }
0x49: {  	_ =	shalt  }
0x4a: {  	_ =	shalt  }
0x4b: {  	_ =	shalt  }
0x4c: {  	_ =	shalt  }
0x4d: {  	_ =	shalt  }
0x4e: {  	_ =	shalt  }
0x4f: {  	_ =	shalt  }
0x50: {  	_ =	shalt  }
0x51: {  	_ =	shalt  }
0x52: {  	_ =	shalt  }
0x53: {  	_ =	shalt  }
0x54: {  	_ =	shalt  }
0x55: {  	_ =	shalt  }
0x56: {  	_ =	shalt  }
0x57: {  	_ =	shalt  }
0x58: {  	_ =	shalt  }
0x59: {  	_ =	shalt  }
0x5a: {  	_ =	shalt  }
0x5b: {  	_ =	shalt  }
0x5c: {  	_ =	shalt  }
0x5d: {  	_ =	shalt  }
0x5e: {  	_ =	shalt  }
0x5f: {  	_ =	shalt  }
0x60: {  	_ =	shalt  }
0x61: {  	_ =	shalt  }
0x62: {  	_ =	shalt  }
0x63: {  	_ =	shalt  }
0x64: {  	_ =	shalt  }
0x65: {  	_ =	shalt  }
0x66: {  	_ =	shalt  }
0x67: {  	_ =	shalt  }
0x68: {  	_ =	shalt  }
0x69: {  	_ =	shalt  }
0x6a: {  	_ =	shalt  }
0x6b: {  	_ =	shalt  }
0x6c: {  	_ =	shalt  }
0x6d: {  	_ =	shalt  }
0x6e: {  	_ =	shalt  }
0x6f: {  	_ =	shalt  }
0x70: {  	_ =	shalt  }
0x71: {  	_ =	shalt  }
0x72: {  	_ =	shalt  }
0x73: {  	_ =	shalt  }
0x74: {  	_ =	shalt  }
0x75: {  	_ =	shalt  }
0x76: {  	_ =	shalt  }
0x77: {  	_ =	shalt  }
0x78: {  	_ =	shalt  }
0x79: {  	_ =	shalt  }
0x7a: {  	_ =	shalt  }
0x7b: {  	_ =	shalt  }
0x7c: {  	_ =	shalt  }
0x7d: {  	_ =	shalt  }
0x7e: {  	_ =	shalt  }
0x7f: {  	_ =	shalt  }
0x80: {  	_ =	shalt  }
0x81: {  	_ =	shalt  }
0x82: {  	_ =	shalt  }
0x83: {  	_ =	shalt  }
0x84: {  	_ =	shalt  }
0x85: {  	_ =	shalt  }
0x86: {  	_ =	shalt  }
0x87: {  	_ =	shalt  }
.Lfunc_end0:
.L_simem_size_0:
called_computation.2_lowered:
.L_overlay_start_0:
0x88: {  	s2 =	sld [smem:$0x3FD9]  }
0x89: {  	s3 =	sld [smem:$0x3FFE];
	_ =	sdelay $0x1  }
0x8a: {  	s1 =	srdreg.scid  }
0x8b: {  	s0 =	sand.u32 $0x1, s1  }
0x8c: {  	s17 =	sshll.u32 s0, $0xA;
	s2 =	sadd.s32 s3, s2  }
0x8d: {  	s2 =	sadd.s32 s2, s17  }
0x8e: {  	[smem:$0x3FB3] =	sst s2  }
0x8f: {  	_ = 	snop  }
0x90: {  	s2 =	sld [smem:$0x3FD0];
	(tm) =	ssettm $0x1  }
0x91: {  	s18 =	sld [smem:$0x3FFB];
	_ =	sdelay $0x3  }
0x92: {  	_ =	strace s18  }
0x93: {  	s3 =	sld [smem:$0x3FFC];
	_ =	sdelay $0x3  }
0x94: {  	_ =	strace s3  }
0x95: {  	s3 =	sld [smem:$0x3FFD];
	_ =	sdelay $0x3  }
0x96: {  	_ =	strace s3  }
0x97: {  	_ =	strace $0x8FFFFFFF  }
0x98: {  	s19 =	sld [smem:$0x3FDB];
	_ =	sdelay $0x1  }
0x99: {  	s4 =	simm.s32 $_scs_section_size  }
0x9a: {  	s5 =	simm.s32 $_size__tile_overlayer_lowered;
	s6 =	simm.s32 $_tile_overlayer_lowered  }
0x9b: {  	s22 =	simm.s32 $0x1BFF;
	s21 =	sshll.u32 s6, $0x1;
	s3 =	sadd.s32 s4, s19  }
0x9c: {  	s7 =	simm.s32 $0x0;
	s20 =	sshll.u32 s5, $0x1;
	s5 =	sadd.s32 s21, s3  }
0x9d: {  	[timem:s7], [sflag:s22] =	dma.local [hbm:s5], s20  }
0x9e: {  	_ =	swait.ge [sflag:s22], s20  }
0x9f: {  	s4 =	ssub.s32 $0x0, s20;
	[sflag:s22] =	ssyncset.done $0x0  }
0xa0: {  	[sflag:s22] =	ssyncadd.s32 s4;
	_ =	sdelay $0x1  }
0xa1: {  	s23 =	simm.s32 $0x1B8B  }
0xa2: {  	_ =	swait.ge [sflag:s23], $0x1  }
0xa3: {  	[sflag:s23] =	ssyncset.done $0x0  }
0xa4: {  	s25 =	simm.s32 $0x1B8E;
	s24 =	sld [smem:$0x3FFE];
	[sflag:s23] =	ssyncadd.s32 $0xFFFFFFFF  }
0xa5: {  	s26 =	simm.s32 $execute0_lowered;
	[smem:$0x3FD2] =	sst s25  }
0xa6: {  	s5 =	sshll.u32 s26, $0x1;
	_ =	strace $0x8000004C;
	[dreg:$0x1] =	wrdreg $0xFFFFFFFF  }
0xa7: {  	s28 =	simm.s32 $_size_execute0_lowered;
	s3 =	sadd.s32 s3, s5;
	[dreg:$0x0] =	wrdreg $0x0  }
0xa8: {  	s5 =	sshll.u32 s28, $0x1;
	[dreg:$0x2] =	wrdreg s3  }
0xa9: {  	[dreg:$0x3] =	wrdreg s5  }
0xaa: {  	[dreg:$0x4] =	wrdreg $0xC0  }
0xab: {  	_ =	task [dreg:s7], $0x5FFFF  }
0xac: {  	[dreg:$0x1] =	wrdreg $0xFFFFFFFF  }
0xad: {  	[dreg:$0x0] =	wrdreg $0x60  }
0xae: {  	[dreg:$0x2] =	wrdreg s24  }
0xaf: {  	[dreg:$0x3] =	wrdreg s2  }
0xb0: {  	[dreg:$0x4] =	wrdreg $0x9  }
0xb1: {  	_ =	task.clear_ibuf [dreg:s7], $0x5FFFF;
	_ =	strace $0x9000004C  }
0xb2: {  	s29 =	simm.s32 $0x9;
	_ =	strace $0x8000004E  }
0xb3: {  	_ =	swait.ge [sflag:s29], $0x1  }
0xb4: {  	[sflag:s29] =	ssyncadd.s32 $0xFFFFFFFF  }
0xb5: {  	_ =	strace $0x9000004E  }
0xb6: {  	_ =	sfence  }
0xb7: {  	s30 =	sld [smem:$0x0];
	_ =	sdelay $0x2  }
0xb8: {  	s31 =	sshll.u32 s1, $0xD;
	s1 =	sshrl.u32 s1, $0x2  }
0xb9: {  	s3 =	sand.u32 $0x4000, s31;
	s1 =	sadd.s32 s1, s30  }
0xba: {  	s0 =	sor.u32 s3, s0;
	s1 =	sshll.u32 s1, $0x11  }
0xbb: {  	s0 =	sor.u32 s1, s0  }
0xbc: {  	s0 =	sadd.s32 $0x8F2B, s0  }
0xbd: {  	[sflag:s0] =	ssyncadd.remote.s32 $0x1  }
0xbe: {  	_ =	sfence.sel $0xFFFF  }
0xbf: {  	[dreg:$0x0] =	wrdreg $0xFFFFFFFF;
	(pc) =	sbr.abs _section_cstart, $3  }
0xc0: {  	[dreg:$0x1] =	wrdreg $0xFFFFFFFF  }
0xc1: {  	_ =	task.clear_ibuf [dreg:s7], $0x2FFFF;
	_ =	strace $0x9FFFFFFF  }
0xc2: {  	(tm) =	ssettm $0x7FFFFFFF  }
0xc3: {  	_ =	shalt  }
tec
execute0_lowered:
.L_overlay_start_1:
0x0: {  	(tag) =	ssettag $0x1  }
0x1: {  	s1 =	srdreg.scid;
	s0 =	stileid.u32  }
0x2: {  	s16 =	sand.u32 $0x1, s1;
	s26 =	sshll.u32 s0, $0x1  }
0x3: {  	s8 =	rddreg [dreg:$0x0];
	s9 =	sor.u32 s16, s26  }
0x4: {  	s15 =	rddreg [dreg:$0x1];
	s17 =	smul.u32 $0x1388, s9  }
0x5: {  	s2 =	simm.s32 $0x0;
	s1 =	rddreg [dreg:$0x2]  }
0x6: {  	[smem:$0x7FF] =	sst s2;
	s3 =	sshrl.u32 s17, $0x3  }
0x7: {  	_ =	strace $0x8000004D;
	s4 =	sadd.s32 s15, s3;
	s3 =	simm.s32 $0x2  }
0x8: {  	[tilespmem:s2], [sflag:$0x2] =	stream.linear.gather [hbm4b:s4+s2], $0x3E8, $0x38;
	[tilespmem:$0x80E8] =	vst v63  }
0x9: {  	_ =	swait.ge [sflag:s3], $0x3E8  }
0xa: {  	s6 =	simm.s32 $0x3E8;
	[sflag:s3] =	ssyncset.done $0x0  }
0xb: {  	s7 =	simm.s32 $0x1;
	s5 =	sadd.s32 $0x4E00, s8;
	[sflag:s3] =	ssyncadd.s32 $0xFFFFFC18  }
0xc: {  	[tilespmem:s6], [sflag:$0x1] =	stream.indirect.gather [hbm4b:s5+s6], $0x20, s2, s6, $0xb8;
	[tilespmem:$0x80E8] =	vst v63  }
0xd: {  	s9 =	smul.u32 $0x4E20, s9;
	_ =	swait.ge [sflag:s7], $0x7D00  }
0xe: {  	s18 =	sadd.s32 $0xEE00, s8;
	[sflag:s7] =	ssyncset.done $0x0  }
0xf: {  	s8 =	sadd.s32 s18, s9;
	[sflag:s7] =	ssyncadd.s32 $0xFFFF8300  }
0x10: {  	[hbm4b:s8+s2] =	stream.linear.scatter [tilespmem:s6], [sflag:$0x2], $0x7D00, $0x38;
	[tilespmem:$0x80E8] =	vst v63  }
0x11: {  	s10 =	sadd.s32 $0x3E8, s17;
	_ =	swait.ge [sflag:s3], $0x7D00  }
0x12: {  	s28 =	sshrl.u32 s10, $0x3;
	[sflag:s3] =	ssyncset.done $0x0  }
0x13: {  	s9 =	sadd.s32 s15, s28;
	[sflag:s3] =	ssyncadd.s32 $0xFFFF8300  }
0x14: {  	[tilespmem:s2], [sflag:$0x2] =	stream.linear.gather [hbm4b:s9+s2], $0x3E8, $0x38;
	[tilespmem:$0x80E8] =	vst v63  }
0x15: {  	_ =	swait.ge [sflag:s3], $0x3E8  }
0x16: {  	[sflag:s3] =	ssyncset.done $0x0  }
0x17: {  	[sflag:s3] =	ssyncadd.s32 $0xFFFFFC18  }
0x18: {  	[tilespmem:s6], [sflag:$0x1] =	stream.indirect.gather [hbm4b:s5+s6], $0x20, s2, s6, $0xb8;
	[tilespmem:$0x80E8] =	vst v63  }
0x19: {  	_ =	swait.ge [sflag:s7], $0x7D00  }
0x1a: {  	s10 =	sshll.u32 s10, $0x2;
	[sflag:s7] =	ssyncset.done $0x0  }
0x1b: {  	s10 =	sadd.s32 s18, s10;
	[sflag:s7] =	ssyncadd.s32 $0xFFFF8300  }
0x1c: {  	[hbm4b:s10+s2] =	stream.linear.scatter [tilespmem:s6], [sflag:$0x2], $0x7D00, $0x38;
	[tilespmem:$0x80E8] =	vst v63  }
0x1d: {  	s12 =	sadd.s32 $0x7D0, s17;
	_ =	swait.ge [sflag:s3], $0x7D00  }
0x1e: {  	s11 =	sshrl.u32 s12, $0x3;
	[sflag:s3] =	ssyncset.done $0x0  }
0x1f: {  	s11 =	sadd.s32 s15, s11;
	[sflag:s3] =	ssyncadd.s32 $0xFFFF8300  }
0x20: {  	[tilespmem:s2], [sflag:$0x2] =	stream.linear.gather [hbm4b:s11+s2], $0x3E8, $0x38;
	[tilespmem:$0x80E8] =	vst v63  }
0x21: {  	_ =	swait.ge [sflag:s3], $0x3E8  }
0x22: {  	[sflag:s3] =	ssyncset.done $0x0  }
0x23: {  	[sflag:s3] =	ssyncadd.s32 $0xFFFFFC18  }
0x24: {  	[tilespmem:s6], [sflag:$0x1] =	stream.indirect.gather [hbm4b:s5+s6], $0x20, s2, s6, $0xb8;
	[tilespmem:$0x80E8] =	vst v63  }
0x25: {  	_ =	swait.ge [sflag:s7], $0x7D00  }
0x26: {  	s12 =	sshll.u32 s12, $0x2;
	[sflag:s7] =	ssyncset.done $0x0  }
0x27: {  	s12 =	sadd.s32 s18, s12;
	[sflag:s7] =	ssyncadd.s32 $0xFFFF8300  }
0x28: {  	[hbm4b:s12+s2] =	stream.linear.scatter [tilespmem:s6], [sflag:$0x2], $0x7D00, $0x38;
	[tilespmem:$0x80E8] =	vst v63  }
0x29: {  	s14 =	sadd.s32 $0xBB8, s17;
	_ =	swait.ge [sflag:s3], $0x7D00  }
0x2a: {  	s13 =	sshrl.u32 s14, $0x3;
	[sflag:s3] =	ssyncset.done $0x0  }
0x2b: {  	s13 =	sadd.s32 s15, s13;
	[sflag:s3] =	ssyncadd.s32 $0xFFFF8300  }
0x2c: {  	[tilespmem:s2], [sflag:$0x2] =	stream.linear.gather [hbm4b:s13+s2], $0x3E8, $0x38;
	[tilespmem:$0x80E8] =	vst v63  }
0x2d: {  	_ =	swait.ge [sflag:s3], $0x3E8  }
0x2e: {  	[sflag:s3] =	ssyncset.done $0x0  }
0x2f: {  	[sflag:s3] =	ssyncadd.s32 $0xFFFFFC18  }
0x30: {  	[tilespmem:s6], [sflag:$0x1] =	stream.indirect.gather [hbm4b:s5+s6], $0x20, s2, s6, $0xb8;
	[tilespmem:$0x80E8] =	vst v63  }
0x31: {  	_ =	swait.ge [sflag:s7], $0x7D00  }
0x32: {  	s14 =	sshll.u32 s14, $0x2;
	[sflag:s7] =	ssyncset.done $0x0  }
0x33: {  	s14 =	sadd.s32 s18, s14;
	[sflag:s7] =	ssyncadd.s32 $0xFFFF8300  }
0x34: {  	[hbm4b:s14+s2] =	stream.linear.scatter [tilespmem:s6], [sflag:$0x2], $0x7D00, $0x38;
	[tilespmem:$0x80E8] =	vst v63  }
0x35: {  	s17 =	sadd.s32 $0xFA0, s17;
	_ =	swait.ge [sflag:s3], $0x7D00  }
0x36: {  	s19 =	sshrl.u32 s17, $0x3;
	[sflag:s3] =	ssyncset.done $0x0  }
0x37: {  	s16 =	ssub.s32 $0x2, s16;
	s15 =	sadd.s32 s15, s19;
	[sflag:s3] =	ssyncadd.s32 $0xFFFF8300  }
0x38: {  	[tilespmem:s2], [sflag:$0x2] =	stream.linear.gather [hbm4b:s15+s2], $0x3E8, $0x38;
	[tilespmem:$0x80E8] =	vst v63  }
0x39: {  	s29 =	sshrl.u32 s16, $0x1;
	_ =	swait.ge [sflag:s3], $0x3E8  }
0x3a: {  	s19 =	ssub.s32 s16, s29;
	[sflag:s3] =	ssyncset.done $0x0  }
0x3b: {  	s31 =	smax.u32 s19, $0x1;
	[sflag:s3] =	ssyncadd.s32 $0xFFFFFC18  }
0x3c: {  	[tilespmem:s6], [sflag:$0x1] =	stream.indirect.gather [hbm4b:s5+s6], $0x20, s2, s6, $0xb8;
	[tilespmem:$0x80E8] =	vst v63  }
0x3d: {  	p0 =	sne.s32 s31, $0x1;
	_ =	swait.ge [sflag:s7], $0x7D00  }
.Ltmp0:
0x3e: {  	s30 =	sshll.u32 s17, $0x2;
	[sflag:s7] =	ssyncset.done $0x0;
	(pc) =	sbr.rel @!p0 .LBB2_2-.Ltmp0, $4  }
0x3f: {  	s16 =	sadd.s32 s18, s30;
	[sflag:s7] =	ssyncadd.s32 $0xFFFF8300  }
0x40: {  	[hbm4b:s16+s2] =	stream.linear.scatter [tilespmem:s6], [sflag:$0x2], $0x7D00, $0x38;
	[tilespmem:$0x80E8] =	vst v63  }
0x41: {  	_ =	swait.ge [sflag:s3], $0x7D00  }
0x42: {  	s17 =	sadd.s32 $0xFFFFFFFF, s31;
	[sflag:s3] =	ssyncset.done $0x0  }
.LBB2_1:
0x43: {  	p0 =	sne.s32 s17, $0x1;
	s17 =	sadd.s32 $0xFFFFFFFF, s17;
	[sflag:s3] =	ssyncadd.s32 $0xFFFF8300  }
0x44: {  	[tilespmem:s2], [sflag:$0x2] =	stream.linear.gather [hbm4b:s4+s2], $0x3E8, $0x38;
	[tilespmem:$0x80E8] =	vst v63  }
0x45: {  	_ =	swait.ge [sflag:s3], $0x3E8  }
0x46: {  	[sflag:s3] =	ssyncset.done $0x0  }
0x47: {  	[sflag:s3] =	ssyncadd.s32 $0xFFFFFC18  }
0x48: {  	[tilespmem:s6], [sflag:$0x1] =	stream.indirect.gather [hbm4b:s5+s6], $0x20, s2, s6, $0xb8;
	[tilespmem:$0x80E8] =	vst v63  }
0x49: {  	_ =	swait.ge [sflag:s7], $0x7D00  }
0x4a: {  	[sflag:s7] =	ssyncset.done $0x0  }
0x4b: {  	[sflag:s7] =	ssyncadd.s32 $0xFFFF8300  }
0x4c: {  	[hbm4b:s8+s2] =	stream.linear.scatter [tilespmem:s6], [sflag:$0x2], $0x7D00, $0x38;
	[tilespmem:$0x80E8] =	vst v63  }
0x4d: {  	_ =	swait.ge [sflag:s3], $0x7D00  }
0x4e: {  	[sflag:s3] =	ssyncset.done $0x0  }
0x4f: {  	[sflag:s3] =	ssyncadd.s32 $0xFFFF8300  }
0x50: {  	[tilespmem:s2], [sflag:$0x2] =	stream.linear.gather [hbm4b:s9+s2], $0x3E8, $0x38;
	[tilespmem:$0x80E8] =	vst v63  }
0x51: {  	_ =	swait.ge [sflag:s3], $0x3E8  }
0x52: {  	[sflag:s3] =	ssyncset.done $0x0  }
0x53: {  	[sflag:s3] =	ssyncadd.s32 $0xFFFFFC18  }
0x54: {  	[tilespmem:s6], [sflag:$0x1] =	stream.indirect.gather [hbm4b:s5+s6], $0x20, s2, s6, $0xb8;
	[tilespmem:$0x80E8] =	vst v63  }
0x55: {  	_ =	swait.ge [sflag:s7], $0x7D00  }
0x56: {  	[sflag:s7] =	ssyncset.done $0x0  }
0x57: {  	[sflag:s7] =	ssyncadd.s32 $0xFFFF8300  }
0x58: {  	[hbm4b:s10+s2] =	stream.linear.scatter [tilespmem:s6], [sflag:$0x2], $0x7D00, $0x38;
	[tilespmem:$0x80E8] =	vst v63  }
0x59: {  	_ =	swait.ge [sflag:s3], $0x7D00  }
0x5a: {  	[sflag:s3] =	ssyncset.done $0x0  }
0x5b: {  	[sflag:s3] =	ssyncadd.s32 $0xFFFF8300  }
0x5c: {  	[tilespmem:s2], [sflag:$0x2] =	stream.linear.gather [hbm4b:s11+s2], $0x3E8, $0x38;
	[tilespmem:$0x80E8] =	vst v63  }
0x5d: {  	_ =	swait.ge [sflag:s3], $0x3E8  }
0x5e: {  	[sflag:s3] =	ssyncset.done $0x0  }
0x5f: {  	[sflag:s3] =	ssyncadd.s32 $0xFFFFFC18  }
0x60: {  	[tilespmem:s6], [sflag:$0x1] =	stream.indirect.gather [hbm4b:s5+s6], $0x20, s2, s6, $0xb8;
	[tilespmem:$0x80E8] =	vst v63  }
0x61: {  	_ =	swait.ge [sflag:s7], $0x7D00  }
0x62: {  	[sflag:s7] =	ssyncset.done $0x0  }
0x63: {  	[sflag:s7] =	ssyncadd.s32 $0xFFFF8300  }
0x64: {  	[hbm4b:s12+s2] =	stream.linear.scatter [tilespmem:s6], [sflag:$0x2], $0x7D00, $0x38;
	[tilespmem:$0x80E8] =	vst v63  }
0x65: {  	_ =	swait.ge [sflag:s3], $0x7D00  }
0x66: {  	[sflag:s3] =	ssyncset.done $0x0  }
0x67: {  	[sflag:s3] =	ssyncadd.s32 $0xFFFF8300  }
0x68: {  	[tilespmem:s2], [sflag:$0x2] =	stream.linear.gather [hbm4b:s13+s2], $0x3E8, $0x38;
	[tilespmem:$0x80E8] =	vst v63  }
0x69: {  	_ =	swait.ge [sflag:s3], $0x3E8  }
0x6a: {  	[sflag:s3] =	ssyncset.done $0x0  }
0x6b: {  	[sflag:s3] =	ssyncadd.s32 $0xFFFFFC18  }
0x6c: {  	[tilespmem:s6], [sflag:$0x1] =	stream.indirect.gather [hbm4b:s5+s6], $0x20, s2, s6, $0xb8;
	[tilespmem:$0x80E8] =	vst v63  }
0x6d: {  	_ =	swait.ge [sflag:s7], $0x7D00  }
0x6e: {  	[sflag:s7] =	ssyncset.done $0x0  }
0x6f: {  	[sflag:s7] =	ssyncadd.s32 $0xFFFF8300  }
0x70: {  	[hbm4b:s14+s2] =	stream.linear.scatter [tilespmem:s6], [sflag:$0x2], $0x7D00, $0x38;
	[tilespmem:$0x80E8] =	vst v63  }
0x71: {  	_ =	swait.ge [sflag:s3], $0x7D00  }
0x72: {  	[sflag:s3] =	ssyncset.done $0x0  }
0x73: {  	[sflag:s3] =	ssyncadd.s32 $0xFFFF8300  }
0x74: {  	[tilespmem:s2], [sflag:$0x2] =	stream.linear.gather [hbm4b:s15+s2], $0x3E8, $0x38;
	[tilespmem:$0x80E8] =	vst v63  }
0x75: {  	_ =	swait.ge [sflag:s3], $0x3E8  }
0x76: {  	[sflag:s3] =	ssyncset.done $0x0  }
0x77: {  	[sflag:s3] =	ssyncadd.s32 $0xFFFFFC18  }
0x78: {  	[tilespmem:s6], [sflag:$0x1] =	stream.indirect.gather [hbm4b:s5+s6], $0x20, s2, s6, $0xb8;
	[tilespmem:$0x80E8] =	vst v63  }
0x79: {  	_ =	swait.ge [sflag:s7], $0x7D00  }
.Ltmp1:
0x7a: {  	[sflag:s7] =	ssyncset.done $0x0;
	(pc) =	sbr.rel @p0 .LBB2_1-.Ltmp1, $4  }
0x7b: {  	[sflag:s7] =	ssyncadd.s32 $0xFFFF8300  }
0x7c: {  	[hbm4b:s16+s2] =	stream.linear.scatter [tilespmem:s6], [sflag:$0x2], $0x7D00, $0x38;
	[tilespmem:$0x80E8] =	vst v63  }
0x7d: {  	_ =	swait.ge [sflag:s3], $0x7D00  }
0x7e: {  	[sflag:s3] =	ssyncset.done $0x0  }
.LBB2_2:
0x7f: {  	[sflag:s3] =	ssyncadd.s32 $0xFFFF8300  }
0x80: {  	_ =	sfence.sel $0x180000  }
0x81: {  	[bflag:$0x0] =	sbarrier.arrive $0xFFFF  }
0x82: {  	p0 =	sne.s32 s0, $0x0;
	_ =	strace $0x9000004D  }
0x83: {  	s0 =	sadd.s32 @!p0 $0x100000, s1;
	[bflag:$0x2] =	sbarrier.arrive $0xFFFF  }
0x84: {  	[sflag:s0] =	ssyncadd.tile.s32 @!p0 $0x1;
	_ =	shalt  }
.Lfunc_end2:
_tile_overlayer_lowered:
.L_overlay_start_2:
0x85: {  	(tag) =	ssettag $0x2  }
0x86: {  	s0 =	rddreg [dreg:$0x0];
	s2 =	stileid.u32  }
0x87: {  	s1 =	rddreg [dreg:$0x1];
	p0 =	sne.s32 s2, $0x0  }
0x88: {  	s3 =	rddreg [dreg:$0x2];
	[bflag:$0x3] =	sbarrier.arrive $0xFFFF;
	s2 =	simm.s32 @!p0 $0x1C02  }
0x89: {  	[timem:s3], [sflag:s2] =	dma.local @!p0 [hbm:s0], s1  }
0x8a: {  	s0 =	simm.s32 @!p0 $0x2  }
0x8b: {  	_ =	swait.ge @!p0 [sflag:s0], s1  }
0x8c: {  	s1 =	ssub.s32 @!p0 $0x0, s1;
	[sflag:s0] =	ssyncset.done @!p0 $0x0  }
0x8d: {  	[sflag:s0] =	ssyncadd.s32 @!p0 s1  }
0x8e: {  	[bflag:$0x3] =	sbarrier.arrive $0xFFFF  }
0x8f: {  	_ =	shalt  }

// kernel: kernel.22.cloned.1.call-start
scs
__scs_entry_jumppad:
0x0: {  	(pc) =	sbr.rel $0x88, $3  }
0x1: {  	(tag) =	ssettag $0x0;
	lr =	simm.s32 $0x1  }
0x2: {  	[smem:$0x3F8C] =	sst lr;
	_ =	strace $0xD0000000  }
0x3: {  	_ = 	snop  }
0x4: {  	_ = 	snop  }
0x5: {  	_ = 	snop  }
0x6: {  	_ = 	snop  }
0x7: {  	_ = 	snop  }
__scs_overlays_trampoline_lowered:
0x8: {  	[smem:$0x3F9B] =	sst s0  }
0x9: {  	[smem:$0x3F9C] =	sst s1  }
0xa: {  	[smem:$0x3F9D] =	sst s2  }
0xb: {  	[smem:$0x3F9E] =	sst s3  }
0xc: {  	[smem:$0x3F9F] =	sst s4  }
0xd: {  	[smem:$0x3FA0] =	sst s5  }
0xe: {  	[smem:$0x3FA1] =	sst s6  }
0xf: {  	[smem:$0x3FA2] =	sst s7  }
0x10: {  	[smem:$0x3FA3] =	sst s8  }
0x11: {  	[smem:$0x3FA4] =	sst s9;
	s0 =	simm.s32 @!p0 $0x0  }
0x12: {  	s1 =	sld [smem:$0x3F8A];
	s0 =	simm.s32 @p0 $0x1  }
0x13: {  	[smem:$0x3FA5] =	sst s0;
	s0 =	simm.s32 @!p1 $0x0  }
0x14: {  	s2 =	sld [smem:$0x3F89];
	s0 =	simm.s32 @p1 $0x1  }
0x15: {  	[smem:$0x3FA6] =	sst s0;
	s0 =	simm.s32 @!p2 $0x0  }
0x16: {  	s3 =	sld [smem:$0x3FDB];
	s0 =	simm.s32 @p2 $0x1  }
0x17: {  	s4 =	simm.s32 $0x1BF5;
	[smem:$0x3FA8] =	sst s0  }
0x18: {  	s0 =	sld [smem:$0x3F8B];
	_ =	swait.ge [sflag:s4], $0x0  }
0x19: {  	s7 =	sld [smem:$0x3F8C]  }
0x1a: {  	s8 =	sadd.s32 $0xFFFFE003, lr  }
0x1b: {  	s9 =	sadd.s32 $0xFFFFFEF7, lr;
	s5 =	simm.s32 $0xFFFFFFFF;
	p2 =	slt.u32 s8, $0xFFFFF086  }
0x1c: {  	p1 =	slt.u32 s9, $0xF7A;
	s5 =	simm.s32 @!p2 $0x0  }
0x1d: {  	s5 =	simm.s32 @p1 $0x1;
	p0 =	seq.s32 s7, s2  }
0x1e: {  	s7 =	smul.u32 @!p0 $0xF7A, s2;
	p2 =	seq.s32 @!p0 s5, $0x0  }
0x1f: {  	s9 =	smul.u32 $0xF7A, s1;
	s8 =	simm.s32 @!p0 $0x1BF5;
	p2 =	por !p2, p0  }
0x20: {  	[sflag:s8] =	ssyncset.s32 @!p0 $0xFFFFF086;
	s6 =	sadd.s32 @!p0 s3, s7;
	s7 =	simm.s32 @!p0 $0x108  }
0x21: {  	s3 =	sadd.s32 s3, s9;
	s6 =	sadd.s32 @!p0 $0x88, s6;
	s7 =	simm.s32 @p2 $0x1082  }
0x22: {  	[simem:s7], [sflag:s8] =	dma.local @!p0 [hbm:s6], $0xF7A  }
0x23: {  	s9 =	sor.u32 $0xD0000000, s2;
	s6 =	simm.s32 $0x108;
	_ =	swait.ge @!p0 [sflag:s8], $0x0  }
0x24: {  	s3 =	sadd.s32 $0x88, s3;
	s6 =	simm.s32 @!p1 $0x1082;
	[sflag:s4] =	ssyncset.s32 $0xFFFFF086  }
0x25: {  	[simem:s6], [sflag:s4] =	dma.local [hbm:s3], $0xF7A  }
0x26: {  	[smem:$0x3F8C] =	sst s1;
	(tag) =	ssettag s2;
	_ =	strace s9  }
0x27: {  	s1 =	sld [smem:$0x3F9C]  }
0x28: {  	s2 =	sld [smem:$0x3F9D]  }
0x29: {  	s4 =	sld [smem:$0x3F9F]  }
0x2a: {  	p0 =	seq.s32 s5, $0x0;
	s5 =	sld [smem:$0x3FA0]  }
0x2b: {  	s6 =	sld [smem:$0x3FA1]  }
0x2c: {  	s7 =	sld [smem:$0x3FA2]  }
0x2d: {  	s3 =	simm.s32 $0x108;
	s8 =	sld [smem:$0x3FA3]  }
0x2e: {  	s3 =	simm.s32 @!p0 $0x1082;
	s9 =	sld [smem:$0x3FA4]  }
0x2f: {  	lr =	sadd.s32 s0, s3;
	s0 =	sld [smem:$0x3F9B]  }
0x30: {  	s3 =	sld [smem:$0x3F9E]  }
0x31: {  	[smem:$0x3FA7] =	sst s10  }
0x32: {  	s10 =	sld [smem:$0x3FA5];
	_ =	sdelay $0x3  }
0x33: {  	p0 =	seq.s32 s10, $0x1;
	s10 =	sld [smem:$0x3FA7];
	_ =	sdelay $0x3  }
0x34: {  	[smem:$0x3FA7] =	sst s10  }
0x35: {  	s10 =	sld [smem:$0x3FA6];
	_ =	sdelay $0x3  }
0x36: {  	p1 =	seq.s32 s10, $0x1;
	s10 =	sld [smem:$0x3FA7];
	_ =	sdelay $0x3  }
0x37: {  	[smem:$0x3FA7] =	sst s10  }
0x38: {  	s10 =	sld [smem:$0x3FA8]  }
0x39: {  	_ = 	snop;
	(pc) =	sbr.ind lr, $3  }
0x3a: {  	_ = 	snop  }
0x3b: {  	_ = 	snop  }
0x3c: {  	p2 =	seq.s32 s10, $0x1;
	s10 =	sld [smem:$0x3FA7]  }
0x3d: {  	_ =	shalt  }
0x3e: {  	_ =	shalt  }
0x3f: {  	_ =	shalt  }
0x40: {  	_ =	shalt  }
0x41: {  	_ =	shalt  }
0x42: {  	_ =	shalt  }
0x43: {  	_ =	shalt  }
0x44: {  	_ =	shalt  }
0x45: {  	_ =	shalt  }
0x46: {  	_ =	shalt  }
0x47: {  	_ =	shalt  }
0x48: {  	_ =	shalt  }
0x49: {  	_ =	shalt  }
0x4a: {  	_ =	shalt  }
0x4b: {  	_ =	shalt  }
0x4c: {  	_ =	shalt  }
0x4d: {  	_ =	shalt  }
0x4e: {  	_ =	shalt  }
0x4f: {  	_ =	shalt  }
0x50: {  	_ =	shalt  }
0x51: {  	_ =	shalt  }
0x52: {  	_ =	shalt  }
0x53: {  	_ =	shalt  }
0x54: {  	_ =	shalt  }
0x55: {  	_ =	shalt  }
0x56: {  	_ =	shalt  }
0x57: {  	_ =	shalt  }
0x58: {  	_ =	shalt  }
0x59: {  	_ =	shalt  }
0x5a: {  	_ =	shalt  }
0x5b: {  	_ =	shalt  }
0x5c: {  	_ =	shalt  }
0x5d: {  	_ =	shalt  }
0x5e: {  	_ =	shalt  }
0x5f: {  	_ =	shalt  }
0x60: {  	_ =	shalt  }
0x61: {  	_ =	shalt  }
0x62: {  	_ =	shalt  }
0x63: {  	_ =	shalt  }
0x64: {  	_ =	shalt  }
0x65: {  	_ =	shalt  }
0x66: {  	_ =	shalt  }
0x67: {  	_ =	shalt  }
0x68: {  	_ =	shalt  }
0x69: {  	_ =	shalt  }
0x6a: {  	_ =	shalt  }
0x6b: {  	_ =	shalt  }
0x6c: {  	_ =	shalt  }
0x6d: {  	_ =	shalt  }
0x6e: {  	_ =	shalt  }
0x6f: {  	_ =	shalt  }
0x70: {  	_ =	shalt  }
0x71: {  	_ =	shalt  }
0x72: {  	_ =	shalt  }
0x73: {  	_ =	shalt  }
0x74: {  	_ =	shalt  }
0x75: {  	_ =	shalt  }
0x76: {  	_ =	shalt  }
0x77: {  	_ =	shalt  }
0x78: {  	_ =	shalt  }
0x79: {  	_ =	shalt  }
0x7a: {  	_ =	shalt  }
0x7b: {  	_ =	shalt  }
0x7c: {  	_ =	shalt  }
0x7d: {  	_ =	shalt  }
0x7e: {  	_ =	shalt  }
0x7f: {  	_ =	shalt  }
0x80: {  	_ =	shalt  }
0x81: {  	_ =	shalt  }
0x82: {  	_ =	shalt  }
0x83: {  	_ =	shalt  }
0x84: {  	_ =	shalt  }
0x85: {  	_ =	shalt  }
0x86: {  	_ =	shalt  }
0x87: {  	_ =	shalt  }
.Lfunc_end0:
.L_simem_size_0:
called_computation.3_lowered:
.L_overlay_start_0:
0x88: {  	s2 =	sld [smem:$0x3FD9]  }
0x89: {  	s3 =	sld [smem:$0x3FFE];
	_ =	sdelay $0x1  }
0x8a: {  	s1 =	srdreg.scid  }
0x8b: {  	s0 =	sand.u32 $0x1, s1  }
0x8c: {  	s16 =	sshll.u32 s0, $0xA;
	s2 =	sadd.s32 s3, s2  }
0x8d: {  	s2 =	sadd.s32 s2, s16  }
0x8e: {  	[smem:$0x3FB3] =	sst s2  }
0x8f: {  	_ = 	snop  }
0x90: {  	(tm) =	ssettm $0x1  }
0x91: {  	s17 =	sld [smem:$0x3FFB];
	_ =	sdelay $0x3  }
0x92: {  	_ =	strace s17  }
0x93: {  	s2 =	sld [smem:$0x3FFC];
	_ =	sdelay $0x3  }
0x94: {  	_ =	strace s2  }
0x95: {  	s2 =	sld [smem:$0x3FFD];
	_ =	sdelay $0x3  }
0x96: {  	_ =	strace s2  }
0x97: {  	_ =	strace $0x8FFFFFFF  }
0x98: {  	s18 =	sld [smem:$0x3FDB];
	_ =	sdelay $0x1  }
0x99: {  	s19 =	simm.s32 $_scs_section_size  }
0x9a: {  	s4 =	simm.s32 $_size__tile_overlayer_lowered;
	s5 =	simm.s32 $_tile_overlayer_lowered  }
0x9b: {  	s22 =	simm.s32 $0x1BFF;
	s21 =	sshll.u32 s5, $0x1;
	s2 =	sadd.s32 s19, s18  }
0x9c: {  	s6 =	simm.s32 $0x0;
	s20 =	sshll.u32 s4, $0x1;
	s4 =	sadd.s32 s21, s2  }
0x9d: {  	[timem:s6], [sflag:s22] =	dma.local [hbm:s4], s20  }
0x9e: {  	_ =	swait.ge [sflag:s22], s20  }
0x9f: {  	s3 =	ssub.s32 $0x0, s20;
	[sflag:s22] =	ssyncset.done $0x0  }
0xa0: {  	[sflag:s22] =	ssyncadd.s32 s3;
	_ =	sdelay $0x1  }
0xa1: {  	s23 =	simm.s32 $0x1B8B  }
0xa2: {  	_ =	swait.ge [sflag:s23], $0x1  }
0xa3: {  	[sflag:s23] =	ssyncset.done $0x0  }
0xa4: {  	s25 =	simm.s32 $0x1B8E;
	s24 =	sld [smem:$0x3FFE];
	[sflag:s23] =	ssyncadd.s32 $0xFFFFFFFF  }
0xa5: {  	s26 =	simm.s32 $execute0_lowered;
	[smem:$0x3FD2] =	sst s25  }
0xa6: {  	s4 =	sshll.u32 s26, $0x1;
	_ =	strace $0x8000004F;
	[dreg:$0x1] =	wrdreg $0xFFFFFFFF  }
0xa7: {  	s28 =	simm.s32 $_size_execute0_lowered;
	s2 =	sadd.s32 s2, s4;
	[dreg:$0x0] =	wrdreg $0x0  }
0xa8: {  	s4 =	sshll.u32 s28, $0x1;
	[dreg:$0x2] =	wrdreg s2  }
0xa9: {  	[dreg:$0x3] =	wrdreg s4  }
0xaa: {  	[dreg:$0x4] =	wrdreg $0xC0  }
0xab: {  	_ =	task [dreg:s6], $0x5FFFF  }
0xac: {  	[dreg:$0x1] =	wrdreg $0xFFFFFFFF  }
0xad: {  	[dreg:$0x0] =	wrdreg $0x60  }
0xae: {  	[dreg:$0x2] =	wrdreg s24  }
0xaf: {  	[dreg:$0x3] =	wrdreg $0x9  }
0xb0: {  	_ =	task.clear_ibuf [dreg:s6], $0x4FFFF;
	_ =	strace $0x9000004F  }
0xb1: {  	s29 =	simm.s32 $0x9;
	_ =	strace $0x80000051  }
0xb2: {  	_ =	swait.ge [sflag:s29], $0x1  }
0xb3: {  	[sflag:s29] =	ssyncadd.s32 $0xFFFFFFFF  }
0xb4: {  	_ =	strace $0x90000051  }
0xb5: {  	_ =	sfence  }
0xb6: {  	s30 =	sld [smem:$0x0];
	_ =	sdelay $0x2  }
0xb7: {  	s31 =	sshll.u32 s1, $0xD;
	s1 =	sshrl.u32 s1, $0x2  }
0xb8: {  	s3 =	sand.u32 $0x4000, s31;
	s1 =	sadd.s32 s1, s30  }
0xb9: {  	s0 =	sor.u32 s3, s0;
	s1 =	sshll.u32 s1, $0x11  }
0xba: {  	s0 =	sor.u32 s1, s0  }
0xbb: {  	s0 =	sadd.s32 $0x8F2B, s0  }
0xbc: {  	[sflag:s0] =	ssyncadd.remote.s32 $0x1  }
0xbd: {  	_ =	sfence.sel $0xFFFF  }
0xbe: {  	[dreg:$0x0] =	wrdreg $0xFFFFFFFF;
	(pc) =	sbr.abs _section_cstart, $3  }
0xbf: {  	[dreg:$0x1] =	wrdreg $0xFFFFFFFF  }
0xc0: {  	_ =	task.clear_ibuf [dreg:s6], $0x2FFFF;
	_ =	strace $0x9FFFFFFF  }
0xc1: {  	(tm) =	ssettm $0x7FFFFFFF  }
tec
execute0_lowered:
.L_overlay_start_1:
0x0: {  	(tag) =	ssettag $0x1  }
0x1: {  	s1 =	srdreg.scid;
	s0 =	stileid.u32  }
0x2: {  	s10 =	sand.u32 $0x1, s1;
	s26 =	sshll.u32 s0, $0x1  }
0x3: {  	s8 =	sor.u32 s10, s26  }
0x4: {  	s9 =	rddreg [dreg:$0x0];
	s11 =	smul.u32 $0x2710, s8  }
0x5: {  	s2 =	simm.s32 $0x0;
	s1 =	rddreg [dreg:$0x1]  }
0x6: {  	[smem:$0x7FF] =	sst s2;
	s12 =	sadd.s32 $0xAB200, s9;
	s3 =	sshrl.u32 s11, $0x3  }
0x7: {  	_ =	strace $0x80000050;
	s4 =	sadd.s32 s12, s3;
	s3 =	simm.s32 $0x2  }
0x8: {  	[tilespmem:s2], [sflag:$0x2] =	stream.linear.gather [hbm4b:s4+s2], $0x1388, $0x38;
	[tilespmem:$0x14C08] =	vst v63  }
0x9: {  	_ =	swait.ge [sflag:s3], $0x1388  }
0xa: {  	s6 =	simm.s32 $0x1388;
	[sflag:s3] =	ssyncset.done $0x0  }
0xb: {  	s7 =	simm.s32 $0x1;
	s5 =	sadd.s32 $0x4E00, s9;
	[sflag:s3] =	ssyncadd.s32 $0xFFFFEC78  }
0xc: {  	[tilespmem:s6], [sflag:$0x1] =	stream.indirect.gather [hbm4b:s5+s6], $0x10, s2, s6, $0xb8;
	[tilespmem:$0x14C08] =	vst v63  }
0xd: {  	s8 =	smul.u32 $0x4E20, s8;
	_ =	swait.ge [sflag:s7], $0x13880  }
0xe: {  	s13 =	sadd.s32 $0x9E00, s9;
	[sflag:s7] =	ssyncset.done $0x0  }
0xf: {  	s8 =	sadd.s32 s13, s8;
	[sflag:s7] =	ssyncadd.s32 $0xFFFEC780  }
0x10: {  	[hbm4b:s8+s2] =	stream.linear.scatter [tilespmem:s6], [sflag:$0x2], $0x13880, $0x38;
	[tilespmem:$0x14C08] =	vst v63  }
0x11: {  	s11 =	sadd.s32 $0x1388, s11;
	_ =	swait.ge [sflag:s3], $0x13880  }
0x12: {  	s28 =	sshrl.u32 s11, $0x3;
	[sflag:s3] =	ssyncset.done $0x0  }
0x13: {  	s10 =	ssub.s32 $0x2, s10;
	s9 =	sadd.s32 s12, s28;
	[sflag:s3] =	ssyncadd.s32 $0xFFFEC780  }
0x14: {  	[tilespmem:s2], [sflag:$0x2] =	stream.linear.gather [hbm4b:s9+s2], $0x1388, $0x38;
	[tilespmem:$0x14C08] =	vst v63  }
0x15: {  	s29 =	sshrl.u32 s10, $0x1;
	_ =	swait.ge [sflag:s3], $0x1388  }
0x16: {  	s12 =	ssub.s32 s10, s29;
	[sflag:s3] =	ssyncset.done $0x0  }
0x17: {  	s31 =	smax.u32 s12, $0x1;
	[sflag:s3] =	ssyncadd.s32 $0xFFFFEC78  }
0x18: {  	[tilespmem:s6], [sflag:$0x1] =	stream.indirect.gather [hbm4b:s5+s6], $0x10, s2, s6, $0xb8;
	[tilespmem:$0x14C08] =	vst v63  }
0x19: {  	p0 =	sne.s32 s31, $0x1;
	_ =	swait.ge [sflag:s7], $0x13880  }
.Ltmp0:
0x1a: {  	s30 =	sshll.u32 s11, $0x1;
	[sflag:s7] =	ssyncset.done $0x0;
	(pc) =	sbr.rel @!p0 .LBB2_2-.Ltmp0, $4  }
0x1b: {  	s10 =	sadd.s32 s13, s30;
	[sflag:s7] =	ssyncadd.s32 $0xFFFEC780  }
0x1c: {  	[hbm4b:s10+s2] =	stream.linear.scatter [tilespmem:s6], [sflag:$0x2], $0x13880, $0x38;
	[tilespmem:$0x14C08] =	vst v63  }
0x1d: {  	_ =	swait.ge [sflag:s3], $0x13880  }
0x1e: {  	s11 =	sadd.s32 $0xFFFFFFFF, s31;
	[sflag:s3] =	ssyncset.done $0x0  }
.LBB2_1:
0x1f: {  	p0 =	sne.s32 s11, $0x1;
	s11 =	sadd.s32 $0xFFFFFFFF, s11;
	[sflag:s3] =	ssyncadd.s32 $0xFFFEC780  }
0x20: {  	[tilespmem:s2], [sflag:$0x2] =	stream.linear.gather [hbm4b:s4+s2], $0x1388, $0x38;
	[tilespmem:$0x14C08] =	vst v63  }
0x21: {  	_ =	swait.ge [sflag:s3], $0x1388  }
0x22: {  	[sflag:s3] =	ssyncset.done $0x0  }
0x23: {  	[sflag:s3] =	ssyncadd.s32 $0xFFFFEC78  }
0x24: {  	[tilespmem:s6], [sflag:$0x1] =	stream.indirect.gather [hbm4b:s5+s6], $0x10, s2, s6, $0xb8;
	[tilespmem:$0x14C08] =	vst v63  }
0x25: {  	_ =	swait.ge [sflag:s7], $0x13880  }
0x26: {  	[sflag:s7] =	ssyncset.done $0x0  }
0x27: {  	[sflag:s7] =	ssyncadd.s32 $0xFFFEC780  }
0x28: {  	[hbm4b:s8+s2] =	stream.linear.scatter [tilespmem:s6], [sflag:$0x2], $0x13880, $0x38;
	[tilespmem:$0x14C08] =	vst v63  }
0x29: {  	_ =	swait.ge [sflag:s3], $0x13880  }
0x2a: {  	[sflag:s3] =	ssyncset.done $0x0  }
0x2b: {  	[sflag:s3] =	ssyncadd.s32 $0xFFFEC780  }
0x2c: {  	[tilespmem:s2], [sflag:$0x2] =	stream.linear.gather [hbm4b:s9+s2], $0x1388, $0x38;
	[tilespmem:$0x14C08] =	vst v63  }
0x2d: {  	_ =	swait.ge [sflag:s3], $0x1388  }
0x2e: {  	[sflag:s3] =	ssyncset.done $0x0  }
0x2f: {  	[sflag:s3] =	ssyncadd.s32 $0xFFFFEC78  }
0x30: {  	[tilespmem:s6], [sflag:$0x1] =	stream.indirect.gather [hbm4b:s5+s6], $0x10, s2, s6, $0xb8;
	[tilespmem:$0x14C08] =	vst v63  }
0x31: {  	_ =	swait.ge [sflag:s7], $0x13880  }
.Ltmp1:
0x32: {  	[sflag:s7] =	ssyncset.done $0x0;
	(pc) =	sbr.rel @p0 .LBB2_1-.Ltmp1, $4  }
0x33: {  	[sflag:s7] =	ssyncadd.s32 $0xFFFEC780  }
0x34: {  	[hbm4b:s10+s2] =	stream.linear.scatter [tilespmem:s6], [sflag:$0x2], $0x13880, $0x38;
	[tilespmem:$0x14C08] =	vst v63  }
0x35: {  	_ =	swait.ge [sflag:s3], $0x13880  }
0x36: {  	[sflag:s3] =	ssyncset.done $0x0  }
.LBB2_2:
0x37: {  	[sflag:s3] =	ssyncadd.s32 $0xFFFEC780  }
0x38: {  	_ =	sfence.sel $0x180000  }
0x39: {  	[bflag:$0x0] =	sbarrier.arrive $0xFFFF  }
0x3a: {  	p0 =	sne.s32 s0, $0x0;
	_ =	strace $0x90000050  }
0x3b: {  	s0 =	sadd.s32 @!p0 $0x100000, s1;
	[bflag:$0x2] =	sbarrier.arrive $0xFFFF  }
0x3c: {  	[sflag:s0] =	ssyncadd.tile.s32 @!p0 $0x1;
	_ =	shalt  }
.Lfunc_end2:
_tile_overlayer_lowered:
.L_overlay_start_2:
0x3d: {  	(tag) =	ssettag $0x2  }
0x3e: {  	s0 =	rddreg [dreg:$0x0];
	s2 =	stileid.u32  }
0x3f: {  	s1 =	rddreg [dreg:$0x1];
	p0 =	sne.s32 s2, $0x0  }
0x40: {  	s3 =	rddreg [dreg:$0x2];
	[bflag:$0x3] =	sbarrier.arrive $0xFFFF;
	s2 =	simm.s32 @!p0 $0x1C02  }
0x41: {  	[timem:s3], [sflag:s2] =	dma.local @!p0 [hbm:s0], s1  }
0x42: {  	s0 =	simm.s32 @!p0 $0x2  }
0x43: {  	_ =	swait.ge @!p0 [sflag:s0], s1  }
0x44: {  	s1 =	ssub.s32 @!p0 $0x0, s1;
	[sflag:s0] =	ssyncset.done @!p0 $0x0  }
0x45: {  	[sflag:s0] =	ssyncadd.s32 @!p0 s1  }
0x46: {  	[bflag:$0x3] =	sbarrier.arrive $0xFFFF  }
0x47: {  	_ =	shalt  }

</sc_bundles>
